<compile_context>
chip_gen: v7x
topology: tpu7x:2x2x1
jax: 0.10.2.dev20260603
libtpu: 0.0.44.dev20260713+nightly
codegen_flags: <defaults>
</compile_context>

<pallas_src>
import functools

import jax
import jax.numpy as jnp
from jax import lax
from jax.experimental import pallas as pl
from jax.experimental.pallas import tpu as pltpu
from jax.experimental.pallas import tpu_sc as plsc

BATCH = 16384
LATENT = 32
DESC = 1024
NROWS = 1000000

_NC = 2
_NS = 16
_NW = _NC * _NS
_BPW = BATCH // _NW
_L = 16
_G = 4
_NG = _BPW // _G
_MAXCOL = NROWS - 128


def _mf_scores(user_id, item_id, user_table_t, item_table_t):
    mesh = plsc.VectorSubcoreMesh(core_axis_name="c", subcore_axis_name="s")

    @functools.partial(
        pl.kernel,
        mesh=mesh,
        compiler_params=pltpu.CompilerParams(needs_layout_passes=False),
        out_type=jax.ShapeDtypeStruct((BATCH,), jnp.float32),
        scratch_types=[
            pltpu.VMEM((_BPW + _L,), jnp.int32),
            pltpu.VMEM((_BPW + _L,), jnp.int32),
            pltpu.VMEM((2, _G, LATENT, 128), jnp.float32),
            pltpu.VMEM((2, _G, LATENT, 128), jnp.float32),
            pltpu.VMEM((_BPW,), jnp.float32),
            pltpu.SemaphoreType.DMA,
            pltpu.SemaphoreType.DMA,
        ],
    )
    def k(uid_hbm, iid_hbm, ut_hbm, it_hbm, out_hbm,
          uidx_v, iidx_v, u_v, i_v, s_v, sem_a, sem_b):
        wid = lax.axis_index("s") * _NC + lax.axis_index("c")
        base = wid * _BPW
        pltpu.sync_copy(uid_hbm.at[pl.ds(base, _BPW)],
                        uidx_v.at[pl.ds(0, _BPW)])
        pltpu.sync_copy(iid_hbm.at[pl.ds(base, _BPW)],
                        iidx_v.at[pl.ds(0, _BPW)])

        row16 = lax.iota(jnp.int32, _L)
        sems = (sem_a, sem_b)

        def col_of(rid):
            return jnp.minimum((rid // 128) * 128, _MAXCOL)

        def fetch(g, buf, sem):
            ids_u = uidx_v[pl.ds(g * _G, _L)]
            ids_i = iidx_v[pl.ds(g * _G, _L)]
            for j in range(_G):
                uid = ids_u[j]
                iid = ids_i[j]
                ucol = pl.multiple_of(col_of(uid), 128)
                icol = pl.multiple_of(col_of(iid), 128)
                pltpu.async_copy(
                    ut_hbm.at[:, pl.ds(ucol, 128)], u_v.at[buf, j], sem)
                pltpu.async_copy(
                    it_hbm.at[:, pl.ds(icol, 128)], i_v.at[buf, j], sem)

        def drain(sem):
            for _ in range(2 * _G):
                pltpu.make_async_copy(
                    ut_hbm.at[:, pl.ds(0, 128)], u_v.at[0, 0], sem).wait()

        def compute(g, buf, q, acc):
            ids_u = uidx_v[pl.ds(g * _G, _L)]
            ids_i = iidx_v[pl.ds(g * _G, _L)]
            bufv = jnp.full((_L,), buf, jnp.int32)
            for j in range(_G):
                uid = ids_u[j]
                iid = ids_i[j]
                jv = jnp.full((_L,), j, jnp.int32)
                ulane = jnp.full((_L,), uid - col_of(uid), jnp.int32)
                ilane = jnp.full((_L,), iid - col_of(iid), jnp.int32)
                p = jnp.zeros((_L,), jnp.float32)
                for h in range(2):
                    rows = row16 + h * _L
                    uvec = plsc.load_gather(u_v, [bufv, jv, rows, ulane])
                    ivec = plsc.load_gather(i_v, [bufv, jv, rows, ilane])
                    p = p + uvec * ivec
                s = lax.reduce_sum_p.bind(p, axes=(0,))
                acc = jnp.where(row16 == q * _G + j, s, acc)
            return acc

        fetch(0, 0, sem_a)

        def body(quad, carry):
            acc = jnp.zeros((_L,), jnp.float32)
            for q in range(4):
                g = quad * 4 + q
                buf = q % 2
                nbuf = (q + 1) % 2

                @pl.when(g + 1 < _NG)
                def _():
                    fetch(g + 1, nbuf, sems[nbuf])

                drain(sems[buf])
                acc = compute(g, buf, q, acc)
            s_v[pl.ds(quad * _L, _L)] = acc
            return carry

        lax.fori_loop(0, _NG // 4, body, 0)
        pltpu.sync_copy(s_v, out_hbm.at[pl.ds(base, _BPW)])

    return k(user_id, item_id, user_table_t, item_table_t)


def _desc_scores(item_descriptive, W_desc, b_desc):
    blk = 1024
    grid = BATCH // blk

    def body(x_ref, w_ref, b_ref, o_ref):
        s = jnp.sum(x_ref[...] * w_ref[...], axis=1)
        o_ref[...] = s + b_ref[0, 0]

    out = pl.pallas_call(
        body,
        grid=(grid,),
        in_specs=[
            pl.BlockSpec((blk, DESC), lambda i: (i, 0)),
            pl.BlockSpec((1, DESC), lambda i: (0, 0)),
            pl.BlockSpec((1, 1), lambda i: (0, 0)),
        ],
        out_specs=pl.BlockSpec((blk,), lambda i: (i,)),
        out_shape=jax.ShapeDtypeStruct((BATCH,), jnp.float32),
    )(item_descriptive, W_desc, b_desc.reshape(1, 1))
    return out


def kernel(user_id, item_id, item_descriptive, user_table, item_table,
           W_desc, b_desc):
    mf = _mf_scores(user_id.astype(jnp.int32), item_id.astype(jnp.int32),
                    user_table.T, item_table.T)
    de = _desc_scores(item_descriptive, W_desc, b_desc)
    return mf + de

# --- scband reference (transcript-rebuilt; emitter-appended) ---
"""Pipeline reference for scband-descriptive-mf-87832081203995 (READ-ONLY COPY).

The authoritative reference and input builder live on the scoring server;
editing this copy changes nothing except your own understanding.
"""

import jax, jax.numpy as jnp
import numpy as np

N_USERS = 1000000
M_ITEMS = 1000000
LATENT_DIM = 32
BATCH = 16384
DESC_DIM = 1024


def setup_inputs(seed: int = 0) -> dict:
    key = jax.random.key(seed)
    k1, k2, k3, k4, k5, k6 = jax.random.split(key, 6)
    user_id = jax.random.randint(k1, (BATCH,), 0, N_USERS, dtype=jnp.int64) if jax.config.jax_enable_x64 else jax.random.randint(k1, (BATCH,), 0, N_USERS, dtype=jnp.int32)
    item_id = jax.random.randint(k2, (BATCH,), 0, M_ITEMS, dtype=jnp.int32)
    item_descriptive = jax.random.normal(k3, (BATCH, DESC_DIM), dtype=jnp.float32)
    user_table = jax.random.normal(k4, (N_USERS, LATENT_DIM), dtype=jnp.float32) * 0.01
    item_table = jax.random.normal(k5, (M_ITEMS, LATENT_DIM), dtype=jnp.float32) * 0.01
    W_desc = jax.random.normal(k6, (1, DESC_DIM), dtype=jnp.float32) * 0.01
    b_desc = jnp.zeros((1,), dtype=jnp.float32)
    return {"user_id": user_id, "item_id": item_id, "item_descriptive": item_descriptive,
            "user_table": user_table, "item_table": item_table, "W_desc": W_desc, "b_desc": b_desc}


def reference(user_id, item_id, item_descriptive, user_table, item_table, W_desc, b_desc):
    users_emb = jnp.take(user_table, user_id, axis=0)
    items_emb = jnp.take(item_table, item_id, axis=0)
    desc = item_descriptive @ W_desc.T + b_desc
    scores = jnp.sum(users_emb * items_emb, axis=1) + desc.reshape(-1)
    return scores

if __name__ == "__main__":
    import jax
    _d = setup_inputs()
    print(jax.jit(kernel)(*tuple(_d.values())))

</pallas_src>

<mosaic_0001>
#map = affine_map<(d0, d1) -> (0)>
#map1 = affine_map<(d0, d1) -> (0, 0)>
module attributes {stable_mosaic.version = 14 : i64} {
  func.func @k(%arg0: i32, %arg1: i32, %arg2: memref<16384xi32, #tpu.memory_space<hbm>>, %arg3: memref<16384xi32, #tpu.memory_space<hbm>>, %arg4: memref<32x1000000xf32, #tpu.memory_space<hbm>>, %arg5: memref<32x1000000xf32, #tpu.memory_space<hbm>>, %arg6: memref<16384xf32, #tpu.memory_space<hbm>>, %arg7: memref<528xi32, #tpu.memory_space<vmem>>, %arg8: memref<528xi32, #tpu.memory_space<vmem>>, %arg9: memref<2x4x32x128xf32, #tpu.memory_space<vmem>>, %arg10: memref<2x4x32x128xf32, #tpu.memory_space<vmem>>, %arg11: memref<512xf32, #tpu.memory_space<vmem>>, %arg12: memref<!tpu.dma_semaphore, #tpu.memory_space<semaphore_mem>>, %arg13: memref<!tpu.dma_semaphore, #tpu.memory_space<semaphore_mem>>) attributes {dimension_semantics = [#tpu.dimension_semantics<core_parallel>, #tpu.dimension_semantics<subcore_parallel>], iteration_bounds = array<i64: 2, 16>, scalar_prefetch = 0 : i64, scratch_operands = 7 : i64, tpu.core_type = #tpu.core_type<sc_vector_subcore>, window_params = [{transform_indices = #map}, {transform_indices = #map}, {transform_indices = #map1}, {transform_indices = #map1}, {transform_indices = #map}]} {
    %mul3A = arith.constant 2 : i32
    %mul3A_0 = arith.muli %arg1, %mul3A : i32
    %add3A = arith.addi %mul3A_0, %arg0 : i32
    %mul3A_1 = arith.constant 512 : i32
    %mul3A_2 = arith.muli %add3A, %mul3A_1 : i32
    "tpu.region"() ({
      %run_scoped3A = tpu.sem_alloc : memref<!tpu.dma_semaphore, #tpu.memory_space<semaphore_mem>>
      %dma_start3A_358 = arith.constant 0 : i32
      %dma_start3A_359 = tpu.memref_slice %arg7[%dma_start3A_358] : memref<528xi32, #tpu.memory_space<vmem>> -> memref<512xi32, #tpu.memory_space<vmem>>
      %dma_start3A_360 = tpu.memref_slice %arg2[%mul3A_2] : memref<16384xi32, #tpu.memory_space<hbm>> -> memref<512xi32, #tpu.memory_space<hbm>>
      %dma_start3A_361 = arith.constant 0 : i32
      %dma_start3A_362 = tpu.memref_slice %arg7[%dma_start3A_361] : memref<528xi32, #tpu.memory_space<vmem>> -> memref<512xi32, #tpu.memory_space<vmem>>
      %dma_start3A_363 = tpu.memref_slice %arg2[%mul3A_2] : memref<16384xi32, #tpu.memory_space<hbm>> -> memref<512xi32, #tpu.memory_space<hbm>>
      tpu.enqueue_dma source(%dma_start3A_363 : memref<512xi32, #tpu.memory_space<hbm>>) target(%dma_start3A_362 : memref<512xi32, #tpu.memory_space<vmem>>) target_semaphore(%run_scoped3A : memref<!tpu.dma_semaphore, #tpu.memory_space<semaphore_mem>>)
      %dma_wait3A = arith.constant 0 : i32
      %dma_wait3A_364 = tpu.memref_slice %arg7[%dma_wait3A] : memref<528xi32, #tpu.memory_space<vmem>> -> memref<512xi32, #tpu.memory_space<vmem>>
      %dma_wait3A_365 = tpu.memref_slice %arg2[%mul3A_2] : memref<16384xi32, #tpu.memory_space<hbm>> -> memref<512xi32, #tpu.memory_space<hbm>>
      %dma_wait3A_366 = arith.constant 0 : i32
      %dma_wait3A_367 = tpu.memref_slice %arg7[%dma_wait3A_366] : memref<528xi32, #tpu.memory_space<vmem>> -> memref<512xi32, #tpu.memory_space<vmem>>
      %dma_wait3A_368 = tpu.memref_slice %arg2[%mul3A_2] : memref<16384xi32, #tpu.memory_space<hbm>> -> memref<512xi32, #tpu.memory_space<hbm>>
      tpu.wait_dma2 semaphore(%run_scoped3A : memref<!tpu.dma_semaphore, #tpu.memory_space<semaphore_mem>>) src(%dma_wait3A_368 : memref<512xi32, #tpu.memory_space<hbm>>) dst(%dma_wait3A_367 : memref<512xi32, #tpu.memory_space<vmem>>)
      tpu.yield
    }) : () -> ()
    "tpu.region"() ({
      %run_scoped3A = tpu.sem_alloc : memref<!tpu.dma_semaphore, #tpu.memory_space<semaphore_mem>>
      %dma_start3A_358 = arith.constant 0 : i32
      %dma_start3A_359 = tpu.memref_slice %arg8[%dma_start3A_358] : memref<528xi32, #tpu.memory_space<vmem>> -> memref<512xi32, #tpu.memory_space<vmem>>
      %dma_start3A_360 = tpu.memref_slice %arg3[%mul3A_2] : memref<16384xi32, #tpu.memory_space<hbm>> -> memref<512xi32, #tpu.memory_space<hbm>>
      %dma_start3A_361 = arith.constant 0 : i32
      %dma_start3A_362 = tpu.memref_slice %arg8[%dma_start3A_361] : memref<528xi32, #tpu.memory_space<vmem>> -> memref<512xi32, #tpu.memory_space<vmem>>
      %dma_start3A_363 = tpu.memref_slice %arg3[%mul3A_2] : memref<16384xi32, #tpu.memory_space<hbm>> -> memref<512xi32, #tpu.memory_space<hbm>>
      tpu.enqueue_dma source(%dma_start3A_363 : memref<512xi32, #tpu.memory_space<hbm>>) target(%dma_start3A_362 : memref<512xi32, #tpu.memory_space<vmem>>) target_semaphore(%run_scoped3A : memref<!tpu.dma_semaphore, #tpu.memory_space<semaphore_mem>>)
      %dma_wait3A = arith.constant 0 : i32
      %dma_wait3A_364 = tpu.memref_slice %arg8[%dma_wait3A] : memref<528xi32, #tpu.memory_space<vmem>> -> memref<512xi32, #tpu.memory_space<vmem>>
      %dma_wait3A_365 = tpu.memref_slice %arg3[%mul3A_2] : memref<16384xi32, #tpu.memory_space<hbm>> -> memref<512xi32, #tpu.memory_space<hbm>>
      %dma_wait3A_366 = arith.constant 0 : i32
      %dma_wait3A_367 = tpu.memref_slice %arg8[%dma_wait3A_366] : memref<528xi32, #tpu.memory_space<vmem>> -> memref<512xi32, #tpu.memory_space<vmem>>
      %dma_wait3A_368 = tpu.memref_slice %arg3[%mul3A_2] : memref<16384xi32, #tpu.memory_space<hbm>> -> memref<512xi32, #tpu.memory_space<hbm>>
      tpu.wait_dma2 semaphore(%run_scoped3A : memref<!tpu.dma_semaphore, #tpu.memory_space<semaphore_mem>>) src(%dma_wait3A_368 : memref<512xi32, #tpu.memory_space<hbm>>) dst(%dma_wait3A_367 : memref<512xi32, #tpu.memory_space<vmem>>)
      tpu.yield
    }) : () -> ()
    %iota3A = tpu.iota {dimensions = array<i32: 0>} : vector<16xi32>
    %get3A = arith.constant 0 : index
    %get3A_3 = tpu.vector_load %arg7[%get3A] {strides = array<i32>} : memref<528xi32, #tpu.memory_space<vmem>>, vector<16xi32>,
    %get3A_4 = arith.constant 0 : index
    %get3A_5 = tpu.vector_load %arg8[%get3A_4] {strides = array<i32>} : memref<528xi32, #tpu.memory_space<vmem>>, vector<16xi32>,
    %slice3A = vector.extract_strided_slice %get3A_3 {offsets = [0], sizes = [1], strides = [1]} : vector<16xi32> to vector<1xi32>
    %squeeze3A = vector.extract %slice3A[0] : i32 from vector<1xi32>
    %slice3A_6 = vector.extract_strided_slice %get3A_5 {offsets = [0], sizes = [1], strides = [1]} : vector<16xi32> to vector<1xi32>
    %squeeze3A_7 = vector.extract %slice3A_6[0] : i32 from vector<1xi32>
    %jit3A = arith.constant 128 : i32
    %div3A = arith.divsi %squeeze3A, %jit3A : i32
    %sign3A = arith.constant 0 : i32
    %sign3A_8 = arith.cmpi sgt, %squeeze3A, %sign3A : i32
    %sign3A_9 = arith.extui %sign3A_8 : i1 to i32
    %sign3A_10 = arith.constant 0 : i32
    %sign3A_11 = arith.cmpi slt, %squeeze3A, %sign3A_10 : i32
    %sign3A_12 = arith.extui %sign3A_11 : i1 to i32
    %sign3A_13 = arith.subi %sign3A_9, %sign3A_12 : i32
    %sign3A_14 = arith.constant 0 : i32
    %sign3A_15 = arith.cmpi sgt, %jit3A, %sign3A_14 : i32
    %sign3A_16 = arith.extui %sign3A_15 : i1 to i32
    %sign3A_17 = arith.constant 0 : i32
    %sign3A_18 = arith.cmpi slt, %jit3A, %sign3A_17 : i32
    %sign3A_19 = arith.extui %sign3A_18 : i1 to i32
    %sign3A_20 = arith.subi %sign3A_16, %sign3A_19 : i32
    %ne3A = arith.cmpi ne, %sign3A_13, %sign3A_20 : i32
    %rem3A = arith.remsi %squeeze3A, %jit3A : i32
    %ne3A_21 = arith.constant 0 : i32
    %ne3A_22 = arith.cmpi ne, %rem3A, %ne3A_21 : i32
    %and3A = arith.andi %ne3A, %ne3A_22 : i1
    %sub3A = arith.constant 1 : i32
    %sub3A_23 = arith.subi %div3A, %sub3A : i32
    %select_n3A = arith.select %and3A, %sub3A_23, %div3A : i32
    %mul3A_24 = arith.constant 128 : i32
    %mul3A_25 = arith.muli %select_n3A, %mul3A_24 : i32
    %min3A = arith.constant 999872 : i32
    %min3A_26 = arith.minsi %mul3A_25, %min3A : i32
    %multiple_of3A = tpu.assume_multiple %min3A_26, 128 : i32
    %jit3A_27 = arith.constant 128 : i32
    %div3A_28 = arith.divsi %squeeze3A_7, %jit3A_27 : i32
    %sign3A_29 = arith.constant 0 : i32
    %sign3A_30 = arith.cmpi sgt, %squeeze3A_7, %sign3A_29 : i32
    %sign3A_31 = arith.extui %sign3A_30 : i1 to i32
    %sign3A_32 = arith.constant 0 : i32
    %sign3A_33 = arith.cmpi slt, %squeeze3A_7, %sign3A_32 : i32
    %sign3A_34 = arith.extui %sign3A_33 : i1 to i32
    %sign3A_35 = arith.subi %sign3A_31, %sign3A_34 : i32
    %sign3A_36 = arith.constant 0 : i32
    %sign3A_37 = arith.cmpi sgt, %jit3A_27, %sign3A_36 : i32
    %sign3A_38 = arith.extui %sign3A_37 : i1 to i32
    %sign3A_39 = arith.constant 0 : i32
    %sign3A_40 = arith.cmpi slt, %jit3A_27, %sign3A_39 : i32
    %sign3A_41 = arith.extui %sign3A_40 : i1 to i32
    %sign3A_42 = arith.subi %sign3A_38, %sign3A_41 : i32
    %ne3A_43 = arith.cmpi ne, %sign3A_35, %sign3A_42 : i32
    %rem3A_44 = arith.remsi %squeeze3A_7, %jit3A_27 : i32
    %ne3A_45 = arith.constant 0 : i32
    %ne3A_46 = arith.cmpi ne, %rem3A_44, %ne3A_45 : i32
    %and3A_47 = arith.andi %ne3A_43, %ne3A_46 : i1
    %sub3A_48 = arith.constant 1 : i32
    %sub3A_49 = arith.subi %div3A_28, %sub3A_48 : i32
    %select_n3A_50 = arith.select %and3A_47, %sub3A_49, %div3A_28 : i32
    %mul3A_51 = arith.constant 128 : i32
    %mul3A_52 = arith.muli %select_n3A_50, %mul3A_51 : i32
    %min3A_53 = arith.constant 999872 : i32
    %min3A_54 = arith.minsi %mul3A_52, %min3A_53 : i32
    %multiple_of3A_55 = tpu.assume_multiple %min3A_54, 128 : i32
    %dma_start3A = arith.constant 0 : i32
    %dma_start3A_56 = arith.constant 0 : i32
    %dma_start3A_57 = arith.constant 0 : i32
    %dma_start3A_58 = arith.constant 0 : i32
    %dma_start3A_59 = tpu.memref_slice %arg9[%dma_start3A, %dma_start3A_56, %dma_start3A_57, %dma_start3A_58] : memref<2x4x32x128xf32, #tpu.memory_space<vmem>> -> memref<1x1x32x128xf32, #tpu.memory_space<vmem>>
    %dma_start3A_60 = tpu.memref_squeeze %dma_start3A_59 : memref<1x1x32x128xf32, #tpu.memory_space<vmem>> -> memref<32x128xf32, #tpu.memory_space<vmem>>
    %dma_start3A_61 = arith.constant 0 : i32
    %dma_start3A_62 = tpu.memref_slice %arg4[%dma_start3A_61, %multiple_of3A] : memref<32x1000000xf32, #tpu.memory_space<hbm>> -> memref<32x128xf32, #tpu.memory_space<hbm>>
    %dma_start3A_63 = arith.constant 0 : i32
    %dma_start3A_64 = arith.constant 0 : i32
    %dma_start3A_65 = tpu.memref_slice %arg9[%dma_start3A, %dma_start3A_56, %dma_start3A_63, %dma_start3A_64] : memref<2x4x32x128xf32, #tpu.memory_space<vmem>> -> memref<1x1x32x128xf32, #tpu.memory_space<vmem>>
    %dma_start3A_66 = tpu.memref_squeeze %dma_start3A_65 : memref<1x1x32x128xf32, #tpu.memory_space<vmem>> -> memref<32x128xf32, #tpu.memory_space<vmem>>
    %dma_start3A_67 = arith.constant 0 : i32
    %dma_start3A_68 = tpu.memref_slice %arg4[%dma_start3A_67, %multiple_of3A] : memref<32x1000000xf32, #tpu.memory_space<hbm>> -> memref<32x128xf32, #tpu.memory_space<hbm>>
    tpu.enqueue_dma source(%dma_start3A_68 : memref<32x128xf32, #tpu.memory_space<hbm>>) target(%dma_start3A_66 : memref<32x128xf32, #tpu.memory_space<vmem>>) target_semaphore(%arg12 : memref<!tpu.dma_semaphore, #tpu.memory_space<semaphore_mem>>)
    %dma_start3A_69 = arith.constant 0 : i32
    %dma_start3A_70 = arith.constant 0 : i32
    %dma_start3A_71 = arith.constant 0 : i32
    %dma_start3A_72 = arith.constant 0 : i32
    %dma_start3A_73 = tpu.memref_slice %arg10[%dma_start3A_69, %dma_start3A_70, %dma_start3A_71, %dma_start3A_72] : memref<2x4x32x128xf32, #tpu.memory_space<vmem>> -> memref<1x1x32x128xf32, #tpu.memory_space<vmem>>
    %dma_start3A_74 = tpu.memref_squeeze %dma_start3A_73 : memref<1x1x32x128xf32, #tpu.memory_space<vmem>> -> memref<32x128xf32, #tpu.memory_space<vmem>>
    %dma_start3A_75 = arith.constant 0 : i32
    %dma_start3A_76 = tpu.memref_slice %arg5[%dma_start3A_75, %multiple_of3A_55] : memref<32x1000000xf32, #tpu.memory_space<hbm>> -> memref<32x128xf32, #tpu.memory_space<hbm>>
    %dma_start3A_77 = arith.constant 0 : i32
    %dma_start3A_78 = arith.constant 0 : i32
    %dma_start3A_79 = tpu.memref_slice %arg10[%dma_start3A_69, %dma_start3A_70, %dma_start3A_77, %dma_start3A_78] : memref<2x4x32x128xf32, #tpu.memory_space<vmem>> -> memref<1x1x32x128xf32, #tpu.memory_space<vmem>>
    %dma_start3A_80 = tpu.memref_squeeze %dma_start3A_79 : memref<1x1x32x128xf32, #tpu.memory_space<vmem>> -> memref<32x128xf32, #tpu.memory_space<vmem>>
    %dma_start3A_81 = arith.constant 0 : i32
    %dma_start3A_82 = tpu.memref_slice %arg5[%dma_start3A_81, %multiple_of3A_55] : memref<32x1000000xf32, #tpu.memory_space<hbm>> -> memref<32x128xf32, #tpu.memory_space<hbm>>
    tpu.enqueue_dma source(%dma_start3A_82 : memref<32x128xf32, #tpu.memory_space<hbm>>) target(%dma_start3A_80 : memref<32x128xf32, #tpu.memory_space<vmem>>) target_semaphore(%arg12 : memref<!tpu.dma_semaphore, #tpu.memory_space<semaphore_mem>>)
    %slice3A_83 = vector.extract_strided_slice %get3A_3 {offsets = [1], sizes = [1], strides = [1]} : vector<16xi32> to vector<1xi32>
    %squeeze3A_84 = vector.extract %slice3A_83[0] : i32 from vector<1xi32>
    %slice3A_85 = vector.extract_strided_slice %get3A_5 {offsets = [1], sizes = [1], strides = [1]} : vector<16xi32> to vector<1xi32>
    %squeeze3A_86 = vector.extract %slice3A_85[0] : i32 from vector<1xi32>
    %jit3A_87 = arith.constant 128 : i32
    %div3A_88 = arith.divsi %squeeze3A_84, %jit3A_87 : i32
    %sign3A_89 = arith.constant 0 : i32
    %sign3A_90 = arith.cmpi sgt, %squeeze3A_84, %sign3A_89 : i32
    %sign3A_91 = arith.extui %sign3A_90 : i1 to i32
    %sign3A_92 = arith.constant 0 : i32
    %sign3A_93 = arith.cmpi slt, %squeeze3A_84, %sign3A_92 : i32
    %sign3A_94 = arith.extui %sign3A_93 : i1 to i32
    %sign3A_95 = arith.subi %sign3A_91, %sign3A_94 : i32
    %sign3A_96 = arith.constant 0 : i32
    %sign3A_97 = arith.cmpi sgt, %jit3A_87, %sign3A_96 : i32
    %sign3A_98 = arith.extui %sign3A_97 : i1 to i32
    %sign3A_99 = arith.constant 0 : i32
    %sign3A_100 = arith.cmpi slt, %jit3A_87, %sign3A_99 : i32
    %sign3A_101 = arith.extui %sign3A_100 : i1 to i32
    %sign3A_102 = arith.subi %sign3A_98, %sign3A_101 : i32
    %ne3A_103 = arith.cmpi ne, %sign3A_95, %sign3A_102 : i32
    %rem3A_104 = arith.remsi %squeeze3A_84, %jit3A_87 : i32
    %ne3A_105 = arith.constant 0 : i32
    %ne3A_106 = arith.cmpi ne, %rem3A_104, %ne3A_105 : i32
    %and3A_107 = arith.andi %ne3A_103, %ne3A_106 : i1
    %sub3A_108 = arith.constant 1 : i32
    %sub3A_109 = arith.subi %div3A_88, %sub3A_108 : i32
    %select_n3A_110 = arith.select %and3A_107, %sub3A_109, %div3A_88 : i32
    %mul3A_111 = arith.constant 128 : i32
    %mul3A_112 = arith.muli %select_n3A_110, %mul3A_111 : i32
    %min3A_113 = arith.constant 999872 : i32
    %min3A_114 = arith.minsi %mul3A_112, %min3A_113 : i32
    %multiple_of3A_115 = tpu.assume_multiple %min3A_114, 128 : i32
    %jit3A_116 = arith.constant 128 : i32
    %div3A_117 = arith.divsi %squeeze3A_86, %jit3A_116 : i32
    %sign3A_118 = arith.constant 0 : i32
    %sign3A_119 = arith.cmpi sgt, %squeeze3A_86, %sign3A_118 : i32
    %sign3A_120 = arith.extui %sign3A_119 : i1 to i32
    %sign3A_121 = arith.constant 0 : i32
    %sign3A_122 = arith.cmpi slt, %squeeze3A_86, %sign3A_121 : i32
    %sign3A_123 = arith.extui %sign3A_122 : i1 to i32
    %sign3A_124 = arith.subi %sign3A_120, %sign3A_123 : i32
    %sign3A_125 = arith.constant 0 : i32
    %sign3A_126 = arith.cmpi sgt, %jit3A_116, %sign3A_125 : i32
    %sign3A_127 = arith.extui %sign3A_126 : i1 to i32
    %sign3A_128 = arith.constant 0 : i32
    %sign3A_129 = arith.cmpi slt, %jit3A_116, %sign3A_128 : i32
    %sign3A_130 = arith.extui %sign3A_129 : i1 to i32
    %sign3A_131 = arith.subi %sign3A_127, %sign3A_130 : i32
    %ne3A_132 = arith.cmpi ne, %sign3A_124, %sign3A_131 : i32
    %rem3A_133 = arith.remsi %squeeze3A_86, %jit3A_116 : i32
    %ne3A_134 = arith.constant 0 : i32
    %ne3A_135 = arith.cmpi ne, %rem3A_133, %ne3A_134 : i32
    %and3A_136 = arith.andi %ne3A_132, %ne3A_135 : i1
    %sub3A_137 = arith.constant 1 : i32
    %sub3A_138 = arith.subi %div3A_117, %sub3A_137 : i32
    %select_n3A_139 = arith.select %and3A_136, %sub3A_138, %div3A_117 : i32
    %mul3A_140 = arith.constant 128 : i32
    %mul3A_141 = arith.muli %select_n3A_139, %mul3A_140 : i32
    %min3A_142 = arith.constant 999872 : i32
    %min3A_143 = arith.minsi %mul3A_141, %min3A_142 : i32
    %multiple_of3A_144 = tpu.assume_multiple %min3A_143, 128 : i32
    %dma_start3A_145 = arith.constant 0 : i32
    %dma_start3A_146 = arith.constant 1 : i32
    %dma_start3A_147 = arith.constant 0 : i32
    %dma_start3A_148 = arith.constant 0 : i32
    %dma_start3A_149 = tpu.memref_slice %arg9[%dma_start3A_145, %dma_start3A_146, %dma_start3A_147, %dma_start3A_148] : memref<2x4x32x128xf32, #tpu.memory_space<vmem>> -> memref<1x1x32x128xf32, #tpu.memory_space<vmem>>
    %dma_start3A_150 = tpu.memref_squeeze %dma_start3A_149 : memref<1x1x32x128xf32, #tpu.memory_space<vmem>> -> memref<32x128xf32, #tpu.memory_space<vmem>>
    %dma_start3A_151 = arith.constant 0 : i32
    %dma_start3A_152 = tpu.memref_slice %arg4[%dma_start3A_151, %multiple_of3A_115] : memref<32x1000000xf32, #tpu.memory_space<hbm>> -> memref<32x128xf32, #tpu.memory_space<hbm>>
    %dma_start3A_153 = arith.constant 0 : i32
    %dma_start3A_154 = arith.constant 0 : i32
    %dma_start3A_155 = tpu.memref_slice %arg9[%dma_start3A_145, %dma_start3A_146, %dma_start3A_153, %dma_start3A_154] : memref<2x4x32x128xf32, #tpu.memory_space<vmem>> -> memref<1x1x32x128xf32, #tpu.memory_space<vmem>>
    %dma_start3A_156 = tpu.memref_squeeze %dma_start3A_155 : memref<1x1x32x128xf32, #tpu.memory_space<vmem>> -> memref<32x128xf32, #tpu.memory_space<vmem>>
    %dma_start3A_157 = arith.constant 0 : i32
    %dma_start3A_158 = tpu.memref_slice %arg4[%dma_start3A_157, %multiple_of3A_115] : memref<32x1000000xf32, #tpu.memory_space<hbm>> -> memref<32x128xf32, #tpu.memory_space<hbm>>
    tpu.enqueue_dma source(%dma_start3A_158 : memref<32x128xf32, #tpu.memory_space<hbm>>) target(%dma_start3A_156 : memref<32x128xf32, #tpu.memory_space<vmem>>) target_semaphore(%arg12 : memref<!tpu.dma_semaphore, #tpu.memory_space<semaphore_mem>>)
    %dma_start3A_159 = arith.constant 0 : i32
    %dma_start3A_160 = arith.constant 1 : i32
    %dma_start3A_161 = arith.constant 0 : i32
    %dma_start3A_162 = arith.constant 0 : i32
    %dma_start3A_163 = tpu.memref_slice %arg10[%dma_start3A_159, %dma_start3A_160, %dma_start3A_161, %dma_start3A_162] : memref<2x4x32x128xf32, #tpu.memory_space<vmem>> -> memref<1x1x32x128xf32, #tpu.memory_space<vmem>>
    %dma_start3A_164 = tpu.memref_squeeze %dma_start3A_163 : memref<1x1x32x128xf32, #tpu.memory_space<vmem>> -> memref<32x128xf32, #tpu.memory_space<vmem>>
    %dma_start3A_165 = arith.constant 0 : i32
    %dma_start3A_166 = tpu.memref_slice %arg5[%dma_start3A_165, %multiple_of3A_144] : memref<32x1000000xf32, #tpu.memory_space<hbm>> -> memref<32x128xf32, #tpu.memory_space<hbm>>
    %dma_start3A_167 = arith.constant 0 : i32
    %dma_start3A_168 = arith.constant 0 : i32
    %dma_start3A_169 = tpu.memref_slice %arg10[%dma_start3A_159, %dma_start3A_160, %dma_start3A_167, %dma_start3A_168] : memref<2x4x32x128xf32, #tpu.memory_space<vmem>> -> memref<1x1x32x128xf32, #tpu.memory_space<vmem>>
    %dma_start3A_170 = tpu.memref_squeeze %dma_start3A_169 : memref<1x1x32x128xf32, #tpu.memory_space<vmem>> -> memref<32x128xf32, #tpu.memory_space<vmem>>
    %dma_start3A_171 = arith.constant 0 : i32
    %dma_start3A_172 = tpu.memref_slice %arg5[%dma_start3A_171, %multiple_of3A_144] : memref<32x1000000xf32, #tpu.memory_space<hbm>> -> memref<32x128xf32, #tpu.memory_space<hbm>>
    tpu.enqueue_dma source(%dma_start3A_172 : memref<32x128xf32, #tpu.memory_space<hbm>>) target(%dma_start3A_170 : memref<32x128xf32, #tpu.memory_space<vmem>>) target_semaphore(%arg12 : memref<!tpu.dma_semaphore, #tpu.memory_space<semaphore_mem>>)
    %slice3A_173 = vector.extract_strided_slice %get3A_3 {offsets = [2], sizes = [1], strides = [1]} : vector<16xi32> to vector<1xi32>
    %squeeze3A_174 = vector.extract %slice3A_173[0] : i32 from vector<1xi32>
    %slice3A_175 = vector.extract_strided_slice %get3A_5 {offsets = [2], sizes = [1], strides = [1]} : vector<16xi32> to vector<1xi32>
    %squeeze3A_176 = vector.extract %slice3A_175[0] : i32 from vector<1xi32>
    %jit3A_177 = arith.constant 128 : i32
    %div3A_178 = arith.divsi %squeeze3A_174, %jit3A_177 : i32
    %sign3A_179 = arith.constant 0 : i32
    %sign3A_180 = arith.cmpi sgt, %squeeze3A_174, %sign3A_179 : i32
    %sign3A_181 = arith.extui %sign3A_180 : i1 to i32
    %sign3A_182 = arith.constant 0 : i32
    %sign3A_183 = arith.cmpi slt, %squeeze3A_174, %sign3A_182 : i32
    %sign3A_184 = arith.extui %sign3A_183 : i1 to i32
    %sign3A_185 = arith.subi %sign3A_181, %sign3A_184 : i32
    %sign3A_186 = arith.constant 0 : i32
    %sign3A_187 = arith.cmpi sgt, %jit3A_177, %sign3A_186 : i32
    %sign3A_188 = arith.extui %sign3A_187 : i1 to i32
    %sign3A_189 = arith.constant 0 : i32
    %sign3A_190 = arith.cmpi slt, %jit3A_177, %sign3A_189 : i32
    %sign3A_191 = arith.extui %sign3A_190 : i1 to i32
    %sign3A_192 = arith.subi %sign3A_188, %sign3A_191 : i32
    %ne3A_193 = arith.cmpi ne, %sign3A_185, %sign3A_192 : i32
    %rem3A_194 = arith.remsi %squeeze3A_174, %jit3A_177 : i32
    %ne3A_195 = arith.constant 0 : i32
    %ne3A_196 = arith.cmpi ne, %rem3A_194, %ne3A_195 : i32
    %and3A_197 = arith.andi %ne3A_193, %ne3A_196 : i1
    %sub3A_198 = arith.constant 1 : i32
    %sub3A_199 = arith.subi %div3A_178, %sub3A_198 : i32
    %select_n3A_200 = arith.select %and3A_197, %sub3A_199, %div3A_178 : i32
    %mul3A_201 = arith.constant 128 : i32
    %mul3A_202 = arith.muli %select_n3A_200, %mul3A_201 : i32
    %min3A_203 = arith.constant 999872 : i32
    %min3A_204 = arith.minsi %mul3A_202, %min3A_203 : i32
    %multiple_of3A_205 = tpu.assume_multiple %min3A_204, 128 : i32
    %jit3A_206 = arith.constant 128 : i32
    %div3A_207 = arith.divsi %squeeze3A_176, %jit3A_206 : i32
    %sign3A_208 = arith.constant 0 : i32
    %sign3A_209 = arith.cmpi sgt, %squeeze3A_176, %sign3A_208 : i32
    %sign3A_210 = arith.extui %sign3A_209 : i1 to i32
    %sign3A_211 = arith.constant 0 : i32
    %sign3A_212 = arith.cmpi slt, %squeeze3A_176, %sign3A_211 : i32
    %sign3A_213 = arith.extui %sign3A_212 : i1 to i32
    %sign3A_214 = arith.subi %sign3A_210, %sign3A_213 : i32
    %sign3A_215 = arith.constant 0 : i32
    %sign3A_216 = arith.cmpi sgt, %jit3A_206, %sign3A_215 : i32
    %sign3A_217 = arith.extui %sign3A_216 : i1 to i32
    %sign3A_218 = arith.constant 0 : i32
    %sign3A_219 = arith.cmpi slt, %jit3A_206, %sign3A_218 : i32
    %sign3A_220 = arith.extui %sign3A_219 : i1 to i32
    %sign3A_221 = arith.subi %sign3A_217, %sign3A_220 : i32
    %ne3A_222 = arith.cmpi ne, %sign3A_214, %sign3A_221 : i32
    %rem3A_223 = arith.remsi %squeeze3A_176, %jit3A_206 : i32
    %ne3A_224 = arith.constant 0 : i32
    %ne3A_225 = arith.cmpi ne, %rem3A_223, %ne3A_224 : i32
    %and3A_226 = arith.andi %ne3A_222, %ne3A_225 : i1
    %sub3A_227 = arith.constant 1 : i32
    %sub3A_228 = arith.subi %div3A_207, %sub3A_227 : i32
    %select_n3A_229 = arith.select %and3A_226, %sub3A_228, %div3A_207 : i32
    %mul3A_230 = arith.constant 128 : i32
    %mul3A_231 = arith.muli %select_n3A_229, %mul3A_230 : i32
    %min3A_232 = arith.constant 999872 : i32
    %min3A_233 = arith.minsi %mul3A_231, %min3A_232 : i32
    %multiple_of3A_234 = tpu.assume_multiple %min3A_233, 128 : i32
    %dma_start3A_235 = arith.constant 0 : i32
    %dma_start3A_236 = arith.constant 2 : i32
    %dma_start3A_237 = arith.constant 0 : i32
    %dma_start3A_238 = arith.constant 0 : i32
    %dma_start3A_239 = tpu.memref_slice %arg9[%dma_start3A_235, %dma_start3A_236, %dma_start3A_237, %dma_start3A_238] : memref<2x4x32x128xf32, #tpu.memory_space<vmem>> -> memref<1x1x32x128xf32, #tpu.memory_space<vmem>>
    %dma_start3A_240 = tpu.memref_squeeze %dma_start3A_239 : memref<1x1x32x128xf32, #tpu.memory_space<vmem>> -> memref<32x128xf32, #tpu.memory_space<vmem>>
    %dma_start3A_241 = arith.constant 0 : i32
    %dma_start3A_242 = tpu.memref_slice %arg4[%dma_start3A_241, %multiple_of3A_205] : memref<32x1000000xf32, #tpu.memory_space<hbm>> -> memref<32x128xf32, #tpu.memory_space<hbm>>
    %dma_start3A_243 = arith.constant 0 : i32
    %dma_start3A_244 = arith.constant 0 : i32
    %dma_start3A_245 = tpu.memref_slice %arg9[%dma_start3A_235, %dma_start3A_236, %dma_start3A_243, %dma_start3A_244] : memref<2x4x32x128xf32, #tpu.memory_space<vmem>> -> memref<1x1x32x128xf32, #tpu.memory_space<vmem>>
    %dma_start3A_246 = tpu.memref_squeeze %dma_start3A_245 : memref<1x1x32x128xf32, #tpu.memory_space<vmem>> -> memref<32x128xf32, #tpu.memory_space<vmem>>
    %dma_start3A_247 = arith.constant 0 : i32
    %dma_start3A_248 = tpu.memref_slice %arg4[%dma_start3A_247, %multiple_of3A_205] : memref<32x1000000xf32, #tpu.memory_space<hbm>> -> memref<32x128xf32, #tpu.memory_space<hbm>>
    tpu.enqueue_dma source(%dma_start3A_248 : memref<32x128xf32, #tpu.memory_space<hbm>>) target(%dma_start3A_246 : memref<32x128xf32, #tpu.memory_space<vmem>>) target_semaphore(%arg12 : memref<!tpu.dma_semaphore, #tpu.memory_space<semaphore_mem>>)
    %dma_start3A_249 = arith.constant 0 : i32
    %dma_start3A_250 = arith.constant 2 : i32
    %dma_start3A_251 = arith.constant 0 : i32
    %dma_start3A_252 = arith.constant 0 : i32
    %dma_start3A_253 = tpu.memref_slice %arg10[%dma_start3A_249, %dma_start3A_250, %dma_start3A_251, %dma_start3A_252] : memref<2x4x32x128xf32, #tpu.memory_space<vmem>> -> memref<1x1x32x128xf32, #tpu.memory_space<vmem>>
    %dma_start3A_254 = tpu.memref_squeeze %dma_start3A_253 : memref<1x1x32x128xf32, #tpu.memory_space<vmem>> -> memref<32x128xf32, #tpu.memory_space<vmem>>
    %dma_start3A_255 = arith.constant 0 : i32
    %dma_start3A_256 = tpu.memref_slice %arg5[%dma_start3A_255, %multiple_of3A_234] : memref<32x1000000xf32, #tpu.memory_space<hbm>> -> memref<32x128xf32, #tpu.memory_space<hbm>>
    %dma_start3A_257 = arith.constant 0 : i32
    %dma_start3A_258 = arith.constant 0 : i32
    %dma_start3A_259 = tpu.memref_slice %arg10[%dma_start3A_249, %dma_start3A_250, %dma_start3A_257, %dma_start3A_258] : memref<2x4x32x128xf32, #tpu.memory_space<vmem>> -> memref<1x1x32x128xf32, #tpu.memory_space<vmem>>
    %dma_start3A_260 = tpu.memref_squeeze %dma_start3A_259 : memref<1x1x32x128xf32, #tpu.memory_space<vmem>> -> memref<32x128xf32, #tpu.memory_space<vmem>>
    %dma_start3A_261 = arith.constant 0 : i32
    %dma_start3A_262 = tpu.memref_slice %arg5[%dma_start3A_261, %multiple_of3A_234] : memref<32x1000000xf32, #tpu.memory_space<hbm>> -> memref<32x128xf32, #tpu.memory_space<hbm>>
    tpu.enqueue_dma source(%dma_start3A_262 : memref<32x128xf32, #tpu.memory_space<hbm>>) target(%dma_start3A_260 : memref<32x128xf32, #tpu.memory_space<vmem>>) target_semaphore(%arg12 : memref<!tpu.dma_semaphore, #tpu.memory_space<semaphore_mem>>)
    %slice3A_263 = vector.extract_strided_slice %get3A_3 {offsets = [3], sizes = [1], strides = [1]} : vector<16xi32> to vector<1xi32>
    %squeeze3A_264 = vector.extract %slice3A_263[0] : i32 from vector<1xi32>
    %slice3A_265 = vector.extract_strided_slice %get3A_5 {offsets = [3], sizes = [1], strides = [1]} : vector<16xi32> to vector<1xi32>
    %squeeze3A_266 = vector.extract %slice3A_265[0] : i32 from vector<1xi32>
    %jit3A_267 = arith.constant 128 : i32
    %div3A_268 = arith.divsi %squeeze3A_264, %jit3A_267 : i32
    %sign3A_269 = arith.constant 0 : i32
    %sign3A_270 = arith.cmpi sgt, %squeeze3A_264, %sign3A_269 : i32
    %sign3A_271 = arith.extui %sign3A_270 : i1 to i32
    %sign3A_272 = arith.constant 0 : i32
    %sign3A_273 = arith.cmpi slt, %squeeze3A_264, %sign3A_272 : i32
    %sign3A_274 = arith.extui %sign3A_273 : i1 to i32
    %sign3A_275 = arith.subi %sign3A_271, %sign3A_274 : i32
    %sign3A_276 = arith.constant 0 : i32
    %sign3A_277 = arith.cmpi sgt, %jit3A_267, %sign3A_276 : i32
    %sign3A_278 = arith.extui %sign3A_277 : i1 to i32
    %sign3A_279 = arith.constant 0 : i32
    %sign3A_280 = arith.cmpi slt, %jit3A_267, %sign3A_279 : i32
    %sign3A_281 = arith.extui %sign3A_280 : i1 to i32
    %sign3A_282 = arith.subi %sign3A_278, %sign3A_281 : i32
    %ne3A_283 = arith.cmpi ne, %sign3A_275, %sign3A_282 : i32
    %rem3A_284 = arith.remsi %squeeze3A_264, %jit3A_267 : i32
    %ne3A_285 = arith.constant 0 : i32
    %ne3A_286 = arith.cmpi ne, %rem3A_284, %ne3A_285 : i32
    %and3A_287 = arith.andi %ne3A_283, %ne3A_286 : i1
    %sub3A_288 = arith.constant 1 : i32
    %sub3A_289 = arith.subi %div3A_268, %sub3A_288 : i32
    %select_n3A_290 = arith.select %and3A_287, %sub3A_289, %div3A_268 : i32
    %mul3A_291 = arith.constant 128 : i32
    %mul3A_292 = arith.muli %select_n3A_290, %mul3A_291 : i32
    %min3A_293 = arith.constant 999872 : i32
    %min3A_294 = arith.minsi %mul3A_292, %min3A_293 : i32
    %multiple_of3A_295 = tpu.assume_multiple %min3A_294, 128 : i32
    %jit3A_296 = arith.constant 128 : i32
    %div3A_297 = arith.divsi %squeeze3A_266, %jit3A_296 : i32
    %sign3A_298 = arith.constant 0 : i32
    %sign3A_299 = arith.cmpi sgt, %squeeze3A_266, %sign3A_298 : i32
    %sign3A_300 = arith.extui %sign3A_299 : i1 to i32
    %sign3A_301 = arith.constant 0 : i32
    %sign3A_302 = arith.cmpi slt, %squeeze3A_266, %sign3A_301 : i32
    %sign3A_303 = arith.extui %sign3A_302 : i1 to i32
    %sign3A_304 = arith.subi %sign3A_300, %sign3A_303 : i32
    %sign3A_305 = arith.constant 0 : i32
    %sign3A_306 = arith.cmpi sgt, %jit3A_296, %sign3A_305 : i32
    %sign3A_307 = arith.extui %sign3A_306 : i1 to i32
    %sign3A_308 = arith.constant 0 : i32
    %sign3A_309 = arith.cmpi slt, %jit3A_296, %sign3A_308 : i32
    %sign3A_310 = arith.extui %sign3A_309 : i1 to i32
    %sign3A_311 = arith.subi %sign3A_307, %sign3A_310 : i32
    %ne3A_312 = arith.cmpi ne, %sign3A_304, %sign3A_311 : i32
    %rem3A_313 = arith.remsi %squeeze3A_266, %jit3A_296 : i32
    %ne3A_314 = arith.constant 0 : i32
    %ne3A_315 = arith.cmpi ne, %rem3A_313, %ne3A_314 : i32
    %and3A_316 = arith.andi %ne3A_312, %ne3A_315 : i1
    %sub3A_317 = arith.constant 1 : i32
    %sub3A_318 = arith.subi %div3A_297, %sub3A_317 : i32
    %select_n3A_319 = arith.select %and3A_316, %sub3A_318, %div3A_297 : i32
    %mul3A_320 = arith.constant 128 : i32
    %mul3A_321 = arith.muli %select_n3A_319, %mul3A_320 : i32
    %min3A_322 = arith.constant 999872 : i32
    %min3A_323 = arith.minsi %mul3A_321, %min3A_322 : i32
    %multiple_of3A_324 = tpu.assume_multiple %min3A_323, 128 : i32
    %dma_start3A_325 = arith.constant 0 : i32
    %dma_start3A_326 = arith.constant 3 : i32
    %dma_start3A_327 = arith.constant 0 : i32
    %dma_start3A_328 = arith.constant 0 : i32
    %dma_start3A_329 = tpu.memref_slice %arg9[%dma_start3A_325, %dma_start3A_326, %dma_start3A_327, %dma_start3A_328] : memref<2x4x32x128xf32, #tpu.memory_space<vmem>> -> memref<1x1x32x128xf32, #tpu.memory_space<vmem>>
    %dma_start3A_330 = tpu.memref_squeeze %dma_start3A_329 : memref<1x1x32x128xf32, #tpu.memory_space<vmem>> -> memref<32x128xf32, #tpu.memory_space<vmem>>
    %dma_start3A_331 = arith.constant 0 : i32
    %dma_start3A_332 = tpu.memref_slice %arg4[%dma_start3A_331, %multiple_of3A_295] : memref<32x1000000xf32, #tpu.memory_space<hbm>> -> memref<32x128xf32, #tpu.memory_space<hbm>>
    %dma_start3A_333 = arith.constant 0 : i32
    %dma_start3A_334 = arith.constant 0 : i32
    %dma_start3A_335 = tpu.memref_slice %arg9[%dma_start3A_325, %dma_start3A_326, %dma_start3A_333, %dma_start3A_334] : memref<2x4x32x128xf32, #tpu.memory_space<vmem>> -> memref<1x1x32x128xf32, #tpu.memory_space<vmem>>
    %dma_start3A_336 = tpu.memref_squeeze %dma_start3A_335 : memref<1x1x32x128xf32, #tpu.memory_space<vmem>> -> memref<32x128xf32, #tpu.memory_space<vmem>>
    %dma_start3A_337 = arith.constant 0 : i32
    %dma_start3A_338 = tpu.memref_slice %arg4[%dma_start3A_337, %multiple_of3A_295] : memref<32x1000000xf32, #tpu.memory_space<hbm>> -> memref<32x128xf32, #tpu.memory_space<hbm>>
    tpu.enqueue_dma source(%dma_start3A_338 : memref<32x128xf32, #tpu.memory_space<hbm>>) target(%dma_start3A_336 : memref<32x128xf32, #tpu.memory_space<vmem>>) target_semaphore(%arg12 : memref<!tpu.dma_semaphore, #tpu.memory_space<semaphore_mem>>)
    %dma_start3A_339 = arith.constant 0 : i32
    %dma_start3A_340 = arith.constant 3 : i32
    %dma_start3A_341 = arith.constant 0 : i32
    %dma_start3A_342 = arith.constant 0 : i32
    %dma_start3A_343 = tpu.memref_slice %arg10[%dma_start3A_339, %dma_start3A_340, %dma_start3A_341, %dma_start3A_342] : memref<2x4x32x128xf32, #tpu.memory_space<vmem>> -> memref<1x1x32x128xf32, #tpu.memory_space<vmem>>
    %dma_start3A_344 = tpu.memref_squeeze %dma_start3A_343 : memref<1x1x32x128xf32, #tpu.memory_space<vmem>> -> memref<32x128xf32, #tpu.memory_space<vmem>>
    %dma_start3A_345 = arith.constant 0 : i32
    %dma_start3A_346 = tpu.memref_slice %arg5[%dma_start3A_345, %multiple_of3A_324] : memref<32x1000000xf32, #tpu.memory_space<hbm>> -> memref<32x128xf32, #tpu.memory_space<hbm>>
    %dma_start3A_347 = arith.constant 0 : i32
    %dma_start3A_348 = arith.constant 0 : i32
    %dma_start3A_349 = tpu.memref_slice %arg10[%dma_start3A_339, %dma_start3A_340, %dma_start3A_347, %dma_start3A_348] : memref<2x4x32x128xf32, #tpu.memory_space<vmem>> -> memref<1x1x32x128xf32, #tpu.memory_space<vmem>>
    %dma_start3A_350 = tpu.memref_squeeze %dma_start3A_349 : memref<1x1x32x128xf32, #tpu.memory_space<vmem>> -> memref<32x128xf32, #tpu.memory_space<vmem>>
    %dma_start3A_351 = arith.constant 0 : i32
    %dma_start3A_352 = tpu.memref_slice %arg5[%dma_start3A_351, %multiple_of3A_324] : memref<32x1000000xf32, #tpu.memory_space<hbm>> -> memref<32x128xf32, #tpu.memory_space<hbm>>
    tpu.enqueue_dma source(%dma_start3A_352 : memref<32x128xf32, #tpu.memory_space<hbm>>) target(%dma_start3A_350 : memref<32x128xf32, #tpu.memory_space<vmem>>) target_semaphore(%arg12 : memref<!tpu.dma_semaphore, #tpu.memory_space<semaphore_mem>>)
    %scan3A = arith.constant 0 : i32
    %scan3A_353 = arith.constant 0 : i32
    %scan3A_354 = arith.constant 32 : i32
    %scan3A_355 = arith.addi %scan3A_353, %scan3A_354 : i32
    %scan3A_356 = arith.constant 1 : i32
    scf.for %scan3A_358 = %scan3A_353 to %scan3A_355 step %scan3A_356  : i32 {
      %broadcast_in_dim3A = arith.constant 0.000000e+00 : f32
      %broadcast_in_dim3A_359 = vector.broadcast %broadcast_in_dim3A : f32 to vector<16xf32>
      %mul3A_360 = arith.constant 4 : i32
      %mul3A_361 = arith.muli %scan3A_358, %mul3A_360 : i32
      %add3A_362 = arith.constant 0 : i32
      %add3A_363 = arith.addi %mul3A_361, %add3A_362 : i32
      %add3A_364 = arith.constant 1 : i32
      %add3A_365 = arith.addi %add3A_363, %add3A_364 : i32
      %lt3A = arith.constant 128 : i32
      %lt3A_366 = arith.cmpi slt, %add3A_365, %lt3A : i32
      %convert_element_type3A = arith.extui %lt3A_366 : i1 to i32
      %cond3A = arith.constant 0 : i32
      %cond3A_367 = arith.cmpi ne, %convert_element_type3A, %cond3A : i32
      scf.if %cond3A_367 {
        %add3A_2408 = arith.constant 1 : i32
        %add3A_2409 = arith.addi %add3A_363, %add3A_2408 : i32
        %mul3A_2410 = arith.constant 4 : i32
        %mul3A_2411 = arith.muli %add3A_2409, %mul3A_2410 : i32
        %get3A_2412 = arith.index_cast %mul3A_2411 : i32 to index
        %get3A_2413 = tpu.vector_load %arg7[%get3A_2412] {strides = array<i32>} : memref<528xi32, #tpu.memory_space<vmem>>, vector<16xi32>,
        %mul3A_2414 = arith.constant 4 : i32
        %mul3A_2415 = arith.muli %add3A_2409, %mul3A_2414 : i32
        %get3A_2416 = arith.index_cast %mul3A_2415 : i32 to index
        %get3A_2417 = tpu.vector_load %arg8[%get3A_2416] {strides = array<i32>} : memref<528xi32, #tpu.memory_space<vmem>>, vector<16xi32>,
        %slice3A_2418 = vector.extract_strided_slice %get3A_2413 {offsets = [0], sizes = [1], strides = [1]} : vector<16xi32> to vector<1xi32>
        %squeeze3A_2419 = vector.extract %slice3A_2418[0] : i32 from vector<1xi32>
        %slice3A_2420 = vector.extract_strided_slice %get3A_2417 {offsets = [0], sizes = [1], strides = [1]} : vector<16xi32> to vector<1xi32>
        %squeeze3A_2421 = vector.extract %slice3A_2420[0] : i32 from vector<1xi32>
        %jit3A_2422 = arith.constant 128 : i32
        %div3A_2423 = arith.divsi %squeeze3A_2419, %jit3A_2422 : i32
        %sign3A_2424 = arith.constant 0 : i32
        %sign3A_2425 = arith.cmpi sgt, %squeeze3A_2419, %sign3A_2424 : i32
        %sign3A_2426 = arith.extui %sign3A_2425 : i1 to i32
        %sign3A_2427 = arith.constant 0 : i32
        %sign3A_2428 = arith.cmpi slt, %squeeze3A_2419, %sign3A_2427 : i32
        %sign3A_2429 = arith.extui %sign3A_2428 : i1 to i32
        %sign3A_2430 = arith.subi %sign3A_2426, %sign3A_2429 : i32
        %sign3A_2431 = arith.constant 0 : i32
        %sign3A_2432 = arith.cmpi sgt, %jit3A_2422, %sign3A_2431 : i32
        %sign3A_2433 = arith.extui %sign3A_2432 : i1 to i32
        %sign3A_2434 = arith.constant 0 : i32
        %sign3A_2435 = arith.cmpi slt, %jit3A_2422, %sign3A_2434 : i32
        %sign3A_2436 = arith.extui %sign3A_2435 : i1 to i32
        %sign3A_2437 = arith.subi %sign3A_2433, %sign3A_2436 : i32
        %ne3A_2438 = arith.cmpi ne, %sign3A_2430, %sign3A_2437 : i32
        %rem3A_2439 = arith.remsi %squeeze3A_2419, %jit3A_2422 : i32
        %ne3A_2440 = arith.constant 0 : i32
        %ne3A_2441 = arith.cmpi ne, %rem3A_2439, %ne3A_2440 : i32
        %and3A_2442 = arith.andi %ne3A_2438, %ne3A_2441 : i1
        %sub3A_2443 = arith.constant 1 : i32
        %sub3A_2444 = arith.subi %div3A_2423, %sub3A_2443 : i32
        %select_n3A_2445 = arith.select %and3A_2442, %sub3A_2444, %div3A_2423 : i32
        %mul3A_2446 = arith.constant 128 : i32
        %mul3A_2447 = arith.muli %select_n3A_2445, %mul3A_2446 : i32
        %min3A_2448 = arith.constant 999872 : i32
        %min3A_2449 = arith.minsi %mul3A_2447, %min3A_2448 : i32
        %multiple_of3A_2450 = tpu.assume_multiple %min3A_2449, 128 : i32
        %jit3A_2451 = arith.constant 128 : i32
        %div3A_2452 = arith.divsi %squeeze3A_2421, %jit3A_2451 : i32
        %sign3A_2453 = arith.constant 0 : i32
        %sign3A_2454 = arith.cmpi sgt, %squeeze3A_2421, %sign3A_2453 : i32
        %sign3A_2455 = arith.extui %sign3A_2454 : i1 to i32
        %sign3A_2456 = arith.constant 0 : i32
        %sign3A_2457 = arith.cmpi slt, %squeeze3A_2421, %sign3A_2456 : i32
        %sign3A_2458 = arith.extui %sign3A_2457 : i1 to i32
        %sign3A_2459 = arith.subi %sign3A_2455, %sign3A_2458 : i32
        %sign3A_2460 = arith.constant 0 : i32
        %sign3A_2461 = arith.cmpi sgt, %jit3A_2451, %sign3A_2460 : i32
        %sign3A_2462 = arith.extui %sign3A_2461 : i1 to i32
        %sign3A_2463 = arith.constant 0 : i32
        %sign3A_2464 = arith.cmpi slt, %jit3A_2451, %sign3A_2463 : i32
        %sign3A_2465 = arith.extui %sign3A_2464 : i1 to i32
        %sign3A_2466 = arith.subi %sign3A_2462, %sign3A_2465 : i32
        %ne3A_2467 = arith.cmpi ne, %sign3A_2459, %sign3A_2466 : i32
        %rem3A_2468 = arith.remsi %squeeze3A_2421, %jit3A_2451 : i32
        %ne3A_2469 = arith.constant 0 : i32
        %ne3A_2470 = arith.cmpi ne, %rem3A_2468, %ne3A_2469 : i32
        %and3A_2471 = arith.andi %ne3A_2467, %ne3A_2470 : i1
        %sub3A_2472 = arith.constant 1 : i32
        %sub3A_2473 = arith.subi %div3A_2452, %sub3A_2472 : i32
        %select_n3A_2474 = arith.select %and3A_2471, %sub3A_2473, %div3A_2452 : i32
        %mul3A_2475 = arith.constant 128 : i32
        %mul3A_2476 = arith.muli %select_n3A_2474, %mul3A_2475 : i32
        %min3A_2477 = arith.constant 999872 : i32
        %min3A_2478 = arith.minsi %mul3A_2476, %min3A_2477 : i32
        %multiple_of3A_2479 = tpu.assume_multiple %min3A_2478, 128 : i32
        %dma_start3A_2480 = arith.constant 1 : i32
        %dma_start3A_2481 = arith.constant 0 : i32
        %dma_start3A_2482 = arith.constant 0 : i32
        %dma_start3A_2483 = arith.constant 0 : i32
        %dma_start3A_2484 = tpu.memref_slice %arg9[%dma_start3A_2480, %dma_start3A_2481, %dma_start3A_2482, %dma_start3A_2483] : memref<2x4x32x128xf32, #tpu.memory_space<vmem>> -> memref<1x1x32x128xf32, #tpu.memory_space<vmem>>
        %dma_start3A_2485 = tpu.memref_squeeze %dma_start3A_2484 : memref<1x1x32x128xf32, #tpu.memory_space<vmem>> -> memref<32x128xf32, #tpu.memory_space<vmem>>
        %dma_start3A_2486 = arith.constant 0 : i32
        %dma_start3A_2487 = tpu.memref_slice %arg4[%dma_start3A_2486, %multiple_of3A_2450] : memref<32x1000000xf32, #tpu.memory_space<hbm>> -> memref<32x128xf32, #tpu.memory_space<hbm>>
        %dma_start3A_2488 = arith.constant 0 : i32
        %dma_start3A_2489 = arith.constant 0 : i32
        %dma_start3A_2490 = tpu.memref_slice %arg9[%dma_start3A_2480, %dma_start3A_2481, %dma_start3A_2488, %dma_start3A_2489] : memref<2x4x32x128xf32, #tpu.memory_space<vmem>> -> memref<1x1x32x128xf32, #tpu.memory_space<vmem>>
        %dma_start3A_2491 = tpu.memref_squeeze %dma_start3A_2490 : memref<1x1x32x128xf32, #tpu.memory_space<vmem>> -> memref<32x128xf32, #tpu.memory_space<vmem>>
        %dma_start3A_2492 = arith.constant 0 : i32
        %dma_start3A_2493 = tpu.memref_slice %arg4[%dma_start3A_2492, %multiple_of3A_2450] : memref<32x1000000xf32, #tpu.memory_space<hbm>> -> memref<32x128xf32, #tpu.memory_space<hbm>>
        tpu.enqueue_dma source(%dma_start3A_2493 : memref<32x128xf32, #tpu.memory_space<hbm>>) target(%dma_start3A_2491 : memref<32x128xf32, #tpu.memory_space<vmem>>) target_semaphore(%arg13 : memref<!tpu.dma_semaphore, #tpu.memory_space<semaphore_mem>>)
        %dma_start3A_2494 = arith.constant 1 : i32
        %dma_start3A_2495 = arith.constant 0 : i32
        %dma_start3A_2496 = arith.constant 0 : i32
        %dma_start3A_2497 = arith.constant 0 : i32
        %dma_start3A_2498 = tpu.memref_slice %arg10[%dma_start3A_2494, %dma_start3A_2495, %dma_start3A_2496, %dma_start3A_2497] : memref<2x4x32x128xf32, #tpu.memory_space<vmem>> -> memref<1x1x32x128xf32, #tpu.memory_space<vmem>>
        %dma_start3A_2499 = tpu.memref_squeeze %dma_start3A_2498 : memref<1x1x32x128xf32, #tpu.memory_space<vmem>> -> memref<32x128xf32, #tpu.memory_space<vmem>>
        %dma_start3A_2500 = arith.constant 0 : i32
        %dma_start3A_2501 = tpu.memref_slice %arg5[%dma_start3A_2500, %multiple_of3A_2479] : memref<32x1000000xf32, #tpu.memory_space<hbm>> -> memref<32x128xf32, #tpu.memory_space<hbm>>
        %dma_start3A_2502 = arith.constant 0 : i32
        %dma_start3A_2503 = arith.constant 0 : i32
        %dma_start3A_2504 = tpu.memref_slice %arg10[%dma_start3A_2494, %dma_start3A_2495, %dma_start3A_2502, %dma_start3A_2503] : memref<2x4x32x128xf32, #tpu.memory_space<vmem>> -> memref<1x1x32x128xf32, #tpu.memory_space<vmem>>
        %dma_start3A_2505 = tpu.memref_squeeze %dma_start3A_2504 : memref<1x1x32x128xf32, #tpu.memory_space<vmem>> -> memref<32x128xf32, #tpu.memory_space<vmem>>
        %dma_start3A_2506 = arith.constant 0 : i32
        %dma_start3A_2507 = tpu.memref_slice %arg5[%dma_start3A_2506, %multiple_of3A_2479] : memref<32x1000000xf32, #tpu.memory_space<hbm>> -> memref<32x128xf32, #tpu.memory_space<hbm>>
        tpu.enqueue_dma source(%dma_start3A_2507 : memref<32x128xf32, #tpu.memory_space<hbm>>) target(%dma_start3A_2505 : memref<32x128xf32, #tpu.memory_space<vmem>>) target_semaphore(%arg13 : memref<!tpu.dma_semaphore, #tpu.memory_space<semaphore_mem>>)
        %slice3A_2508 = vector.extract_strided_slice %get3A_2413 {offsets = [1], sizes = [1], strides = [1]} : vector<16xi32> to vector<1xi32>
        %squeeze3A_2509 = vector.extract %slice3A_2508[0] : i32 from vector<1xi32>
        %slice3A_2510 = vector.extract_strided_slice %get3A_2417 {offsets = [1], sizes = [1], strides = [1]} : vector<16xi32> to vector<1xi32>
        %squeeze3A_2511 = vector.extract %slice3A_2510[0] : i32 from vector<1xi32>
        %jit3A_2512 = arith.constant 128 : i32
        %div3A_2513 = arith.divsi %squeeze3A_2509, %jit3A_2512 : i32
        %sign3A_2514 = arith.constant 0 : i32
        %sign3A_2515 = arith.cmpi sgt, %squeeze3A_2509, %sign3A_2514 : i32
        %sign3A_2516 = arith.extui %sign3A_2515 : i1 to i32
        %sign3A_2517 = arith.constant 0 : i32
        %sign3A_2518 = arith.cmpi slt, %squeeze3A_2509, %sign3A_2517 : i32
        %sign3A_2519 = arith.extui %sign3A_2518 : i1 to i32
        %sign3A_2520 = arith.subi %sign3A_2516, %sign3A_2519 : i32
        %sign3A_2521 = arith.constant 0 : i32
        %sign3A_2522 = arith.cmpi sgt, %jit3A_2512, %sign3A_2521 : i32
        %sign3A_2523 = arith.extui %sign3A_2522 : i1 to i32
        %sign3A_2524 = arith.constant 0 : i32
        %sign3A_2525 = arith.cmpi slt, %jit3A_2512, %sign3A_2524 : i32
        %sign3A_2526 = arith.extui %sign3A_2525 : i1 to i32
        %sign3A_2527 = arith.subi %sign3A_2523, %sign3A_2526 : i32
        %ne3A_2528 = arith.cmpi ne, %sign3A_2520, %sign3A_2527 : i32
        %rem3A_2529 = arith.remsi %squeeze3A_2509, %jit3A_2512 : i32
        %ne3A_2530 = arith.constant 0 : i32
        %ne3A_2531 = arith.cmpi ne, %rem3A_2529, %ne3A_2530 : i32
        %and3A_2532 = arith.andi %ne3A_2528, %ne3A_2531 : i1
        %sub3A_2533 = arith.constant 1 : i32
        %sub3A_2534 = arith.subi %div3A_2513, %sub3A_2533 : i32
        %select_n3A_2535 = arith.select %and3A_2532, %sub3A_2534, %div3A_2513 : i32
        %mul3A_2536 = arith.constant 128 : i32
        %mul3A_2537 = arith.muli %select_n3A_2535, %mul3A_2536 : i32
        %min3A_2538 = arith.constant 999872 : i32
        %min3A_2539 = arith.minsi %mul3A_2537, %min3A_2538 : i32
        %multiple_of3A_2540 = tpu.assume_multiple %min3A_2539, 128 : i32
        %jit3A_2541 = arith.constant 128 : i32
        %div3A_2542 = arith.divsi %squeeze3A_2511, %jit3A_2541 : i32
        %sign3A_2543 = arith.constant 0 : i32
        %sign3A_2544 = arith.cmpi sgt, %squeeze3A_2511, %sign3A_2543 : i32
        %sign3A_2545 = arith.extui %sign3A_2544 : i1 to i32
        %sign3A_2546 = arith.constant 0 : i32
        %sign3A_2547 = arith.cmpi slt, %squeeze3A_2511, %sign3A_2546 : i32
        %sign3A_2548 = arith.extui %sign3A_2547 : i1 to i32
        %sign3A_2549 = arith.subi %sign3A_2545, %sign3A_2548 : i32
        %sign3A_2550 = arith.constant 0 : i32
        %sign3A_2551 = arith.cmpi sgt, %jit3A_2541, %sign3A_2550 : i32
        %sign3A_2552 = arith.extui %sign3A_2551 : i1 to i32
        %sign3A_2553 = arith.constant 0 : i32
        %sign3A_2554 = arith.cmpi slt, %jit3A_2541, %sign3A_2553 : i32
        %sign3A_2555 = arith.extui %sign3A_2554 : i1 to i32
        %sign3A_2556 = arith.subi %sign3A_2552, %sign3A_2555 : i32
        %ne3A_2557 = arith.cmpi ne, %sign3A_2549, %sign3A_2556 : i32
        %rem3A_2558 = arith.remsi %squeeze3A_2511, %jit3A_2541 : i32
        %ne3A_2559 = arith.constant 0 : i32
        %ne3A_2560 = arith.cmpi ne, %rem3A_2558, %ne3A_2559 : i32
        %and3A_2561 = arith.andi %ne3A_2557, %ne3A_2560 : i1
        %sub3A_2562 = arith.constant 1 : i32
        %sub3A_2563 = arith.subi %div3A_2542, %sub3A_2562 : i32
        %select_n3A_2564 = arith.select %and3A_2561, %sub3A_2563, %div3A_2542 : i32
        %mul3A_2565 = arith.constant 128 : i32
        %mul3A_2566 = arith.muli %select_n3A_2564, %mul3A_2565 : i32
        %min3A_2567 = arith.constant 999872 : i32
        %min3A_2568 = arith.minsi %mul3A_2566, %min3A_2567 : i32
        %multiple_of3A_2569 = tpu.assume_multiple %min3A_2568, 128 : i32
        %dma_start3A_2570 = arith.constant 1 : i32
        %dma_start3A_2571 = arith.constant 1 : i32
        %dma_start3A_2572 = arith.constant 0 : i32
        %dma_start3A_2573 = arith.constant 0 : i32
        %dma_start3A_2574 = tpu.memref_slice %arg9[%dma_start3A_2570, %dma_start3A_2571, %dma_start3A_2572, %dma_start3A_2573] : memref<2x4x32x128xf32, #tpu.memory_space<vmem>> -> memref<1x1x32x128xf32, #tpu.memory_space<vmem>>
        %dma_start3A_2575 = tpu.memref_squeeze %dma_start3A_2574 : memref<1x1x32x128xf32, #tpu.memory_space<vmem>> -> memref<32x128xf32, #tpu.memory_space<vmem>>
        %dma_start3A_2576 = arith.constant 0 : i32
        %dma_start3A_2577 = tpu.memref_slice %arg4[%dma_start3A_2576, %multiple_of3A_2540] : memref<32x1000000xf32, #tpu.memory_space<hbm>> -> memref<32x128xf32, #tpu.memory_space<hbm>>
        %dma_start3A_2578 = arith.constant 0 : i32
        %dma_start3A_2579 = arith.constant 0 : i32
        %dma_start3A_2580 = tpu.memref_slice %arg9[%dma_start3A_2570, %dma_start3A_2571, %dma_start3A_2578, %dma_start3A_2579] : memref<2x4x32x128xf32, #tpu.memory_space<vmem>> -> memref<1x1x32x128xf32, #tpu.memory_space<vmem>>
        %dma_start3A_2581 = tpu.memref_squeeze %dma_start3A_2580 : memref<1x1x32x128xf32, #tpu.memory_space<vmem>> -> memref<32x128xf32, #tpu.memory_space<vmem>>
        %dma_start3A_2582 = arith.constant 0 : i32
        %dma_start3A_2583 = tpu.memref_slice %arg4[%dma_start3A_2582, %multiple_of3A_2540] : memref<32x1000000xf32, #tpu.memory_space<hbm>> -> memref<32x128xf32, #tpu.memory_space<hbm>>
        tpu.enqueue_dma source(%dma_start3A_2583 : memref<32x128xf32, #tpu.memory_space<hbm>>) target(%dma_start3A_2581 : memref<32x128xf32, #tpu.memory_space<vmem>>) target_semaphore(%arg13 : memref<!tpu.dma_semaphore, #tpu.memory_space<semaphore_mem>>)
        %dma_start3A_2584 = arith.constant 1 : i32
        %dma_start3A_2585 = arith.constant 1 : i32
        %dma_start3A_2586 = arith.constant 0 : i32
        %dma_start3A_2587 = arith.constant 0 : i32
        %dma_start3A_2588 = tpu.memref_slice %arg10[%dma_start3A_2584, %dma_start3A_2585, %dma_start3A_2586, %dma_start3A_2587] : memref<2x4x32x128xf32, #tpu.memory_space<vmem>> -> memref<1x1x32x128xf32, #tpu.memory_space<vmem>>
        %dma_start3A_2589 = tpu.memref_squeeze %dma_start3A_2588 : memref<1x1x32x128xf32, #tpu.memory_space<vmem>> -> memref<32x128xf32, #tpu.memory_space<vmem>>
        %dma_start3A_2590 = arith.constant 0 : i32
        %dma_start3A_2591 = tpu.memref_slice %arg5[%dma_start3A_2590, %multiple_of3A_2569] : memref<32x1000000xf32, #tpu.memory_space<hbm>> -> memref<32x128xf32, #tpu.memory_space<hbm>>
        %dma_start3A_2592 = arith.constant 0 : i32
        %dma_start3A_2593 = arith.constant 0 : i32
        %dma_start3A_2594 = tpu.memref_slice %arg10[%dma_start3A_2584, %dma_start3A_2585, %dma_start3A_2592, %dma_start3A_2593] : memref<2x4x32x128xf32, #tpu.memory_space<vmem>> -> memref<1x1x32x128xf32, #tpu.memory_space<vmem>>
        %dma_start3A_2595 = tpu.memref_squeeze %dma_start3A_2594 : memref<1x1x32x128xf32, #tpu.memory_space<vmem>> -> memref<32x128xf32, #tpu.memory_space<vmem>>
        %dma_start3A_2596 = arith.constant 0 : i32
        %dma_start3A_2597 = tpu.memref_slice %arg5[%dma_start3A_2596, %multiple_of3A_2569] : memref<32x1000000xf32, #tpu.memory_space<hbm>> -> memref<32x128xf32, #tpu.memory_space<hbm>>
        tpu.enqueue_dma source(%dma_start3A_2597 : memref<32x128xf32, #tpu.memory_space<hbm>>) target(%dma_start3A_2595 : memref<32x128xf32, #tpu.memory_space<vmem>>) target_semaphore(%arg13 : memref<!tpu.dma_semaphore, #tpu.memory_space<semaphore_mem>>)
        %slice3A_2598 = vector.extract_strided_slice %get3A_2413 {offsets = [2], sizes = [1], strides = [1]} : vector<16xi32> to vector<1xi32>
        %squeeze3A_2599 = vector.extract %slice3A_2598[0] : i32 from vector<1xi32>
        %slice3A_2600 = vector.extract_strided_slice %get3A_2417 {offsets = [2], sizes = [1], strides = [1]} : vector<16xi32> to vector<1xi32>
        %squeeze3A_2601 = vector.extract %slice3A_2600[0] : i32 from vector<1xi32>
        %jit3A_2602 = arith.constant 128 : i32
        %div3A_2603 = arith.divsi %squeeze3A_2599, %jit3A_2602 : i32
        %sign3A_2604 = arith.constant 0 : i32
        %sign3A_2605 = arith.cmpi sgt, %squeeze3A_2599, %sign3A_2604 : i32
        %sign3A_2606 = arith.extui %sign3A_2605 : i1 to i32
        %sign3A_2607 = arith.constant 0 : i32
        %sign3A_2608 = arith.cmpi slt, %squeeze3A_2599, %sign3A_2607 : i32
        %sign3A_2609 = arith.extui %sign3A_2608 : i1 to i32
        %sign3A_2610 = arith.subi %sign3A_2606, %sign3A_2609 : i32
        %sign3A_2611 = arith.constant 0 : i32
        %sign3A_2612 = arith.cmpi sgt, %jit3A_2602, %sign3A_2611 : i32
        %sign3A_2613 = arith.extui %sign3A_2612 : i1 to i32
        %sign3A_2614 = arith.constant 0 : i32
        %sign3A_2615 = arith.cmpi slt, %jit3A_2602, %sign3A_2614 : i32
        %sign3A_2616 = arith.extui %sign3A_2615 : i1 to i32
        %sign3A_2617 = arith.subi %sign3A_2613, %sign3A_2616 : i32
        %ne3A_2618 = arith.cmpi ne, %sign3A_2610, %sign3A_2617 : i32
        %rem3A_2619 = arith.remsi %squeeze3A_2599, %jit3A_2602 : i32
        %ne3A_2620 = arith.constant 0 : i32
        %ne3A_2621 = arith.cmpi ne, %rem3A_2619, %ne3A_2620 : i32
        %and3A_2622 = arith.andi %ne3A_2618, %ne3A_2621 : i1
        %sub3A_2623 = arith.constant 1 : i32
        %sub3A_2624 = arith.subi %div3A_2603, %sub3A_2623 : i32
        %select_n3A_2625 = arith.select %and3A_2622, %sub3A_2624, %div3A_2603 : i32
        %mul3A_2626 = arith.constant 128 : i32
        %mul3A_2627 = arith.muli %select_n3A_2625, %mul3A_2626 : i32
        %min3A_2628 = arith.constant 999872 : i32
        %min3A_2629 = arith.minsi %mul3A_2627, %min3A_2628 : i32
        %multiple_of3A_2630 = tpu.assume_multiple %min3A_2629, 128 : i32
        %jit3A_2631 = arith.constant 128 : i32
        %div3A_2632 = arith.divsi %squeeze3A_2601, %jit3A_2631 : i32
        %sign3A_2633 = arith.constant 0 : i32
        %sign3A_2634 = arith.cmpi sgt, %squeeze3A_2601, %sign3A_2633 : i32
        %sign3A_2635 = arith.extui %sign3A_2634 : i1 to i32
        %sign3A_2636 = arith.constant 0 : i32
        %sign3A_2637 = arith.cmpi slt, %squeeze3A_2601, %sign3A_2636 : i32
        %sign3A_2638 = arith.extui %sign3A_2637 : i1 to i32
        %sign3A_2639 = arith.subi %sign3A_2635, %sign3A_2638 : i32
        %sign3A_2640 = arith.constant 0 : i32
        %sign3A_2641 = arith.cmpi sgt, %jit3A_2631, %sign3A_2640 : i32
        %sign3A_2642 = arith.extui %sign3A_2641 : i1 to i32
        %sign3A_2643 = arith.constant 0 : i32
        %sign3A_2644 = arith.cmpi slt, %jit3A_2631, %sign3A_2643 : i32
        %sign3A_2645 = arith.extui %sign3A_2644 : i1 to i32
        %sign3A_2646 = arith.subi %sign3A_2642, %sign3A_2645 : i32
        %ne3A_2647 = arith.cmpi ne, %sign3A_2639, %sign3A_2646 : i32
        %rem3A_2648 = arith.remsi %squeeze3A_2601, %jit3A_2631 : i32
        %ne3A_2649 = arith.constant 0 : i32
        %ne3A_2650 = arith.cmpi ne, %rem3A_2648, %ne3A_2649 : i32
        %and3A_2651 = arith.andi %ne3A_2647, %ne3A_2650 : i1
        %sub3A_2652 = arith.constant 1 : i32
        %sub3A_2653 = arith.subi %div3A_2632, %sub3A_2652 : i32
        %select_n3A_2654 = arith.select %and3A_2651, %sub3A_2653, %div3A_2632 : i32
        %mul3A_2655 = arith.constant 128 : i32
        %mul3A_2656 = arith.muli %select_n3A_2654, %mul3A_2655 : i32
        %min3A_2657 = arith.constant 999872 : i32
        %min3A_2658 = arith.minsi %mul3A_2656, %min3A_2657 : i32
        %multiple_of3A_2659 = tpu.assume_multiple %min3A_2658, 128 : i32
        %dma_start3A_2660 = arith.constant 1 : i32
        %dma_start3A_2661 = arith.constant 2 : i32
        %dma_start3A_2662 = arith.constant 0 : i32
        %dma_start3A_2663 = arith.constant 0 : i32
        %dma_start3A_2664 = tpu.memref_slice %arg9[%dma_start3A_2660, %dma_start3A_2661, %dma_start3A_2662, %dma_start3A_2663] : memref<2x4x32x128xf32, #tpu.memory_space<vmem>> -> memref<1x1x32x128xf32, #tpu.memory_space<vmem>>
        %dma_start3A_2665 = tpu.memref_squeeze %dma_start3A_2664 : memref<1x1x32x128xf32, #tpu.memory_space<vmem>> -> memref<32x128xf32, #tpu.memory_space<vmem>>
        %dma_start3A_2666 = arith.constant 0 : i32
        %dma_start3A_2667 = tpu.memref_slice %arg4[%dma_start3A_2666, %multiple_of3A_2630] : memref<32x1000000xf32, #tpu.memory_space<hbm>> -> memref<32x128xf32, #tpu.memory_space<hbm>>
        %dma_start3A_2668 = arith.constant 0 : i32
        %dma_start3A_2669 = arith.constant 0 : i32
        %dma_start3A_2670 = tpu.memref_slice %arg9[%dma_start3A_2660, %dma_start3A_2661, %dma_start3A_2668, %dma_start3A_2669] : memref<2x4x32x128xf32, #tpu.memory_space<vmem>> -> memref<1x1x32x128xf32, #tpu.memory_space<vmem>>
        %dma_start3A_2671 = tpu.memref_squeeze %dma_start3A_2670 : memref<1x1x32x128xf32, #tpu.memory_space<vmem>> -> memref<32x128xf32, #tpu.memory_space<vmem>>
        %dma_start3A_2672 = arith.constant 0 : i32
        %dma_start3A_2673 = tpu.memref_slice %arg4[%dma_start3A_2672, %multiple_of3A_2630] : memref<32x1000000xf32, #tpu.memory_space<hbm>> -> memref<32x128xf32, #tpu.memory_space<hbm>>
        tpu.enqueue_dma source(%dma_start3A_2673 : memref<32x128xf32, #tpu.memory_space<hbm>>) target(%dma_start3A_2671 : memref<32x128xf32, #tpu.memory_space<vmem>>) target_semaphore(%arg13 : memref<!tpu.dma_semaphore, #tpu.memory_space<semaphore_mem>>)
        %dma_start3A_2674 = arith.constant 1 : i32
        %dma_start3A_2675 = arith.constant 2 : i32
        %dma_start3A_2676 = arith.constant 0 : i32
        %dma_start3A_2677 = arith.constant 0 : i32
        %dma_start3A_2678 = tpu.memref_slice %arg10[%dma_start3A_2674, %dma_start3A_2675, %dma_start3A_2676, %dma_start3A_2677] : memref<2x4x32x128xf32, #tpu.memory_space<vmem>> -> memref<1x1x32x128xf32, #tpu.memory_space<vmem>>
        %dma_start3A_2679 = tpu.memref_squeeze %dma_start3A_2678 : memref<1x1x32x128xf32, #tpu.memory_space<vmem>> -> memref<32x128xf32, #tpu.memory_space<vmem>>
        %dma_start3A_2680 = arith.constant 0 : i32
        %dma_start3A_2681 = tpu.memref_slice %arg5[%dma_start3A_2680, %multiple_of3A_2659] : memref<32x1000000xf32, #tpu.memory_space<hbm>> -> memref<32x128xf32, #tpu.memory_space<hbm>>
        %dma_start3A_2682 = arith.constant 0 : i32
        %dma_start3A_2683 = arith.constant 0 : i32
        %dma_start3A_2684 = tpu.memref_slice %arg10[%dma_start3A_2674, %dma_start3A_2675, %dma_start3A_2682, %dma_start3A_2683] : memref<2x4x32x128xf32, #tpu.memory_space<vmem>> -> memref<1x1x32x128xf32, #tpu.memory_space<vmem>>
        %dma_start3A_2685 = tpu.memref_squeeze %dma_start3A_2684 : memref<1x1x32x128xf32, #tpu.memory_space<vmem>> -> memref<32x128xf32, #tpu.memory_space<vmem>>
        %dma_start3A_2686 = arith.constant 0 : i32
        %dma_start3A_2687 = tpu.memref_slice %arg5[%dma_start3A_2686, %multiple_of3A_2659] : memref<32x1000000xf32, #tpu.memory_space<hbm>> -> memref<32x128xf32, #tpu.memory_space<hbm>>
        tpu.enqueue_dma source(%dma_start3A_2687 : memref<32x128xf32, #tpu.memory_space<hbm>>) target(%dma_start3A_2685 : memref<32x128xf32, #tpu.memory_space<vmem>>) target_semaphore(%arg13 : memref<!tpu.dma_semaphore, #tpu.memory_space<semaphore_mem>>)
        %slice3A_2688 = vector.extract_strided_slice %get3A_2413 {offsets = [3], sizes = [1], strides = [1]} : vector<16xi32> to vector<1xi32>
        %squeeze3A_2689 = vector.extract %slice3A_2688[0] : i32 from vector<1xi32>
        %slice3A_2690 = vector.extract_strided_slice %get3A_2417 {offsets = [3], sizes = [1], strides = [1]} : vector<16xi32> to vector<1xi32>
        %squeeze3A_2691 = vector.extract %slice3A_2690[0] : i32 from vector<1xi32>
        %jit3A_2692 = arith.constant 128 : i32
        %div3A_2693 = arith.divsi %squeeze3A_2689, %jit3A_2692 : i32
        %sign3A_2694 = arith.constant 0 : i32
        %sign3A_2695 = arith.cmpi sgt, %squeeze3A_2689, %sign3A_2694 : i32
        %sign3A_2696 = arith.extui %sign3A_2695 : i1 to i32
        %sign3A_2697 = arith.constant 0 : i32
        %sign3A_2698 = arith.cmpi slt, %squeeze3A_2689, %sign3A_2697 : i32
        %sign3A_2699 = arith.extui %sign3A_2698 : i1 to i32
        %sign3A_2700 = arith.subi %sign3A_2696, %sign3A_2699 : i32
        %sign3A_2701 = arith.constant 0 : i32
        %sign3A_2702 = arith.cmpi sgt, %jit3A_2692, %sign3A_2701 : i32
        %sign3A_2703 = arith.extui %sign3A_2702 : i1 to i32
        %sign3A_2704 = arith.constant 0 : i32
        %sign3A_2705 = arith.cmpi slt, %jit3A_2692, %sign3A_2704 : i32
        %sign3A_2706 = arith.extui %sign3A_2705 : i1 to i32
        %sign3A_2707 = arith.subi %sign3A_2703, %sign3A_2706 : i32
        %ne3A_2708 = arith.cmpi ne, %sign3A_2700, %sign3A_2707 : i32
        %rem3A_2709 = arith.remsi %squeeze3A_2689, %jit3A_2692 : i32
        %ne3A_2710 = arith.constant 0 : i32
        %ne3A_2711 = arith.cmpi ne, %rem3A_2709, %ne3A_2710 : i32
        %and3A_2712 = arith.andi %ne3A_2708, %ne3A_2711 : i1
        %sub3A_2713 = arith.constant 1 : i32
        %sub3A_2714 = arith.subi %div3A_2693, %sub3A_2713 : i32
        %select_n3A_2715 = arith.select %and3A_2712, %sub3A_2714, %div3A_2693 : i32
        %mul3A_2716 = arith.constant 128 : i32
        %mul3A_2717 = arith.muli %select_n3A_2715, %mul3A_2716 : i32
        %min3A_2718 = arith.constant 999872 : i32
        %min3A_2719 = arith.minsi %mul3A_2717, %min3A_2718 : i32
        %multiple_of3A_2720 = tpu.assume_multiple %min3A_2719, 128 : i32
        %jit3A_2721 = arith.constant 128 : i32
        %div3A_2722 = arith.divsi %squeeze3A_2691, %jit3A_2721 : i32
        %sign3A_2723 = arith.constant 0 : i32
        %sign3A_2724 = arith.cmpi sgt, %squeeze3A_2691, %sign3A_2723 : i32
        %sign3A_2725 = arith.extui %sign3A_2724 : i1 to i32
        %sign3A_2726 = arith.constant 0 : i32
        %sign3A_2727 = arith.cmpi slt, %squeeze3A_2691, %sign3A_2726 : i32
        %sign3A_2728 = arith.extui %sign3A_2727 : i1 to i32
        %sign3A_2729 = arith.subi %sign3A_2725, %sign3A_2728 : i32
        %sign3A_2730 = arith.constant 0 : i32
        %sign3A_2731 = arith.cmpi sgt, %jit3A_2721, %sign3A_2730 : i32
        %sign3A_2732 = arith.extui %sign3A_2731 : i1 to i32
        %sign3A_2733 = arith.constant 0 : i32
        %sign3A_2734 = arith.cmpi slt, %jit3A_2721, %sign3A_2733 : i32
        %sign3A_2735 = arith.extui %sign3A_2734 : i1 to i32
        %sign3A_2736 = arith.subi %sign3A_2732, %sign3A_2735 : i32
        %ne3A_2737 = arith.cmpi ne, %sign3A_2729, %sign3A_2736 : i32
        %rem3A_2738 = arith.remsi %squeeze3A_2691, %jit3A_2721 : i32
        %ne3A_2739 = arith.constant 0 : i32
        %ne3A_2740 = arith.cmpi ne, %rem3A_2738, %ne3A_2739 : i32
        %and3A_2741 = arith.andi %ne3A_2737, %ne3A_2740 : i1
        %sub3A_2742 = arith.constant 1 : i32
        %sub3A_2743 = arith.subi %div3A_2722, %sub3A_2742 : i32
        %select_n3A_2744 = arith.select %and3A_2741, %sub3A_2743, %div3A_2722 : i32
        %mul3A_2745 = arith.constant 128 : i32
        %mul3A_2746 = arith.muli %select_n3A_2744, %mul3A_2745 : i32
        %min3A_2747 = arith.constant 999872 : i32
        %min3A_2748 = arith.minsi %mul3A_2746, %min3A_2747 : i32
        %multiple_of3A_2749 = tpu.assume_multiple %min3A_2748, 128 : i32
        %dma_start3A_2750 = arith.constant 1 : i32
        %dma_start3A_2751 = arith.constant 3 : i32
        %dma_start3A_2752 = arith.constant 0 : i32
        %dma_start3A_2753 = arith.constant 0 : i32
        %dma_start3A_2754 = tpu.memref_slice %arg9[%dma_start3A_2750, %dma_start3A_2751, %dma_start3A_2752, %dma_start3A_2753] : memref<2x4x32x128xf32, #tpu.memory_space<vmem>> -> memref<1x1x32x128xf32, #tpu.memory_space<vmem>>
        %dma_start3A_2755 = tpu.memref_squeeze %dma_start3A_2754 : memref<1x1x32x128xf32, #tpu.memory_space<vmem>> -> memref<32x128xf32, #tpu.memory_space<vmem>>
        %dma_start3A_2756 = arith.constant 0 : i32
        %dma_start3A_2757 = tpu.memref_slice %arg4[%dma_start3A_2756, %multiple_of3A_2720] : memref<32x1000000xf32, #tpu.memory_space<hbm>> -> memref<32x128xf32, #tpu.memory_space<hbm>>
        %dma_start3A_2758 = arith.constant 0 : i32
        %dma_start3A_2759 = arith.constant 0 : i32
        %dma_start3A_2760 = tpu.memref_slice %arg9[%dma_start3A_2750, %dma_start3A_2751, %dma_start3A_2758, %dma_start3A_2759] : memref<2x4x32x128xf32, #tpu.memory_space<vmem>> -> memref<1x1x32x128xf32, #tpu.memory_space<vmem>>
        %dma_start3A_2761 = tpu.memref_squeeze %dma_start3A_2760 : memref<1x1x32x128xf32, #tpu.memory_space<vmem>> -> memref<32x128xf32, #tpu.memory_space<vmem>>
        %dma_start3A_2762 = arith.constant 0 : i32
        %dma_start3A_2763 = tpu.memref_slice %arg4[%dma_start3A_2762, %multiple_of3A_2720] : memref<32x1000000xf32, #tpu.memory_space<hbm>> -> memref<32x128xf32, #tpu.memory_space<hbm>>
        tpu.enqueue_dma source(%dma_start3A_2763 : memref<32x128xf32, #tpu.memory_space<hbm>>) target(%dma_start3A_2761 : memref<32x128xf32, #tpu.memory_space<vmem>>) target_semaphore(%arg13 : memref<!tpu.dma_semaphore, #tpu.memory_space<semaphore_mem>>)
        %dma_start3A_2764 = arith.constant 1 : i32
        %dma_start3A_2765 = arith.constant 3 : i32
        %dma_start3A_2766 = arith.constant 0 : i32
        %dma_start3A_2767 = arith.constant 0 : i32
        %dma_start3A_2768 = tpu.memref_slice %arg10[%dma_start3A_2764, %dma_start3A_2765, %dma_start3A_2766, %dma_start3A_2767] : memref<2x4x32x128xf32, #tpu.memory_space<vmem>> -> memref<1x1x32x128xf32, #tpu.memory_space<vmem>>
        %dma_start3A_2769 = tpu.memref_squeeze %dma_start3A_2768 : memref<1x1x32x128xf32, #tpu.memory_space<vmem>> -> memref<32x128xf32, #tpu.memory_space<vmem>>
        %dma_start3A_2770 = arith.constant 0 : i32
        %dma_start3A_2771 = tpu.memref_slice %arg5[%dma_start3A_2770, %multiple_of3A_2749] : memref<32x1000000xf32, #tpu.memory_space<hbm>> -> memref<32x128xf32, #tpu.memory_space<hbm>>
        %dma_start3A_2772 = arith.constant 0 : i32
        %dma_start3A_2773 = arith.constant 0 : i32
        %dma_start3A_2774 = tpu.memref_slice %arg10[%dma_start3A_2764, %dma_start3A_2765, %dma_start3A_2772, %dma_start3A_2773] : memref<2x4x32x128xf32, #tpu.memory_space<vmem>> -> memref<1x1x32x128xf32, #tpu.memory_space<vmem>>
        %dma_start3A_2775 = tpu.memref_squeeze %dma_start3A_2774 : memref<1x1x32x128xf32, #tpu.memory_space<vmem>> -> memref<32x128xf32, #tpu.memory_space<vmem>>
        %dma_start3A_2776 = arith.constant 0 : i32
        %dma_start3A_2777 = tpu.memref_slice %arg5[%dma_start3A_2776, %multiple_of3A_2749] : memref<32x1000000xf32, #tpu.memory_space<hbm>> -> memref<32x128xf32, #tpu.memory_space<hbm>>
        tpu.enqueue_dma source(%dma_start3A_2777 : memref<32x128xf32, #tpu.memory_space<hbm>>) target(%dma_start3A_2775 : memref<32x128xf32, #tpu.memory_space<vmem>>) target_semaphore(%arg13 : memref<!tpu.dma_semaphore, #tpu.memory_space<semaphore_mem>>)
      } else {
      }
      %dma_wait3A = arith.constant 0 : i32
      %dma_wait3A_368 = arith.constant 0 : i32
      %dma_wait3A_369 = arith.constant 0 : i32
      %dma_wait3A_370 = arith.constant 0 : i32
      %dma_wait3A_371 = tpu.memref_slice %arg9[%dma_wait3A, %dma_wait3A_368, %dma_wait3A_369, %dma_wait3A_370] : memref<2x4x32x128xf32, #tpu.memory_space<vmem>> -> memref<1x1x32x128xf32, #tpu.memory_space<vmem>>
      %dma_wait3A_372 = tpu.memref_squeeze %dma_wait3A_371 : memref<1x1x32x128xf32, #tpu.memory_space<vmem>> -> memref<32x128xf32, #tpu.memory_space<vmem>>
      %dma_wait3A_373 = arith.constant 0 : i32
      %dma_wait3A_374 = arith.constant 0 : i32
      %dma_wait3A_375 = tpu.memref_slice %arg4[%dma_wait3A_373, %dma_wait3A_374] : memref<32x1000000xf32, #tpu.memory_space<hbm>> -> memref<32x128xf32, #tpu.memory_space<hbm>>
      %dma_wait3A_376 = arith.constant 0 : i32
      %dma_wait3A_377 = arith.constant 0 : i32
      %dma_wait3A_378 = tpu.memref_slice %arg9[%dma_wait3A, %dma_wait3A_368, %dma_wait3A_376, %dma_wait3A_377] : memref<2x4x32x128xf32, #tpu.memory_space<vmem>> -> memref<1x1x32x128xf32, #tpu.memory_space<vmem>>
      %dma_wait3A_379 = tpu.memref_squeeze %dma_wait3A_378 : memref<1x1x32x128xf32, #tpu.memory_space<vmem>> -> memref<32x128xf32, #tpu.memory_space<vmem>>
      %dma_wait3A_380 = arith.constant 0 : i32
      %dma_wait3A_381 = arith.constant 0 : i32
      %dma_wait3A_382 = tpu.memref_slice %arg4[%dma_wait3A_380, %dma_wait3A_381] : memref<32x1000000xf32, #tpu.memory_space<hbm>> -> memref<32x128xf32, #tpu.memory_space<hbm>>
      tpu.wait_dma2 semaphore(%arg12 : memref<!tpu.dma_semaphore, #tpu.memory_space<semaphore_mem>>) src(%dma_wait3A_382 : memref<32x128xf32, #tpu.memory_space<hbm>>) dst(%dma_wait3A_379 : memref<32x128xf32, #tpu.memory_space<vmem>>)
      %dma_wait3A_383 = arith.constant 0 : i32
      %dma_wait3A_384 = arith.constant 0 : i32
      %dma_wait3A_385 = arith.constant 0 : i32
      %dma_wait3A_386 = arith.constant 0 : i32
      %dma_wait3A_387 = tpu.memref_slice %arg9[%dma_wait3A_383, %dma_wait3A_384, %dma_wait3A_385, %dma_wait3A_386] : memref<2x4x32x128xf32, #tpu.memory_space<vmem>> -> memref<1x1x32x128xf32, #tpu.memory_space<vmem>>
      %dma_wait3A_388 = tpu.memref_squeeze %dma_wait3A_387 : memref<1x1x32x128xf32, #tpu.memory_space<vmem>> -> memref<32x128xf32, #tpu.memory_space<vmem>>
      %dma_wait3A_389 = arith.constant 0 : i32
      %dma_wait3A_390 = arith.constant 0 : i32
      %dma_wait3A_391 = tpu.memref_slice %arg4[%dma_wait3A_389, %dma_wait3A_390] : memref<32x1000000xf32, #tpu.memory_space<hbm>> -> memref<32x128xf32, #tpu.memory_space<hbm>>
      %dma_wait3A_392 = arith.constant 0 : i32
      %dma_wait3A_393 = arith.constant 0 : i32
      %dma_wait3A_394 = tpu.memref_slice %arg9[%dma_wait3A_383, %dma_wait3A_384, %dma_wait3A_392, %dma_wait3A_393] : memref<2x4x32x128xf32, #tpu.memory_space<vmem>> -> memref<1x1x32x128xf32, #tpu.memory_space<vmem>>
      %dma_wait3A_395 = tpu.memref_squeeze %dma_wait3A_394 : memref<1x1x32x128xf32, #tpu.memory_space<vmem>> -> memref<32x128xf32, #tpu.memory_space<vmem>>
      %dma_wait3A_396 = arith.constant 0 : i32
      %dma_wait3A_397 = arith.constant 0 : i32
      %dma_wait3A_398 = tpu.memref_slice %arg4[%dma_wait3A_396, %dma_wait3A_397] : memref<32x1000000xf32, #tpu.memory_space<hbm>> -> memref<32x128xf32, #tpu.memory_space<hbm>>
      tpu.wait_dma2 semaphore(%arg12 : memref<!tpu.dma_semaphore, #tpu.memory_space<semaphore_mem>>) src(%dma_wait3A_398 : memref<32x128xf32, #tpu.memory_space<hbm>>) dst(%dma_wait3A_395 : memref<32x128xf32, #tpu.memory_space<vmem>>)
      %dma_wait3A_399 = arith.constant 0 : i32
      %dma_wait3A_400 = arith.constant 0 : i32
      %dma_wait3A_401 = arith.constant 0 : i32
      %dma_wait3A_402 = arith.constant 0 : i32
      %dma_wait3A_403 = tpu.memref_slice %arg9[%dma_wait3A_399, %dma_wait3A_400, %dma_wait3A_401, %dma_wait3A_402] : memref<2x4x32x128xf32, #tpu.memory_space<vmem>> -> memref<1x1x32x128xf32, #tpu.memory_space<vmem>>
      %dma_wait3A_404 = tpu.memref_squeeze %dma_wait3A_403 : memref<1x1x32x128xf32, #tpu.memory_space<vmem>> -> memref<32x128xf32, #tpu.memory_space<vmem>>
      %dma_wait3A_405 = arith.constant 0 : i32
      %dma_wait3A_406 = arith.constant 0 : i32
      %dma_wait3A_407 = tpu.memref_slice %arg4[%dma_wait3A_405, %dma_wait3A_406] : memref<32x1000000xf32, #tpu.memory_space<hbm>> -> memref<32x128xf32, #tpu.memory_space<hbm>>
      %dma_wait3A_408 = arith.constant 0 : i32
      %dma_wait3A_409 = arith.constant 0 : i32
      %dma_wait3A_410 = tpu.memref_slice %arg9[%dma_wait3A_399, %dma_wait3A_400, %dma_wait3A_408, %dma_wait3A_409] : memref<2x4x32x128xf32, #tpu.memory_space<vmem>> -> memref<1x1x32x128xf32, #tpu.memory_space<vmem>>
      %dma_wait3A_411 = tpu.memref_squeeze %dma_wait3A_410 : memref<1x1x32x128xf32, #tpu.memory_space<vmem>> -> memref<32x128xf32, #tpu.memory_space<vmem>>
      %dma_wait3A_412 = arith.constant 0 : i32
      %dma_wait3A_413 = arith.constant 0 : i32
      %dma_wait3A_414 = tpu.memref_slice %arg4[%dma_wait3A_412, %dma_wait3A_413] : memref<32x1000000xf32, #tpu.memory_space<hbm>> -> memref<32x128xf32, #tpu.memory_space<hbm>>
      tpu.wait_dma2 semaphore(%arg12 : memref<!tpu.dma_semaphore, #tpu.memory_space<semaphore_mem>>) src(%dma_wait3A_414 : memref<32x128xf32, #tpu.memory_space<hbm>>) dst(%dma_wait3A_411 : memref<32x128xf32, #tpu.memory_space<vmem>>)
      %dma_wait3A_415 = arith.constant 0 : i32
      %dma_wait3A_416 = arith.constant 0 : i32
      %dma_wait3A_417 = arith.constant 0 : i32
      %dma_wait3A_418 = arith.constant 0 : i32
      %dma_wait3A_419 = tpu.memref_slice %arg9[%dma_wait3A_415, %dma_wait3A_416, %dma_wait3A_417, %dma_wait3A_418] : memref<2x4x32x128xf32, #tpu.memory_space<vmem>> -> memref<1x1x32x128xf32, #tpu.memory_space<vmem>>
      %dma_wait3A_420 = tpu.memref_squeeze %dma_wait3A_419 : memref<1x1x32x128xf32, #tpu.memory_space<vmem>> -> memref<32x128xf32, #tpu.memory_space<vmem>>
      %dma_wait3A_421 = arith.constant 0 : i32
      %dma_wait3A_422 = arith.constant 0 : i32
      %dma_wait3A_423 = tpu.memref_slice %arg4[%dma_wait3A_421, %dma_wait3A_422] : memref<32x1000000xf32, #tpu.memory_space<hbm>> -> memref<32x128xf32, #tpu.memory_space<hbm>>
      %dma_wait3A_424 = arith.constant 0 : i32
      %dma_wait3A_425 = arith.constant 0 : i32
      %dma_wait3A_426 = tpu.memref_slice %arg9[%dma_wait3A_415, %dma_wait3A_416, %dma_wait3A_424, %dma_wait3A_425] : memref<2x4x32x128xf32, #tpu.memory_space<vmem>> -> memref<1x1x32x128xf32, #tpu.memory_space<vmem>>
      %dma_wait3A_427 = tpu.memref_squeeze %dma_wait3A_426 : memref<1x1x32x128xf32, #tpu.memory_space<vmem>> -> memref<32x128xf32, #tpu.memory_space<vmem>>
      %dma_wait3A_428 = arith.constant 0 : i32
      %dma_wait3A_429 = arith.constant 0 : i32
      %dma_wait3A_430 = tpu.memref_slice %arg4[%dma_wait3A_428, %dma_wait3A_429] : memref<32x1000000xf32, #tpu.memory_space<hbm>> -> memref<32x128xf32, #tpu.memory_space<hbm>>
      tpu.wait_dma2 semaphore(%arg12 : memref<!tpu.dma_semaphore, #tpu.memory_space<semaphore_mem>>) src(%dma_wait3A_430 : memref<32x128xf32, #tpu.memory_space<hbm>>) dst(%dma_wait3A_427 : memref<32x128xf32, #tpu.memory_space<vmem>>)
      %dma_wait3A_431 = arith.constant 0 : i32
      %dma_wait3A_432 = arith.constant 0 : i32
      %dma_wait3A_433 = arith.constant 0 : i32
      %dma_wait3A_434 = arith.constant 0 : i32
      %dma_wait3A_435 = tpu.memref_slice %arg9[%dma_wait3A_431, %dma_wait3A_432, %dma_wait3A_433, %dma_wait3A_434] : memref<2x4x32x128xf32, #tpu.memory_space<vmem>> -> memref<1x1x32x128xf32, #tpu.memory_space<vmem>>
      %dma_wait3A_436 = tpu.memref_squeeze %dma_wait3A_435 : memref<1x1x32x128xf32, #tpu.memory_space<vmem>> -> memref<32x128xf32, #tpu.memory_space<vmem>>
      %dma_wait3A_437 = arith.constant 0 : i32
      %dma_wait3A_438 = arith.constant 0 : i32
      %dma_wait3A_439 = tpu.memref_slice %arg4[%dma_wait3A_437, %dma_wait3A_438] : memref<32x1000000xf32, #tpu.memory_space<hbm>> -> memref<32x128xf32, #tpu.memory_space<hbm>>
      %dma_wait3A_440 = arith.constant 0 : i32
      %dma_wait3A_441 = arith.constant 0 : i32
      %dma_wait3A_442 = tpu.memref_slice %arg9[%dma_wait3A_431, %dma_wait3A_432, %dma_wait3A_440, %dma_wait3A_441] : memref<2x4x32x128xf32, #tpu.memory_space<vmem>> -> memref<1x1x32x128xf32, #tpu.memory_space<vmem>>
      %dma_wait3A_443 = tpu.memref_squeeze %dma_wait3A_442 : memref<1x1x32x128xf32, #tpu.memory_space<vmem>> -> memref<32x128xf32, #tpu.memory_space<vmem>>
      %dma_wait3A_444 = arith.constant 0 : i32
      %dma_wait3A_445 = arith.constant 0 : i32
      %dma_wait3A_446 = tpu.memref_slice %arg4[%dma_wait3A_444, %dma_wait3A_445] : memref<32x1000000xf32, #tpu.memory_space<hbm>> -> memref<32x128xf32, #tpu.memory_space<hbm>>
      tpu.wait_dma2 semaphore(%arg12 : memref<!tpu.dma_semaphore, #tpu.memory_space<semaphore_mem>>) src(%dma_wait3A_446 : memref<32x128xf32, #tpu.memory_space<hbm>>) dst(%dma_wait3A_443 : memref<32x128xf32, #tpu.memory_space<vmem>>)
      %dma_wait3A_447 = arith.constant 0 : i32
      %dma_wait3A_448 = arith.constant 0 : i32
      %dma_wait3A_449 = arith.constant 0 : i32
      %dma_wait3A_450 = arith.constant 0 : i32
      %dma_wait3A_451 = tpu.memref_slice %arg9[%dma_wait3A_447, %dma_wait3A_448, %dma_wait3A_449, %dma_wait3A_450] : memref<2x4x32x128xf32, #tpu.memory_space<vmem>> -> memref<1x1x32x128xf32, #tpu.memory_space<vmem>>
      %dma_wait3A_452 = tpu.memref_squeeze %dma_wait3A_451 : memref<1x1x32x128xf32, #tpu.memory_space<vmem>> -> memref<32x128xf32, #tpu.memory_space<vmem>>
      %dma_wait3A_453 = arith.constant 0 : i32
      %dma_wait3A_454 = arith.constant 0 : i32
      %dma_wait3A_455 = tpu.memref_slice %arg4[%dma_wait3A_453, %dma_wait3A_454] : memref<32x1000000xf32, #tpu.memory_space<hbm>> -> memref<32x128xf32, #tpu.memory_space<hbm>>
      %dma_wait3A_456 = arith.constant 0 : i32
      %dma_wait3A_457 = arith.constant 0 : i32
      %dma_wait3A_458 = tpu.memref_slice %arg9[%dma_wait3A_447, %dma_wait3A_448, %dma_wait3A_456, %dma_wait3A_457] : memref<2x4x32x128xf32, #tpu.memory_space<vmem>> -> memref<1x1x32x128xf32, #tpu.memory_space<vmem>>
      %dma_wait3A_459 = tpu.memref_squeeze %dma_wait3A_458 : memref<1x1x32x128xf32, #tpu.memory_space<vmem>> -> memref<32x128xf32, #tpu.memory_space<vmem>>
      %dma_wait3A_460 = arith.constant 0 : i32
      %dma_wait3A_461 = arith.constant 0 : i32
      %dma_wait3A_462 = tpu.memref_slice %arg4[%dma_wait3A_460, %dma_wait3A_461] : memref<32x1000000xf32, #tpu.memory_space<hbm>> -> memref<32x128xf32, #tpu.memory_space<hbm>>
      tpu.wait_dma2 semaphore(%arg12 : memref<!tpu.dma_semaphore, #tpu.memory_space<semaphore_mem>>) src(%dma_wait3A_462 : memref<32x128xf32, #tpu.memory_space<hbm>>) dst(%dma_wait3A_459 : memref<32x128xf32, #tpu.memory_space<vmem>>)
      %dma_wait3A_463 = arith.constant 0 : i32
      %dma_wait3A_464 = arith.constant 0 : i32
      %dma_wait3A_465 = arith.constant 0 : i32
      %dma_wait3A_466 = arith.constant 0 : i32
      %dma_wait3A_467 = tpu.memref_slice %arg9[%dma_wait3A_463, %dma_wait3A_464, %dma_wait3A_465, %dma_wait3A_466] : memref<2x4x32x128xf32, #tpu.memory_space<vmem>> -> memref<1x1x32x128xf32, #tpu.memory_space<vmem>>
      %dma_wait3A_468 = tpu.memref_squeeze %dma_wait3A_467 : memref<1x1x32x128xf32, #tpu.memory_space<vmem>> -> memref<32x128xf32, #tpu.memory_space<vmem>>
      %dma_wait3A_469 = arith.constant 0 : i32
      %dma_wait3A_470 = arith.constant 0 : i32
      %dma_wait3A_471 = tpu.memref_slice %arg4[%dma_wait3A_469, %dma_wait3A_470] : memref<32x1000000xf32, #tpu.memory_space<hbm>> -> memref<32x128xf32, #tpu.memory_space<hbm>>
      %dma_wait3A_472 = arith.constant 0 : i32
      %dma_wait3A_473 = arith.constant 0 : i32
      %dma_wait3A_474 = tpu.memref_slice %arg9[%dma_wait3A_463, %dma_wait3A_464, %dma_wait3A_472, %dma_wait3A_473] : memref<2x4x32x128xf32, #tpu.memory_space<vmem>> -> memref<1x1x32x128xf32, #tpu.memory_space<vmem>>
      %dma_wait3A_475 = tpu.memref_squeeze %dma_wait3A_474 : memref<1x1x32x128xf32, #tpu.memory_space<vmem>> -> memref<32x128xf32, #tpu.memory_space<vmem>>
      %dma_wait3A_476 = arith.constant 0 : i32
      %dma_wait3A_477 = arith.constant 0 : i32
      %dma_wait3A_478 = tpu.memref_slice %arg4[%dma_wait3A_476, %dma_wait3A_477] : memref<32x1000000xf32, #tpu.memory_space<hbm>> -> memref<32x128xf32, #tpu.memory_space<hbm>>
      tpu.wait_dma2 semaphore(%arg12 : memref<!tpu.dma_semaphore, #tpu.memory_space<semaphore_mem>>) src(%dma_wait3A_478 : memref<32x128xf32, #tpu.memory_space<hbm>>) dst(%dma_wait3A_475 : memref<32x128xf32, #tpu.memory_space<vmem>>)
      %dma_wait3A_479 = arith.constant 0 : i32
      %dma_wait3A_480 = arith.constant 0 : i32
      %dma_wait3A_481 = arith.constant 0 : i32
      %dma_wait3A_482 = arith.constant 0 : i32
      %dma_wait3A_483 = tpu.memref_slice %arg9[%dma_wait3A_479, %dma_wait3A_480, %dma_wait3A_481, %dma_wait3A_482] : memref<2x4x32x128xf32, #tpu.memory_space<vmem>> -> memref<1x1x32x128xf32, #tpu.memory_space<vmem>>
      %dma_wait3A_484 = tpu.memref_squeeze %dma_wait3A_483 : memref<1x1x32x128xf32, #tpu.memory_space<vmem>> -> memref<32x128xf32, #tpu.memory_space<vmem>>
      %dma_wait3A_485 = arith.constant 0 : i32
      %dma_wait3A_486 = arith.constant 0 : i32
      %dma_wait3A_487 = tpu.memref_slice %arg4[%dma_wait3A_485, %dma_wait3A_486] : memref<32x1000000xf32, #tpu.memory_space<hbm>> -> memref<32x128xf32, #tpu.memory_space<hbm>>
      %dma_wait3A_488 = arith.constant 0 : i32
      %dma_wait3A_489 = arith.constant 0 : i32
      %dma_wait3A_490 = tpu.memref_slice %arg9[%dma_wait3A_479, %dma_wait3A_480, %dma_wait3A_488, %dma_wait3A_489] : memref<2x4x32x128xf32, #tpu.memory_space<vmem>> -> memref<1x1x32x128xf32, #tpu.memory_space<vmem>>
      %dma_wait3A_491 = tpu.memref_squeeze %dma_wait3A_490 : memref<1x1x32x128xf32, #tpu.memory_space<vmem>> -> memref<32x128xf32, #tpu.memory_space<vmem>>
      %dma_wait3A_492 = arith.constant 0 : i32
      %dma_wait3A_493 = arith.constant 0 : i32
      %dma_wait3A_494 = tpu.memref_slice %arg4[%dma_wait3A_492, %dma_wait3A_493] : memref<32x1000000xf32, #tpu.memory_space<hbm>> -> memref<32x128xf32, #tpu.memory_space<hbm>>
      tpu.wait_dma2 semaphore(%arg12 : memref<!tpu.dma_semaphore, #tpu.memory_space<semaphore_mem>>) src(%dma_wait3A_494 : memref<32x128xf32, #tpu.memory_space<hbm>>) dst(%dma_wait3A_491 : memref<32x128xf32, #tpu.memory_space<vmem>>)
      %mul3A_495 = arith.constant 4 : i32
      %mul3A_496 = arith.muli %add3A_363, %mul3A_495 : i32
      %get3A_497 = arith.index_cast %mul3A_496 : i32 to index
      %get3A_498 = tpu.vector_load %arg7[%get3A_497] {strides = array<i32>} : memref<528xi32, #tpu.memory_space<vmem>>, vector<16xi32>,
      %mul3A_499 = arith.constant 4 : i32
      %mul3A_500 = arith.muli %add3A_363, %mul3A_499 : i32
      %get3A_501 = arith.index_cast %mul3A_500 : i32 to index
      %get3A_502 = tpu.vector_load %arg8[%get3A_501] {strides = array<i32>} : memref<528xi32, #tpu.memory_space<vmem>>, vector<16xi32>,
      %broadcast_in_dim3A_503 = arith.constant 0 : i32
      %broadcast_in_dim3A_504 = vector.broadcast %broadcast_in_dim3A_503 : i32 to vector<16xi32>
      %slice3A_505 = vector.extract_strided_slice %get3A_498 {offsets = [0], sizes = [1], strides = [1]} : vector<16xi32> to vector<1xi32>
      %squeeze3A_506 = vector.extract %slice3A_505[0] : i32 from vector<1xi32>
      %slice3A_507 = vector.extract_strided_slice %get3A_502 {offsets = [0], sizes = [1], strides = [1]} : vector<16xi32> to vector<1xi32>
      %squeeze3A_508 = vector.extract %slice3A_507[0] : i32 from vector<1xi32>
      %broadcast_in_dim3A_509 = arith.constant 0 : i32
      %broadcast_in_dim3A_510 = vector.broadcast %broadcast_in_dim3A_509 : i32 to vector<16xi32>
      %jit3A_511 = arith.constant 128 : i32
      %div3A_512 = arith.divsi %squeeze3A_506, %jit3A_511 : i32
      %sign3A_513 = arith.constant 0 : i32
      %sign3A_514 = arith.cmpi sgt, %squeeze3A_506, %sign3A_513 : i32
      %sign3A_515 = arith.extui %sign3A_514 : i1 to i32
      %sign3A_516 = arith.constant 0 : i32
      %sign3A_517 = arith.cmpi slt, %squeeze3A_506, %sign3A_516 : i32
      %sign3A_518 = arith.extui %sign3A_517 : i1 to i32
      %sign3A_519 = arith.subi %sign3A_515, %sign3A_518 : i32
      %sign3A_520 = arith.constant 0 : i32
      %sign3A_521 = arith.cmpi sgt, %jit3A_511, %sign3A_520 : i32
      %sign3A_522 = arith.extui %sign3A_521 : i1 to i32
      %sign3A_523 = arith.constant 0 : i32
      %sign3A_524 = arith.cmpi slt, %jit3A_511, %sign3A_523 : i32
      %sign3A_525 = arith.extui %sign3A_524 : i1 to i32
      %sign3A_526 = arith.subi %sign3A_522, %sign3A_525 : i32
      %ne3A_527 = arith.cmpi ne, %sign3A_519, %sign3A_526 : i32
      %rem3A_528 = arith.remsi %squeeze3A_506, %jit3A_511 : i32
      %ne3A_529 = arith.constant 0 : i32
      %ne3A_530 = arith.cmpi ne, %rem3A_528, %ne3A_529 : i32
      %and3A_531 = arith.andi %ne3A_527, %ne3A_530 : i1
      %sub3A_532 = arith.constant 1 : i32
      %sub3A_533 = arith.subi %div3A_512, %sub3A_532 : i32
      %select_n3A_534 = arith.select %and3A_531, %sub3A_533, %div3A_512 : i32
      %mul3A_535 = arith.constant 128 : i32
      %mul3A_536 = arith.muli %select_n3A_534, %mul3A_535 : i32
      %min3A_537 = arith.constant 999872 : i32
      %min3A_538 = arith.minsi %mul3A_536, %min3A_537 : i32
      %sub3A_539 = arith.subi %squeeze3A_506, %min3A_538 : i32
      %broadcast_in_dim3A_540 = vector.broadcast %sub3A_539 : i32 to vector<16xi32>
      %jit3A_541 = arith.constant 128 : i32
      %div3A_542 = arith.divsi %squeeze3A_508, %jit3A_541 : i32
      %sign3A_543 = arith.constant 0 : i32
      %sign3A_544 = arith.cmpi sgt, %squeeze3A_508, %sign3A_543 : i32
      %sign3A_545 = arith.extui %sign3A_544 : i1 to i32
      %sign3A_546 = arith.constant 0 : i32
      %sign3A_547 = arith.cmpi slt, %squeeze3A_508, %sign3A_546 : i32
      %sign3A_548 = arith.extui %sign3A_547 : i1 to i32
      %sign3A_549 = arith.subi %sign3A_545, %sign3A_548 : i32
      %sign3A_550 = arith.constant 0 : i32
      %sign3A_551 = arith.cmpi sgt, %jit3A_541, %sign3A_550 : i32
      %sign3A_552 = arith.extui %sign3A_551 : i1 to i32
      %sign3A_553 = arith.constant 0 : i32
      %sign3A_554 = arith.cmpi slt, %jit3A_541, %sign3A_553 : i32
      %sign3A_555 = arith.extui %sign3A_554 : i1 to i32
      %sign3A_556 = arith.subi %sign3A_552, %sign3A_555 : i32
      %ne3A_557 = arith.cmpi ne, %sign3A_549, %sign3A_556 : i32
      %rem3A_558 = arith.remsi %squeeze3A_508, %jit3A_541 : i32
      %ne3A_559 = arith.constant 0 : i32
      %ne3A_560 = arith.cmpi ne, %rem3A_558, %ne3A_559 : i32
      %and3A_561 = arith.andi %ne3A_557, %ne3A_560 : i1
      %sub3A_562 = arith.constant 1 : i32
      %sub3A_563 = arith.subi %div3A_542, %sub3A_562 : i32
      %select_n3A_564 = arith.select %and3A_561, %sub3A_563, %div3A_542 : i32
      %mul3A_565 = arith.constant 128 : i32
      %mul3A_566 = arith.muli %select_n3A_564, %mul3A_565 : i32
      %min3A_567 = arith.constant 999872 : i32
      %min3A_568 = arith.minsi %mul3A_566, %min3A_567 : i32
      %sub3A_569 = arith.subi %squeeze3A_508, %min3A_568 : i32
      %broadcast_in_dim3A_570 = vector.broadcast %sub3A_569 : i32 to vector<16xi32>
      %broadcast_in_dim3A_571 = arith.constant 0.000000e+00 : f32
      %broadcast_in_dim3A_572 = vector.broadcast %broadcast_in_dim3A_571 : f32 to vector<16xf32>
      %add3A_573 = arith.constant 0 : i32
      %add3A_574 = vector.broadcast %add3A_573 : i32 to vector<16xi32>
      %add3A_575 = arith.addi %iota3A, %add3A_574 : vector<16xi32>
      %gather3A = tpu.vector_load_idx %arg9[%broadcast_in_dim3A_504, %broadcast_in_dim3A_510, %add3A_575, %broadcast_in_dim3A_540] : memref<2x4x32x128xf32, #tpu.memory_space<vmem>>[vector<16xi32>, vector<16xi32>, vector<16xi32>, vector<16xi32>], vector<16xf32>,
      %gather3A_576 = tpu.vector_load_idx %arg10[%broadcast_in_dim3A_504, %broadcast_in_dim3A_510, %add3A_575, %broadcast_in_dim3A_570] : memref<2x4x32x128xf32, #tpu.memory_space<vmem>>[vector<16xi32>, vector<16xi32>, vector<16xi32>, vector<16xi32>], vector<16xf32>,
      %mul3A_577 = arith.mulf %gather3A, %gather3A_576 : vector<16xf32>
      %add3A_578 = arith.addf %broadcast_in_dim3A_572, %mul3A_577 : vector<16xf32>
      %add3A_579 = arith.constant 16 : i32
      %add3A_580 = vector.broadcast %add3A_579 : i32 to vector<16xi32>
      %add3A_581 = arith.addi %iota3A, %add3A_580 : vector<16xi32>
      %gather3A_582 = tpu.vector_load_idx %arg9[%broadcast_in_dim3A_504, %broadcast_in_dim3A_510, %add3A_581, %broadcast_in_dim3A_540] : memref<2x4x32x128xf32, #tpu.memory_space<vmem>>[vector<16xi32>, vector<16xi32>, vector<16xi32>, vector<16xi32>], vector<16xf32>,
      %gather3A_583 = tpu.vector_load_idx %arg10[%broadcast_in_dim3A_504, %broadcast_in_dim3A_510, %add3A_581, %broadcast_in_dim3A_570] : memref<2x4x32x128xf32, #tpu.memory_space<vmem>>[vector<16xi32>, vector<16xi32>, vector<16xi32>, vector<16xi32>], vector<16xf32>,
      %mul3A_584 = arith.mulf %gather3A_582, %gather3A_583 : vector<16xf32>
      %add3A_585 = arith.addf %add3A_578, %mul3A_584 : vector<16xf32>
      %reduce_sum3A = arith.constant true
      %reduce_sum3A_586 = vector.broadcast %reduce_sum3A : i1 to vector<16xi1>
      %reduce_sum3A_587 = tpu.scan <sum>, %add3A_585 masked %reduce_sum3A_586 : vector<16xf32>, vector<16xi1> -> vector<16xf32>
      %reduce_sum3A_588 = vector.extract %reduce_sum3A_587[15] : f32 from vector<16xf32>
      %eq3A = arith.constant 0 : i32
      %eq3A_589 = vector.broadcast %eq3A : i32 to vector<16xi32>
      %eq3A_590 = arith.cmpi eq, %iota3A, %eq3A_589 : vector<16xi32>
      %broadcast_in_dim3A_591 = vector.broadcast %reduce_sum3A_588 : f32 to vector<16xf32>
      %select_n3A_592 = arith.select %eq3A_590, %broadcast_in_dim3A_591, %broadcast_in_dim3A_359 : vector<16xi1>, vector<16xf32>
      %slice3A_593 = vector.extract_strided_slice %get3A_498 {offsets = [1], sizes = [1], strides = [1]} : vector<16xi32> to vector<1xi32>
      %squeeze3A_594 = vector.extract %slice3A_593[0] : i32 from vector<1xi32>
      %slice3A_595 = vector.extract_strided_slice %get3A_502 {offsets = [1], sizes = [1], strides = [1]} : vector<16xi32> to vector<1xi32>
      %squeeze3A_596 = vector.extract %slice3A_595[0] : i32 from vector<1xi32>
      %broadcast_in_dim3A_597 = arith.constant 1 : i32
      %broadcast_in_dim3A_598 = vector.broadcast %broadcast_in_dim3A_597 : i32 to vector<16xi32>
      %jit3A_599 = arith.constant 128 : i32
      %div3A_600 = arith.divsi %squeeze3A_594, %jit3A_599 : i32
      %sign3A_601 = arith.constant 0 : i32
      %sign3A_602 = arith.cmpi sgt, %squeeze3A_594, %sign3A_601 : i32
      %sign3A_603 = arith.extui %sign3A_602 : i1 to i32
      %sign3A_604 = arith.constant 0 : i32
      %sign3A_605 = arith.cmpi slt, %squeeze3A_594, %sign3A_604 : i32
      %sign3A_606 = arith.extui %sign3A_605 : i1 to i32
      %sign3A_607 = arith.subi %sign3A_603, %sign3A_606 : i32
      %sign3A_608 = arith.constant 0 : i32
      %sign3A_609 = arith.cmpi sgt, %jit3A_599, %sign3A_608 : i32
      %sign3A_610 = arith.extui %sign3A_609 : i1 to i32
      %sign3A_611 = arith.constant 0 : i32
      %sign3A_612 = arith.cmpi slt, %jit3A_599, %sign3A_611 : i32
      %sign3A_613 = arith.extui %sign3A_612 : i1 to i32
      %sign3A_614 = arith.subi %sign3A_610, %sign3A_613 : i32
      %ne3A_615 = arith.cmpi ne, %sign3A_607, %sign3A_614 : i32
      %rem3A_616 = arith.remsi %squeeze3A_594, %jit3A_599 : i32
      %ne3A_617 = arith.constant 0 : i32
      %ne3A_618 = arith.cmpi ne, %rem3A_616, %ne3A_617 : i32
      %and3A_619 = arith.andi %ne3A_615, %ne3A_618 : i1
      %sub3A_620 = arith.constant 1 : i32
      %sub3A_621 = arith.subi %div3A_600, %sub3A_620 : i32
      %select_n3A_622 = arith.select %and3A_619, %sub3A_621, %div3A_600 : i32
      %mul3A_623 = arith.constant 128 : i32
      %mul3A_624 = arith.muli %select_n3A_622, %mul3A_623 : i32
      %min3A_625 = arith.constant 999872 : i32
      %min3A_626 = arith.minsi %mul3A_624, %min3A_625 : i32
      %sub3A_627 = arith.subi %squeeze3A_594, %min3A_626 : i32
      %broadcast_in_dim3A_628 = vector.broadcast %sub3A_627 : i32 to vector<16xi32>
      %jit3A_629 = arith.constant 128 : i32
      %div3A_630 = arith.divsi %squeeze3A_596, %jit3A_629 : i32
      %sign3A_631 = arith.constant 0 : i32
      %sign3A_632 = arith.cmpi sgt, %squeeze3A_596, %sign3A_631 : i32
      %sign3A_633 = arith.extui %sign3A_632 : i1 to i32
      %sign3A_634 = arith.constant 0 : i32
      %sign3A_635 = arith.cmpi slt, %squeeze3A_596, %sign3A_634 : i32
      %sign3A_636 = arith.extui %sign3A_635 : i1 to i32
      %sign3A_637 = arith.subi %sign3A_633, %sign3A_636 : i32
      %sign3A_638 = arith.constant 0 : i32
      %sign3A_639 = arith.cmpi sgt, %jit3A_629, %sign3A_638 : i32
      %sign3A_640 = arith.extui %sign3A_639 : i1 to i32
      %sign3A_641 = arith.constant 0 : i32
      %sign3A_642 = arith.cmpi slt, %jit3A_629, %sign3A_641 : i32
      %sign3A_643 = arith.extui %sign3A_642 : i1 to i32
      %sign3A_644 = arith.subi %sign3A_640, %sign3A_643 : i32
      %ne3A_645 = arith.cmpi ne, %sign3A_637, %sign3A_644 : i32
      %rem3A_646 = arith.remsi %squeeze3A_596, %jit3A_629 : i32
      %ne3A_647 = arith.constant 0 : i32
      %ne3A_648 = arith.cmpi ne, %rem3A_646, %ne3A_647 : i32
      %and3A_649 = arith.andi %ne3A_645, %ne3A_648 : i1
      %sub3A_650 = arith.constant 1 : i32
      %sub3A_651 = arith.subi %div3A_630, %sub3A_650 : i32
      %select_n3A_652 = arith.select %and3A_649, %sub3A_651, %div3A_630 : i32
      %mul3A_653 = arith.constant 128 : i32
      %mul3A_654 = arith.muli %select_n3A_652, %mul3A_653 : i32
      %min3A_655 = arith.constant 999872 : i32
      %min3A_656 = arith.minsi %mul3A_654, %min3A_655 : i32
      %sub3A_657 = arith.subi %squeeze3A_596, %min3A_656 : i32
      %broadcast_in_dim3A_658 = vector.broadcast %sub3A_657 : i32 to vector<16xi32>
      %broadcast_in_dim3A_659 = arith.constant 0.000000e+00 : f32
      %broadcast_in_dim3A_660 = vector.broadcast %broadcast_in_dim3A_659 : f32 to vector<16xf32>
      %add3A_661 = arith.constant 0 : i32
      %add3A_662 = vector.broadcast %add3A_661 : i32 to vector<16xi32>
      %add3A_663 = arith.addi %iota3A, %add3A_662 : vector<16xi32>
      %gather3A_664 = tpu.vector_load_idx %arg9[%broadcast_in_dim3A_504, %broadcast_in_dim3A_598, %add3A_663, %broadcast_in_dim3A_628] : memref<2x4x32x128xf32, #tpu.memory_space<vmem>>[vector<16xi32>, vector<16xi32>, vector<16xi32>, vector<16xi32>], vector<16xf32>,
      %gather3A_665 = tpu.vector_load_idx %arg10[%broadcast_in_dim3A_504, %broadcast_in_dim3A_598, %add3A_663, %broadcast_in_dim3A_658] : memref<2x4x32x128xf32, #tpu.memory_space<vmem>>[vector<16xi32>, vector<16xi32>, vector<16xi32>, vector<16xi32>], vector<16xf32>,
      %mul3A_666 = arith.mulf %gather3A_664, %gather3A_665 : vector<16xf32>
      %add3A_667 = arith.addf %broadcast_in_dim3A_660, %mul3A_666 : vector<16xf32>
      %add3A_668 = arith.constant 16 : i32
      %add3A_669 = vector.broadcast %add3A_668 : i32 to vector<16xi32>
      %add3A_670 = arith.addi %iota3A, %add3A_669 : vector<16xi32>
      %gather3A_671 = tpu.vector_load_idx %arg9[%broadcast_in_dim3A_504, %broadcast_in_dim3A_598, %add3A_670, %broadcast_in_dim3A_628] : memref<2x4x32x128xf32, #tpu.memory_space<vmem>>[vector<16xi32>, vector<16xi32>, vector<16xi32>, vector<16xi32>], vector<16xf32>,
      %gather3A_672 = tpu.vector_load_idx %arg10[%broadcast_in_dim3A_504, %broadcast_in_dim3A_598, %add3A_670, %broadcast_in_dim3A_658] : memref<2x4x32x128xf32, #tpu.memory_space<vmem>>[vector<16xi32>, vector<16xi32>, vector<16xi32>, vector<16xi32>], vector<16xf32>,
      %mul3A_673 = arith.mulf %gather3A_671, %gather3A_672 : vector<16xf32>
      %add3A_674 = arith.addf %add3A_667, %mul3A_673 : vector<16xf32>
      %reduce_sum3A_675 = arith.constant true
      %reduce_sum3A_676 = vector.broadcast %reduce_sum3A_675 : i1 to vector<16xi1>
      %reduce_sum3A_677 = tpu.scan <sum>, %add3A_674 masked %reduce_sum3A_676 : vector<16xf32>, vector<16xi1> -> vector<16xf32>
      %reduce_sum3A_678 = vector.extract %reduce_sum3A_677[15] : f32 from vector<16xf32>
      %eq3A_679 = arith.constant 1 : i32
      %eq3A_680 = vector.broadcast %eq3A_679 : i32 to vector<16xi32>
      %eq3A_681 = arith.cmpi eq, %iota3A, %eq3A_680 : vector<16xi32>
      %broadcast_in_dim3A_682 = vector.broadcast %reduce_sum3A_678 : f32 to vector<16xf32>
      %select_n3A_683 = arith.select %eq3A_681, %broadcast_in_dim3A_682, %select_n3A_592 : vector<16xi1>, vector<16xf32>
      %slice3A_684 = vector.extract_strided_slice %get3A_498 {offsets = [2], sizes = [1], strides = [1]} : vector<16xi32> to vector<1xi32>
      %squeeze3A_685 = vector.extract %slice3A_684[0] : i32 from vector<1xi32>
      %slice3A_686 = vector.extract_strided_slice %get3A_502 {offsets = [2], sizes = [1], strides = [1]} : vector<16xi32> to vector<1xi32>
      %squeeze3A_687 = vector.extract %slice3A_686[0] : i32 from vector<1xi32>
      %broadcast_in_dim3A_688 = arith.constant 2 : i32
      %broadcast_in_dim3A_689 = vector.broadcast %broadcast_in_dim3A_688 : i32 to vector<16xi32>
      %jit3A_690 = arith.constant 128 : i32
      %div3A_691 = arith.divsi %squeeze3A_685, %jit3A_690 : i32
      %sign3A_692 = arith.constant 0 : i32
      %sign3A_693 = arith.cmpi sgt, %squeeze3A_685, %sign3A_692 : i32
      %sign3A_694 = arith.extui %sign3A_693 : i1 to i32
      %sign3A_695 = arith.constant 0 : i32
      %sign3A_696 = arith.cmpi slt, %squeeze3A_685, %sign3A_695 : i32
      %sign3A_697 = arith.extui %sign3A_696 : i1 to i32
      %sign3A_698 = arith.subi %sign3A_694, %sign3A_697 : i32
      %sign3A_699 = arith.constant 0 : i32
      %sign3A_700 = arith.cmpi sgt, %jit3A_690, %sign3A_699 : i32
      %sign3A_701 = arith.extui %sign3A_700 : i1 to i32
      %sign3A_702 = arith.constant 0 : i32
      %sign3A_703 = arith.cmpi slt, %jit3A_690, %sign3A_702 : i32
      %sign3A_704 = arith.extui %sign3A_703 : i1 to i32
      %sign3A_705 = arith.subi %sign3A_701, %sign3A_704 : i32
      %ne3A_706 = arith.cmpi ne, %sign3A_698, %sign3A_705 : i32
      %rem3A_707 = arith.remsi %squeeze3A_685, %jit3A_690 : i32
      %ne3A_708 = arith.constant 0 : i32
      %ne3A_709 = arith.cmpi ne, %rem3A_707, %ne3A_708 : i32
      %and3A_710 = arith.andi %ne3A_706, %ne3A_709 : i1
      %sub3A_711 = arith.constant 1 : i32
      %sub3A_712 = arith.subi %div3A_691, %sub3A_711 : i32
      %select_n3A_713 = arith.select %and3A_710, %sub3A_712, %div3A_691 : i32
      %mul3A_714 = arith.constant 128 : i32
      %mul3A_715 = arith.muli %select_n3A_713, %mul3A_714 : i32
      %min3A_716 = arith.constant 999872 : i32
      %min3A_717 = arith.minsi %mul3A_715, %min3A_716 : i32
      %sub3A_718 = arith.subi %squeeze3A_685, %min3A_717 : i32
      %broadcast_in_dim3A_719 = vector.broadcast %sub3A_718 : i32 to vector<16xi32>
      %jit3A_720 = arith.constant 128 : i32
      %div3A_721 = arith.divsi %squeeze3A_687, %jit3A_720 : i32
      %sign3A_722 = arith.constant 0 : i32
      %sign3A_723 = arith.cmpi sgt, %squeeze3A_687, %sign3A_722 : i32
      %sign3A_724 = arith.extui %sign3A_723 : i1 to i32
      %sign3A_725 = arith.constant 0 : i32
      %sign3A_726 = arith.cmpi slt, %squeeze3A_687, %sign3A_725 : i32
      %sign3A_727 = arith.extui %sign3A_726 : i1 to i32
      %sign3A_728 = arith.subi %sign3A_724, %sign3A_727 : i32
      %sign3A_729 = arith.constant 0 : i32
      %sign3A_730 = arith.cmpi sgt, %jit3A_720, %sign3A_729 : i32
      %sign3A_731 = arith.extui %sign3A_730 : i1 to i32
      %sign3A_732 = arith.constant 0 : i32
      %sign3A_733 = arith.cmpi slt, %jit3A_720, %sign3A_732 : i32
      %sign3A_734 = arith.extui %sign3A_733 : i1 to i32
      %sign3A_735 = arith.subi %sign3A_731, %sign3A_734 : i32
      %ne3A_736 = arith.cmpi ne, %sign3A_728, %sign3A_735 : i32
      %rem3A_737 = arith.remsi %squeeze3A_687, %jit3A_720 : i32
      %ne3A_738 = arith.constant 0 : i32
      %ne3A_739 = arith.cmpi ne, %rem3A_737, %ne3A_738 : i32
      %and3A_740 = arith.andi %ne3A_736, %ne3A_739 : i1
      %sub3A_741 = arith.constant 1 : i32
      %sub3A_742 = arith.subi %div3A_721, %sub3A_741 : i32
      %select_n3A_743 = arith.select %and3A_740, %sub3A_742, %div3A_721 : i32
      %mul3A_744 = arith.constant 128 : i32
      %mul3A_745 = arith.muli %select_n3A_743, %mul3A_744 : i32
      %min3A_746 = arith.constant 999872 : i32
      %min3A_747 = arith.minsi %mul3A_745, %min3A_746 : i32
      %sub3A_748 = arith.subi %squeeze3A_687, %min3A_747 : i32
      %broadcast_in_dim3A_749 = vector.broadcast %sub3A_748 : i32 to vector<16xi32>
      %broadcast_in_dim3A_750 = arith.constant 0.000000e+00 : f32
      %broadcast_in_dim3A_751 = vector.broadcast %broadcast_in_dim3A_750 : f32 to vector<16xf32>
      %add3A_752 = arith.constant 0 : i32
      %add3A_753 = vector.broadcast %add3A_752 : i32 to vector<16xi32>
      %add3A_754 = arith.addi %iota3A, %add3A_753 : vector<16xi32>
      %gather3A_755 = tpu.vector_load_idx %arg9[%broadcast_in_dim3A_504, %broadcast_in_dim3A_689, %add3A_754, %broadcast_in_dim3A_719] : memref<2x4x32x128xf32, #tpu.memory_space<vmem>>[vector<16xi32>, vector<16xi32>, vector<16xi32>, vector<16xi32>], vector<16xf32>,
      %gather3A_756 = tpu.vector_load_idx %arg10[%broadcast_in_dim3A_504, %broadcast_in_dim3A_689, %add3A_754, %broadcast_in_dim3A_749] : memref<2x4x32x128xf32, #tpu.memory_space<vmem>>[vector<16xi32>, vector<16xi32>, vector<16xi32>, vector<16xi32>], vector<16xf32>,
      %mul3A_757 = arith.mulf %gather3A_755, %gather3A_756 : vector<16xf32>
      %add3A_758 = arith.addf %broadcast_in_dim3A_751, %mul3A_757 : vector<16xf32>
      %add3A_759 = arith.constant 16 : i32
      %add3A_760 = vector.broadcast %add3A_759 : i32 to vector<16xi32>
      %add3A_761 = arith.addi %iota3A, %add3A_760 : vector<16xi32>
      %gather3A_762 = tpu.vector_load_idx %arg9[%broadcast_in_dim3A_504, %broadcast_in_dim3A_689, %add3A_761, %broadcast_in_dim3A_719] : memref<2x4x32x128xf32, #tpu.memory_space<vmem>>[vector<16xi32>, vector<16xi32>, vector<16xi32>, vector<16xi32>], vector<16xf32>,
      %gather3A_763 = tpu.vector_load_idx %arg10[%broadcast_in_dim3A_504, %broadcast_in_dim3A_689, %add3A_761, %broadcast_in_dim3A_749] : memref<2x4x32x128xf32, #tpu.memory_space<vmem>>[vector<16xi32>, vector<16xi32>, vector<16xi32>, vector<16xi32>], vector<16xf32>,
      %mul3A_764 = arith.mulf %gather3A_762, %gather3A_763 : vector<16xf32>
      %add3A_765 = arith.addf %add3A_758, %mul3A_764 : vector<16xf32>
      %reduce_sum3A_766 = arith.constant true
      %reduce_sum3A_767 = vector.broadcast %reduce_sum3A_766 : i1 to vector<16xi1>
      %reduce_sum3A_768 = tpu.scan <sum>, %add3A_765 masked %reduce_sum3A_767 : vector<16xf32>, vector<16xi1> -> vector<16xf32>
      %reduce_sum3A_769 = vector.extract %reduce_sum3A_768[15] : f32 from vector<16xf32>
      %eq3A_770 = arith.constant 2 : i32
      %eq3A_771 = vector.broadcast %eq3A_770 : i32 to vector<16xi32>
      %eq3A_772 = arith.cmpi eq, %iota3A, %eq3A_771 : vector<16xi32>
      %broadcast_in_dim3A_773 = vector.broadcast %reduce_sum3A_769 : f32 to vector<16xf32>
      %select_n3A_774 = arith.select %eq3A_772, %broadcast_in_dim3A_773, %select_n3A_683 : vector<16xi1>, vector<16xf32>
      %slice3A_775 = vector.extract_strided_slice %get3A_498 {offsets = [3], sizes = [1], strides = [1]} : vector<16xi32> to vector<1xi32>
      %squeeze3A_776 = vector.extract %slice3A_775[0] : i32 from vector<1xi32>
      %slice3A_777 = vector.extract_strided_slice %get3A_502 {offsets = [3], sizes = [1], strides = [1]} : vector<16xi32> to vector<1xi32>
      %squeeze3A_778 = vector.extract %slice3A_777[0] : i32 from vector<1xi32>
      %broadcast_in_dim3A_779 = arith.constant 3 : i32
      %broadcast_in_dim3A_780 = vector.broadcast %broadcast_in_dim3A_779 : i32 to vector<16xi32>
      %jit3A_781 = arith.constant 128 : i32
      %div3A_782 = arith.divsi %squeeze3A_776, %jit3A_781 : i32
      %sign3A_783 = arith.constant 0 : i32
      %sign3A_784 = arith.cmpi sgt, %squeeze3A_776, %sign3A_783 : i32
      %sign3A_785 = arith.extui %sign3A_784 : i1 to i32
      %sign3A_786 = arith.constant 0 : i32
      %sign3A_787 = arith.cmpi slt, %squeeze3A_776, %sign3A_786 : i32
      %sign3A_788 = arith.extui %sign3A_787 : i1 to i32
      %sign3A_789 = arith.subi %sign3A_785, %sign3A_788 : i32
      %sign3A_790 = arith.constant 0 : i32
      %sign3A_791 = arith.cmpi sgt, %jit3A_781, %sign3A_790 : i32
      %sign3A_792 = arith.extui %sign3A_791 : i1 to i32
      %sign3A_793 = arith.constant 0 : i32
      %sign3A_794 = arith.cmpi slt, %jit3A_781, %sign3A_793 : i32
      %sign3A_795 = arith.extui %sign3A_794 : i1 to i32
      %sign3A_796 = arith.subi %sign3A_792, %sign3A_795 : i32
      %ne3A_797 = arith.cmpi ne, %sign3A_789, %sign3A_796 : i32
      %rem3A_798 = arith.remsi %squeeze3A_776, %jit3A_781 : i32
      %ne3A_799 = arith.constant 0 : i32
      %ne3A_800 = arith.cmpi ne, %rem3A_798, %ne3A_799 : i32
      %and3A_801 = arith.andi %ne3A_797, %ne3A_800 : i1
      %sub3A_802 = arith.constant 1 : i32
      %sub3A_803 = arith.subi %div3A_782, %sub3A_802 : i32
      %select_n3A_804 = arith.select %and3A_801, %sub3A_803, %div3A_782 : i32
      %mul3A_805 = arith.constant 128 : i32
      %mul3A_806 = arith.muli %select_n3A_804, %mul3A_805 : i32
      %min3A_807 = arith.constant 999872 : i32
      %min3A_808 = arith.minsi %mul3A_806, %min3A_807 : i32
      %sub3A_809 = arith.subi %squeeze3A_776, %min3A_808 : i32
      %broadcast_in_dim3A_810 = vector.broadcast %sub3A_809 : i32 to vector<16xi32>
      %jit3A_811 = arith.constant 128 : i32
      %div3A_812 = arith.divsi %squeeze3A_778, %jit3A_811 : i32
      %sign3A_813 = arith.constant 0 : i32
      %sign3A_814 = arith.cmpi sgt, %squeeze3A_778, %sign3A_813 : i32
      %sign3A_815 = arith.extui %sign3A_814 : i1 to i32
      %sign3A_816 = arith.constant 0 : i32
      %sign3A_817 = arith.cmpi slt, %squeeze3A_778, %sign3A_816 : i32
      %sign3A_818 = arith.extui %sign3A_817 : i1 to i32
      %sign3A_819 = arith.subi %sign3A_815, %sign3A_818 : i32
      %sign3A_820 = arith.constant 0 : i32
      %sign3A_821 = arith.cmpi sgt, %jit3A_811, %sign3A_820 : i32
      %sign3A_822 = arith.extui %sign3A_821 : i1 to i32
      %sign3A_823 = arith.constant 0 : i32
      %sign3A_824 = arith.cmpi slt, %jit3A_811, %sign3A_823 : i32
      %sign3A_825 = arith.extui %sign3A_824 : i1 to i32
      %sign3A_826 = arith.subi %sign3A_822, %sign3A_825 : i32
      %ne3A_827 = arith.cmpi ne, %sign3A_819, %sign3A_826 : i32
      %rem3A_828 = arith.remsi %squeeze3A_778, %jit3A_811 : i32
      %ne3A_829 = arith.constant 0 : i32
      %ne3A_830 = arith.cmpi ne, %rem3A_828, %ne3A_829 : i32
      %and3A_831 = arith.andi %ne3A_827, %ne3A_830 : i1
      %sub3A_832 = arith.constant 1 : i32
      %sub3A_833 = arith.subi %div3A_812, %sub3A_832 : i32
      %select_n3A_834 = arith.select %and3A_831, %sub3A_833, %div3A_812 : i32
      %mul3A_835 = arith.constant 128 : i32
      %mul3A_836 = arith.muli %select_n3A_834, %mul3A_835 : i32
      %min3A_837 = arith.constant 999872 : i32
      %min3A_838 = arith.minsi %mul3A_836, %min3A_837 : i32
      %sub3A_839 = arith.subi %squeeze3A_778, %min3A_838 : i32
      %broadcast_in_dim3A_840 = vector.broadcast %sub3A_839 : i32 to vector<16xi32>
      %broadcast_in_dim3A_841 = arith.constant 0.000000e+00 : f32
      %broadcast_in_dim3A_842 = vector.broadcast %broadcast_in_dim3A_841 : f32 to vector<16xf32>
      %add3A_843 = arith.constant 0 : i32
      %add3A_844 = vector.broadcast %add3A_843 : i32 to vector<16xi32>
      %add3A_845 = arith.addi %iota3A, %add3A_844 : vector<16xi32>
      %gather3A_846 = tpu.vector_load_idx %arg9[%broadcast_in_dim3A_504, %broadcast_in_dim3A_780, %add3A_845, %broadcast_in_dim3A_810] : memref<2x4x32x128xf32, #tpu.memory_space<vmem>>[vector<16xi32>, vector<16xi32>, vector<16xi32>, vector<16xi32>], vector<16xf32>,
      %gather3A_847 = tpu.vector_load_idx %arg10[%broadcast_in_dim3A_504, %broadcast_in_dim3A_780, %add3A_845, %broadcast_in_dim3A_840] : memref<2x4x32x128xf32, #tpu.memory_space<vmem>>[vector<16xi32>, vector<16xi32>, vector<16xi32>, vector<16xi32>], vector<16xf32>,
      %mul3A_848 = arith.mulf %gather3A_846, %gather3A_847 : vector<16xf32>
      %add3A_849 = arith.addf %broadcast_in_dim3A_842, %mul3A_848 : vector<16xf32>
      %add3A_850 = arith.constant 16 : i32
      %add3A_851 = vector.broadcast %add3A_850 : i32 to vector<16xi32>
      %add3A_852 = arith.addi %iota3A, %add3A_851 : vector<16xi32>
      %gather3A_853 = tpu.vector_load_idx %arg9[%broadcast_in_dim3A_504, %broadcast_in_dim3A_780, %add3A_852, %broadcast_in_dim3A_810] : memref<2x4x32x128xf32, #tpu.memory_space<vmem>>[vector<16xi32>, vector<16xi32>, vector<16xi32>, vector<16xi32>], vector<16xf32>,
      %gather3A_854 = tpu.vector_load_idx %arg10[%broadcast_in_dim3A_504, %broadcast_in_dim3A_780, %add3A_852, %broadcast_in_dim3A_840] : memref<2x4x32x128xf32, #tpu.memory_space<vmem>>[vector<16xi32>, vector<16xi32>, vector<16xi32>, vector<16xi32>], vector<16xf32>,
      %mul3A_855 = arith.mulf %gather3A_853, %gather3A_854 : vector<16xf32>
      %add3A_856 = arith.addf %add3A_849, %mul3A_855 : vector<16xf32>
      %reduce_sum3A_857 = arith.constant true
      %reduce_sum3A_858 = vector.broadcast %reduce_sum3A_857 : i1 to vector<16xi1>
      %reduce_sum3A_859 = tpu.scan <sum>, %add3A_856 masked %reduce_sum3A_858 : vector<16xf32>, vector<16xi1> -> vector<16xf32>
      %reduce_sum3A_860 = vector.extract %reduce_sum3A_859[15] : f32 from vector<16xf32>
      %eq3A_861 = arith.constant 3 : i32
      %eq3A_862 = vector.broadcast %eq3A_861 : i32 to vector<16xi32>
      %eq3A_863 = arith.cmpi eq, %iota3A, %eq3A_862 : vector<16xi32>
      %broadcast_in_dim3A_864 = vector.broadcast %reduce_sum3A_860 : f32 to vector<16xf32>
      %select_n3A_865 = arith.select %eq3A_863, %broadcast_in_dim3A_864, %select_n3A_774 : vector<16xi1>, vector<16xf32>
      %mul3A_866 = arith.constant 4 : i32
      %mul3A_867 = arith.muli %scan3A_358, %mul3A_866 : i32
      %add3A_868 = arith.constant 1 : i32
      %add3A_869 = arith.addi %mul3A_867, %add3A_868 : i32
      %add3A_870 = arith.constant 1 : i32
      %add3A_871 = arith.addi %add3A_869, %add3A_870 : i32
      %lt3A_872 = arith.constant 128 : i32
      %lt3A_873 = arith.cmpi slt, %add3A_871, %lt3A_872 : i32
      %convert_element_type3A_874 = arith.extui %lt3A_873 : i1 to i32
      %cond3A_875 = arith.constant 0 : i32
      %cond3A_876 = arith.cmpi ne, %convert_element_type3A_874, %cond3A_875 : i32
      scf.if %cond3A_876 {
        %add3A_2408 = arith.constant 1 : i32
        %add3A_2409 = arith.addi %add3A_869, %add3A_2408 : i32
        %mul3A_2410 = arith.constant 4 : i32
        %mul3A_2411 = arith.muli %add3A_2409, %mul3A_2410 : i32
        %get3A_2412 = arith.index_cast %mul3A_2411 : i32 to index
        %get3A_2413 = tpu.vector_load %arg7[%get3A_2412] {strides = array<i32>} : memref<528xi32, #tpu.memory_space<vmem>>, vector<16xi32>,
        %mul3A_2414 = arith.constant 4 : i32
        %mul3A_2415 = arith.muli %add3A_2409, %mul3A_2414 : i32
        %get3A_2416 = arith.index_cast %mul3A_2415 : i32 to index
        %get3A_2417 = tpu.vector_load %arg8[%get3A_2416] {strides = array<i32>} : memref<528xi32, #tpu.memory_space<vmem>>, vector<16xi32>,
        %slice3A_2418 = vector.extract_strided_slice %get3A_2413 {offsets = [0], sizes = [1], strides = [1]} : vector<16xi32> to vector<1xi32>
        %squeeze3A_2419 = vector.extract %slice3A_2418[0] : i32 from vector<1xi32>
        %slice3A_2420 = vector.extract_strided_slice %get3A_2417 {offsets = [0], sizes = [1], strides = [1]} : vector<16xi32> to vector<1xi32>
        %squeeze3A_2421 = vector.extract %slice3A_2420[0] : i32 from vector<1xi32>
        %jit3A_2422 = arith.constant 128 : i32
        %div3A_2423 = arith.divsi %squeeze3A_2419, %jit3A_2422 : i32
        %sign3A_2424 = arith.constant 0 : i32
        %sign3A_2425 = arith.cmpi sgt, %squeeze3A_2419, %sign3A_2424 : i32
        %sign3A_2426 = arith.extui %sign3A_2425 : i1 to i32
        %sign3A_2427 = arith.constant 0 : i32
        %sign3A_2428 = arith.cmpi slt, %squeeze3A_2419, %sign3A_2427 : i32
        %sign3A_2429 = arith.extui %sign3A_2428 : i1 to i32
        %sign3A_2430 = arith.subi %sign3A_2426, %sign3A_2429 : i32
        %sign3A_2431 = arith.constant 0 : i32
        %sign3A_2432 = arith.cmpi sgt, %jit3A_2422, %sign3A_2431 : i32
        %sign3A_2433 = arith.extui %sign3A_2432 : i1 to i32
        %sign3A_2434 = arith.constant 0 : i32
        %sign3A_2435 = arith.cmpi slt, %jit3A_2422, %sign3A_2434 : i32
        %sign3A_2436 = arith.extui %sign3A_2435 : i1 to i32
        %sign3A_2437 = arith.subi %sign3A_2433, %sign3A_2436 : i32
        %ne3A_2438 = arith.cmpi ne, %sign3A_2430, %sign3A_2437 : i32
        %rem3A_2439 = arith.remsi %squeeze3A_2419, %jit3A_2422 : i32
        %ne3A_2440 = arith.constant 0 : i32
        %ne3A_2441 = arith.cmpi ne, %rem3A_2439, %ne3A_2440 : i32
        %and3A_2442 = arith.andi %ne3A_2438, %ne3A_2441 : i1
        %sub3A_2443 = arith.constant 1 : i32
        %sub3A_2444 = arith.subi %div3A_2423, %sub3A_2443 : i32
        %select_n3A_2445 = arith.select %and3A_2442, %sub3A_2444, %div3A_2423 : i32
        %mul3A_2446 = arith.constant 128 : i32
        %mul3A_2447 = arith.muli %select_n3A_2445, %mul3A_2446 : i32
        %min3A_2448 = arith.constant 999872 : i32
        %min3A_2449 = arith.minsi %mul3A_2447, %min3A_2448 : i32
        %multiple_of3A_2450 = tpu.assume_multiple %min3A_2449, 128 : i32
        %jit3A_2451 = arith.constant 128 : i32
        %div3A_2452 = arith.divsi %squeeze3A_2421, %jit3A_2451 : i32
        %sign3A_2453 = arith.constant 0 : i32
        %sign3A_2454 = arith.cmpi sgt, %squeeze3A_2421, %sign3A_2453 : i32
        %sign3A_2455 = arith.extui %sign3A_2454 : i1 to i32
        %sign3A_2456 = arith.constant 0 : i32
        %sign3A_2457 = arith.cmpi slt, %squeeze3A_2421, %sign3A_2456 : i32
        %sign3A_2458 = arith.extui %sign3A_2457 : i1 to i32
        %sign3A_2459 = arith.subi %sign3A_2455, %sign3A_2458 : i32
        %sign3A_2460 = arith.constant 0 : i32
        %sign3A_2461 = arith.cmpi sgt, %jit3A_2451, %sign3A_2460 : i32
        %sign3A_2462 = arith.extui %sign3A_2461 : i1 to i32
        %sign3A_2463 = arith.constant 0 : i32
        %sign3A_2464 = arith.cmpi slt, %jit3A_2451, %sign3A_2463 : i32
        %sign3A_2465 = arith.extui %sign3A_2464 : i1 to i32
        %sign3A_2466 = arith.subi %sign3A_2462, %sign3A_2465 : i32
        %ne3A_2467 = arith.cmpi ne, %sign3A_2459, %sign3A_2466 : i32
        %rem3A_2468 = arith.remsi %squeeze3A_2421, %jit3A_2451 : i32
        %ne3A_2469 = arith.constant 0 : i32
        %ne3A_2470 = arith.cmpi ne, %rem3A_2468, %ne3A_2469 : i32
        %and3A_2471 = arith.andi %ne3A_2467, %ne3A_2470 : i1
        %sub3A_2472 = arith.constant 1 : i32
        %sub3A_2473 = arith.subi %div3A_2452, %sub3A_2472 : i32
        %select_n3A_2474 = arith.select %and3A_2471, %sub3A_2473, %div3A_2452 : i32
        %mul3A_2475 = arith.constant 128 : i32
        %mul3A_2476 = arith.muli %select_n3A_2474, %mul3A_2475 : i32
        %min3A_2477 = arith.constant 999872 : i32
        %min3A_2478 = arith.minsi %mul3A_2476, %min3A_2477 : i32
        %multiple_of3A_2479 = tpu.assume_multiple %min3A_2478, 128 : i32
        %dma_start3A_2480 = arith.constant 0 : i32
        %dma_start3A_2481 = arith.constant 0 : i32
        %dma_start3A_2482 = arith.constant 0 : i32
        %dma_start3A_2483 = arith.constant 0 : i32
        %dma_start3A_2484 = tpu.memref_slice %arg9[%dma_start3A_2480, %dma_start3A_2481, %dma_start3A_2482, %dma_start3A_2483] : memref<2x4x32x128xf32, #tpu.memory_space<vmem>> -> memref<1x1x32x128xf32, #tpu.memory_space<vmem>>
        %dma_start3A_2485 = tpu.memref_squeeze %dma_start3A_2484 : memref<1x1x32x128xf32, #tpu.memory_space<vmem>> -> memref<32x128xf32, #tpu.memory_space<vmem>>
        %dma_start3A_2486 = arith.constant 0 : i32
        %dma_start3A_2487 = tpu.memref_slice %arg4[%dma_start3A_2486, %multiple_of3A_2450] : memref<32x1000000xf32, #tpu.memory_space<hbm>> -> memref<32x128xf32, #tpu.memory_space<hbm>>
        %dma_start3A_2488 = arith.constant 0 : i32
        %dma_start3A_2489 = arith.constant 0 : i32
        %dma_start3A_2490 = tpu.memref_slice %arg9[%dma_start3A_2480, %dma_start3A_2481, %dma_start3A_2488, %dma_start3A_2489] : memref<2x4x32x128xf32, #tpu.memory_space<vmem>> -> memref<1x1x32x128xf32, #tpu.memory_space<vmem>>
        %dma_start3A_2491 = tpu.memref_squeeze %dma_start3A_2490 : memref<1x1x32x128xf32, #tpu.memory_space<vmem>> -> memref<32x128xf32, #tpu.memory_space<vmem>>
        %dma_start3A_2492 = arith.constant 0 : i32
        %dma_start3A_2493 = tpu.memref_slice %arg4[%dma_start3A_2492, %multiple_of3A_2450] : memref<32x1000000xf32, #tpu.memory_space<hbm>> -> memref<32x128xf32, #tpu.memory_space<hbm>>
        tpu.enqueue_dma source(%dma_start3A_2493 : memref<32x128xf32, #tpu.memory_space<hbm>>) target(%dma_start3A_2491 : memref<32x128xf32, #tpu.memory_space<vmem>>) target_semaphore(%arg12 : memref<!tpu.dma_semaphore, #tpu.memory_space<semaphore_mem>>)
        %dma_start3A_2494 = arith.constant 0 : i32
        %dma_start3A_2495 = arith.constant 0 : i32
        %dma_start3A_2496 = arith.constant 0 : i32
        %dma_start3A_2497 = arith.constant 0 : i32
        %dma_start3A_2498 = tpu.memref_slice %arg10[%dma_start3A_2494, %dma_start3A_2495, %dma_start3A_2496, %dma_start3A_2497] : memref<2x4x32x128xf32, #tpu.memory_space<vmem>> -> memref<1x1x32x128xf32, #tpu.memory_space<vmem>>
        %dma_start3A_2499 = tpu.memref_squeeze %dma_start3A_2498 : memref<1x1x32x128xf32, #tpu.memory_space<vmem>> -> memref<32x128xf32, #tpu.memory_space<vmem>>
        %dma_start3A_2500 = arith.constant 0 : i32
        %dma_start3A_2501 = tpu.memref_slice %arg5[%dma_start3A_2500, %multiple_of3A_2479] : memref<32x1000000xf32, #tpu.memory_space<hbm>> -> memref<32x128xf32, #tpu.memory_space<hbm>>
        %dma_start3A_2502 = arith.constant 0 : i32
        %dma_start3A_2503 = arith.constant 0 : i32
        %dma_start3A_2504 = tpu.memref_slice %arg10[%dma_start3A_2494, %dma_start3A_2495, %dma_start3A_2502, %dma_start3A_2503] : memref<2x4x32x128xf32, #tpu.memory_space<vmem>> -> memref<1x1x32x128xf32, #tpu.memory_space<vmem>>
        %dma_start3A_2505 = tpu.memref_squeeze %dma_start3A_2504 : memref<1x1x32x128xf32, #tpu.memory_space<vmem>> -> memref<32x128xf32, #tpu.memory_space<vmem>>
        %dma_start3A_2506 = arith.constant 0 : i32
        %dma_start3A_2507 = tpu.memref_slice %arg5[%dma_start3A_2506, %multiple_of3A_2479] : memref<32x1000000xf32, #tpu.memory_space<hbm>> -> memref<32x128xf32, #tpu.memory_space<hbm>>
        tpu.enqueue_dma source(%dma_start3A_2507 : memref<32x128xf32, #tpu.memory_space<hbm>>) target(%dma_start3A_2505 : memref<32x128xf32, #tpu.memory_space<vmem>>) target_semaphore(%arg12 : memref<!tpu.dma_semaphore, #tpu.memory_space<semaphore_mem>>)
        %slice3A_2508 = vector.extract_strided_slice %get3A_2413 {offsets = [1], sizes = [1], strides = [1]} : vector<16xi32> to vector<1xi32>
        %squeeze3A_2509 = vector.extract %slice3A_2508[0] : i32 from vector<1xi32>
        %slice3A_2510 = vector.extract_strided_slice %get3A_2417 {offsets = [1], sizes = [1], strides = [1]} : vector<16xi32> to vector<1xi32>
        %squeeze3A_2511 = vector.extract %slice3A_2510[0] : i32 from vector<1xi32>
        %jit3A_2512 = arith.constant 128 : i32
        %div3A_2513 = arith.divsi %squeeze3A_2509, %jit3A_2512 : i32
        %sign3A_2514 = arith.constant 0 : i32
        %sign3A_2515 = arith.cmpi sgt, %squeeze3A_2509, %sign3A_2514 : i32
        %sign3A_2516 = arith.extui %sign3A_2515 : i1 to i32
        %sign3A_2517 = arith.constant 0 : i32
        %sign3A_2518 = arith.cmpi slt, %squeeze3A_2509, %sign3A_2517 : i32
        %sign3A_2519 = arith.extui %sign3A_2518 : i1 to i32
        %sign3A_2520 = arith.subi %sign3A_2516, %sign3A_2519 : i32
        %sign3A_2521 = arith.constant 0 : i32
        %sign3A_2522 = arith.cmpi sgt, %jit3A_2512, %sign3A_2521 : i32
        %sign3A_2523 = arith.extui %sign3A_2522 : i1 to i32
        %sign3A_2524 = arith.constant 0 : i32
        %sign3A_2525 = arith.cmpi slt, %jit3A_2512, %sign3A_2524 : i32
        %sign3A_2526 = arith.extui %sign3A_2525 : i1 to i32
        %sign3A_2527 = arith.subi %sign3A_2523, %sign3A_2526 : i32
        %ne3A_2528 = arith.cmpi ne, %sign3A_2520, %sign3A_2527 : i32
        %rem3A_2529 = arith.remsi %squeeze3A_2509, %jit3A_2512 : i32
        %ne3A_2530 = arith.constant 0 : i32
        %ne3A_2531 = arith.cmpi ne, %rem3A_2529, %ne3A_2530 : i32
        %and3A_2532 = arith.andi %ne3A_2528, %ne3A_2531 : i1
        %sub3A_2533 = arith.constant 1 : i32
        %sub3A_2534 = arith.subi %div3A_2513, %sub3A_2533 : i32
        %select_n3A_2535 = arith.select %and3A_2532, %sub3A_2534, %div3A_2513 : i32
        %mul3A_2536 = arith.constant 128 : i32
        %mul3A_2537 = arith.muli %select_n3A_2535, %mul3A_2536 : i32
        %min3A_2538 = arith.constant 999872 : i32
        %min3A_2539 = arith.minsi %mul3A_2537, %min3A_2538 : i32
        %multiple_of3A_2540 = tpu.assume_multiple %min3A_2539, 128 : i32
        %jit3A_2541 = arith.constant 128 : i32
        %div3A_2542 = arith.divsi %squeeze3A_2511, %jit3A_2541 : i32
        %sign3A_2543 = arith.constant 0 : i32
        %sign3A_2544 = arith.cmpi sgt, %squeeze3A_2511, %sign3A_2543 : i32
        %sign3A_2545 = arith.extui %sign3A_2544 : i1 to i32
        %sign3A_2546 = arith.constant 0 : i32
        %sign3A_2547 = arith.cmpi slt, %squeeze3A_2511, %sign3A_2546 : i32
        %sign3A_2548 = arith.extui %sign3A_2547 : i1 to i32
        %sign3A_2549 = arith.subi %sign3A_2545, %sign3A_2548 : i32
        %sign3A_2550 = arith.constant 0 : i32
        %sign3A_2551 = arith.cmpi sgt, %jit3A_2541, %sign3A_2550 : i32
        %sign3A_2552 = arith.extui %sign3A_2551 : i1 to i32
        %sign3A_2553 = arith.constant 0 : i32
        %sign3A_2554 = arith.cmpi slt, %jit3A_2541, %sign3A_2553 : i32
        %sign3A_2555 = arith.extui %sign3A_2554 : i1 to i32
        %sign3A_2556 = arith.subi %sign3A_2552, %sign3A_2555 : i32
        %ne3A_2557 = arith.cmpi ne, %sign3A_2549, %sign3A_2556 : i32
        %rem3A_2558 = arith.remsi %squeeze3A_2511, %jit3A_2541 : i32
        %ne3A_2559 = arith.constant 0 : i32
        %ne3A_2560 = arith.cmpi ne, %rem3A_2558, %ne3A_2559 : i32
        %and3A_2561 = arith.andi %ne3A_2557, %ne3A_2560 : i1
        %sub3A_2562 = arith.constant 1 : i32
        %sub3A_2563 = arith.subi %div3A_2542, %sub3A_2562 : i32
        %select_n3A_2564 = arith.select %and3A_2561, %sub3A_2563, %div3A_2542 : i32
        %mul3A_2565 = arith.constant 128 : i32
        %mul3A_2566 = arith.muli %select_n3A_2564, %mul3A_2565 : i32
        %min3A_2567 = arith.constant 999872 : i32
        %min3A_2568 = arith.minsi %mul3A_2566, %min3A_2567 : i32
        %multiple_of3A_2569 = tpu.assume_multiple %min3A_2568, 128 : i32
        %dma_start3A_2570 = arith.constant 0 : i32
        %dma_start3A_2571 = arith.constant 1 : i32
        %dma_start3A_2572 = arith.constant 0 : i32
        %dma_start3A_2573 = arith.constant 0 : i32
        %dma_start3A_2574 = tpu.memref_slice %arg9[%dma_start3A_2570, %dma_start3A_2571, %dma_start3A_2572, %dma_start3A_2573] : memref<2x4x32x128xf32, #tpu.memory_space<vmem>> -> memref<1x1x32x128xf32, #tpu.memory_space<vmem>>
        %dma_start3A_2575 = tpu.memref_squeeze %dma_start3A_2574 : memref<1x1x32x128xf32, #tpu.memory_space<vmem>> -> memref<32x128xf32, #tpu.memory_space<vmem>>
        %dma_start3A_2576 = arith.constant 0 : i32
        %dma_start3A_2577 = tpu.memref_slice %arg4[%dma_start3A_2576, %multiple_of3A_2540] : memref<32x1000000xf32, #tpu.memory_space<hbm>> -> memref<32x128xf32, #tpu.memory_space<hbm>>
        %dma_start3A_2578 = arith.constant 0 : i32
        %dma_start3A_2579 = arith.constant 0 : i32
        %dma_start3A_2580 = tpu.memref_slice %arg9[%dma_start3A_2570, %dma_start3A_2571, %dma_start3A_2578, %dma_start3A_2579] : memref<2x4x32x128xf32, #tpu.memory_space<vmem>> -> memref<1x1x32x128xf32, #tpu.memory_space<vmem>>
        %dma_start3A_2581 = tpu.memref_squeeze %dma_start3A_2580 : memref<1x1x32x128xf32, #tpu.memory_space<vmem>> -> memref<32x128xf32, #tpu.memory_space<vmem>>
        %dma_start3A_2582 = arith.constant 0 : i32
        %dma_start3A_2583 = tpu.memref_slice %arg4[%dma_start3A_2582, %multiple_of3A_2540] : memref<32x1000000xf32, #tpu.memory_space<hbm>> -> memref<32x128xf32, #tpu.memory_space<hbm>>
        tpu.enqueue_dma source(%dma_start3A_2583 : memref<32x128xf32, #tpu.memory_space<hbm>>) target(%dma_start3A_2581 : memref<32x128xf32, #tpu.memory_space<vmem>>) target_semaphore(%arg12 : memref<!tpu.dma_semaphore, #tpu.memory_space<semaphore_mem>>)
        %dma_start3A_2584 = arith.constant 0 : i32
        %dma_start3A_2585 = arith.constant 1 : i32
        %dma_start3A_2586 = arith.constant 0 : i32
        %dma_start3A_2587 = arith.constant 0 : i32
        %dma_start3A_2588 = tpu.memref_slice %arg10[%dma_start3A_2584, %dma_start3A_2585, %dma_start3A_2586, %dma_start3A_2587] : memref<2x4x32x128xf32, #tpu.memory_space<vmem>> -> memref<1x1x32x128xf32, #tpu.memory_space<vmem>>
        %dma_start3A_2589 = tpu.memref_squeeze %dma_start3A_2588 : memref<1x1x32x128xf32, #tpu.memory_space<vmem>> -> memref<32x128xf32, #tpu.memory_space<vmem>>
        %dma_start3A_2590 = arith.constant 0 : i32
        %dma_start3A_2591 = tpu.memref_slice %arg5[%dma_start3A_2590, %multiple_of3A_2569] : memref<32x1000000xf32, #tpu.memory_space<hbm>> -> memref<32x128xf32, #tpu.memory_space<hbm>>
        %dma_start3A_2592 = arith.constant 0 : i32
        %dma_start3A_2593 = arith.constant 0 : i32
        %dma_start3A_2594 = tpu.memref_slice %arg10[%dma_start3A_2584, %dma_start3A_2585, %dma_start3A_2592, %dma_start3A_2593] : memref<2x4x32x128xf32, #tpu.memory_space<vmem>> -> memref<1x1x32x128xf32, #tpu.memory_space<vmem>>
        %dma_start3A_2595 = tpu.memref_squeeze %dma_start3A_2594 : memref<1x1x32x128xf32, #tpu.memory_space<vmem>> -> memref<32x128xf32, #tpu.memory_space<vmem>>
        %dma_start3A_2596 = arith.constant 0 : i32
        %dma_start3A_2597 = tpu.memref_slice %arg5[%dma_start3A_2596, %multiple_of3A_2569] : memref<32x1000000xf32, #tpu.memory_space<hbm>> -> memref<32x128xf32, #tpu.memory_space<hbm>>
        tpu.enqueue_dma source(%dma_start3A_2597 : memref<32x128xf32, #tpu.memory_space<hbm>>) target(%dma_start3A_2595 : memref<32x128xf32, #tpu.memory_space<vmem>>) target_semaphore(%arg12 : memref<!tpu.dma_semaphore, #tpu.memory_space<semaphore_mem>>)
        %slice3A_2598 = vector.extract_strided_slice %get3A_2413 {offsets = [2], sizes = [1], strides = [1]} : vector<16xi32> to vector<1xi32>
        %squeeze3A_2599 = vector.extract %slice3A_2598[0] : i32 from vector<1xi32>
        %slice3A_2600 = vector.extract_strided_slice %get3A_2417 {offsets = [2], sizes = [1], strides = [1]} : vector<16xi32> to vector<1xi32>
        %squeeze3A_2601 = vector.extract %slice3A_2600[0] : i32 from vector<1xi32>
        %jit3A_2602 = arith.constant 128 : i32
        %div3A_2603 = arith.divsi %squeeze3A_2599, %jit3A_2602 : i32
        %sign3A_2604 = arith.constant 0 : i32
        %sign3A_2605 = arith.cmpi sgt, %squeeze3A_2599, %sign3A_2604 : i32
        %sign3A_2606 = arith.extui %sign3A_2605 : i1 to i32
        %sign3A_2607 = arith.constant 0 : i32
        %sign3A_2608 = arith.cmpi slt, %squeeze3A_2599, %sign3A_2607 : i32
        %sign3A_2609 = arith.extui %sign3A_2608 : i1 to i32
        %sign3A_2610 = arith.subi %sign3A_2606, %sign3A_2609 : i32
        %sign3A_2611 = arith.constant 0 : i32
        %sign3A_2612 = arith.cmpi sgt, %jit3A_2602, %sign3A_2611 : i32
        %sign3A_2613 = arith.extui %sign3A_2612 : i1 to i32
        %sign3A_2614 = arith.constant 0 : i32
        %sign3A_2615 = arith.cmpi slt, %jit3A_2602, %sign3A_2614 : i32
        %sign3A_2616 = arith.extui %sign3A_2615 : i1 to i32
        %sign3A_2617 = arith.subi %sign3A_2613, %sign3A_2616 : i32
        %ne3A_2618 = arith.cmpi ne, %sign3A_2610, %sign3A_2617 : i32
        %rem3A_2619 = arith.remsi %squeeze3A_2599, %jit3A_2602 : i32
        %ne3A_2620 = arith.constant 0 : i32
        %ne3A_2621 = arith.cmpi ne, %rem3A_2619, %ne3A_2620 : i32
        %and3A_2622 = arith.andi %ne3A_2618, %ne3A_2621 : i1
        %sub3A_2623 = arith.constant 1 : i32
        %sub3A_2624 = arith.subi %div3A_2603, %sub3A_2623 : i32
        %select_n3A_2625 = arith.select %and3A_2622, %sub3A_2624, %div3A_2603 : i32
        %mul3A_2626 = arith.constant 128 : i32
        %mul3A_2627 = arith.muli %select_n3A_2625, %mul3A_2626 : i32
        %min3A_2628 = arith.constant 999872 : i32
        %min3A_2629 = arith.minsi %mul3A_2627, %min3A_2628 : i32
        %multiple_of3A_2630 = tpu.assume_multiple %min3A_2629, 128 : i32
        %jit3A_2631 = arith.constant 128 : i32
        %div3A_2632 = arith.divsi %squeeze3A_2601, %jit3A_2631 : i32
        %sign3A_2633 = arith.constant 0 : i32
        %sign3A_2634 = arith.cmpi sgt, %squeeze3A_2601, %sign3A_2633 : i32
        %sign3A_2635 = arith.extui %sign3A_2634 : i1 to i32
        %sign3A_2636 = arith.constant 0 : i32
        %sign3A_2637 = arith.cmpi slt, %squeeze3A_2601, %sign3A_2636 : i32
        %sign3A_2638 = arith.extui %sign3A_2637 : i1 to i32
        %sign3A_2639 = arith.subi %sign3A_2635, %sign3A_2638 : i32
        %sign3A_2640 = arith.constant 0 : i32
        %sign3A_2641 = arith.cmpi sgt, %jit3A_2631, %sign3A_2640 : i32
        %sign3A_2642 = arith.extui %sign3A_2641 : i1 to i32
        %sign3A_2643 = arith.constant 0 : i32
        %sign3A_2644 = arith.cmpi slt, %jit3A_2631, %sign3A_2643 : i32
        %sign3A_2645 = arith.extui %sign3A_2644 : i1 to i32
        %sign3A_2646 = arith.subi %sign3A_2642, %sign3A_2645 : i32
        %ne3A_2647 = arith.cmpi ne, %sign3A_2639, %sign3A_2646 : i32
        %rem3A_2648 = arith.remsi %squeeze3A_2601, %jit3A_2631 : i32
        %ne3A_2649 = arith.constant 0 : i32
        %ne3A_2650 = arith.cmpi ne, %rem3A_2648, %ne3A_2649 : i32
        %and3A_2651 = arith.andi %ne3A_2647, %ne3A_2650 : i1
        %sub3A_2652 = arith.constant 1 : i32
        %sub3A_2653 = arith.subi %div3A_2632, %sub3A_2652 : i32
        %select_n3A_2654 = arith.select %and3A_2651, %sub3A_2653, %div3A_2632 : i32
        %mul3A_2655 = arith.constant 128 : i32
        %mul3A_2656 = arith.muli %select_n3A_2654, %mul3A_2655 : i32
        %min3A_2657 = arith.constant 999872 : i32
        %min3A_2658 = arith.minsi %mul3A_2656, %min3A_2657 : i32
        %multiple_of3A_2659 = tpu.assume_multiple %min3A_2658, 128 : i32
        %dma_start3A_2660 = arith.constant 0 : i32
        %dma_start3A_2661 = arith.constant 2 : i32
        %dma_start3A_2662 = arith.constant 0 : i32
        %dma_start3A_2663 = arith.constant 0 : i32
        %dma_start3A_2664 = tpu.memref_slice %arg9[%dma_start3A_2660, %dma_start3A_2661, %dma_start3A_2662, %dma_start3A_2663] : memref<2x4x32x128xf32, #tpu.memory_space<vmem>> -> memref<1x1x32x128xf32, #tpu.memory_space<vmem>>
        %dma_start3A_2665 = tpu.memref_squeeze %dma_start3A_2664 : memref<1x1x32x128xf32, #tpu.memory_space<vmem>> -> memref<32x128xf32, #tpu.memory_space<vmem>>
        %dma_start3A_2666 = arith.constant 0 : i32
        %dma_start3A_2667 = tpu.memref_slice %arg4[%dma_start3A_2666, %multiple_of3A_2630] : memref<32x1000000xf32, #tpu.memory_space<hbm>> -> memref<32x128xf32, #tpu.memory_space<hbm>>
        %dma_start3A_2668 = arith.constant 0 : i32
        %dma_start3A_2669 = arith.constant 0 : i32
        %dma_start3A_2670 = tpu.memref_slice %arg9[%dma_start3A_2660, %dma_start3A_2661, %dma_start3A_2668, %dma_start3A_2669] : memref<2x4x32x128xf32, #tpu.memory_space<vmem>> -> memref<1x1x32x128xf32, #tpu.memory_space<vmem>>
        %dma_start3A_2671 = tpu.memref_squeeze %dma_start3A_2670 : memref<1x1x32x128xf32, #tpu.memory_space<vmem>> -> memref<32x128xf32, #tpu.memory_space<vmem>>
        %dma_start3A_2672 = arith.constant 0 : i32
        %dma_start3A_2673 = tpu.memref_slice %arg4[%dma_start3A_2672, %multiple_of3A_2630] : memref<32x1000000xf32, #tpu.memory_space<hbm>> -> memref<32x128xf32, #tpu.memory_space<hbm>>
        tpu.enqueue_dma source(%dma_start3A_2673 : memref<32x128xf32, #tpu.memory_space<hbm>>) target(%dma_start3A_2671 : memref<32x128xf32, #tpu.memory_space<vmem>>) target_semaphore(%arg12 : memref<!tpu.dma_semaphore, #tpu.memory_space<semaphore_mem>>)
        %dma_start3A_2674 = arith.constant 0 : i32
        %dma_start3A_2675 = arith.constant 2 : i32
        %dma_start3A_2676 = arith.constant 0 : i32
        %dma_start3A_2677 = arith.constant 0 : i32
        %dma_start3A_2678 = tpu.memref_slice %arg10[%dma_start3A_2674, %dma_start3A_2675, %dma_start3A_2676, %dma_start3A_2677] : memref<2x4x32x128xf32, #tpu.memory_space<vmem>> -> memref<1x1x32x128xf32, #tpu.memory_space<vmem>>
        %dma_start3A_2679 = tpu.memref_squeeze %dma_start3A_2678 : memref<1x1x32x128xf32, #tpu.memory_space<vmem>> -> memref<32x128xf32, #tpu.memory_space<vmem>>
        %dma_start3A_2680 = arith.constant 0 : i32
        %dma_start3A_2681 = tpu.memref_slice %arg5[%dma_start3A_2680, %multiple_of3A_2659] : memref<32x1000000xf32, #tpu.memory_space<hbm>> -> memref<32x128xf32, #tpu.memory_space<hbm>>
        %dma_start3A_2682 = arith.constant 0 : i32
        %dma_start3A_2683 = arith.constant 0 : i32
        %dma_start3A_2684 = tpu.memref_slice %arg10[%dma_start3A_2674, %dma_start3A_2675, %dma_start3A_2682, %dma_start3A_2683] : memref<2x4x32x128xf32, #tpu.memory_space<vmem>> -> memref<1x1x32x128xf32, #tpu.memory_space<vmem>>
        %dma_start3A_2685 = tpu.memref_squeeze %dma_start3A_2684 : memref<1x1x32x128xf32, #tpu.memory_space<vmem>> -> memref<32x128xf32, #tpu.memory_space<vmem>>
        %dma_start3A_2686 = arith.constant 0 : i32
        %dma_start3A_2687 = tpu.memref_slice %arg5[%dma_start3A_2686, %multiple_of3A_2659] : memref<32x1000000xf32, #tpu.memory_space<hbm>> -> memref<32x128xf32, #tpu.memory_space<hbm>>
        tpu.enqueue_dma source(%dma_start3A_2687 : memref<32x128xf32, #tpu.memory_space<hbm>>) target(%dma_start3A_2685 : memref<32x128xf32, #tpu.memory_space<vmem>>) target_semaphore(%arg12 : memref<!tpu.dma_semaphore, #tpu.memory_space<semaphore_mem>>)
        %slice3A_2688 = vector.extract_strided_slice %get3A_2413 {offsets = [3], sizes = [1], strides = [1]} : vector<16xi32> to vector<1xi32>
        %squeeze3A_2689 = vector.extract %slice3A_2688[0] : i32 from vector<1xi32>
        %slice3A_2690 = vector.extract_strided_slice %get3A_2417 {offsets = [3], sizes = [1], strides = [1]} : vector<16xi32> to vector<1xi32>
        %squeeze3A_2691 = vector.extract %slice3A_2690[0] : i32 from vector<1xi32>
        %jit3A_2692 = arith.constant 128 : i32
        %div3A_2693 = arith.divsi %squeeze3A_2689, %jit3A_2692 : i32
        %sign3A_2694 = arith.constant 0 : i32
        %sign3A_2695 = arith.cmpi sgt, %squeeze3A_2689, %sign3A_2694 : i32
        %sign3A_2696 = arith.extui %sign3A_2695 : i1 to i32
        %sign3A_2697 = arith.constant 0 : i32
        %sign3A_2698 = arith.cmpi slt, %squeeze3A_2689, %sign3A_2697 : i32
        %sign3A_2699 = arith.extui %sign3A_2698 : i1 to i32
        %sign3A_2700 = arith.subi %sign3A_2696, %sign3A_2699 : i32
        %sign3A_2701 = arith.constant 0 : i32
        %sign3A_2702 = arith.cmpi sgt, %jit3A_2692, %sign3A_2701 : i32
        %sign3A_2703 = arith.extui %sign3A_2702 : i1 to i32
        %sign3A_2704 = arith.constant 0 : i32
        %sign3A_2705 = arith.cmpi slt, %jit3A_2692, %sign3A_2704 : i32
        %sign3A_2706 = arith.extui %sign3A_2705 : i1 to i32
        %sign3A_2707 = arith.subi %sign3A_2703, %sign3A_2706 : i32
        %ne3A_2708 = arith.cmpi ne, %sign3A_2700, %sign3A_2707 : i32
        %rem3A_2709 = arith.remsi %squeeze3A_2689, %jit3A_2692 : i32
        %ne3A_2710 = arith.constant 0 : i32
        %ne3A_2711 = arith.cmpi ne, %rem3A_2709, %ne3A_2710 : i32
        %and3A_2712 = arith.andi %ne3A_2708, %ne3A_2711 : i1
        %sub3A_2713 = arith.constant 1 : i32
        %sub3A_2714 = arith.subi %div3A_2693, %sub3A_2713 : i32
        %select_n3A_2715 = arith.select %and3A_2712, %sub3A_2714, %div3A_2693 : i32
        %mul3A_2716 = arith.constant 128 : i32
        %mul3A_2717 = arith.muli %select_n3A_2715, %mul3A_2716 : i32
        %min3A_2718 = arith.constant 999872 : i32
        %min3A_2719 = arith.minsi %mul3A_2717, %min3A_2718 : i32
        %multiple_of3A_2720 = tpu.assume_multiple %min3A_2719, 128 : i32
        %jit3A_2721 = arith.constant 128 : i32
        %div3A_2722 = arith.divsi %squeeze3A_2691, %jit3A_2721 : i32
        %sign3A_2723 = arith.constant 0 : i32
        %sign3A_2724 = arith.cmpi sgt, %squeeze3A_2691, %sign3A_2723 : i32
        %sign3A_2725 = arith.extui %sign3A_2724 : i1 to i32
        %sign3A_2726 = arith.constant 0 : i32
        %sign3A_2727 = arith.cmpi slt, %squeeze3A_2691, %sign3A_2726 : i32
        %sign3A_2728 = arith.extui %sign3A_2727 : i1 to i32
        %sign3A_2729 = arith.subi %sign3A_2725, %sign3A_2728 : i32
        %sign3A_2730 = arith.constant 0 : i32
        %sign3A_2731 = arith.cmpi sgt, %jit3A_2721, %sign3A_2730 : i32
        %sign3A_2732 = arith.extui %sign3A_2731 : i1 to i32
        %sign3A_2733 = arith.constant 0 : i32
        %sign3A_2734 = arith.cmpi slt, %jit3A_2721, %sign3A_2733 : i32
        %sign3A_2735 = arith.extui %sign3A_2734 : i1 to i32
        %sign3A_2736 = arith.subi %sign3A_2732, %sign3A_2735 : i32
        %ne3A_2737 = arith.cmpi ne, %sign3A_2729, %sign3A_2736 : i32
        %rem3A_2738 = arith.remsi %squeeze3A_2691, %jit3A_2721 : i32
        %ne3A_2739 = arith.constant 0 : i32
        %ne3A_2740 = arith.cmpi ne, %rem3A_2738, %ne3A_2739 : i32
        %and3A_2741 = arith.andi %ne3A_2737, %ne3A_2740 : i1
        %sub3A_2742 = arith.constant 1 : i32
        %sub3A_2743 = arith.subi %div3A_2722, %sub3A_2742 : i32
        %select_n3A_2744 = arith.select %and3A_2741, %sub3A_2743, %div3A_2722 : i32
        %mul3A_2745 = arith.constant 128 : i32
        %mul3A_2746 = arith.muli %select_n3A_2744, %mul3A_2745 : i32
        %min3A_2747 = arith.constant 999872 : i32
        %min3A_2748 = arith.minsi %mul3A_2746, %min3A_2747 : i32
        %multiple_of3A_2749 = tpu.assume_multiple %min3A_2748, 128 : i32
        %dma_start3A_2750 = arith.constant 0 : i32
        %dma_start3A_2751 = arith.constant 3 : i32
        %dma_start3A_2752 = arith.constant 0 : i32
        %dma_start3A_2753 = arith.constant 0 : i32
        %dma_start3A_2754 = tpu.memref_slice %arg9[%dma_start3A_2750, %dma_start3A_2751, %dma_start3A_2752, %dma_start3A_2753] : memref<2x4x32x128xf32, #tpu.memory_space<vmem>> -> memref<1x1x32x128xf32, #tpu.memory_space<vmem>>
        %dma_start3A_2755 = tpu.memref_squeeze %dma_start3A_2754 : memref<1x1x32x128xf32, #tpu.memory_space<vmem>> -> memref<32x128xf32, #tpu.memory_space<vmem>>
        %dma_start3A_2756 = arith.constant 0 : i32
        %dma_start3A_2757 = tpu.memref_slice %arg4[%dma_start3A_2756, %multiple_of3A_2720] : memref<32x1000000xf32, #tpu.memory_space<hbm>> -> memref<32x128xf32, #tpu.memory_space<hbm>>
        %dma_start3A_2758 = arith.constant 0 : i32
        %dma_start3A_2759 = arith.constant 0 : i32
        %dma_start3A_2760 = tpu.memref_slice %arg9[%dma_start3A_2750, %dma_start3A_2751, %dma_start3A_2758, %dma_start3A_2759] : memref<2x4x32x128xf32, #tpu.memory_space<vmem>> -> memref<1x1x32x128xf32, #tpu.memory_space<vmem>>
        %dma_start3A_2761 = tpu.memref_squeeze %dma_start3A_2760 : memref<1x1x32x128xf32, #tpu.memory_space<vmem>> -> memref<32x128xf32, #tpu.memory_space<vmem>>
        %dma_start3A_2762 = arith.constant 0 : i32
        %dma_start3A_2763 = tpu.memref_slice %arg4[%dma_start3A_2762, %multiple_of3A_2720] : memref<32x1000000xf32, #tpu.memory_space<hbm>> -> memref<32x128xf32, #tpu.memory_space<hbm>>
        tpu.enqueue_dma source(%dma_start3A_2763 : memref<32x128xf32, #tpu.memory_space<hbm>>) target(%dma_start3A_2761 : memref<32x128xf32, #tpu.memory_space<vmem>>) target_semaphore(%arg12 : memref<!tpu.dma_semaphore, #tpu.memory_space<semaphore_mem>>)
        %dma_start3A_2764 = arith.constant 0 : i32
        %dma_start3A_2765 = arith.constant 3 : i32
        %dma_start3A_2766 = arith.constant 0 : i32
        %dma_start3A_2767 = arith.constant 0 : i32
        %dma_start3A_2768 = tpu.memref_slice %arg10[%dma_start3A_2764, %dma_start3A_2765, %dma_start3A_2766, %dma_start3A_2767] : memref<2x4x32x128xf32, #tpu.memory_space<vmem>> -> memref<1x1x32x128xf32, #tpu.memory_space<vmem>>
        %dma_start3A_2769 = tpu.memref_squeeze %dma_start3A_2768 : memref<1x1x32x128xf32, #tpu.memory_space<vmem>> -> memref<32x128xf32, #tpu.memory_space<vmem>>
        %dma_start3A_2770 = arith.constant 0 : i32
        %dma_start3A_2771 = tpu.memref_slice %arg5[%dma_start3A_2770, %multiple_of3A_2749] : memref<32x1000000xf32, #tpu.memory_space<hbm>> -> memref<32x128xf32, #tpu.memory_space<hbm>>
        %dma_start3A_2772 = arith.constant 0 : i32
        %dma_start3A_2773 = arith.constant 0 : i32
        %dma_start3A_2774 = tpu.memref_slice %arg10[%dma_start3A_2764, %dma_start3A_2765, %dma_start3A_2772, %dma_start3A_2773] : memref<2x4x32x128xf32, #tpu.memory_space<vmem>> -> memref<1x1x32x128xf32, #tpu.memory_space<vmem>>
        %dma_start3A_2775 = tpu.memref_squeeze %dma_start3A_2774 : memref<1x1x32x128xf32, #tpu.memory_space<vmem>> -> memref<32x128xf32, #tpu.memory_space<vmem>>
        %dma_start3A_2776 = arith.constant 0 : i32
        %dma_start3A_2777 = tpu.memref_slice %arg5[%dma_start3A_2776, %multiple_of3A_2749] : memref<32x1000000xf32, #tpu.memory_space<hbm>> -> memref<32x128xf32, #tpu.memory_space<hbm>>
        tpu.enqueue_dma source(%dma_start3A_2777 : memref<32x128xf32, #tpu.memory_space<hbm>>) target(%dma_start3A_2775 : memref<32x128xf32, #tpu.memory_space<vmem>>) target_semaphore(%arg12 : memref<!tpu.dma_semaphore, #tpu.memory_space<semaphore_mem>>)
      } else {
      }
      %dma_wait3A_877 = arith.constant 0 : i32
      %dma_wait3A_878 = arith.constant 0 : i32
      %dma_wait3A_879 = arith.constant 0 : i32
      %dma_wait3A_880 = arith.constant 0 : i32
      %dma_wait3A_881 = tpu.memref_slice %arg9[%dma_wait3A_877, %dma_wait3A_878, %dma_wait3A_879, %dma_wait3A_880] : memref<2x4x32x128xf32, #tpu.memory_space<vmem>> -> memref<1x1x32x128xf32, #tpu.memory_space<vmem>>
      %dma_wait3A_882 = tpu.memref_squeeze %dma_wait3A_881 : memref<1x1x32x128xf32, #tpu.memory_space<vmem>> -> memref<32x128xf32, #tpu.memory_space<vmem>>
      %dma_wait3A_883 = arith.constant 0 : i32
      %dma_wait3A_884 = arith.constant 0 : i32
      %dma_wait3A_885 = tpu.memref_slice %arg4[%dma_wait3A_883, %dma_wait3A_884] : memref<32x1000000xf32, #tpu.memory_space<hbm>> -> memref<32x128xf32, #tpu.memory_space<hbm>>
      %dma_wait3A_886 = arith.constant 0 : i32
      %dma_wait3A_887 = arith.constant 0 : i32
      %dma_wait3A_888 = tpu.memref_slice %arg9[%dma_wait3A_877, %dma_wait3A_878, %dma_wait3A_886, %dma_wait3A_887] : memref<2x4x32x128xf32, #tpu.memory_space<vmem>> -> memref<1x1x32x128xf32, #tpu.memory_space<vmem>>
      %dma_wait3A_889 = tpu.memref_squeeze %dma_wait3A_888 : memref<1x1x32x128xf32, #tpu.memory_space<vmem>> -> memref<32x128xf32, #tpu.memory_space<vmem>>
      %dma_wait3A_890 = arith.constant 0 : i32
      %dma_wait3A_891 = arith.constant 0 : i32
      %dma_wait3A_892 = tpu.memref_slice %arg4[%dma_wait3A_890, %dma_wait3A_891] : memref<32x1000000xf32, #tpu.memory_space<hbm>> -> memref<32x128xf32, #tpu.memory_space<hbm>>
      tpu.wait_dma2 semaphore(%arg13 : memref<!tpu.dma_semaphore, #tpu.memory_space<semaphore_mem>>) src(%dma_wait3A_892 : memref<32x128xf32, #tpu.memory_space<hbm>>) dst(%dma_wait3A_889 : memref<32x128xf32, #tpu.memory_space<vmem>>)
      %dma_wait3A_893 = arith.constant 0 : i32
      %dma_wait3A_894 = arith.constant 0 : i32
      %dma_wait3A_895 = arith.constant 0 : i32
      %dma_wait3A_896 = arith.constant 0 : i32
      %dma_wait3A_897 = tpu.memref_slice %arg9[%dma_wait3A_893, %dma_wait3A_894, %dma_wait3A_895, %dma_wait3A_896] : memref<2x4x32x128xf32, #tpu.memory_space<vmem>> -> memref<1x1x32x128xf32, #tpu.memory_space<vmem>>
      %dma_wait3A_898 = tpu.memref_squeeze %dma_wait3A_897 : memref<1x1x32x128xf32, #tpu.memory_space<vmem>> -> memref<32x128xf32, #tpu.memory_space<vmem>>
      %dma_wait3A_899 = arith.constant 0 : i32
      %dma_wait3A_900 = arith.constant 0 : i32
      %dma_wait3A_901 = tpu.memref_slice %arg4[%dma_wait3A_899, %dma_wait3A_900] : memref<32x1000000xf32, #tpu.memory_space<hbm>> -> memref<32x128xf32, #tpu.memory_space<hbm>>
      %dma_wait3A_902 = arith.constant 0 : i32
      %dma_wait3A_903 = arith.constant 0 : i32
      %dma_wait3A_904 = tpu.memref_slice %arg9[%dma_wait3A_893, %dma_wait3A_894, %dma_wait3A_902, %dma_wait3A_903] : memref<2x4x32x128xf32, #tpu.memory_space<vmem>> -> memref<1x1x32x128xf32, #tpu.memory_space<vmem>>
      %dma_wait3A_905 = tpu.memref_squeeze %dma_wait3A_904 : memref<1x1x32x128xf32, #tpu.memory_space<vmem>> -> memref<32x128xf32, #tpu.memory_space<vmem>>
      %dma_wait3A_906 = arith.constant 0 : i32
      %dma_wait3A_907 = arith.constant 0 : i32
      %dma_wait3A_908 = tpu.memref_slice %arg4[%dma_wait3A_906, %dma_wait3A_907] : memref<32x1000000xf32, #tpu.memory_space<hbm>> -> memref<32x128xf32, #tpu.memory_space<hbm>>
      tpu.wait_dma2 semaphore(%arg13 : memref<!tpu.dma_semaphore, #tpu.memory_space<semaphore_mem>>) src(%dma_wait3A_908 : memref<32x128xf32, #tpu.memory_space<hbm>>) dst(%dma_wait3A_905 : memref<32x128xf32, #tpu.memory_space<vmem>>)
      %dma_wait3A_909 = arith.constant 0 : i32
      %dma_wait3A_910 = arith.constant 0 : i32
      %dma_wait3A_911 = arith.constant 0 : i32
      %dma_wait3A_912 = arith.constant 0 : i32
      %dma_wait3A_913 = tpu.memref_slice %arg9[%dma_wait3A_909, %dma_wait3A_910, %dma_wait3A_911, %dma_wait3A_912] : memref<2x4x32x128xf32, #tpu.memory_space<vmem>> -> memref<1x1x32x128xf32, #tpu.memory_space<vmem>>
      %dma_wait3A_914 = tpu.memref_squeeze %dma_wait3A_913 : memref<1x1x32x128xf32, #tpu.memory_space<vmem>> -> memref<32x128xf32, #tpu.memory_space<vmem>>
      %dma_wait3A_915 = arith.constant 0 : i32
      %dma_wait3A_916 = arith.constant 0 : i32
      %dma_wait3A_917 = tpu.memref_slice %arg4[%dma_wait3A_915, %dma_wait3A_916] : memref<32x1000000xf32, #tpu.memory_space<hbm>> -> memref<32x128xf32, #tpu.memory_space<hbm>>
      %dma_wait3A_918 = arith.constant 0 : i32
      %dma_wait3A_919 = arith.constant 0 : i32
      %dma_wait3A_920 = tpu.memref_slice %arg9[%dma_wait3A_909, %dma_wait3A_910, %dma_wait3A_918, %dma_wait3A_919] : memref<2x4x32x128xf32, #tpu.memory_space<vmem>> -> memref<1x1x32x128xf32, #tpu.memory_space<vmem>>
      %dma_wait3A_921 = tpu.memref_squeeze %dma_wait3A_920 : memref<1x1x32x128xf32, #tpu.memory_space<vmem>> -> memref<32x128xf32, #tpu.memory_space<vmem>>
      %dma_wait3A_922 = arith.constant 0 : i32
      %dma_wait3A_923 = arith.constant 0 : i32
      %dma_wait3A_924 = tpu.memref_slice %arg4[%dma_wait3A_922, %dma_wait3A_923] : memref<32x1000000xf32, #tpu.memory_space<hbm>> -> memref<32x128xf32, #tpu.memory_space<hbm>>
      tpu.wait_dma2 semaphore(%arg13 : memref<!tpu.dma_semaphore, #tpu.memory_space<semaphore_mem>>) src(%dma_wait3A_924 : memref<32x128xf32, #tpu.memory_space<hbm>>) dst(%dma_wait3A_921 : memref<32x128xf32, #tpu.memory_space<vmem>>)
      %dma_wait3A_925 = arith.constant 0 : i32
      %dma_wait3A_926 = arith.constant 0 : i32
      %dma_wait3A_927 = arith.constant 0 : i32
      %dma_wait3A_928 = arith.constant 0 : i32
      %dma_wait3A_929 = tpu.memref_slice %arg9[%dma_wait3A_925, %dma_wait3A_926, %dma_wait3A_927, %dma_wait3A_928] : memref<2x4x32x128xf32, #tpu.memory_space<vmem>> -> memref<1x1x32x128xf32, #tpu.memory_space<vmem>>
      %dma_wait3A_930 = tpu.memref_squeeze %dma_wait3A_929 : memref<1x1x32x128xf32, #tpu.memory_space<vmem>> -> memref<32x128xf32, #tpu.memory_space<vmem>>
      %dma_wait3A_931 = arith.constant 0 : i32
      %dma_wait3A_932 = arith.constant 0 : i32
      %dma_wait3A_933 = tpu.memref_slice %arg4[%dma_wait3A_931, %dma_wait3A_932] : memref<32x1000000xf32, #tpu.memory_space<hbm>> -> memref<32x128xf32, #tpu.memory_space<hbm>>
      %dma_wait3A_934 = arith.constant 0 : i32
      %dma_wait3A_935 = arith.constant 0 : i32
      %dma_wait3A_936 = tpu.memref_slice %arg9[%dma_wait3A_925, %dma_wait3A_926, %dma_wait3A_934, %dma_wait3A_935] : memref<2x4x32x128xf32, #tpu.memory_space<vmem>> -> memref<1x1x32x128xf32, #tpu.memory_space<vmem>>
      %dma_wait3A_937 = tpu.memref_squeeze %dma_wait3A_936 : memref<1x1x32x128xf32, #tpu.memory_space<vmem>> -> memref<32x128xf32, #tpu.memory_space<vmem>>
      %dma_wait3A_938 = arith.constant 0 : i32
      %dma_wait3A_939 = arith.constant 0 : i32
      %dma_wait3A_940 = tpu.memref_slice %arg4[%dma_wait3A_938, %dma_wait3A_939] : memref<32x1000000xf32, #tpu.memory_space<hbm>> -> memref<32x128xf32, #tpu.memory_space<hbm>>
      tpu.wait_dma2 semaphore(%arg13 : memref<!tpu.dma_semaphore, #tpu.memory_space<semaphore_mem>>) src(%dma_wait3A_940 : memref<32x128xf32, #tpu.memory_space<hbm>>) dst(%dma_wait3A_937 : memref<32x128xf32, #tpu.memory_space<vmem>>)
      %dma_wait3A_941 = arith.constant 0 : i32
      %dma_wait3A_942 = arith.constant 0 : i32
      %dma_wait3A_943 = arith.constant 0 : i32
      %dma_wait3A_944 = arith.constant 0 : i32
      %dma_wait3A_945 = tpu.memref_slice %arg9[%dma_wait3A_941, %dma_wait3A_942, %dma_wait3A_943, %dma_wait3A_944] : memref<2x4x32x128xf32, #tpu.memory_space<vmem>> -> memref<1x1x32x128xf32, #tpu.memory_space<vmem>>
      %dma_wait3A_946 = tpu.memref_squeeze %dma_wait3A_945 : memref<1x1x32x128xf32, #tpu.memory_space<vmem>> -> memref<32x128xf32, #tpu.memory_space<vmem>>
      %dma_wait3A_947 = arith.constant 0 : i32
      %dma_wait3A_948 = arith.constant 0 : i32
      %dma_wait3A_949 = tpu.memref_slice %arg4[%dma_wait3A_947, %dma_wait3A_948] : memref<32x1000000xf32, #tpu.memory_space<hbm>> -> memref<32x128xf32, #tpu.memory_space<hbm>>
      %dma_wait3A_950 = arith.constant 0 : i32
      %dma_wait3A_951 = arith.constant 0 : i32
      %dma_wait3A_952 = tpu.memref_slice %arg9[%dma_wait3A_941, %dma_wait3A_942, %dma_wait3A_950, %dma_wait3A_951] : memref<2x4x32x128xf32, #tpu.memory_space<vmem>> -> memref<1x1x32x128xf32, #tpu.memory_space<vmem>>
      %dma_wait3A_953 = tpu.memref_squeeze %dma_wait3A_952 : memref<1x1x32x128xf32, #tpu.memory_space<vmem>> -> memref<32x128xf32, #tpu.memory_space<vmem>>
      %dma_wait3A_954 = arith.constant 0 : i32
      %dma_wait3A_955 = arith.constant 0 : i32
      %dma_wait3A_956 = tpu.memref_slice %arg4[%dma_wait3A_954, %dma_wait3A_955] : memref<32x1000000xf32, #tpu.memory_space<hbm>> -> memref<32x128xf32, #tpu.memory_space<hbm>>
      tpu.wait_dma2 semaphore(%arg13 : memref<!tpu.dma_semaphore, #tpu.memory_space<semaphore_mem>>) src(%dma_wait3A_956 : memref<32x128xf32, #tpu.memory_space<hbm>>) dst(%dma_wait3A_953 : memref<32x128xf32, #tpu.memory_space<vmem>>)
      %dma_wait3A_957 = arith.constant 0 : i32
      %dma_wait3A_958 = arith.constant 0 : i32
      %dma_wait3A_959 = arith.constant 0 : i32
      %dma_wait3A_960 = arith.constant 0 : i32
      %dma_wait3A_961 = tpu.memref_slice %arg9[%dma_wait3A_957, %dma_wait3A_958, %dma_wait3A_959, %dma_wait3A_960] : memref<2x4x32x128xf32, #tpu.memory_space<vmem>> -> memref<1x1x32x128xf32, #tpu.memory_space<vmem>>
      %dma_wait3A_962 = tpu.memref_squeeze %dma_wait3A_961 : memref<1x1x32x128xf32, #tpu.memory_space<vmem>> -> memref<32x128xf32, #tpu.memory_space<vmem>>
      %dma_wait3A_963 = arith.constant 0 : i32
      %dma_wait3A_964 = arith.constant 0 : i32
      %dma_wait3A_965 = tpu.memref_slice %arg4[%dma_wait3A_963, %dma_wait3A_964] : memref<32x1000000xf32, #tpu.memory_space<hbm>> -> memref<32x128xf32, #tpu.memory_space<hbm>>
      %dma_wait3A_966 = arith.constant 0 : i32
      %dma_wait3A_967 = arith.constant 0 : i32
      %dma_wait3A_968 = tpu.memref_slice %arg9[%dma_wait3A_957, %dma_wait3A_958, %dma_wait3A_966, %dma_wait3A_967] : memref<2x4x32x128xf32, #tpu.memory_space<vmem>> -> memref<1x1x32x128xf32, #tpu.memory_space<vmem>>
      %dma_wait3A_969 = tpu.memref_squeeze %dma_wait3A_968 : memref<1x1x32x128xf32, #tpu.memory_space<vmem>> -> memref<32x128xf32, #tpu.memory_space<vmem>>
      %dma_wait3A_970 = arith.constant 0 : i32
      %dma_wait3A_971 = arith.constant 0 : i32
      %dma_wait3A_972 = tpu.memref_slice %arg4[%dma_wait3A_970, %dma_wait3A_971] : memref<32x1000000xf32, #tpu.memory_space<hbm>> -> memref<32x128xf32, #tpu.memory_space<hbm>>
      tpu.wait_dma2 semaphore(%arg13 : memref<!tpu.dma_semaphore, #tpu.memory_space<semaphore_mem>>) src(%dma_wait3A_972 : memref<32x128xf32, #tpu.memory_space<hbm>>) dst(%dma_wait3A_969 : memref<32x128xf32, #tpu.memory_space<vmem>>)
      %dma_wait3A_973 = arith.constant 0 : i32
      %dma_wait3A_974 = arith.constant 0 : i32
      %dma_wait3A_975 = arith.constant 0 : i32
      %dma_wait3A_976 = arith.constant 0 : i32
      %dma_wait3A_977 = tpu.memref_slice %arg9[%dma_wait3A_973, %dma_wait3A_974, %dma_wait3A_975, %dma_wait3A_976] : memref<2x4x32x128xf32, #tpu.memory_space<vmem>> -> memref<1x1x32x128xf32, #tpu.memory_space<vmem>>
      %dma_wait3A_978 = tpu.memref_squeeze %dma_wait3A_977 : memref<1x1x32x128xf32, #tpu.memory_space<vmem>> -> memref<32x128xf32, #tpu.memory_space<vmem>>
      %dma_wait3A_979 = arith.constant 0 : i32
      %dma_wait3A_980 = arith.constant 0 : i32
      %dma_wait3A_981 = tpu.memref_slice %arg4[%dma_wait3A_979, %dma_wait3A_980] : memref<32x1000000xf32, #tpu.memory_space<hbm>> -> memref<32x128xf32, #tpu.memory_space<hbm>>
      %dma_wait3A_982 = arith.constant 0 : i32
      %dma_wait3A_983 = arith.constant 0 : i32
      %dma_wait3A_984 = tpu.memref_slice %arg9[%dma_wait3A_973, %dma_wait3A_974, %dma_wait3A_982, %dma_wait3A_983] : memref<2x4x32x128xf32, #tpu.memory_space<vmem>> -> memref<1x1x32x128xf32, #tpu.memory_space<vmem>>
      %dma_wait3A_985 = tpu.memref_squeeze %dma_wait3A_984 : memref<1x1x32x128xf32, #tpu.memory_space<vmem>> -> memref<32x128xf32, #tpu.memory_space<vmem>>
      %dma_wait3A_986 = arith.constant 0 : i32
      %dma_wait3A_987 = arith.constant 0 : i32
      %dma_wait3A_988 = tpu.memref_slice %arg4[%dma_wait3A_986, %dma_wait3A_987] : memref<32x1000000xf32, #tpu.memory_space<hbm>> -> memref<32x128xf32, #tpu.memory_space<hbm>>
      tpu.wait_dma2 semaphore(%arg13 : memref<!tpu.dma_semaphore, #tpu.memory_space<semaphore_mem>>) src(%dma_wait3A_988 : memref<32x128xf32, #tpu.memory_space<hbm>>) dst(%dma_wait3A_985 : memref<32x128xf32, #tpu.memory_space<vmem>>)
      %dma_wait3A_989 = arith.constant 0 : i32
      %dma_wait3A_990 = arith.constant 0 : i32
      %dma_wait3A_991 = arith.constant 0 : i32
      %dma_wait3A_992 = arith.constant 0 : i32
      %dma_wait3A_993 = tpu.memref_slice %arg9[%dma_wait3A_989, %dma_wait3A_990, %dma_wait3A_991, %dma_wait3A_992] : memref<2x4x32x128xf32, #tpu.memory_space<vmem>> -> memref<1x1x32x128xf32, #tpu.memory_space<vmem>>
      %dma_wait3A_994 = tpu.memref_squeeze %dma_wait3A_993 : memref<1x1x32x128xf32, #tpu.memory_space<vmem>> -> memref<32x128xf32, #tpu.memory_space<vmem>>
      %dma_wait3A_995 = arith.constant 0 : i32
      %dma_wait3A_996 = arith.constant 0 : i32
      %dma_wait3A_997 = tpu.memref_slice %arg4[%dma_wait3A_995, %dma_wait3A_996] : memref<32x1000000xf32, #tpu.memory_space<hbm>> -> memref<32x128xf32, #tpu.memory_space<hbm>>
      %dma_wait3A_998 = arith.constant 0 : i32
      %dma_wait3A_999 = arith.constant 0 : i32
      %dma_wait3A_1000 = tpu.memref_slice %arg9[%dma_wait3A_989, %dma_wait3A_990, %dma_wait3A_998, %dma_wait3A_999] : memref<2x4x32x128xf32, #tpu.memory_space<vmem>> -> memref<1x1x32x128xf32, #tpu.memory_space<vmem>>
      %dma_wait3A_1001 = tpu.memref_squeeze %dma_wait3A_1000 : memref<1x1x32x128xf32, #tpu.memory_space<vmem>> -> memref<32x128xf32, #tpu.memory_space<vmem>>
      %dma_wait3A_1002 = arith.constant 0 : i32
      %dma_wait3A_1003 = arith.constant 0 : i32
      %dma_wait3A_1004 = tpu.memref_slice %arg4[%dma_wait3A_1002, %dma_wait3A_1003] : memref<32x1000000xf32, #tpu.memory_space<hbm>> -> memref<32x128xf32, #tpu.memory_space<hbm>>
      tpu.wait_dma2 semaphore(%arg13 : memref<!tpu.dma_semaphore, #tpu.memory_space<semaphore_mem>>) src(%dma_wait3A_1004 : memref<32x128xf32, #tpu.memory_space<hbm>>) dst(%dma_wait3A_1001 : memref<32x128xf32, #tpu.memory_space<vmem>>)
      %mul3A_1005 = arith.constant 4 : i32
      %mul3A_1006 = arith.muli %add3A_869, %mul3A_1005 : i32
      %get3A_1007 = arith.index_cast %mul3A_1006 : i32 to index
      %get3A_1008 = tpu.vector_load %arg7[%get3A_1007] {strides = array<i32>} : memref<528xi32, #tpu.memory_space<vmem>>, vector<16xi32>,
      %mul3A_1009 = arith.constant 4 : i32
      %mul3A_1010 = arith.muli %add3A_869, %mul3A_1009 : i32
      %get3A_1011 = arith.index_cast %mul3A_1010 : i32 to index
      %get3A_1012 = tpu.vector_load %arg8[%get3A_1011] {strides = array<i32>} : memref<528xi32, #tpu.memory_space<vmem>>, vector<16xi32>,
      %broadcast_in_dim3A_1013 = arith.constant 1 : i32
      %broadcast_in_dim3A_1014 = vector.broadcast %broadcast_in_dim3A_1013 : i32 to vector<16xi32>
      %slice3A_1015 = vector.extract_strided_slice %get3A_1008 {offsets = [0], sizes = [1], strides = [1]} : vector<16xi32> to vector<1xi32>
      %squeeze3A_1016 = vector.extract %slice3A_1015[0] : i32 from vector<1xi32>
      %slice3A_1017 = vector.extract_strided_slice %get3A_1012 {offsets = [0], sizes = [1], strides = [1]} : vector<16xi32> to vector<1xi32>
      %squeeze3A_1018 = vector.extract %slice3A_1017[0] : i32 from vector<1xi32>
      %broadcast_in_dim3A_1019 = arith.constant 0 : i32
      %broadcast_in_dim3A_1020 = vector.broadcast %broadcast_in_dim3A_1019 : i32 to vector<16xi32>
      %jit3A_1021 = arith.constant 128 : i32
      %div3A_1022 = arith.divsi %squeeze3A_1016, %jit3A_1021 : i32
      %sign3A_1023 = arith.constant 0 : i32
      %sign3A_1024 = arith.cmpi sgt, %squeeze3A_1016, %sign3A_1023 : i32
      %sign3A_1025 = arith.extui %sign3A_1024 : i1 to i32
      %sign3A_1026 = arith.constant 0 : i32
      %sign3A_1027 = arith.cmpi slt, %squeeze3A_1016, %sign3A_1026 : i32
      %sign3A_1028 = arith.extui %sign3A_1027 : i1 to i32
      %sign3A_1029 = arith.subi %sign3A_1025, %sign3A_1028 : i32
      %sign3A_1030 = arith.constant 0 : i32
      %sign3A_1031 = arith.cmpi sgt, %jit3A_1021, %sign3A_1030 : i32
      %sign3A_1032 = arith.extui %sign3A_1031 : i1 to i32
      %sign3A_1033 = arith.constant 0 : i32
      %sign3A_1034 = arith.cmpi slt, %jit3A_1021, %sign3A_1033 : i32
      %sign3A_1035 = arith.extui %sign3A_1034 : i1 to i32
      %sign3A_1036 = arith.subi %sign3A_1032, %sign3A_1035 : i32
      %ne3A_1037 = arith.cmpi ne, %sign3A_1029, %sign3A_1036 : i32
      %rem3A_1038 = arith.remsi %squeeze3A_1016, %jit3A_1021 : i32
      %ne3A_1039 = arith.constant 0 : i32
      %ne3A_1040 = arith.cmpi ne, %rem3A_1038, %ne3A_1039 : i32
      %and3A_1041 = arith.andi %ne3A_1037, %ne3A_1040 : i1
      %sub3A_1042 = arith.constant 1 : i32
      %sub3A_1043 = arith.subi %div3A_1022, %sub3A_1042 : i32
      %select_n3A_1044 = arith.select %and3A_1041, %sub3A_1043, %div3A_1022 : i32
      %mul3A_1045 = arith.constant 128 : i32
      %mul3A_1046 = arith.muli %select_n3A_1044, %mul3A_1045 : i32
      %min3A_1047 = arith.constant 999872 : i32
      %min3A_1048 = arith.minsi %mul3A_1046, %min3A_1047 : i32
      %sub3A_1049 = arith.subi %squeeze3A_1016, %min3A_1048 : i32
      %broadcast_in_dim3A_1050 = vector.broadcast %sub3A_1049 : i32 to vector<16xi32>
      %jit3A_1051 = arith.constant 128 : i32
      %div3A_1052 = arith.divsi %squeeze3A_1018, %jit3A_1051 : i32
      %sign3A_1053 = arith.constant 0 : i32
      %sign3A_1054 = arith.cmpi sgt, %squeeze3A_1018, %sign3A_1053 : i32
      %sign3A_1055 = arith.extui %sign3A_1054 : i1 to i32
      %sign3A_1056 = arith.constant 0 : i32
      %sign3A_1057 = arith.cmpi slt, %squeeze3A_1018, %sign3A_1056 : i32
      %sign3A_1058 = arith.extui %sign3A_1057 : i1 to i32
      %sign3A_1059 = arith.subi %sign3A_1055, %sign3A_1058 : i32
      %sign3A_1060 = arith.constant 0 : i32
      %sign3A_1061 = arith.cmpi sgt, %jit3A_1051, %sign3A_1060 : i32
      %sign3A_1062 = arith.extui %sign3A_1061 : i1 to i32
      %sign3A_1063 = arith.constant 0 : i32
      %sign3A_1064 = arith.cmpi slt, %jit3A_1051, %sign3A_1063 : i32
      %sign3A_1065 = arith.extui %sign3A_1064 : i1 to i32
      %sign3A_1066 = arith.subi %sign3A_1062, %sign3A_1065 : i32
      %ne3A_1067 = arith.cmpi ne, %sign3A_1059, %sign3A_1066 : i32
      %rem3A_1068 = arith.remsi %squeeze3A_1018, %jit3A_1051 : i32
      %ne3A_1069 = arith.constant 0 : i32
      %ne3A_1070 = arith.cmpi ne, %rem3A_1068, %ne3A_1069 : i32
      %and3A_1071 = arith.andi %ne3A_1067, %ne3A_1070 : i1
      %sub3A_1072 = arith.constant 1 : i32
      %sub3A_1073 = arith.subi %div3A_1052, %sub3A_1072 : i32
      %select_n3A_1074 = arith.select %and3A_1071, %sub3A_1073, %div3A_1052 : i32
      %mul3A_1075 = arith.constant 128 : i32
      %mul3A_1076 = arith.muli %select_n3A_1074, %mul3A_1075 : i32
      %min3A_1077 = arith.constant 999872 : i32
      %min3A_1078 = arith.minsi %mul3A_1076, %min3A_1077 : i32
      %sub3A_1079 = arith.subi %squeeze3A_1018, %min3A_1078 : i32
      %broadcast_in_dim3A_1080 = vector.broadcast %sub3A_1079 : i32 to vector<16xi32>
      %broadcast_in_dim3A_1081 = arith.constant 0.000000e+00 : f32
      %broadcast_in_dim3A_1082 = vector.broadcast %broadcast_in_dim3A_1081 : f32 to vector<16xf32>
      %add3A_1083 = arith.constant 0 : i32
      %add3A_1084 = vector.broadcast %add3A_1083 : i32 to vector<16xi32>
      %add3A_1085 = arith.addi %iota3A, %add3A_1084 : vector<16xi32>
      %gather3A_1086 = tpu.vector_load_idx %arg9[%broadcast_in_dim3A_1014, %broadcast_in_dim3A_1020, %add3A_1085, %broadcast_in_dim3A_1050] : memref<2x4x32x128xf32, #tpu.memory_space<vmem>>[vector<16xi32>, vector<16xi32>, vector<16xi32>, vector<16xi32>], vector<16xf32>,
      %gather3A_1087 = tpu.vector_load_idx %arg10[%broadcast_in_dim3A_1014, %broadcast_in_dim3A_1020, %add3A_1085, %broadcast_in_dim3A_1080] : memref<2x4x32x128xf32, #tpu.memory_space<vmem>>[vector<16xi32>, vector<16xi32>, vector<16xi32>, vector<16xi32>], vector<16xf32>,
      %mul3A_1088 = arith.mulf %gather3A_1086, %gather3A_1087 : vector<16xf32>
      %add3A_1089 = arith.addf %broadcast_in_dim3A_1082, %mul3A_1088 : vector<16xf32>
      %add3A_1090 = arith.constant 16 : i32
      %add3A_1091 = vector.broadcast %add3A_1090 : i32 to vector<16xi32>
      %add3A_1092 = arith.addi %iota3A, %add3A_1091 : vector<16xi32>
      %gather3A_1093 = tpu.vector_load_idx %arg9[%broadcast_in_dim3A_1014, %broadcast_in_dim3A_1020, %add3A_1092, %broadcast_in_dim3A_1050] : memref<2x4x32x128xf32, #tpu.memory_space<vmem>>[vector<16xi32>, vector<16xi32>, vector<16xi32>, vector<16xi32>], vector<16xf32>,
      %gather3A_1094 = tpu.vector_load_idx %arg10[%broadcast_in_dim3A_1014, %broadcast_in_dim3A_1020, %add3A_1092, %broadcast_in_dim3A_1080] : memref<2x4x32x128xf32, #tpu.memory_space<vmem>>[vector<16xi32>, vector<16xi32>, vector<16xi32>, vector<16xi32>], vector<16xf32>,
      %mul3A_1095 = arith.mulf %gather3A_1093, %gather3A_1094 : vector<16xf32>
      %add3A_1096 = arith.addf %add3A_1089, %mul3A_1095 : vector<16xf32>
      %reduce_sum3A_1097 = arith.constant true
      %reduce_sum3A_1098 = vector.broadcast %reduce_sum3A_1097 : i1 to vector<16xi1>
      %reduce_sum3A_1099 = tpu.scan <sum>, %add3A_1096 masked %reduce_sum3A_1098 : vector<16xf32>, vector<16xi1> -> vector<16xf32>
      %reduce_sum3A_1100 = vector.extract %reduce_sum3A_1099[15] : f32 from vector<16xf32>
      %eq3A_1101 = arith.constant 4 : i32
      %eq3A_1102 = vector.broadcast %eq3A_1101 : i32 to vector<16xi32>
      %eq3A_1103 = arith.cmpi eq, %iota3A, %eq3A_1102 : vector<16xi32>
      %broadcast_in_dim3A_1104 = vector.broadcast %reduce_sum3A_1100 : f32 to vector<16xf32>
      %select_n3A_1105 = arith.select %eq3A_1103, %broadcast_in_dim3A_1104, %select_n3A_865 : vector<16xi1>, vector<16xf32>
      %slice3A_1106 = vector.extract_strided_slice %get3A_1008 {offsets = [1], sizes = [1], strides = [1]} : vector<16xi32> to vector<1xi32>
      %squeeze3A_1107 = vector.extract %slice3A_1106[0] : i32 from vector<1xi32>
      %slice3A_1108 = vector.extract_strided_slice %get3A_1012 {offsets = [1], sizes = [1], strides = [1]} : vector<16xi32> to vector<1xi32>
      %squeeze3A_1109 = vector.extract %slice3A_1108[0] : i32 from vector<1xi32>
      %broadcast_in_dim3A_1110 = arith.constant 1 : i32
      %broadcast_in_dim3A_1111 = vector.broadcast %broadcast_in_dim3A_1110 : i32 to vector<16xi32>
      %jit3A_1112 = arith.constant 128 : i32
      %div3A_1113 = arith.divsi %squeeze3A_1107, %jit3A_1112 : i32
      %sign3A_1114 = arith.constant 0 : i32
      %sign3A_1115 = arith.cmpi sgt, %squeeze3A_1107, %sign3A_1114 : i32
      %sign3A_1116 = arith.extui %sign3A_1115 : i1 to i32
      %sign3A_1117 = arith.constant 0 : i32
      %sign3A_1118 = arith.cmpi slt, %squeeze3A_1107, %sign3A_1117 : i32
      %sign3A_1119 = arith.extui %sign3A_1118 : i1 to i32
      %sign3A_1120 = arith.subi %sign3A_1116, %sign3A_1119 : i32
      %sign3A_1121 = arith.constant 0 : i32
      %sign3A_1122 = arith.cmpi sgt, %jit3A_1112, %sign3A_1121 : i32
      %sign3A_1123 = arith.extui %sign3A_1122 : i1 to i32
      %sign3A_1124 = arith.constant 0 : i32
      %sign3A_1125 = arith.cmpi slt, %jit3A_1112, %sign3A_1124 : i32
      %sign3A_1126 = arith.extui %sign3A_1125 : i1 to i32
      %sign3A_1127 = arith.subi %sign3A_1123, %sign3A_1126 : i32
      %ne3A_1128 = arith.cmpi ne, %sign3A_1120, %sign3A_1127 : i32
      %rem3A_1129 = arith.remsi %squeeze3A_1107, %jit3A_1112 : i32
      %ne3A_1130 = arith.constant 0 : i32
      %ne3A_1131 = arith.cmpi ne, %rem3A_1129, %ne3A_1130 : i32
      %and3A_1132 = arith.andi %ne3A_1128, %ne3A_1131 : i1
      %sub3A_1133 = arith.constant 1 : i32
      %sub3A_1134 = arith.subi %div3A_1113, %sub3A_1133 : i32
      %select_n3A_1135 = arith.select %and3A_1132, %sub3A_1134, %div3A_1113 : i32
      %mul3A_1136 = arith.constant 128 : i32
      %mul3A_1137 = arith.muli %select_n3A_1135, %mul3A_1136 : i32
      %min3A_1138 = arith.constant 999872 : i32
      %min3A_1139 = arith.minsi %mul3A_1137, %min3A_1138 : i32
      %sub3A_1140 = arith.subi %squeeze3A_1107, %min3A_1139 : i32
      %broadcast_in_dim3A_1141 = vector.broadcast %sub3A_1140 : i32 to vector<16xi32>
      %jit3A_1142 = arith.constant 128 : i32
      %div3A_1143 = arith.divsi %squeeze3A_1109, %jit3A_1142 : i32
      %sign3A_1144 = arith.constant 0 : i32
      %sign3A_1145 = arith.cmpi sgt, %squeeze3A_1109, %sign3A_1144 : i32
      %sign3A_1146 = arith.extui %sign3A_1145 : i1 to i32
      %sign3A_1147 = arith.constant 0 : i32
      %sign3A_1148 = arith.cmpi slt, %squeeze3A_1109, %sign3A_1147 : i32
      %sign3A_1149 = arith.extui %sign3A_1148 : i1 to i32
      %sign3A_1150 = arith.subi %sign3A_1146, %sign3A_1149 : i32
      %sign3A_1151 = arith.constant 0 : i32
      %sign3A_1152 = arith.cmpi sgt, %jit3A_1142, %sign3A_1151 : i32
      %sign3A_1153 = arith.extui %sign3A_1152 : i1 to i32
      %sign3A_1154 = arith.constant 0 : i32
      %sign3A_1155 = arith.cmpi slt, %jit3A_1142, %sign3A_1154 : i32
      %sign3A_1156 = arith.extui %sign3A_1155 : i1 to i32
      %sign3A_1157 = arith.subi %sign3A_1153, %sign3A_1156 : i32
      %ne3A_1158 = arith.cmpi ne, %sign3A_1150, %sign3A_1157 : i32
      %rem3A_1159 = arith.remsi %squeeze3A_1109, %jit3A_1142 : i32
      %ne3A_1160 = arith.constant 0 : i32
      %ne3A_1161 = arith.cmpi ne, %rem3A_1159, %ne3A_1160 : i32
      %and3A_1162 = arith.andi %ne3A_1158, %ne3A_1161 : i1
      %sub3A_1163 = arith.constant 1 : i32
      %sub3A_1164 = arith.subi %div3A_1143, %sub3A_1163 : i32
      %select_n3A_1165 = arith.select %and3A_1162, %sub3A_1164, %div3A_1143 : i32
      %mul3A_1166 = arith.constant 128 : i32
      %mul3A_1167 = arith.muli %select_n3A_1165, %mul3A_1166 : i32
      %min3A_1168 = arith.constant 999872 : i32
      %min3A_1169 = arith.minsi %mul3A_1167, %min3A_1168 : i32
      %sub3A_1170 = arith.subi %squeeze3A_1109, %min3A_1169 : i32
      %broadcast_in_dim3A_1171 = vector.broadcast %sub3A_1170 : i32 to vector<16xi32>
      %broadcast_in_dim3A_1172 = arith.constant 0.000000e+00 : f32
      %broadcast_in_dim3A_1173 = vector.broadcast %broadcast_in_dim3A_1172 : f32 to vector<16xf32>
      %add3A_1174 = arith.constant 0 : i32
      %add3A_1175 = vector.broadcast %add3A_1174 : i32 to vector<16xi32>
      %add3A_1176 = arith.addi %iota3A, %add3A_1175 : vector<16xi32>
      %gather3A_1177 = tpu.vector_load_idx %arg9[%broadcast_in_dim3A_1014, %broadcast_in_dim3A_1111, %add3A_1176, %broadcast_in_dim3A_1141] : memref<2x4x32x128xf32, #tpu.memory_space<vmem>>[vector<16xi32>, vector<16xi32>, vector<16xi32>, vector<16xi32>], vector<16xf32>,
      %gather3A_1178 = tpu.vector_load_idx %arg10[%broadcast_in_dim3A_1014, %broadcast_in_dim3A_1111, %add3A_1176, %broadcast_in_dim3A_1171] : memref<2x4x32x128xf32, #tpu.memory_space<vmem>>[vector<16xi32>, vector<16xi32>, vector<16xi32>, vector<16xi32>], vector<16xf32>,
      %mul3A_1179 = arith.mulf %gather3A_1177, %gather3A_1178 : vector<16xf32>
      %add3A_1180 = arith.addf %broadcast_in_dim3A_1173, %mul3A_1179 : vector<16xf32>
      %add3A_1181 = arith.constant 16 : i32
      %add3A_1182 = vector.broadcast %add3A_1181 : i32 to vector<16xi32>
      %add3A_1183 = arith.addi %iota3A, %add3A_1182 : vector<16xi32>
      %gather3A_1184 = tpu.vector_load_idx %arg9[%broadcast_in_dim3A_1014, %broadcast_in_dim3A_1111, %add3A_1183, %broadcast_in_dim3A_1141] : memref<2x4x32x128xf32, #tpu.memory_space<vmem>>[vector<16xi32>, vector<16xi32>, vector<16xi32>, vector<16xi32>], vector<16xf32>,
      %gather3A_1185 = tpu.vector_load_idx %arg10[%broadcast_in_dim3A_1014, %broadcast_in_dim3A_1111, %add3A_1183, %broadcast_in_dim3A_1171] : memref<2x4x32x128xf32, #tpu.memory_space<vmem>>[vector<16xi32>, vector<16xi32>, vector<16xi32>, vector<16xi32>], vector<16xf32>,
      %mul3A_1186 = arith.mulf %gather3A_1184, %gather3A_1185 : vector<16xf32>
      %add3A_1187 = arith.addf %add3A_1180, %mul3A_1186 : vector<16xf32>
      %reduce_sum3A_1188 = arith.constant true
      %reduce_sum3A_1189 = vector.broadcast %reduce_sum3A_1188 : i1 to vector<16xi1>
      %reduce_sum3A_1190 = tpu.scan <sum>, %add3A_1187 masked %reduce_sum3A_1189 : vector<16xf32>, vector<16xi1> -> vector<16xf32>
      %reduce_sum3A_1191 = vector.extract %reduce_sum3A_1190[15] : f32 from vector<16xf32>
      %eq3A_1192 = arith.constant 5 : i32
      %eq3A_1193 = vector.broadcast %eq3A_1192 : i32 to vector<16xi32>
      %eq3A_1194 = arith.cmpi eq, %iota3A, %eq3A_1193 : vector<16xi32>
      %broadcast_in_dim3A_1195 = vector.broadcast %reduce_sum3A_1191 : f32 to vector<16xf32>
      %select_n3A_1196 = arith.select %eq3A_1194, %broadcast_in_dim3A_1195, %select_n3A_1105 : vector<16xi1>, vector<16xf32>
      %slice3A_1197 = vector.extract_strided_slice %get3A_1008 {offsets = [2], sizes = [1], strides = [1]} : vector<16xi32> to vector<1xi32>
      %squeeze3A_1198 = vector.extract %slice3A_1197[0] : i32 from vector<1xi32>
      %slice3A_1199 = vector.extract_strided_slice %get3A_1012 {offsets = [2], sizes = [1], strides = [1]} : vector<16xi32> to vector<1xi32>
      %squeeze3A_1200 = vector.extract %slice3A_1199[0] : i32 from vector<1xi32>
      %broadcast_in_dim3A_1201 = arith.constant 2 : i32
      %broadcast_in_dim3A_1202 = vector.broadcast %broadcast_in_dim3A_1201 : i32 to vector<16xi32>
      %jit3A_1203 = arith.constant 128 : i32
      %div3A_1204 = arith.divsi %squeeze3A_1198, %jit3A_1203 : i32
      %sign3A_1205 = arith.constant 0 : i32
      %sign3A_1206 = arith.cmpi sgt, %squeeze3A_1198, %sign3A_1205 : i32
      %sign3A_1207 = arith.extui %sign3A_1206 : i1 to i32
      %sign3A_1208 = arith.constant 0 : i32
      %sign3A_1209 = arith.cmpi slt, %squeeze3A_1198, %sign3A_1208 : i32
      %sign3A_1210 = arith.extui %sign3A_1209 : i1 to i32
      %sign3A_1211 = arith.subi %sign3A_1207, %sign3A_1210 : i32
      %sign3A_1212 = arith.constant 0 : i32
      %sign3A_1213 = arith.cmpi sgt, %jit3A_1203, %sign3A_1212 : i32
      %sign3A_1214 = arith.extui %sign3A_1213 : i1 to i32
      %sign3A_1215 = arith.constant 0 : i32
      %sign3A_1216 = arith.cmpi slt, %jit3A_1203, %sign3A_1215 : i32
      %sign3A_1217 = arith.extui %sign3A_1216 : i1 to i32
      %sign3A_1218 = arith.subi %sign3A_1214, %sign3A_1217 : i32
      %ne3A_1219 = arith.cmpi ne, %sign3A_1211, %sign3A_1218 : i32
      %rem3A_1220 = arith.remsi %squeeze3A_1198, %jit3A_1203 : i32
      %ne3A_1221 = arith.constant 0 : i32
      %ne3A_1222 = arith.cmpi ne, %rem3A_1220, %ne3A_1221 : i32
      %and3A_1223 = arith.andi %ne3A_1219, %ne3A_1222 : i1
      %sub3A_1224 = arith.constant 1 : i32
      %sub3A_1225 = arith.subi %div3A_1204, %sub3A_1224 : i32
      %select_n3A_1226 = arith.select %and3A_1223, %sub3A_1225, %div3A_1204 : i32
      %mul3A_1227 = arith.constant 128 : i32
      %mul3A_1228 = arith.muli %select_n3A_1226, %mul3A_1227 : i32
      %min3A_1229 = arith.constant 999872 : i32
      %min3A_1230 = arith.minsi %mul3A_1228, %min3A_1229 : i32
      %sub3A_1231 = arith.subi %squeeze3A_1198, %min3A_1230 : i32
      %broadcast_in_dim3A_1232 = vector.broadcast %sub3A_1231 : i32 to vector<16xi32>
      %jit3A_1233 = arith.constant 128 : i32
      %div3A_1234 = arith.divsi %squeeze3A_1200, %jit3A_1233 : i32
      %sign3A_1235 = arith.constant 0 : i32
      %sign3A_1236 = arith.cmpi sgt, %squeeze3A_1200, %sign3A_1235 : i32
      %sign3A_1237 = arith.extui %sign3A_1236 : i1 to i32
      %sign3A_1238 = arith.constant 0 : i32
      %sign3A_1239 = arith.cmpi slt, %squeeze3A_1200, %sign3A_1238 : i32
      %sign3A_1240 = arith.extui %sign3A_1239 : i1 to i32
      %sign3A_1241 = arith.subi %sign3A_1237, %sign3A_1240 : i32
      %sign3A_1242 = arith.constant 0 : i32
      %sign3A_1243 = arith.cmpi sgt, %jit3A_1233, %sign3A_1242 : i32
      %sign3A_1244 = arith.extui %sign3A_1243 : i1 to i32
      %sign3A_1245 = arith.constant 0 : i32
      %sign3A_1246 = arith.cmpi slt, %jit3A_1233, %sign3A_1245 : i32
      %sign3A_1247 = arith.extui %sign3A_1246 : i1 to i32
      %sign3A_1248 = arith.subi %sign3A_1244, %sign3A_1247 : i32
      %ne3A_1249 = arith.cmpi ne, %sign3A_1241, %sign3A_1248 : i32
      %rem3A_1250 = arith.remsi %squeeze3A_1200, %jit3A_1233 : i32
      %ne3A_1251 = arith.constant 0 : i32
      %ne3A_1252 = arith.cmpi ne, %rem3A_1250, %ne3A_1251 : i32
      %and3A_1253 = arith.andi %ne3A_1249, %ne3A_1252 : i1
      %sub3A_1254 = arith.constant 1 : i32
      %sub3A_1255 = arith.subi %div3A_1234, %sub3A_1254 : i32
      %select_n3A_1256 = arith.select %and3A_1253, %sub3A_1255, %div3A_1234 : i32
      %mul3A_1257 = arith.constant 128 : i32
      %mul3A_1258 = arith.muli %select_n3A_1256, %mul3A_1257 : i32
      %min3A_1259 = arith.constant 999872 : i32
      %min3A_1260 = arith.minsi %mul3A_1258, %min3A_1259 : i32
      %sub3A_1261 = arith.subi %squeeze3A_1200, %min3A_1260 : i32
      %broadcast_in_dim3A_1262 = vector.broadcast %sub3A_1261 : i32 to vector<16xi32>
      %broadcast_in_dim3A_1263 = arith.constant 0.000000e+00 : f32
      %broadcast_in_dim3A_1264 = vector.broadcast %broadcast_in_dim3A_1263 : f32 to vector<16xf32>
      %add3A_1265 = arith.constant 0 : i32
      %add3A_1266 = vector.broadcast %add3A_1265 : i32 to vector<16xi32>
      %add3A_1267 = arith.addi %iota3A, %add3A_1266 : vector<16xi32>
      %gather3A_1268 = tpu.vector_load_idx %arg9[%broadcast_in_dim3A_1014, %broadcast_in_dim3A_1202, %add3A_1267, %broadcast_in_dim3A_1232] : memref<2x4x32x128xf32, #tpu.memory_space<vmem>>[vector<16xi32>, vector<16xi32>, vector<16xi32>, vector<16xi32>], vector<16xf32>,
      %gather3A_1269 = tpu.vector_load_idx %arg10[%broadcast_in_dim3A_1014, %broadcast_in_dim3A_1202, %add3A_1267, %broadcast_in_dim3A_1262] : memref<2x4x32x128xf32, #tpu.memory_space<vmem>>[vector<16xi32>, vector<16xi32>, vector<16xi32>, vector<16xi32>], vector<16xf32>,
      %mul3A_1270 = arith.mulf %gather3A_1268, %gather3A_1269 : vector<16xf32>
      %add3A_1271 = arith.addf %broadcast_in_dim3A_1264, %mul3A_1270 : vector<16xf32>
      %add3A_1272 = arith.constant 16 : i32
      %add3A_1273 = vector.broadcast %add3A_1272 : i32 to vector<16xi32>
      %add3A_1274 = arith.addi %iota3A, %add3A_1273 : vector<16xi32>
      %gather3A_1275 = tpu.vector_load_idx %arg9[%broadcast_in_dim3A_1014, %broadcast_in_dim3A_1202, %add3A_1274, %broadcast_in_dim3A_1232] : memref<2x4x32x128xf32, #tpu.memory_space<vmem>>[vector<16xi32>, vector<16xi32>, vector<16xi32>, vector<16xi32>], vector<16xf32>,
      %gather3A_1276 = tpu.vector_load_idx %arg10[%broadcast_in_dim3A_1014, %broadcast_in_dim3A_1202, %add3A_1274, %broadcast_in_dim3A_1262] : memref<2x4x32x128xf32, #tpu.memory_space<vmem>>[vector<16xi32>, vector<16xi32>, vector<16xi32>, vector<16xi32>], vector<16xf32>,
      %mul3A_1277 = arith.mulf %gather3A_1275, %gather3A_1276 : vector<16xf32>
      %add3A_1278 = arith.addf %add3A_1271, %mul3A_1277 : vector<16xf32>
      %reduce_sum3A_1279 = arith.constant true
      %reduce_sum3A_1280 = vector.broadcast %reduce_sum3A_1279 : i1 to vector<16xi1>
      %reduce_sum3A_1281 = tpu.scan <sum>, %add3A_1278 masked %reduce_sum3A_1280 : vector<16xf32>, vector<16xi1> -> vector<16xf32>
      %reduce_sum3A_1282 = vector.extract %reduce_sum3A_1281[15] : f32 from vector<16xf32>
      %eq3A_1283 = arith.constant 6 : i32
      %eq3A_1284 = vector.broadcast %eq3A_1283 : i32 to vector<16xi32>
      %eq3A_1285 = arith.cmpi eq, %iota3A, %eq3A_1284 : vector<16xi32>
      %broadcast_in_dim3A_1286 = vector.broadcast %reduce_sum3A_1282 : f32 to vector<16xf32>
      %select_n3A_1287 = arith.select %eq3A_1285, %broadcast_in_dim3A_1286, %select_n3A_1196 : vector<16xi1>, vector<16xf32>
      %slice3A_1288 = vector.extract_strided_slice %get3A_1008 {offsets = [3], sizes = [1], strides = [1]} : vector<16xi32> to vector<1xi32>
      %squeeze3A_1289 = vector.extract %slice3A_1288[0] : i32 from vector<1xi32>
      %slice3A_1290 = vector.extract_strided_slice %get3A_1012 {offsets = [3], sizes = [1], strides = [1]} : vector<16xi32> to vector<1xi32>
      %squeeze3A_1291 = vector.extract %slice3A_1290[0] : i32 from vector<1xi32>
      %broadcast_in_dim3A_1292 = arith.constant 3 : i32
      %broadcast_in_dim3A_1293 = vector.broadcast %broadcast_in_dim3A_1292 : i32 to vector<16xi32>
      %jit3A_1294 = arith.constant 128 : i32
      %div3A_1295 = arith.divsi %squeeze3A_1289, %jit3A_1294 : i32
      %sign3A_1296 = arith.constant 0 : i32
      %sign3A_1297 = arith.cmpi sgt, %squeeze3A_1289, %sign3A_1296 : i32
      %sign3A_1298 = arith.extui %sign3A_1297 : i1 to i32
      %sign3A_1299 = arith.constant 0 : i32
      %sign3A_1300 = arith.cmpi slt, %squeeze3A_1289, %sign3A_1299 : i32
      %sign3A_1301 = arith.extui %sign3A_1300 : i1 to i32
      %sign3A_1302 = arith.subi %sign3A_1298, %sign3A_1301 : i32
      %sign3A_1303 = arith.constant 0 : i32
      %sign3A_1304 = arith.cmpi sgt, %jit3A_1294, %sign3A_1303 : i32
      %sign3A_1305 = arith.extui %sign3A_1304 : i1 to i32
      %sign3A_1306 = arith.constant 0 : i32
      %sign3A_1307 = arith.cmpi slt, %jit3A_1294, %sign3A_1306 : i32
      %sign3A_1308 = arith.extui %sign3A_1307 : i1 to i32
      %sign3A_1309 = arith.subi %sign3A_1305, %sign3A_1308 : i32
      %ne3A_1310 = arith.cmpi ne, %sign3A_1302, %sign3A_1309 : i32
      %rem3A_1311 = arith.remsi %squeeze3A_1289, %jit3A_1294 : i32
      %ne3A_1312 = arith.constant 0 : i32
      %ne3A_1313 = arith.cmpi ne, %rem3A_1311, %ne3A_1312 : i32
      %and3A_1314 = arith.andi %ne3A_1310, %ne3A_1313 : i1
      %sub3A_1315 = arith.constant 1 : i32
      %sub3A_1316 = arith.subi %div3A_1295, %sub3A_1315 : i32
      %select_n3A_1317 = arith.select %and3A_1314, %sub3A_1316, %div3A_1295 : i32
      %mul3A_1318 = arith.constant 128 : i32
      %mul3A_1319 = arith.muli %select_n3A_1317, %mul3A_1318 : i32
      %min3A_1320 = arith.constant 999872 : i32
      %min3A_1321 = arith.minsi %mul3A_1319, %min3A_1320 : i32
      %sub3A_1322 = arith.subi %squeeze3A_1289, %min3A_1321 : i32
      %broadcast_in_dim3A_1323 = vector.broadcast %sub3A_1322 : i32 to vector<16xi32>
      %jit3A_1324 = arith.constant 128 : i32
      %div3A_1325 = arith.divsi %squeeze3A_1291, %jit3A_1324 : i32
      %sign3A_1326 = arith.constant 0 : i32
      %sign3A_1327 = arith.cmpi sgt, %squeeze3A_1291, %sign3A_1326 : i32
      %sign3A_1328 = arith.extui %sign3A_1327 : i1 to i32
      %sign3A_1329 = arith.constant 0 : i32
      %sign3A_1330 = arith.cmpi slt, %squeeze3A_1291, %sign3A_1329 : i32
      %sign3A_1331 = arith.extui %sign3A_1330 : i1 to i32
      %sign3A_1332 = arith.subi %sign3A_1328, %sign3A_1331 : i32
      %sign3A_1333 = arith.constant 0 : i32
      %sign3A_1334 = arith.cmpi sgt, %jit3A_1324, %sign3A_1333 : i32
      %sign3A_1335 = arith.extui %sign3A_1334 : i1 to i32
      %sign3A_1336 = arith.constant 0 : i32
      %sign3A_1337 = arith.cmpi slt, %jit3A_1324, %sign3A_1336 : i32
      %sign3A_1338 = arith.extui %sign3A_1337 : i1 to i32
      %sign3A_1339 = arith.subi %sign3A_1335, %sign3A_1338 : i32
      %ne3A_1340 = arith.cmpi ne, %sign3A_1332, %sign3A_1339 : i32
      %rem3A_1341 = arith.remsi %squeeze3A_1291, %jit3A_1324 : i32
      %ne3A_1342 = arith.constant 0 : i32
      %ne3A_1343 = arith.cmpi ne, %rem3A_1341, %ne3A_1342 : i32
      %and3A_1344 = arith.andi %ne3A_1340, %ne3A_1343 : i1
      %sub3A_1345 = arith.constant 1 : i32
      %sub3A_1346 = arith.subi %div3A_1325, %sub3A_1345 : i32
      %select_n3A_1347 = arith.select %and3A_1344, %sub3A_1346, %div3A_1325 : i32
      %mul3A_1348 = arith.constant 128 : i32
      %mul3A_1349 = arith.muli %select_n3A_1347, %mul3A_1348 : i32
      %min3A_1350 = arith.constant 999872 : i32
      %min3A_1351 = arith.minsi %mul3A_1349, %min3A_1350 : i32
      %sub3A_1352 = arith.subi %squeeze3A_1291, %min3A_1351 : i32
      %broadcast_in_dim3A_1353 = vector.broadcast %sub3A_1352 : i32 to vector<16xi32>
      %broadcast_in_dim3A_1354 = arith.constant 0.000000e+00 : f32
      %broadcast_in_dim3A_1355 = vector.broadcast %broadcast_in_dim3A_1354 : f32 to vector<16xf32>
      %add3A_1356 = arith.constant 0 : i32
      %add3A_1357 = vector.broadcast %add3A_1356 : i32 to vector<16xi32>
      %add3A_1358 = arith.addi %iota3A, %add3A_1357 : vector<16xi32>
      %gather3A_1359 = tpu.vector_load_idx %arg9[%broadcast_in_dim3A_1014, %broadcast_in_dim3A_1293, %add3A_1358, %broadcast_in_dim3A_1323] : memref<2x4x32x128xf32, #tpu.memory_space<vmem>>[vector<16xi32>, vector<16xi32>, vector<16xi32>, vector<16xi32>], vector<16xf32>,
      %gather3A_1360 = tpu.vector_load_idx %arg10[%broadcast_in_dim3A_1014, %broadcast_in_dim3A_1293, %add3A_1358, %broadcast_in_dim3A_1353] : memref<2x4x32x128xf32, #tpu.memory_space<vmem>>[vector<16xi32>, vector<16xi32>, vector<16xi32>, vector<16xi32>], vector<16xf32>,
      %mul3A_1361 = arith.mulf %gather3A_1359, %gather3A_1360 : vector<16xf32>
      %add3A_1362 = arith.addf %broadcast_in_dim3A_1355, %mul3A_1361 : vector<16xf32>
      %add3A_1363 = arith.constant 16 : i32
      %add3A_1364 = vector.broadcast %add3A_1363 : i32 to vector<16xi32>
      %add3A_1365 = arith.addi %iota3A, %add3A_1364 : vector<16xi32>
      %gather3A_1366 = tpu.vector_load_idx %arg9[%broadcast_in_dim3A_1014, %broadcast_in_dim3A_1293, %add3A_1365, %broadcast_in_dim3A_1323] : memref<2x4x32x128xf32, #tpu.memory_space<vmem>>[vector<16xi32>, vector<16xi32>, vector<16xi32>, vector<16xi32>], vector<16xf32>,
      %gather3A_1367 = tpu.vector_load_idx %arg10[%broadcast_in_dim3A_1014, %broadcast_in_dim3A_1293, %add3A_1365, %broadcast_in_dim3A_1353] : memref<2x4x32x128xf32, #tpu.memory_space<vmem>>[vector<16xi32>, vector<16xi32>, vector<16xi32>, vector<16xi32>], vector<16xf32>,
      %mul3A_1368 = arith.mulf %gather3A_1366, %gather3A_1367 : vector<16xf32>
      %add3A_1369 = arith.addf %add3A_1362, %mul3A_1368 : vector<16xf32>
      %reduce_sum3A_1370 = arith.constant true
      %reduce_sum3A_1371 = vector.broadcast %reduce_sum3A_1370 : i1 to vector<16xi1>
      %reduce_sum3A_1372 = tpu.scan <sum>, %add3A_1369 masked %reduce_sum3A_1371 : vector<16xf32>, vector<16xi1> -> vector<16xf32>
      %reduce_sum3A_1373 = vector.extract %reduce_sum3A_1372[15] : f32 from vector<16xf32>
      %eq3A_1374 = arith.constant 7 : i32
      %eq3A_1375 = vector.broadcast %eq3A_1374 : i32 to vector<16xi32>
      %eq3A_1376 = arith.cmpi eq, %iota3A, %eq3A_1375 : vector<16xi32>
      %broadcast_in_dim3A_1377 = vector.broadcast %reduce_sum3A_1373 : f32 to vector<16xf32>
      %select_n3A_1378 = arith.select %eq3A_1376, %broadcast_in_dim3A_1377, %select_n3A_1287 : vector<16xi1>, vector<16xf32>
      %mul3A_1379 = arith.constant 4 : i32
      %mul3A_1380 = arith.muli %scan3A_358, %mul3A_1379 : i32
      %add3A_1381 = arith.constant 2 : i32
      %add3A_1382 = arith.addi %mul3A_1380, %add3A_1381 : i32
      %add3A_1383 = arith.constant 1 : i32
      %add3A_1384 = arith.addi %add3A_1382, %add3A_1383 : i32
      %lt3A_1385 = arith.constant 128 : i32
      %lt3A_1386 = arith.cmpi slt, %add3A_1384, %lt3A_1385 : i32
      %convert_element_type3A_1387 = arith.extui %lt3A_1386 : i1 to i32
      %cond3A_1388 = arith.constant 0 : i32
      %cond3A_1389 = arith.cmpi ne, %convert_element_type3A_1387, %cond3A_1388 : i32
      scf.if %cond3A_1389 {
        %add3A_2408 = arith.constant 1 : i32
        %add3A_2409 = arith.addi %add3A_1382, %add3A_2408 : i32
        %mul3A_2410 = arith.constant 4 : i32
        %mul3A_2411 = arith.muli %add3A_2409, %mul3A_2410 : i32
        %get3A_2412 = arith.index_cast %mul3A_2411 : i32 to index
        %get3A_2413 = tpu.vector_load %arg7[%get3A_2412] {strides = array<i32>} : memref<528xi32, #tpu.memory_space<vmem>>, vector<16xi32>,
        %mul3A_2414 = arith.constant 4 : i32
        %mul3A_2415 = arith.muli %add3A_2409, %mul3A_2414 : i32
        %get3A_2416 = arith.index_cast %mul3A_2415 : i32 to index
        %get3A_2417 = tpu.vector_load %arg8[%get3A_2416] {strides = array<i32>} : memref<528xi32, #tpu.memory_space<vmem>>, vector<16xi32>,
        %slice3A_2418 = vector.extract_strided_slice %get3A_2413 {offsets = [0], sizes = [1], strides = [1]} : vector<16xi32> to vector<1xi32>
        %squeeze3A_2419 = vector.extract %slice3A_2418[0] : i32 from vector<1xi32>
        %slice3A_2420 = vector.extract_strided_slice %get3A_2417 {offsets = [0], sizes = [1], strides = [1]} : vector<16xi32> to vector<1xi32>
        %squeeze3A_2421 = vector.extract %slice3A_2420[0] : i32 from vector<1xi32>
        %jit3A_2422 = arith.constant 128 : i32
        %div3A_2423 = arith.divsi %squeeze3A_2419, %jit3A_2422 : i32
        %sign3A_2424 = arith.constant 0 : i32
        %sign3A_2425 = arith.cmpi sgt, %squeeze3A_2419, %sign3A_2424 : i32
        %sign3A_2426 = arith.extui %sign3A_2425 : i1 to i32
        %sign3A_2427 = arith.constant 0 : i32
        %sign3A_2428 = arith.cmpi slt, %squeeze3A_2419, %sign3A_2427 : i32
        %sign3A_2429 = arith.extui %sign3A_2428 : i1 to i32
        %sign3A_2430 = arith.subi %sign3A_2426, %sign3A_2429 : i32
        %sign3A_2431 = arith.constant 0 : i32
        %sign3A_2432 = arith.cmpi sgt, %jit3A_2422, %sign3A_2431 : i32
        %sign3A_2433 = arith.extui %sign3A_2432 : i1 to i32
        %sign3A_2434 = arith.constant 0 : i32
        %sign3A_2435 = arith.cmpi slt, %jit3A_2422, %sign3A_2434 : i32
        %sign3A_2436 = arith.extui %sign3A_2435 : i1 to i32
        %sign3A_2437 = arith.subi %sign3A_2433, %sign3A_2436 : i32
        %ne3A_2438 = arith.cmpi ne, %sign3A_2430, %sign3A_2437 : i32
        %rem3A_2439 = arith.remsi %squeeze3A_2419, %jit3A_2422 : i32
        %ne3A_2440 = arith.constant 0 : i32
        %ne3A_2441 = arith.cmpi ne, %rem3A_2439, %ne3A_2440 : i32
        %and3A_2442 = arith.andi %ne3A_2438, %ne3A_2441 : i1
        %sub3A_2443 = arith.constant 1 : i32
        %sub3A_2444 = arith.subi %div3A_2423, %sub3A_2443 : i32
        %select_n3A_2445 = arith.select %and3A_2442, %sub3A_2444, %div3A_2423 : i32
        %mul3A_2446 = arith.constant 128 : i32
        %mul3A_2447 = arith.muli %select_n3A_2445, %mul3A_2446 : i32
        %min3A_2448 = arith.constant 999872 : i32
        %min3A_2449 = arith.minsi %mul3A_2447, %min3A_2448 : i32
        %multiple_of3A_2450 = tpu.assume_multiple %min3A_2449, 128 : i32
        %jit3A_2451 = arith.constant 128 : i32
        %div3A_2452 = arith.divsi %squeeze3A_2421, %jit3A_2451 : i32
        %sign3A_2453 = arith.constant 0 : i32
        %sign3A_2454 = arith.cmpi sgt, %squeeze3A_2421, %sign3A_2453 : i32
        %sign3A_2455 = arith.extui %sign3A_2454 : i1 to i32
        %sign3A_2456 = arith.constant 0 : i32
        %sign3A_2457 = arith.cmpi slt, %squeeze3A_2421, %sign3A_2456 : i32
        %sign3A_2458 = arith.extui %sign3A_2457 : i1 to i32
        %sign3A_2459 = arith.subi %sign3A_2455, %sign3A_2458 : i32
        %sign3A_2460 = arith.constant 0 : i32
        %sign3A_2461 = arith.cmpi sgt, %jit3A_2451, %sign3A_2460 : i32
        %sign3A_2462 = arith.extui %sign3A_2461 : i1 to i32
        %sign3A_2463 = arith.constant 0 : i32
        %sign3A_2464 = arith.cmpi slt, %jit3A_2451, %sign3A_2463 : i32
        %sign3A_2465 = arith.extui %sign3A_2464 : i1 to i32
        %sign3A_2466 = arith.subi %sign3A_2462, %sign3A_2465 : i32
        %ne3A_2467 = arith.cmpi ne, %sign3A_2459, %sign3A_2466 : i32
        %rem3A_2468 = arith.remsi %squeeze3A_2421, %jit3A_2451 : i32
        %ne3A_2469 = arith.constant 0 : i32
        %ne3A_2470 = arith.cmpi ne, %rem3A_2468, %ne3A_2469 : i32
        %and3A_2471 = arith.andi %ne3A_2467, %ne3A_2470 : i1
        %sub3A_2472 = arith.constant 1 : i32
        %sub3A_2473 = arith.subi %div3A_2452, %sub3A_2472 : i32
        %select_n3A_2474 = arith.select %and3A_2471, %sub3A_2473, %div3A_2452 : i32
        %mul3A_2475 = arith.constant 128 : i32
        %mul3A_2476 = arith.muli %select_n3A_2474, %mul3A_2475 : i32
        %min3A_2477 = arith.constant 999872 : i32
        %min3A_2478 = arith.minsi %mul3A_2476, %min3A_2477 : i32
        %multiple_of3A_2479 = tpu.assume_multiple %min3A_2478, 128 : i32
        %dma_start3A_2480 = arith.constant 1 : i32
        %dma_start3A_2481 = arith.constant 0 : i32
        %dma_start3A_2482 = arith.constant 0 : i32
        %dma_start3A_2483 = arith.constant 0 : i32
        %dma_start3A_2484 = tpu.memref_slice %arg9[%dma_start3A_2480, %dma_start3A_2481, %dma_start3A_2482, %dma_start3A_2483] : memref<2x4x32x128xf32, #tpu.memory_space<vmem>> -> memref<1x1x32x128xf32, #tpu.memory_space<vmem>>
        %dma_start3A_2485 = tpu.memref_squeeze %dma_start3A_2484 : memref<1x1x32x128xf32, #tpu.memory_space<vmem>> -> memref<32x128xf32, #tpu.memory_space<vmem>>
        %dma_start3A_2486 = arith.constant 0 : i32
        %dma_start3A_2487 = tpu.memref_slice %arg4[%dma_start3A_2486, %multiple_of3A_2450] : memref<32x1000000xf32, #tpu.memory_space<hbm>> -> memref<32x128xf32, #tpu.memory_space<hbm>>
        %dma_start3A_2488 = arith.constant 0 : i32
        %dma_start3A_2489 = arith.constant 0 : i32
        %dma_start3A_2490 = tpu.memref_slice %arg9[%dma_start3A_2480, %dma_start3A_2481, %dma_start3A_2488, %dma_start3A_2489] : memref<2x4x32x128xf32, #tpu.memory_space<vmem>> -> memref<1x1x32x128xf32, #tpu.memory_space<vmem>>
        %dma_start3A_2491 = tpu.memref_squeeze %dma_start3A_2490 : memref<1x1x32x128xf32, #tpu.memory_space<vmem>> -> memref<32x128xf32, #tpu.memory_space<vmem>>
        %dma_start3A_2492 = arith.constant 0 : i32
        %dma_start3A_2493 = tpu.memref_slice %arg4[%dma_start3A_2492, %multiple_of3A_2450] : memref<32x1000000xf32, #tpu.memory_space<hbm>> -> memref<32x128xf32, #tpu.memory_space<hbm>>
        tpu.enqueue_dma source(%dma_start3A_2493 : memref<32x128xf32, #tpu.memory_space<hbm>>) target(%dma_start3A_2491 : memref<32x128xf32, #tpu.memory_space<vmem>>) target_semaphore(%arg13 : memref<!tpu.dma_semaphore, #tpu.memory_space<semaphore_mem>>)
        %dma_start3A_2494 = arith.constant 1 : i32
        %dma_start3A_2495 = arith.constant 0 : i32
        %dma_start3A_2496 = arith.constant 0 : i32
        %dma_start3A_2497 = arith.constant 0 : i32
        %dma_start3A_2498 = tpu.memref_slice %arg10[%dma_start3A_2494, %dma_start3A_2495, %dma_start3A_2496, %dma_start3A_2497] : memref<2x4x32x128xf32, #tpu.memory_space<vmem>> -> memref<1x1x32x128xf32, #tpu.memory_space<vmem>>
        %dma_start3A_2499 = tpu.memref_squeeze %dma_start3A_2498 : memref<1x1x32x128xf32, #tpu.memory_space<vmem>> -> memref<32x128xf32, #tpu.memory_space<vmem>>
        %dma_start3A_2500 = arith.constant 0 : i32
        %dma_start3A_2501 = tpu.memref_slice %arg5[%dma_start3A_2500, %multiple_of3A_2479] : memref<32x1000000xf32, #tpu.memory_space<hbm>> -> memref<32x128xf32, #tpu.memory_space<hbm>>
        %dma_start3A_2502 = arith.constant 0 : i32
        %dma_start3A_2503 = arith.constant 0 : i32
        %dma_start3A_2504 = tpu.memref_slice %arg10[%dma_start3A_2494, %dma_start3A_2495, %dma_start3A_2502, %dma_start3A_2503] : memref<2x4x32x128xf32, #tpu.memory_space<vmem>> -> memref<1x1x32x128xf32, #tpu.memory_space<vmem>>
        %dma_start3A_2505 = tpu.memref_squeeze %dma_start3A_2504 : memref<1x1x32x128xf32, #tpu.memory_space<vmem>> -> memref<32x128xf32, #tpu.memory_space<vmem>>
        %dma_start3A_2506 = arith.constant 0 : i32
        %dma_start3A_2507 = tpu.memref_slice %arg5[%dma_start3A_2506, %multiple_of3A_2479] : memref<32x1000000xf32, #tpu.memory_space<hbm>> -> memref<32x128xf32, #tpu.memory_space<hbm>>
        tpu.enqueue_dma source(%dma_start3A_2507 : memref<32x128xf32, #tpu.memory_space<hbm>>) target(%dma_start3A_2505 : memref<32x128xf32, #tpu.memory_space<vmem>>) target_semaphore(%arg13 : memref<!tpu.dma_semaphore, #tpu.memory_space<semaphore_mem>>)
        %slice3A_2508 = vector.extract_strided_slice %get3A_2413 {offsets = [1], sizes = [1], strides = [1]} : vector<16xi32> to vector<1xi32>
        %squeeze3A_2509 = vector.extract %slice3A_2508[0] : i32 from vector<1xi32>
        %slice3A_2510 = vector.extract_strided_slice %get3A_2417 {offsets = [1], sizes = [1], strides = [1]} : vector<16xi32> to vector<1xi32>
        %squeeze3A_2511 = vector.extract %slice3A_2510[0] : i32 from vector<1xi32>
        %jit3A_2512 = arith.constant 128 : i32
        %div3A_2513 = arith.divsi %squeeze3A_2509, %jit3A_2512 : i32
        %sign3A_2514 = arith.constant 0 : i32
        %sign3A_2515 = arith.cmpi sgt, %squeeze3A_2509, %sign3A_2514 : i32
        %sign3A_2516 = arith.extui %sign3A_2515 : i1 to i32
        %sign3A_2517 = arith.constant 0 : i32
        %sign3A_2518 = arith.cmpi slt, %squeeze3A_2509, %sign3A_2517 : i32
        %sign3A_2519 = arith.extui %sign3A_2518 : i1 to i32
        %sign3A_2520 = arith.subi %sign3A_2516, %sign3A_2519 : i32
        %sign3A_2521 = arith.constant 0 : i32
        %sign3A_2522 = arith.cmpi sgt, %jit3A_2512, %sign3A_2521 : i32
        %sign3A_2523 = arith.extui %sign3A_2522 : i1 to i32
        %sign3A_2524 = arith.constant 0 : i32
        %sign3A_2525 = arith.cmpi slt, %jit3A_2512, %sign3A_2524 : i32
        %sign3A_2526 = arith.extui %sign3A_2525 : i1 to i32
        %sign3A_2527 = arith.subi %sign3A_2523, %sign3A_2526 : i32
        %ne3A_2528 = arith.cmpi ne, %sign3A_2520, %sign3A_2527 : i32
        %rem3A_2529 = arith.remsi %squeeze3A_2509, %jit3A_2512 : i32
        %ne3A_2530 = arith.constant 0 : i32
        %ne3A_2531 = arith.cmpi ne, %rem3A_2529, %ne3A_2530 : i32
        %and3A_2532 = arith.andi %ne3A_2528, %ne3A_2531 : i1
        %sub3A_2533 = arith.constant 1 : i32
        %sub3A_2534 = arith.subi %div3A_2513, %sub3A_2533 : i32
        %select_n3A_2535 = arith.select %and3A_2532, %sub3A_2534, %div3A_2513 : i32
        %mul3A_2536 = arith.constant 128 : i32
        %mul3A_2537 = arith.muli %select_n3A_2535, %mul3A_2536 : i32
        %min3A_2538 = arith.constant 999872 : i32
        %min3A_2539 = arith.minsi %mul3A_2537, %min3A_2538 : i32
        %multiple_of3A_2540 = tpu.assume_multiple %min3A_2539, 128 : i32
        %jit3A_2541 = arith.constant 128 : i32
        %div3A_2542 = arith.divsi %squeeze3A_2511, %jit3A_2541 : i32
        %sign3A_2543 = arith.constant 0 : i32
        %sign3A_2544 = arith.cmpi sgt, %squeeze3A_2511, %sign3A_2543 : i32
        %sign3A_2545 = arith.extui %sign3A_2544 : i1 to i32
        %sign3A_2546 = arith.constant 0 : i32
        %sign3A_2547 = arith.cmpi slt, %squeeze3A_2511, %sign3A_2546 : i32
        %sign3A_2548 = arith.extui %sign3A_2547 : i1 to i32
        %sign3A_2549 = arith.subi %sign3A_2545, %sign3A_2548 : i32
        %sign3A_2550 = arith.constant 0 : i32
        %sign3A_2551 = arith.cmpi sgt, %jit3A_2541, %sign3A_2550 : i32
        %sign3A_2552 = arith.extui %sign3A_2551 : i1 to i32
        %sign3A_2553 = arith.constant 0 : i32
        %sign3A_2554 = arith.cmpi slt, %jit3A_2541, %sign3A_2553 : i32
        %sign3A_2555 = arith.extui %sign3A_2554 : i1 to i32
        %sign3A_2556 = arith.subi %sign3A_2552, %sign3A_2555 : i32
        %ne3A_2557 = arith.cmpi ne, %sign3A_2549, %sign3A_2556 : i32
        %rem3A_2558 = arith.remsi %squeeze3A_2511, %jit3A_2541 : i32
        %ne3A_2559 = arith.constant 0 : i32
        %ne3A_2560 = arith.cmpi ne, %rem3A_2558, %ne3A_2559 : i32
        %and3A_2561 = arith.andi %ne3A_2557, %ne3A_2560 : i1
        %sub3A_2562 = arith.constant 1 : i32
        %sub3A_2563 = arith.subi %div3A_2542, %sub3A_2562 : i32
        %select_n3A_2564 = arith.select %and3A_2561, %sub3A_2563, %div3A_2542 : i32
        %mul3A_2565 = arith.constant 128 : i32
        %mul3A_2566 = arith.muli %select_n3A_2564, %mul3A_2565 : i32
        %min3A_2567 = arith.constant 999872 : i32
        %min3A_2568 = arith.minsi %mul3A_2566, %min3A_2567 : i32
        %multiple_of3A_2569 = tpu.assume_multiple %min3A_2568, 128 : i32
        %dma_start3A_2570 = arith.constant 1 : i32
        %dma_start3A_2571 = arith.constant 1 : i32
        %dma_start3A_2572 = arith.constant 0 : i32
        %dma_start3A_2573 = arith.constant 0 : i32
        %dma_start3A_2574 = tpu.memref_slice %arg9[%dma_start3A_2570, %dma_start3A_2571, %dma_start3A_2572, %dma_start3A_2573] : memref<2x4x32x128xf32, #tpu.memory_space<vmem>> -> memref<1x1x32x128xf32, #tpu.memory_space<vmem>>
        %dma_start3A_2575 = tpu.memref_squeeze %dma_start3A_2574 : memref<1x1x32x128xf32, #tpu.memory_space<vmem>> -> memref<32x128xf32, #tpu.memory_space<vmem>>
        %dma_start3A_2576 = arith.constant 0 : i32
        %dma_start3A_2577 = tpu.memref_slice %arg4[%dma_start3A_2576, %multiple_of3A_2540] : memref<32x1000000xf32, #tpu.memory_space<hbm>> -> memref<32x128xf32, #tpu.memory_space<hbm>>
        %dma_start3A_2578 = arith.constant 0 : i32
        %dma_start3A_2579 = arith.constant 0 : i32
        %dma_start3A_2580 = tpu.memref_slice %arg9[%dma_start3A_2570, %dma_start3A_2571, %dma_start3A_2578, %dma_start3A_2579] : memref<2x4x32x128xf32, #tpu.memory_space<vmem>> -> memref<1x1x32x128xf32, #tpu.memory_space<vmem>>
        %dma_start3A_2581 = tpu.memref_squeeze %dma_start3A_2580 : memref<1x1x32x128xf32, #tpu.memory_space<vmem>> -> memref<32x128xf32, #tpu.memory_space<vmem>>
        %dma_start3A_2582 = arith.constant 0 : i32
        %dma_start3A_2583 = tpu.memref_slice %arg4[%dma_start3A_2582, %multiple_of3A_2540] : memref<32x1000000xf32, #tpu.memory_space<hbm>> -> memref<32x128xf32, #tpu.memory_space<hbm>>
        tpu.enqueue_dma source(%dma_start3A_2583 : memref<32x128xf32, #tpu.memory_space<hbm>>) target(%dma_start3A_2581 : memref<32x128xf32, #tpu.memory_space<vmem>>) target_semaphore(%arg13 : memref<!tpu.dma_semaphore, #tpu.memory_space<semaphore_mem>>)
        %dma_start3A_2584 = arith.constant 1 : i32
        %dma_start3A_2585 = arith.constant 1 : i32
        %dma_start3A_2586 = arith.constant 0 : i32
        %dma_start3A_2587 = arith.constant 0 : i32
        %dma_start3A_2588 = tpu.memref_slice %arg10[%dma_start3A_2584, %dma_start3A_2585, %dma_start3A_2586, %dma_start3A_2587] : memref<2x4x32x128xf32, #tpu.memory_space<vmem>> -> memref<1x1x32x128xf32, #tpu.memory_space<vmem>>
        %dma_start3A_2589 = tpu.memref_squeeze %dma_start3A_2588 : memref<1x1x32x128xf32, #tpu.memory_space<vmem>> -> memref<32x128xf32, #tpu.memory_space<vmem>>
        %dma_start3A_2590 = arith.constant 0 : i32
        %dma_start3A_2591 = tpu.memref_slice %arg5[%dma_start3A_2590, %multiple_of3A_2569] : memref<32x1000000xf32, #tpu.memory_space<hbm>> -> memref<32x128xf32, #tpu.memory_space<hbm>>
        %dma_start3A_2592 = arith.constant 0 : i32
        %dma_start3A_2593 = arith.constant 0 : i32
        %dma_start3A_2594 = tpu.memref_slice %arg10[%dma_start3A_2584, %dma_start3A_2585, %dma_start3A_2592, %dma_start3A_2593] : memref<2x4x32x128xf32, #tpu.memory_space<vmem>> -> memref<1x1x32x128xf32, #tpu.memory_space<vmem>>
        %dma_start3A_2595 = tpu.memref_squeeze %dma_start3A_2594 : memref<1x1x32x128xf32, #tpu.memory_space<vmem>> -> memref<32x128xf32, #tpu.memory_space<vmem>>
        %dma_start3A_2596 = arith.constant 0 : i32
        %dma_start3A_2597 = tpu.memref_slice %arg5[%dma_start3A_2596, %multiple_of3A_2569] : memref<32x1000000xf32, #tpu.memory_space<hbm>> -> memref<32x128xf32, #tpu.memory_space<hbm>>
        tpu.enqueue_dma source(%dma_start3A_2597 : memref<32x128xf32, #tpu.memory_space<hbm>>) target(%dma_start3A_2595 : memref<32x128xf32, #tpu.memory_space<vmem>>) target_semaphore(%arg13 : memref<!tpu.dma_semaphore, #tpu.memory_space<semaphore_mem>>)
        %slice3A_2598 = vector.extract_strided_slice %get3A_2413 {offsets = [2], sizes = [1], strides = [1]} : vector<16xi32> to vector<1xi32>
        %squeeze3A_2599 = vector.extract %slice3A_2598[0] : i32 from vector<1xi32>
        %slice3A_2600 = vector.extract_strided_slice %get3A_2417 {offsets = [2], sizes = [1], strides = [1]} : vector<16xi32> to vector<1xi32>
        %squeeze3A_2601 = vector.extract %slice3A_2600[0] : i32 from vector<1xi32>
        %jit3A_2602 = arith.constant 128 : i32
        %div3A_2603 = arith.divsi %squeeze3A_2599, %jit3A_2602 : i32
        %sign3A_2604 = arith.constant 0 : i32
        %sign3A_2605 = arith.cmpi sgt, %squeeze3A_2599, %sign3A_2604 : i32
        %sign3A_2606 = arith.extui %sign3A_2605 : i1 to i32
        %sign3A_2607 = arith.constant 0 : i32
        %sign3A_2608 = arith.cmpi slt, %squeeze3A_2599, %sign3A_2607 : i32
        %sign3A_2609 = arith.extui %sign3A_2608 : i1 to i32
        %sign3A_2610 = arith.subi %sign3A_2606, %sign3A_2609 : i32
        %sign3A_2611 = arith.constant 0 : i32
        %sign3A_2612 = arith.cmpi sgt, %jit3A_2602, %sign3A_2611 : i32
        %sign3A_2613 = arith.extui %sign3A_2612 : i1 to i32
        %sign3A_2614 = arith.constant 0 : i32
        %sign3A_2615 = arith.cmpi slt, %jit3A_2602, %sign3A_2614 : i32
        %sign3A_2616 = arith.extui %sign3A_2615 : i1 to i32
        %sign3A_2617 = arith.subi %sign3A_2613, %sign3A_2616 : i32
        %ne3A_2618 = arith.cmpi ne, %sign3A_2610, %sign3A_2617 : i32
        %rem3A_2619 = arith.remsi %squeeze3A_2599, %jit3A_2602 : i32
        %ne3A_2620 = arith.constant 0 : i32
        %ne3A_2621 = arith.cmpi ne, %rem3A_2619, %ne3A_2620 : i32
        %and3A_2622 = arith.andi %ne3A_2618, %ne3A_2621 : i1
        %sub3A_2623 = arith.constant 1 : i32
        %sub3A_2624 = arith.subi %div3A_2603, %sub3A_2623 : i32
        %select_n3A_2625 = arith.select %and3A_2622, %sub3A_2624, %div3A_2603 : i32
        %mul3A_2626 = arith.constant 128 : i32
        %mul3A_2627 = arith.muli %select_n3A_2625, %mul3A_2626 : i32
        %min3A_2628 = arith.constant 999872 : i32
        %min3A_2629 = arith.minsi %mul3A_2627, %min3A_2628 : i32
        %multiple_of3A_2630 = tpu.assume_multiple %min3A_2629, 128 : i32
        %jit3A_2631 = arith.constant 128 : i32
        %div3A_2632 = arith.divsi %squeeze3A_2601, %jit3A_2631 : i32
        %sign3A_2633 = arith.constant 0 : i32
        %sign3A_2634 = arith.cmpi sgt, %squeeze3A_2601, %sign3A_2633 : i32
        %sign3A_2635 = arith.extui %sign3A_2634 : i1 to i32
        %sign3A_2636 = arith.constant 0 : i32
        %sign3A_2637 = arith.cmpi slt, %squeeze3A_2601, %sign3A_2636 : i32
        %sign3A_2638 = arith.extui %sign3A_2637 : i1 to i32
        %sign3A_2639 = arith.subi %sign3A_2635, %sign3A_2638 : i32
        %sign3A_2640 = arith.constant 0 : i32
        %sign3A_2641 = arith.cmpi sgt, %jit3A_2631, %sign3A_2640 : i32
        %sign3A_2642 = arith.extui %sign3A_2641 : i1 to i32
        %sign3A_2643 = arith.constant 0 : i32
        %sign3A_2644 = arith.cmpi slt, %jit3A_2631, %sign3A_2643 : i32
        %sign3A_2645 = arith.extui %sign3A_2644 : i1 to i32
        %sign3A_2646 = arith.subi %sign3A_2642, %sign3A_2645 : i32
        %ne3A_2647 = arith.cmpi ne, %sign3A_2639, %sign3A_2646 : i32
        %rem3A_2648 = arith.remsi %squeeze3A_2601, %jit3A_2631 : i32
        %ne3A_2649 = arith.constant 0 : i32
        %ne3A_2650 = arith.cmpi ne, %rem3A_2648, %ne3A_2649 : i32
        %and3A_2651 = arith.andi %ne3A_2647, %ne3A_2650 : i1
        %sub3A_2652 = arith.constant 1 : i32
        %sub3A_2653 = arith.subi %div3A_2632, %sub3A_2652 : i32
        %select_n3A_2654 = arith.select %and3A_2651, %sub3A_2653, %div3A_2632 : i32
        %mul3A_2655 = arith.constant 128 : i32
        %mul3A_2656 = arith.muli %select_n3A_2654, %mul3A_2655 : i32
        %min3A_2657 = arith.constant 999872 : i32
        %min3A_2658 = arith.minsi %mul3A_2656, %min3A_2657 : i32
        %multiple_of3A_2659 = tpu.assume_multiple %min3A_2658, 128 : i32
        %dma_start3A_2660 = arith.constant 1 : i32
        %dma_start3A_2661 = arith.constant 2 : i32
        %dma_start3A_2662 = arith.constant 0 : i32
        %dma_start3A_2663 = arith.constant 0 : i32
        %dma_start3A_2664 = tpu.memref_slice %arg9[%dma_start3A_2660, %dma_start3A_2661, %dma_start3A_2662, %dma_start3A_2663] : memref<2x4x32x128xf32, #tpu.memory_space<vmem>> -> memref<1x1x32x128xf32, #tpu.memory_space<vmem>>
        %dma_start3A_2665 = tpu.memref_squeeze %dma_start3A_2664 : memref<1x1x32x128xf32, #tpu.memory_space<vmem>> -> memref<32x128xf32, #tpu.memory_space<vmem>>
        %dma_start3A_2666 = arith.constant 0 : i32
        %dma_start3A_2667 = tpu.memref_slice %arg4[%dma_start3A_2666, %multiple_of3A_2630] : memref<32x1000000xf32, #tpu.memory_space<hbm>> -> memref<32x128xf32, #tpu.memory_space<hbm>>
        %dma_start3A_2668 = arith.constant 0 : i32
        %dma_start3A_2669 = arith.constant 0 : i32
        %dma_start3A_2670 = tpu.memref_slice %arg9[%dma_start3A_2660, %dma_start3A_2661, %dma_start3A_2668, %dma_start3A_2669] : memref<2x4x32x128xf32, #tpu.memory_space<vmem>> -> memref<1x1x32x128xf32, #tpu.memory_space<vmem>>
        %dma_start3A_2671 = tpu.memref_squeeze %dma_start3A_2670 : memref<1x1x32x128xf32, #tpu.memory_space<vmem>> -> memref<32x128xf32, #tpu.memory_space<vmem>>
        %dma_start3A_2672 = arith.constant 0 : i32
        %dma_start3A_2673 = tpu.memref_slice %arg4[%dma_start3A_2672, %multiple_of3A_2630] : memref<32x1000000xf32, #tpu.memory_space<hbm>> -> memref<32x128xf32, #tpu.memory_space<hbm>>
        tpu.enqueue_dma source(%dma_start3A_2673 : memref<32x128xf32, #tpu.memory_space<hbm>>) target(%dma_start3A_2671 : memref<32x128xf32, #tpu.memory_space<vmem>>) target_semaphore(%arg13 : memref<!tpu.dma_semaphore, #tpu.memory_space<semaphore_mem>>)
        %dma_start3A_2674 = arith.constant 1 : i32
        %dma_start3A_2675 = arith.constant 2 : i32
        %dma_start3A_2676 = arith.constant 0 : i32
        %dma_start3A_2677 = arith.constant 0 : i32
        %dma_start3A_2678 = tpu.memref_slice %arg10[%dma_start3A_2674, %dma_start3A_2675, %dma_start3A_2676, %dma_start3A_2677] : memref<2x4x32x128xf32, #tpu.memory_space<vmem>> -> memref<1x1x32x128xf32, #tpu.memory_space<vmem>>
        %dma_start3A_2679 = tpu.memref_squeeze %dma_start3A_2678 : memref<1x1x32x128xf32, #tpu.memory_space<vmem>> -> memref<32x128xf32, #tpu.memory_space<vmem>>
        %dma_start3A_2680 = arith.constant 0 : i32
        %dma_start3A_2681 = tpu.memref_slice %arg5[%dma_start3A_2680, %multiple_of3A_2659] : memref<32x1000000xf32, #tpu.memory_space<hbm>> -> memref<32x128xf32, #tpu.memory_space<hbm>>
        %dma_start3A_2682 = arith.constant 0 : i32
        %dma_start3A_2683 = arith.constant 0 : i32
        %dma_start3A_2684 = tpu.memref_slice %arg10[%dma_start3A_2674, %dma_start3A_2675, %dma_start3A_2682, %dma_start3A_2683] : memref<2x4x32x128xf32, #tpu.memory_space<vmem>> -> memref<1x1x32x128xf32, #tpu.memory_space<vmem>>
        %dma_start3A_2685 = tpu.memref_squeeze %dma_start3A_2684 : memref<1x1x32x128xf32, #tpu.memory_space<vmem>> -> memref<32x128xf32, #tpu.memory_space<vmem>>
        %dma_start3A_2686 = arith.constant 0 : i32
        %dma_start3A_2687 = tpu.memref_slice %arg5[%dma_start3A_2686, %multiple_of3A_2659] : memref<32x1000000xf32, #tpu.memory_space<hbm>> -> memref<32x128xf32, #tpu.memory_space<hbm>>
        tpu.enqueue_dma source(%dma_start3A_2687 : memref<32x128xf32, #tpu.memory_space<hbm>>) target(%dma_start3A_2685 : memref<32x128xf32, #tpu.memory_space<vmem>>) target_semaphore(%arg13 : memref<!tpu.dma_semaphore, #tpu.memory_space<semaphore_mem>>)
        %slice3A_2688 = vector.extract_strided_slice %get3A_2413 {offsets = [3], sizes = [1], strides = [1]} : vector<16xi32> to vector<1xi32>
        %squeeze3A_2689 = vector.extract %slice3A_2688[0] : i32 from vector<1xi32>
        %slice3A_2690 = vector.extract_strided_slice %get3A_2417 {offsets = [3], sizes = [1], strides = [1]} : vector<16xi32> to vector<1xi32>
        %squeeze3A_2691 = vector.extract %slice3A_2690[0] : i32 from vector<1xi32>
        %jit3A_2692 = arith.constant 128 : i32
        %div3A_2693 = arith.divsi %squeeze3A_2689, %jit3A_2692 : i32
        %sign3A_2694 = arith.constant 0 : i32
        %sign3A_2695 = arith.cmpi sgt, %squeeze3A_2689, %sign3A_2694 : i32
        %sign3A_2696 = arith.extui %sign3A_2695 : i1 to i32
        %sign3A_2697 = arith.constant 0 : i32
        %sign3A_2698 = arith.cmpi slt, %squeeze3A_2689, %sign3A_2697 : i32
        %sign3A_2699 = arith.extui %sign3A_2698 : i1 to i32
        %sign3A_2700 = arith.subi %sign3A_2696, %sign3A_2699 : i32
        %sign3A_2701 = arith.constant 0 : i32
        %sign3A_2702 = arith.cmpi sgt, %jit3A_2692, %sign3A_2701 : i32
        %sign3A_2703 = arith.extui %sign3A_2702 : i1 to i32
        %sign3A_2704 = arith.constant 0 : i32
        %sign3A_2705 = arith.cmpi slt, %jit3A_2692, %sign3A_2704 : i32
        %sign3A_2706 = arith.extui %sign3A_2705 : i1 to i32
        %sign3A_2707 = arith.subi %sign3A_2703, %sign3A_2706 : i32
        %ne3A_2708 = arith.cmpi ne, %sign3A_2700, %sign3A_2707 : i32
        %rem3A_2709 = arith.remsi %squeeze3A_2689, %jit3A_2692 : i32
        %ne3A_2710 = arith.constant 0 : i32
        %ne3A_2711 = arith.cmpi ne, %rem3A_2709, %ne3A_2710 : i32
        %and3A_2712 = arith.andi %ne3A_2708, %ne3A_2711 : i1
        %sub3A_2713 = arith.constant 1 : i32
        %sub3A_2714 = arith.subi %div3A_2693, %sub3A_2713 : i32
        %select_n3A_2715 = arith.select %and3A_2712, %sub3A_2714, %div3A_2693 : i32
        %mul3A_2716 = arith.constant 128 : i32
        %mul3A_2717 = arith.muli %select_n3A_2715, %mul3A_2716 : i32
        %min3A_2718 = arith.constant 999872 : i32
        %min3A_2719 = arith.minsi %mul3A_2717, %min3A_2718 : i32
        %multiple_of3A_2720 = tpu.assume_multiple %min3A_2719, 128 : i32
        %jit3A_2721 = arith.constant 128 : i32
        %div3A_2722 = arith.divsi %squeeze3A_2691, %jit3A_2721 : i32
        %sign3A_2723 = arith.constant 0 : i32
        %sign3A_2724 = arith.cmpi sgt, %squeeze3A_2691, %sign3A_2723 : i32
        %sign3A_2725 = arith.extui %sign3A_2724 : i1 to i32
        %sign3A_2726 = arith.constant 0 : i32
        %sign3A_2727 = arith.cmpi slt, %squeeze3A_2691, %sign3A_2726 : i32
        %sign3A_2728 = arith.extui %sign3A_2727 : i1 to i32
        %sign3A_2729 = arith.subi %sign3A_2725, %sign3A_2728 : i32
        %sign3A_2730 = arith.constant 0 : i32
        %sign3A_2731 = arith.cmpi sgt, %jit3A_2721, %sign3A_2730 : i32
        %sign3A_2732 = arith.extui %sign3A_2731 : i1 to i32
        %sign3A_2733 = arith.constant 0 : i32
        %sign3A_2734 = arith.cmpi slt, %jit3A_2721, %sign3A_2733 : i32
        %sign3A_2735 = arith.extui %sign3A_2734 : i1 to i32
        %sign3A_2736 = arith.subi %sign3A_2732, %sign3A_2735 : i32
        %ne3A_2737 = arith.cmpi ne, %sign3A_2729, %sign3A_2736 : i32
        %rem3A_2738 = arith.remsi %squeeze3A_2691, %jit3A_2721 : i32
        %ne3A_2739 = arith.constant 0 : i32
        %ne3A_2740 = arith.cmpi ne, %rem3A_2738, %ne3A_2739 : i32
        %and3A_2741 = arith.andi %ne3A_2737, %ne3A_2740 : i1
        %sub3A_2742 = arith.constant 1 : i32
        %sub3A_2743 = arith.subi %div3A_2722, %sub3A_2742 : i32
        %select_n3A_2744 = arith.select %and3A_2741, %sub3A_2743, %div3A_2722 : i32
        %mul3A_2745 = arith.constant 128 : i32
        %mul3A_2746 = arith.muli %select_n3A_2744, %mul3A_2745 : i32
        %min3A_2747 = arith.constant 999872 : i32
        %min3A_2748 = arith.minsi %mul3A_2746, %min3A_2747 : i32
        %multiple_of3A_2749 = tpu.assume_multiple %min3A_2748, 128 : i32
        %dma_start3A_2750 = arith.constant 1 : i32
        %dma_start3A_2751 = arith.constant 3 : i32
        %dma_start3A_2752 = arith.constant 0 : i32
        %dma_start3A_2753 = arith.constant 0 : i32
        %dma_start3A_2754 = tpu.memref_slice %arg9[%dma_start3A_2750, %dma_start3A_2751, %dma_start3A_2752, %dma_start3A_2753] : memref<2x4x32x128xf32, #tpu.memory_space<vmem>> -> memref<1x1x32x128xf32, #tpu.memory_space<vmem>>
        %dma_start3A_2755 = tpu.memref_squeeze %dma_start3A_2754 : memref<1x1x32x128xf32, #tpu.memory_space<vmem>> -> memref<32x128xf32, #tpu.memory_space<vmem>>
        %dma_start3A_2756 = arith.constant 0 : i32
        %dma_start3A_2757 = tpu.memref_slice %arg4[%dma_start3A_2756, %multiple_of3A_2720] : memref<32x1000000xf32, #tpu.memory_space<hbm>> -> memref<32x128xf32, #tpu.memory_space<hbm>>
        %dma_start3A_2758 = arith.constant 0 : i32
        %dma_start3A_2759 = arith.constant 0 : i32
        %dma_start3A_2760 = tpu.memref_slice %arg9[%dma_start3A_2750, %dma_start3A_2751, %dma_start3A_2758, %dma_start3A_2759] : memref<2x4x32x128xf32, #tpu.memory_space<vmem>> -> memref<1x1x32x128xf32, #tpu.memory_space<vmem>>
        %dma_start3A_2761 = tpu.memref_squeeze %dma_start3A_2760 : memref<1x1x32x128xf32, #tpu.memory_space<vmem>> -> memref<32x128xf32, #tpu.memory_space<vmem>>
        %dma_start3A_2762 = arith.constant 0 : i32
        %dma_start3A_2763 = tpu.memref_slice %arg4[%dma_start3A_2762, %multiple_of3A_2720] : memref<32x1000000xf32, #tpu.memory_space<hbm>> -> memref<32x128xf32, #tpu.memory_space<hbm>>
        tpu.enqueue_dma source(%dma_start3A_2763 : memref<32x128xf32, #tpu.memory_space<hbm>>) target(%dma_start3A_2761 : memref<32x128xf32, #tpu.memory_space<vmem>>) target_semaphore(%arg13 : memref<!tpu.dma_semaphore, #tpu.memory_space<semaphore_mem>>)
        %dma_start3A_2764 = arith.constant 1 : i32
        %dma_start3A_2765 = arith.constant 3 : i32
        %dma_start3A_2766 = arith.constant 0 : i32
        %dma_start3A_2767 = arith.constant 0 : i32
        %dma_start3A_2768 = tpu.memref_slice %arg10[%dma_start3A_2764, %dma_start3A_2765, %dma_start3A_2766, %dma_start3A_2767] : memref<2x4x32x128xf32, #tpu.memory_space<vmem>> -> memref<1x1x32x128xf32, #tpu.memory_space<vmem>>
        %dma_start3A_2769 = tpu.memref_squeeze %dma_start3A_2768 : memref<1x1x32x128xf32, #tpu.memory_space<vmem>> -> memref<32x128xf32, #tpu.memory_space<vmem>>
        %dma_start3A_2770 = arith.constant 0 : i32
        %dma_start3A_2771 = tpu.memref_slice %arg5[%dma_start3A_2770, %multiple_of3A_2749] : memref<32x1000000xf32, #tpu.memory_space<hbm>> -> memref<32x128xf32, #tpu.memory_space<hbm>>
        %dma_start3A_2772 = arith.constant 0 : i32
        %dma_start3A_2773 = arith.constant 0 : i32
        %dma_start3A_2774 = tpu.memref_slice %arg10[%dma_start3A_2764, %dma_start3A_2765, %dma_start3A_2772, %dma_start3A_2773] : memref<2x4x32x128xf32, #tpu.memory_space<vmem>> -> memref<1x1x32x128xf32, #tpu.memory_space<vmem>>
        %dma_start3A_2775 = tpu.memref_squeeze %dma_start3A_2774 : memref<1x1x32x128xf32, #tpu.memory_space<vmem>> -> memref<32x128xf32, #tpu.memory_space<vmem>>
        %dma_start3A_2776 = arith.constant 0 : i32
        %dma_start3A_2777 = tpu.memref_slice %arg5[%dma_start3A_2776, %multiple_of3A_2749] : memref<32x1000000xf32, #tpu.memory_space<hbm>> -> memref<32x128xf32, #tpu.memory_space<hbm>>
        tpu.enqueue_dma source(%dma_start3A_2777 : memref<32x128xf32, #tpu.memory_space<hbm>>) target(%dma_start3A_2775 : memref<32x128xf32, #tpu.memory_space<vmem>>) target_semaphore(%arg13 : memref<!tpu.dma_semaphore, #tpu.memory_space<semaphore_mem>>)
      } else {
      }
      %dma_wait3A_1390 = arith.constant 0 : i32
      %dma_wait3A_1391 = arith.constant 0 : i32
      %dma_wait3A_1392 = arith.constant 0 : i32
      %dma_wait3A_1393 = arith.constant 0 : i32
      %dma_wait3A_1394 = tpu.memref_slice %arg9[%dma_wait3A_1390, %dma_wait3A_1391, %dma_wait3A_1392, %dma_wait3A_1393] : memref<2x4x32x128xf32, #tpu.memory_space<vmem>> -> memref<1x1x32x128xf32, #tpu.memory_space<vmem>>
      %dma_wait3A_1395 = tpu.memref_squeeze %dma_wait3A_1394 : memref<1x1x32x128xf32, #tpu.memory_space<vmem>> -> memref<32x128xf32, #tpu.memory_space<vmem>>
      %dma_wait3A_1396 = arith.constant 0 : i32
      %dma_wait3A_1397 = arith.constant 0 : i32
      %dma_wait3A_1398 = tpu.memref_slice %arg4[%dma_wait3A_1396, %dma_wait3A_1397] : memref<32x1000000xf32, #tpu.memory_space<hbm>> -> memref<32x128xf32, #tpu.memory_space<hbm>>
      %dma_wait3A_1399 = arith.constant 0 : i32
      %dma_wait3A_1400 = arith.constant 0 : i32
      %dma_wait3A_1401 = tpu.memref_slice %arg9[%dma_wait3A_1390, %dma_wait3A_1391, %dma_wait3A_1399, %dma_wait3A_1400] : memref<2x4x32x128xf32, #tpu.memory_space<vmem>> -> memref<1x1x32x128xf32, #tpu.memory_space<vmem>>
      %dma_wait3A_1402 = tpu.memref_squeeze %dma_wait3A_1401 : memref<1x1x32x128xf32, #tpu.memory_space<vmem>> -> memref<32x128xf32, #tpu.memory_space<vmem>>
      %dma_wait3A_1403 = arith.constant 0 : i32
      %dma_wait3A_1404 = arith.constant 0 : i32
      %dma_wait3A_1405 = tpu.memref_slice %arg4[%dma_wait3A_1403, %dma_wait3A_1404] : memref<32x1000000xf32, #tpu.memory_space<hbm>> -> memref<32x128xf32, #tpu.memory_space<hbm>>
      tpu.wait_dma2 semaphore(%arg12 : memref<!tpu.dma_semaphore, #tpu.memory_space<semaphore_mem>>) src(%dma_wait3A_1405 : memref<32x128xf32, #tpu.memory_space<hbm>>) dst(%dma_wait3A_1402 : memref<32x128xf32, #tpu.memory_space<vmem>>)
      %dma_wait3A_1406 = arith.constant 0 : i32
      %dma_wait3A_1407 = arith.constant 0 : i32
      %dma_wait3A_1408 = arith.constant 0 : i32
      %dma_wait3A_1409 = arith.constant 0 : i32
      %dma_wait3A_1410 = tpu.memref_slice %arg9[%dma_wait3A_1406, %dma_wait3A_1407, %dma_wait3A_1408, %dma_wait3A_1409] : memref<2x4x32x128xf32, #tpu.memory_space<vmem>> -> memref<1x1x32x128xf32, #tpu.memory_space<vmem>>
      %dma_wait3A_1411 = tpu.memref_squeeze %dma_wait3A_1410 : memref<1x1x32x128xf32, #tpu.memory_space<vmem>> -> memref<32x128xf32, #tpu.memory_space<vmem>>
      %dma_wait3A_1412 = arith.constant 0 : i32
      %dma_wait3A_1413 = arith.constant 0 : i32
      %dma_wait3A_1414 = tpu.memref_slice %arg4[%dma_wait3A_1412, %dma_wait3A_1413] : memref<32x1000000xf32, #tpu.memory_space<hbm>> -> memref<32x128xf32, #tpu.memory_space<hbm>>
      %dma_wait3A_1415 = arith.constant 0 : i32
      %dma_wait3A_1416 = arith.constant 0 : i32
      %dma_wait3A_1417 = tpu.memref_slice %arg9[%dma_wait3A_1406, %dma_wait3A_1407, %dma_wait3A_1415, %dma_wait3A_1416] : memref<2x4x32x128xf32, #tpu.memory_space<vmem>> -> memref<1x1x32x128xf32, #tpu.memory_space<vmem>>
      %dma_wait3A_1418 = tpu.memref_squeeze %dma_wait3A_1417 : memref<1x1x32x128xf32, #tpu.memory_space<vmem>> -> memref<32x128xf32, #tpu.memory_space<vmem>>
      %dma_wait3A_1419 = arith.constant 0 : i32
      %dma_wait3A_1420 = arith.constant 0 : i32
      %dma_wait3A_1421 = tpu.memref_slice %arg4[%dma_wait3A_1419, %dma_wait3A_1420] : memref<32x1000000xf32, #tpu.memory_space<hbm>> -> memref<32x128xf32, #tpu.memory_space<hbm>>
      tpu.wait_dma2 semaphore(%arg12 : memref<!tpu.dma_semaphore, #tpu.memory_space<semaphore_mem>>) src(%dma_wait3A_1421 : memref<32x128xf32, #tpu.memory_space<hbm>>) dst(%dma_wait3A_1418 : memref<32x128xf32, #tpu.memory_space<vmem>>)
      %dma_wait3A_1422 = arith.constant 0 : i32
      %dma_wait3A_1423 = arith.constant 0 : i32
      %dma_wait3A_1424 = arith.constant 0 : i32
      %dma_wait3A_1425 = arith.constant 0 : i32
      %dma_wait3A_1426 = tpu.memref_slice %arg9[%dma_wait3A_1422, %dma_wait3A_1423, %dma_wait3A_1424, %dma_wait3A_1425] : memref<2x4x32x128xf32, #tpu.memory_space<vmem>> -> memref<1x1x32x128xf32, #tpu.memory_space<vmem>>
      %dma_wait3A_1427 = tpu.memref_squeeze %dma_wait3A_1426 : memref<1x1x32x128xf32, #tpu.memory_space<vmem>> -> memref<32x128xf32, #tpu.memory_space<vmem>>
      %dma_wait3A_1428 = arith.constant 0 : i32
      %dma_wait3A_1429 = arith.constant 0 : i32
      %dma_wait3A_1430 = tpu.memref_slice %arg4[%dma_wait3A_1428, %dma_wait3A_1429] : memref<32x1000000xf32, #tpu.memory_space<hbm>> -> memref<32x128xf32, #tpu.memory_space<hbm>>
      %dma_wait3A_1431 = arith.constant 0 : i32
      %dma_wait3A_1432 = arith.constant 0 : i32
      %dma_wait3A_1433 = tpu.memref_slice %arg9[%dma_wait3A_1422, %dma_wait3A_1423, %dma_wait3A_1431, %dma_wait3A_1432] : memref<2x4x32x128xf32, #tpu.memory_space<vmem>> -> memref<1x1x32x128xf32, #tpu.memory_space<vmem>>
      %dma_wait3A_1434 = tpu.memref_squeeze %dma_wait3A_1433 : memref<1x1x32x128xf32, #tpu.memory_space<vmem>> -> memref<32x128xf32, #tpu.memory_space<vmem>>
      %dma_wait3A_1435 = arith.constant 0 : i32
      %dma_wait3A_1436 = arith.constant 0 : i32
      %dma_wait3A_1437 = tpu.memref_slice %arg4[%dma_wait3A_1435, %dma_wait3A_1436] : memref<32x1000000xf32, #tpu.memory_space<hbm>> -> memref<32x128xf32, #tpu.memory_space<hbm>>
      tpu.wait_dma2 semaphore(%arg12 : memref<!tpu.dma_semaphore, #tpu.memory_space<semaphore_mem>>) src(%dma_wait3A_1437 : memref<32x128xf32, #tpu.memory_space<hbm>>) dst(%dma_wait3A_1434 : memref<32x128xf32, #tpu.memory_space<vmem>>)
      %dma_wait3A_1438 = arith.constant 0 : i32
      %dma_wait3A_1439 = arith.constant 0 : i32
      %dma_wait3A_1440 = arith.constant 0 : i32
      %dma_wait3A_1441 = arith.constant 0 : i32
      %dma_wait3A_1442 = tpu.memref_slice %arg9[%dma_wait3A_1438, %dma_wait3A_1439, %dma_wait3A_1440, %dma_wait3A_1441] : memref<2x4x32x128xf32, #tpu.memory_space<vmem>> -> memref<1x1x32x128xf32, #tpu.memory_space<vmem>>
      %dma_wait3A_1443 = tpu.memref_squeeze %dma_wait3A_1442 : memref<1x1x32x128xf32, #tpu.memory_space<vmem>> -> memref<32x128xf32, #tpu.memory_space<vmem>>
      %dma_wait3A_1444 = arith.constant 0 : i32
      %dma_wait3A_1445 = arith.constant 0 : i32
      %dma_wait3A_1446 = tpu.memref_slice %arg4[%dma_wait3A_1444, %dma_wait3A_1445] : memref<32x1000000xf32, #tpu.memory_space<hbm>> -> memref<32x128xf32, #tpu.memory_space<hbm>>
      %dma_wait3A_1447 = arith.constant 0 : i32
      %dma_wait3A_1448 = arith.constant 0 : i32
      %dma_wait3A_1449 = tpu.memref_slice %arg9[%dma_wait3A_1438, %dma_wait3A_1439, %dma_wait3A_1447, %dma_wait3A_1448] : memref<2x4x32x128xf32, #tpu.memory_space<vmem>> -> memref<1x1x32x128xf32, #tpu.memory_space<vmem>>
      %dma_wait3A_1450 = tpu.memref_squeeze %dma_wait3A_1449 : memref<1x1x32x128xf32, #tpu.memory_space<vmem>> -> memref<32x128xf32, #tpu.memory_space<vmem>>
      %dma_wait3A_1451 = arith.constant 0 : i32
      %dma_wait3A_1452 = arith.constant 0 : i32
      %dma_wait3A_1453 = tpu.memref_slice %arg4[%dma_wait3A_1451, %dma_wait3A_1452] : memref<32x1000000xf32, #tpu.memory_space<hbm>> -> memref<32x128xf32, #tpu.memory_space<hbm>>
      tpu.wait_dma2 semaphore(%arg12 : memref<!tpu.dma_semaphore, #tpu.memory_space<semaphore_mem>>) src(%dma_wait3A_1453 : memref<32x128xf32, #tpu.memory_space<hbm>>) dst(%dma_wait3A_1450 : memref<32x128xf32, #tpu.memory_space<vmem>>)
      %dma_wait3A_1454 = arith.constant 0 : i32
      %dma_wait3A_1455 = arith.constant 0 : i32
      %dma_wait3A_1456 = arith.constant 0 : i32
      %dma_wait3A_1457 = arith.constant 0 : i32
      %dma_wait3A_1458 = tpu.memref_slice %arg9[%dma_wait3A_1454, %dma_wait3A_1455, %dma_wait3A_1456, %dma_wait3A_1457] : memref<2x4x32x128xf32, #tpu.memory_space<vmem>> -> memref<1x1x32x128xf32, #tpu.memory_space<vmem>>
      %dma_wait3A_1459 = tpu.memref_squeeze %dma_wait3A_1458 : memref<1x1x32x128xf32, #tpu.memory_space<vmem>> -> memref<32x128xf32, #tpu.memory_space<vmem>>
      %dma_wait3A_1460 = arith.constant 0 : i32
      %dma_wait3A_1461 = arith.constant 0 : i32
      %dma_wait3A_1462 = tpu.memref_slice %arg4[%dma_wait3A_1460, %dma_wait3A_1461] : memref<32x1000000xf32, #tpu.memory_space<hbm>> -> memref<32x128xf32, #tpu.memory_space<hbm>>
      %dma_wait3A_1463 = arith.constant 0 : i32
      %dma_wait3A_1464 = arith.constant 0 : i32
      %dma_wait3A_1465 = tpu.memref_slice %arg9[%dma_wait3A_1454, %dma_wait3A_1455, %dma_wait3A_1463, %dma_wait3A_1464] : memref<2x4x32x128xf32, #tpu.memory_space<vmem>> -> memref<1x1x32x128xf32, #tpu.memory_space<vmem>>
      %dma_wait3A_1466 = tpu.memref_squeeze %dma_wait3A_1465 : memref<1x1x32x128xf32, #tpu.memory_space<vmem>> -> memref<32x128xf32, #tpu.memory_space<vmem>>
      %dma_wait3A_1467 = arith.constant 0 : i32
      %dma_wait3A_1468 = arith.constant 0 : i32
      %dma_wait3A_1469 = tpu.memref_slice %arg4[%dma_wait3A_1467, %dma_wait3A_1468] : memref<32x1000000xf32, #tpu.memory_space<hbm>> -> memref<32x128xf32, #tpu.memory_space<hbm>>
      tpu.wait_dma2 semaphore(%arg12 : memref<!tpu.dma_semaphore, #tpu.memory_space<semaphore_mem>>) src(%dma_wait3A_1469 : memref<32x128xf32, #tpu.memory_space<hbm>>) dst(%dma_wait3A_1466 : memref<32x128xf32, #tpu.memory_space<vmem>>)
      %dma_wait3A_1470 = arith.constant 0 : i32
      %dma_wait3A_1471 = arith.constant 0 : i32
      %dma_wait3A_1472 = arith.constant 0 : i32
      %dma_wait3A_1473 = arith.constant 0 : i32
      %dma_wait3A_1474 = tpu.memref_slice %arg9[%dma_wait3A_1470, %dma_wait3A_1471, %dma_wait3A_1472, %dma_wait3A_1473] : memref<2x4x32x128xf32, #tpu.memory_space<vmem>> -> memref<1x1x32x128xf32, #tpu.memory_space<vmem>>
      %dma_wait3A_1475 = tpu.memref_squeeze %dma_wait3A_1474 : memref<1x1x32x128xf32, #tpu.memory_space<vmem>> -> memref<32x128xf32, #tpu.memory_space<vmem>>
      %dma_wait3A_1476 = arith.constant 0 : i32
      %dma_wait3A_1477 = arith.constant 0 : i32
      %dma_wait3A_1478 = tpu.memref_slice %arg4[%dma_wait3A_1476, %dma_wait3A_1477] : memref<32x1000000xf32, #tpu.memory_space<hbm>> -> memref<32x128xf32, #tpu.memory_space<hbm>>
      %dma_wait3A_1479 = arith.constant 0 : i32
      %dma_wait3A_1480 = arith.constant 0 : i32
      %dma_wait3A_1481 = tpu.memref_slice %arg9[%dma_wait3A_1470, %dma_wait3A_1471, %dma_wait3A_1479, %dma_wait3A_1480] : memref<2x4x32x128xf32, #tpu.memory_space<vmem>> -> memref<1x1x32x128xf32, #tpu.memory_space<vmem>>
      %dma_wait3A_1482 = tpu.memref_squeeze %dma_wait3A_1481 : memref<1x1x32x128xf32, #tpu.memory_space<vmem>> -> memref<32x128xf32, #tpu.memory_space<vmem>>
      %dma_wait3A_1483 = arith.constant 0 : i32
      %dma_wait3A_1484 = arith.constant 0 : i32
      %dma_wait3A_1485 = tpu.memref_slice %arg4[%dma_wait3A_1483, %dma_wait3A_1484] : memref<32x1000000xf32, #tpu.memory_space<hbm>> -> memref<32x128xf32, #tpu.memory_space<hbm>>
      tpu.wait_dma2 semaphore(%arg12 : memref<!tpu.dma_semaphore, #tpu.memory_space<semaphore_mem>>) src(%dma_wait3A_1485 : memref<32x128xf32, #tpu.memory_space<hbm>>) dst(%dma_wait3A_1482 : memref<32x128xf32, #tpu.memory_space<vmem>>)
      %dma_wait3A_1486 = arith.constant 0 : i32
      %dma_wait3A_1487 = arith.constant 0 : i32
      %dma_wait3A_1488 = arith.constant 0 : i32
      %dma_wait3A_1489 = arith.constant 0 : i32
      %dma_wait3A_1490 = tpu.memref_slice %arg9[%dma_wait3A_1486, %dma_wait3A_1487, %dma_wait3A_1488, %dma_wait3A_1489] : memref<2x4x32x128xf32, #tpu.memory_space<vmem>> -> memref<1x1x32x128xf32, #tpu.memory_space<vmem>>
      %dma_wait3A_1491 = tpu.memref_squeeze %dma_wait3A_1490 : memref<1x1x32x128xf32, #tpu.memory_space<vmem>> -> memref<32x128xf32, #tpu.memory_space<vmem>>
      %dma_wait3A_1492 = arith.constant 0 : i32
      %dma_wait3A_1493 = arith.constant 0 : i32
      %dma_wait3A_1494 = tpu.memref_slice %arg4[%dma_wait3A_1492, %dma_wait3A_1493] : memref<32x1000000xf32, #tpu.memory_space<hbm>> -> memref<32x128xf32, #tpu.memory_space<hbm>>
      %dma_wait3A_1495 = arith.constant 0 : i32
      %dma_wait3A_1496 = arith.constant 0 : i32
      %dma_wait3A_1497 = tpu.memref_slice %arg9[%dma_wait3A_1486, %dma_wait3A_1487, %dma_wait3A_1495, %dma_wait3A_1496] : memref<2x4x32x128xf32, #tpu.memory_space<vmem>> -> memref<1x1x32x128xf32, #tpu.memory_space<vmem>>
      %dma_wait3A_1498 = tpu.memref_squeeze %dma_wait3A_1497 : memref<1x1x32x128xf32, #tpu.memory_space<vmem>> -> memref<32x128xf32, #tpu.memory_space<vmem>>
      %dma_wait3A_1499 = arith.constant 0 : i32
      %dma_wait3A_1500 = arith.constant 0 : i32
      %dma_wait3A_1501 = tpu.memref_slice %arg4[%dma_wait3A_1499, %dma_wait3A_1500] : memref<32x1000000xf32, #tpu.memory_space<hbm>> -> memref<32x128xf32, #tpu.memory_space<hbm>>
      tpu.wait_dma2 semaphore(%arg12 : memref<!tpu.dma_semaphore, #tpu.memory_space<semaphore_mem>>) src(%dma_wait3A_1501 : memref<32x128xf32, #tpu.memory_space<hbm>>) dst(%dma_wait3A_1498 : memref<32x128xf32, #tpu.memory_space<vmem>>)
      %dma_wait3A_1502 = arith.constant 0 : i32
      %dma_wait3A_1503 = arith.constant 0 : i32
      %dma_wait3A_1504 = arith.constant 0 : i32
      %dma_wait3A_1505 = arith.constant 0 : i32
      %dma_wait3A_1506 = tpu.memref_slice %arg9[%dma_wait3A_1502, %dma_wait3A_1503, %dma_wait3A_1504, %dma_wait3A_1505] : memref<2x4x32x128xf32, #tpu.memory_space<vmem>> -> memref<1x1x32x128xf32, #tpu.memory_space<vmem>>
      %dma_wait3A_1507 = tpu.memref_squeeze %dma_wait3A_1506 : memref<1x1x32x128xf32, #tpu.memory_space<vmem>> -> memref<32x128xf32, #tpu.memory_space<vmem>>
      %dma_wait3A_1508 = arith.constant 0 : i32
      %dma_wait3A_1509 = arith.constant 0 : i32
      %dma_wait3A_1510 = tpu.memref_slice %arg4[%dma_wait3A_1508, %dma_wait3A_1509] : memref<32x1000000xf32, #tpu.memory_space<hbm>> -> memref<32x128xf32, #tpu.memory_space<hbm>>
      %dma_wait3A_1511 = arith.constant 0 : i32
      %dma_wait3A_1512 = arith.constant 0 : i32
      %dma_wait3A_1513 = tpu.memref_slice %arg9[%dma_wait3A_1502, %dma_wait3A_1503, %dma_wait3A_1511, %dma_wait3A_1512] : memref<2x4x32x128xf32, #tpu.memory_space<vmem>> -> memref<1x1x32x128xf32, #tpu.memory_space<vmem>>
      %dma_wait3A_1514 = tpu.memref_squeeze %dma_wait3A_1513 : memref<1x1x32x128xf32, #tpu.memory_space<vmem>> -> memref<32x128xf32, #tpu.memory_space<vmem>>
      %dma_wait3A_1515 = arith.constant 0 : i32
      %dma_wait3A_1516 = arith.constant 0 : i32
      %dma_wait3A_1517 = tpu.memref_slice %arg4[%dma_wait3A_1515, %dma_wait3A_1516] : memref<32x1000000xf32, #tpu.memory_space<hbm>> -> memref<32x128xf32, #tpu.memory_space<hbm>>
      tpu.wait_dma2 semaphore(%arg12 : memref<!tpu.dma_semaphore, #tpu.memory_space<semaphore_mem>>) src(%dma_wait3A_1517 : memref<32x128xf32, #tpu.memory_space<hbm>>) dst(%dma_wait3A_1514 : memref<32x128xf32, #tpu.memory_space<vmem>>)
      %mul3A_1518 = arith.constant 4 : i32
      %mul3A_1519 = arith.muli %add3A_1382, %mul3A_1518 : i32
      %get3A_1520 = arith.index_cast %mul3A_1519 : i32 to index
      %get3A_1521 = tpu.vector_load %arg7[%get3A_1520] {strides = array<i32>} : memref<528xi32, #tpu.memory_space<vmem>>, vector<16xi32>,
      %mul3A_1522 = arith.constant 4 : i32
      %mul3A_1523 = arith.muli %add3A_1382, %mul3A_1522 : i32
      %get3A_1524 = arith.index_cast %mul3A_1523 : i32 to index
      %get3A_1525 = tpu.vector_load %arg8[%get3A_1524] {strides = array<i32>} : memref<528xi32, #tpu.memory_space<vmem>>, vector<16xi32>,
      %broadcast_in_dim3A_1526 = arith.constant 0 : i32
      %broadcast_in_dim3A_1527 = vector.broadcast %broadcast_in_dim3A_1526 : i32 to vector<16xi32>
      %slice3A_1528 = vector.extract_strided_slice %get3A_1521 {offsets = [0], sizes = [1], strides = [1]} : vector<16xi32> to vector<1xi32>
      %squeeze3A_1529 = vector.extract %slice3A_1528[0] : i32 from vector<1xi32>
      %slice3A_1530 = vector.extract_strided_slice %get3A_1525 {offsets = [0], sizes = [1], strides = [1]} : vector<16xi32> to vector<1xi32>
      %squeeze3A_1531 = vector.extract %slice3A_1530[0] : i32 from vector<1xi32>
      %broadcast_in_dim3A_1532 = arith.constant 0 : i32
      %broadcast_in_dim3A_1533 = vector.broadcast %broadcast_in_dim3A_1532 : i32 to vector<16xi32>
      %jit3A_1534 = arith.constant 128 : i32
      %div3A_1535 = arith.divsi %squeeze3A_1529, %jit3A_1534 : i32
      %sign3A_1536 = arith.constant 0 : i32
      %sign3A_1537 = arith.cmpi sgt, %squeeze3A_1529, %sign3A_1536 : i32
      %sign3A_1538 = arith.extui %sign3A_1537 : i1 to i32
      %sign3A_1539 = arith.constant 0 : i32
      %sign3A_1540 = arith.cmpi slt, %squeeze3A_1529, %sign3A_1539 : i32
      %sign3A_1541 = arith.extui %sign3A_1540 : i1 to i32
      %sign3A_1542 = arith.subi %sign3A_1538, %sign3A_1541 : i32
      %sign3A_1543 = arith.constant 0 : i32
      %sign3A_1544 = arith.cmpi sgt, %jit3A_1534, %sign3A_1543 : i32
      %sign3A_1545 = arith.extui %sign3A_1544 : i1 to i32
      %sign3A_1546 = arith.constant 0 : i32
      %sign3A_1547 = arith.cmpi slt, %jit3A_1534, %sign3A_1546 : i32
      %sign3A_1548 = arith.extui %sign3A_1547 : i1 to i32
      %sign3A_1549 = arith.subi %sign3A_1545, %sign3A_1548 : i32
      %ne3A_1550 = arith.cmpi ne, %sign3A_1542, %sign3A_1549 : i32
      %rem3A_1551 = arith.remsi %squeeze3A_1529, %jit3A_1534 : i32
      %ne3A_1552 = arith.constant 0 : i32
      %ne3A_1553 = arith.cmpi ne, %rem3A_1551, %ne3A_1552 : i32
      %and3A_1554 = arith.andi %ne3A_1550, %ne3A_1553 : i1
      %sub3A_1555 = arith.constant 1 : i32
      %sub3A_1556 = arith.subi %div3A_1535, %sub3A_1555 : i32
      %select_n3A_1557 = arith.select %and3A_1554, %sub3A_1556, %div3A_1535 : i32
      %mul3A_1558 = arith.constant 128 : i32
      %mul3A_1559 = arith.muli %select_n3A_1557, %mul3A_1558 : i32
      %min3A_1560 = arith.constant 999872 : i32
      %min3A_1561 = arith.minsi %mul3A_1559, %min3A_1560 : i32
      %sub3A_1562 = arith.subi %squeeze3A_1529, %min3A_1561 : i32
      %broadcast_in_dim3A_1563 = vector.broadcast %sub3A_1562 : i32 to vector<16xi32>
      %jit3A_1564 = arith.constant 128 : i32
      %div3A_1565 = arith.divsi %squeeze3A_1531, %jit3A_1564 : i32
      %sign3A_1566 = arith.constant 0 : i32
      %sign3A_1567 = arith.cmpi sgt, %squeeze3A_1531, %sign3A_1566 : i32
      %sign3A_1568 = arith.extui %sign3A_1567 : i1 to i32
      %sign3A_1569 = arith.constant 0 : i32
      %sign3A_1570 = arith.cmpi slt, %squeeze3A_1531, %sign3A_1569 : i32
      %sign3A_1571 = arith.extui %sign3A_1570 : i1 to i32
      %sign3A_1572 = arith.subi %sign3A_1568, %sign3A_1571 : i32
      %sign3A_1573 = arith.constant 0 : i32
      %sign3A_1574 = arith.cmpi sgt, %jit3A_1564, %sign3A_1573 : i32
      %sign3A_1575 = arith.extui %sign3A_1574 : i1 to i32
      %sign3A_1576 = arith.constant 0 : i32
      %sign3A_1577 = arith.cmpi slt, %jit3A_1564, %sign3A_1576 : i32
      %sign3A_1578 = arith.extui %sign3A_1577 : i1 to i32
      %sign3A_1579 = arith.subi %sign3A_1575, %sign3A_1578 : i32
      %ne3A_1580 = arith.cmpi ne, %sign3A_1572, %sign3A_1579 : i32
      %rem3A_1581 = arith.remsi %squeeze3A_1531, %jit3A_1564 : i32
      %ne3A_1582 = arith.constant 0 : i32
      %ne3A_1583 = arith.cmpi ne, %rem3A_1581, %ne3A_1582 : i32
      %and3A_1584 = arith.andi %ne3A_1580, %ne3A_1583 : i1
      %sub3A_1585 = arith.constant 1 : i32
      %sub3A_1586 = arith.subi %div3A_1565, %sub3A_1585 : i32
      %select_n3A_1587 = arith.select %and3A_1584, %sub3A_1586, %div3A_1565 : i32
      %mul3A_1588 = arith.constant 128 : i32
      %mul3A_1589 = arith.muli %select_n3A_1587, %mul3A_1588 : i32
      %min3A_1590 = arith.constant 999872 : i32
      %min3A_1591 = arith.minsi %mul3A_1589, %min3A_1590 : i32
      %sub3A_1592 = arith.subi %squeeze3A_1531, %min3A_1591 : i32
      %broadcast_in_dim3A_1593 = vector.broadcast %sub3A_1592 : i32 to vector<16xi32>
      %broadcast_in_dim3A_1594 = arith.constant 0.000000e+00 : f32
      %broadcast_in_dim3A_1595 = vector.broadcast %broadcast_in_dim3A_1594 : f32 to vector<16xf32>
      %add3A_1596 = arith.constant 0 : i32
      %add3A_1597 = vector.broadcast %add3A_1596 : i32 to vector<16xi32>
      %add3A_1598 = arith.addi %iota3A, %add3A_1597 : vector<16xi32>
      %gather3A_1599 = tpu.vector_load_idx %arg9[%broadcast_in_dim3A_1527, %broadcast_in_dim3A_1533, %add3A_1598, %broadcast_in_dim3A_1563] : memref<2x4x32x128xf32, #tpu.memory_space<vmem>>[vector<16xi32>, vector<16xi32>, vector<16xi32>, vector<16xi32>], vector<16xf32>,
      %gather3A_1600 = tpu.vector_load_idx %arg10[%broadcast_in_dim3A_1527, %broadcast_in_dim3A_1533, %add3A_1598, %broadcast_in_dim3A_1593] : memref<2x4x32x128xf32, #tpu.memory_space<vmem>>[vector<16xi32>, vector<16xi32>, vector<16xi32>, vector<16xi32>], vector<16xf32>,
      %mul3A_1601 = arith.mulf %gather3A_1599, %gather3A_1600 : vector<16xf32>
      %add3A_1602 = arith.addf %broadcast_in_dim3A_1595, %mul3A_1601 : vector<16xf32>
      %add3A_1603 = arith.constant 16 : i32
      %add3A_1604 = vector.broadcast %add3A_1603 : i32 to vector<16xi32>
      %add3A_1605 = arith.addi %iota3A, %add3A_1604 : vector<16xi32>
      %gather3A_1606 = tpu.vector_load_idx %arg9[%broadcast_in_dim3A_1527, %broadcast_in_dim3A_1533, %add3A_1605, %broadcast_in_dim3A_1563] : memref<2x4x32x128xf32, #tpu.memory_space<vmem>>[vector<16xi32>, vector<16xi32>, vector<16xi32>, vector<16xi32>], vector<16xf32>,
      %gather3A_1607 = tpu.vector_load_idx %arg10[%broadcast_in_dim3A_1527, %broadcast_in_dim3A_1533, %add3A_1605, %broadcast_in_dim3A_1593] : memref<2x4x32x128xf32, #tpu.memory_space<vmem>>[vector<16xi32>, vector<16xi32>, vector<16xi32>, vector<16xi32>], vector<16xf32>,
      %mul3A_1608 = arith.mulf %gather3A_1606, %gather3A_1607 : vector<16xf32>
      %add3A_1609 = arith.addf %add3A_1602, %mul3A_1608 : vector<16xf32>
      %reduce_sum3A_1610 = arith.constant true
      %reduce_sum3A_1611 = vector.broadcast %reduce_sum3A_1610 : i1 to vector<16xi1>
      %reduce_sum3A_1612 = tpu.scan <sum>, %add3A_1609 masked %reduce_sum3A_1611 : vector<16xf32>, vector<16xi1> -> vector<16xf32>
      %reduce_sum3A_1613 = vector.extract %reduce_sum3A_1612[15] : f32 from vector<16xf32>
      %eq3A_1614 = arith.constant 8 : i32
      %eq3A_1615 = vector.broadcast %eq3A_1614 : i32 to vector<16xi32>
      %eq3A_1616 = arith.cmpi eq, %iota3A, %eq3A_1615 : vector<16xi32>
      %broadcast_in_dim3A_1617 = vector.broadcast %reduce_sum3A_1613 : f32 to vector<16xf32>
      %select_n3A_1618 = arith.select %eq3A_1616, %broadcast_in_dim3A_1617, %select_n3A_1378 : vector<16xi1>, vector<16xf32>
      %slice3A_1619 = vector.extract_strided_slice %get3A_1521 {offsets = [1], sizes = [1], strides = [1]} : vector<16xi32> to vector<1xi32>
      %squeeze3A_1620 = vector.extract %slice3A_1619[0] : i32 from vector<1xi32>
      %slice3A_1621 = vector.extract_strided_slice %get3A_1525 {offsets = [1], sizes = [1], strides = [1]} : vector<16xi32> to vector<1xi32>
      %squeeze3A_1622 = vector.extract %slice3A_1621[0] : i32 from vector<1xi32>
      %broadcast_in_dim3A_1623 = arith.constant 1 : i32
      %broadcast_in_dim3A_1624 = vector.broadcast %broadcast_in_dim3A_1623 : i32 to vector<16xi32>
      %jit3A_1625 = arith.constant 128 : i32
      %div3A_1626 = arith.divsi %squeeze3A_1620, %jit3A_1625 : i32
      %sign3A_1627 = arith.constant 0 : i32
      %sign3A_1628 = arith.cmpi sgt, %squeeze3A_1620, %sign3A_1627 : i32
      %sign3A_1629 = arith.extui %sign3A_1628 : i1 to i32
      %sign3A_1630 = arith.constant 0 : i32
      %sign3A_1631 = arith.cmpi slt, %squeeze3A_1620, %sign3A_1630 : i32
      %sign3A_1632 = arith.extui %sign3A_1631 : i1 to i32
      %sign3A_1633 = arith.subi %sign3A_1629, %sign3A_1632 : i32
      %sign3A_1634 = arith.constant 0 : i32
      %sign3A_1635 = arith.cmpi sgt, %jit3A_1625, %sign3A_1634 : i32
      %sign3A_1636 = arith.extui %sign3A_1635 : i1 to i32
      %sign3A_1637 = arith.constant 0 : i32
      %sign3A_1638 = arith.cmpi slt, %jit3A_1625, %sign3A_1637 : i32
      %sign3A_1639 = arith.extui %sign3A_1638 : i1 to i32
      %sign3A_1640 = arith.subi %sign3A_1636, %sign3A_1639 : i32
      %ne3A_1641 = arith.cmpi ne, %sign3A_1633, %sign3A_1640 : i32
      %rem3A_1642 = arith.remsi %squeeze3A_1620, %jit3A_1625 : i32
      %ne3A_1643 = arith.constant 0 : i32
      %ne3A_1644 = arith.cmpi ne, %rem3A_1642, %ne3A_1643 : i32
      %and3A_1645 = arith.andi %ne3A_1641, %ne3A_1644 : i1
      %sub3A_1646 = arith.constant 1 : i32
      %sub3A_1647 = arith.subi %div3A_1626, %sub3A_1646 : i32
      %select_n3A_1648 = arith.select %and3A_1645, %sub3A_1647, %div3A_1626 : i32
      %mul3A_1649 = arith.constant 128 : i32
      %mul3A_1650 = arith.muli %select_n3A_1648, %mul3A_1649 : i32
      %min3A_1651 = arith.constant 999872 : i32
      %min3A_1652 = arith.minsi %mul3A_1650, %min3A_1651 : i32
      %sub3A_1653 = arith.subi %squeeze3A_1620, %min3A_1652 : i32
      %broadcast_in_dim3A_1654 = vector.broadcast %sub3A_1653 : i32 to vector<16xi32>
      %jit3A_1655 = arith.constant 128 : i32
      %div3A_1656 = arith.divsi %squeeze3A_1622, %jit3A_1655 : i32
      %sign3A_1657 = arith.constant 0 : i32
      %sign3A_1658 = arith.cmpi sgt, %squeeze3A_1622, %sign3A_1657 : i32
      %sign3A_1659 = arith.extui %sign3A_1658 : i1 to i32
      %sign3A_1660 = arith.constant 0 : i32
      %sign3A_1661 = arith.cmpi slt, %squeeze3A_1622, %sign3A_1660 : i32
      %sign3A_1662 = arith.extui %sign3A_1661 : i1 to i32
      %sign3A_1663 = arith.subi %sign3A_1659, %sign3A_1662 : i32
      %sign3A_1664 = arith.constant 0 : i32
      %sign3A_1665 = arith.cmpi sgt, %jit3A_1655, %sign3A_1664 : i32
      %sign3A_1666 = arith.extui %sign3A_1665 : i1 to i32
      %sign3A_1667 = arith.constant 0 : i32
      %sign3A_1668 = arith.cmpi slt, %jit3A_1655, %sign3A_1667 : i32
      %sign3A_1669 = arith.extui %sign3A_1668 : i1 to i32
      %sign3A_1670 = arith.subi %sign3A_1666, %sign3A_1669 : i32
      %ne3A_1671 = arith.cmpi ne, %sign3A_1663, %sign3A_1670 : i32
      %rem3A_1672 = arith.remsi %squeeze3A_1622, %jit3A_1655 : i32
      %ne3A_1673 = arith.constant 0 : i32
      %ne3A_1674 = arith.cmpi ne, %rem3A_1672, %ne3A_1673 : i32
      %and3A_1675 = arith.andi %ne3A_1671, %ne3A_1674 : i1
      %sub3A_1676 = arith.constant 1 : i32
      %sub3A_1677 = arith.subi %div3A_1656, %sub3A_1676 : i32
      %select_n3A_1678 = arith.select %and3A_1675, %sub3A_1677, %div3A_1656 : i32
      %mul3A_1679 = arith.constant 128 : i32
      %mul3A_1680 = arith.muli %select_n3A_1678, %mul3A_1679 : i32
      %min3A_1681 = arith.constant 999872 : i32
      %min3A_1682 = arith.minsi %mul3A_1680, %min3A_1681 : i32
      %sub3A_1683 = arith.subi %squeeze3A_1622, %min3A_1682 : i32
      %broadcast_in_dim3A_1684 = vector.broadcast %sub3A_1683 : i32 to vector<16xi32>
      %broadcast_in_dim3A_1685 = arith.constant 0.000000e+00 : f32
      %broadcast_in_dim3A_1686 = vector.broadcast %broadcast_in_dim3A_1685 : f32 to vector<16xf32>
      %add3A_1687 = arith.constant 0 : i32
      %add3A_1688 = vector.broadcast %add3A_1687 : i32 to vector<16xi32>
      %add3A_1689 = arith.addi %iota3A, %add3A_1688 : vector<16xi32>
      %gather3A_1690 = tpu.vector_load_idx %arg9[%broadcast_in_dim3A_1527, %broadcast_in_dim3A_1624, %add3A_1689, %broadcast_in_dim3A_1654] : memref<2x4x32x128xf32, #tpu.memory_space<vmem>>[vector<16xi32>, vector<16xi32>, vector<16xi32>, vector<16xi32>], vector<16xf32>,
      %gather3A_1691 = tpu.vector_load_idx %arg10[%broadcast_in_dim3A_1527, %broadcast_in_dim3A_1624, %add3A_1689, %broadcast_in_dim3A_1684] : memref<2x4x32x128xf32, #tpu.memory_space<vmem>>[vector<16xi32>, vector<16xi32>, vector<16xi32>, vector<16xi32>], vector<16xf32>,
      %mul3A_1692 = arith.mulf %gather3A_1690, %gather3A_1691 : vector<16xf32>
      %add3A_1693 = arith.addf %broadcast_in_dim3A_1686, %mul3A_1692 : vector<16xf32>
      %add3A_1694 = arith.constant 16 : i32
      %add3A_1695 = vector.broadcast %add3A_1694 : i32 to vector<16xi32>
      %add3A_1696 = arith.addi %iota3A, %add3A_1695 : vector<16xi32>
      %gather3A_1697 = tpu.vector_load_idx %arg9[%broadcast_in_dim3A_1527, %broadcast_in_dim3A_1624, %add3A_1696, %broadcast_in_dim3A_1654] : memref<2x4x32x128xf32, #tpu.memory_space<vmem>>[vector<16xi32>, vector<16xi32>, vector<16xi32>, vector<16xi32>], vector<16xf32>,
      %gather3A_1698 = tpu.vector_load_idx %arg10[%broadcast_in_dim3A_1527, %broadcast_in_dim3A_1624, %add3A_1696, %broadcast_in_dim3A_1684] : memref<2x4x32x128xf32, #tpu.memory_space<vmem>>[vector<16xi32>, vector<16xi32>, vector<16xi32>, vector<16xi32>], vector<16xf32>,
      %mul3A_1699 = arith.mulf %gather3A_1697, %gather3A_1698 : vector<16xf32>
      %add3A_1700 = arith.addf %add3A_1693, %mul3A_1699 : vector<16xf32>
      %reduce_sum3A_1701 = arith.constant true
      %reduce_sum3A_1702 = vector.broadcast %reduce_sum3A_1701 : i1 to vector<16xi1>
      %reduce_sum3A_1703 = tpu.scan <sum>, %add3A_1700 masked %reduce_sum3A_1702 : vector<16xf32>, vector<16xi1> -> vector<16xf32>
      %reduce_sum3A_1704 = vector.extract %reduce_sum3A_1703[15] : f32 from vector<16xf32>
      %eq3A_1705 = arith.constant 9 : i32
      %eq3A_1706 = vector.broadcast %eq3A_1705 : i32 to vector<16xi32>
      %eq3A_1707 = arith.cmpi eq, %iota3A, %eq3A_1706 : vector<16xi32>
      %broadcast_in_dim3A_1708 = vector.broadcast %reduce_sum3A_1704 : f32 to vector<16xf32>
      %select_n3A_1709 = arith.select %eq3A_1707, %broadcast_in_dim3A_1708, %select_n3A_1618 : vector<16xi1>, vector<16xf32>
      %slice3A_1710 = vector.extract_strided_slice %get3A_1521 {offsets = [2], sizes = [1], strides = [1]} : vector<16xi32> to vector<1xi32>
      %squeeze3A_1711 = vector.extract %slice3A_1710[0] : i32 from vector<1xi32>
      %slice3A_1712 = vector.extract_strided_slice %get3A_1525 {offsets = [2], sizes = [1], strides = [1]} : vector<16xi32> to vector<1xi32>
      %squeeze3A_1713 = vector.extract %slice3A_1712[0] : i32 from vector<1xi32>
      %broadcast_in_dim3A_1714 = arith.constant 2 : i32
      %broadcast_in_dim3A_1715 = vector.broadcast %broadcast_in_dim3A_1714 : i32 to vector<16xi32>
      %jit3A_1716 = arith.constant 128 : i32
      %div3A_1717 = arith.divsi %squeeze3A_1711, %jit3A_1716 : i32
      %sign3A_1718 = arith.constant 0 : i32
      %sign3A_1719 = arith.cmpi sgt, %squeeze3A_1711, %sign3A_1718 : i32
      %sign3A_1720 = arith.extui %sign3A_1719 : i1 to i32
      %sign3A_1721 = arith.constant 0 : i32
      %sign3A_1722 = arith.cmpi slt, %squeeze3A_1711, %sign3A_1721 : i32
      %sign3A_1723 = arith.extui %sign3A_1722 : i1 to i32
      %sign3A_1724 = arith.subi %sign3A_1720, %sign3A_1723 : i32
      %sign3A_1725 = arith.constant 0 : i32
      %sign3A_1726 = arith.cmpi sgt, %jit3A_1716, %sign3A_1725 : i32
      %sign3A_1727 = arith.extui %sign3A_1726 : i1 to i32
      %sign3A_1728 = arith.constant 0 : i32
      %sign3A_1729 = arith.cmpi slt, %jit3A_1716, %sign3A_1728 : i32
      %sign3A_1730 = arith.extui %sign3A_1729 : i1 to i32
      %sign3A_1731 = arith.subi %sign3A_1727, %sign3A_1730 : i32
      %ne3A_1732 = arith.cmpi ne, %sign3A_1724, %sign3A_1731 : i32
      %rem3A_1733 = arith.remsi %squeeze3A_1711, %jit3A_1716 : i32
      %ne3A_1734 = arith.constant 0 : i32
      %ne3A_1735 = arith.cmpi ne, %rem3A_1733, %ne3A_1734 : i32
      %and3A_1736 = arith.andi %ne3A_1732, %ne3A_1735 : i1
      %sub3A_1737 = arith.constant 1 : i32
      %sub3A_1738 = arith.subi %div3A_1717, %sub3A_1737 : i32
      %select_n3A_1739 = arith.select %and3A_1736, %sub3A_1738, %div3A_1717 : i32
      %mul3A_1740 = arith.constant 128 : i32
      %mul3A_1741 = arith.muli %select_n3A_1739, %mul3A_1740 : i32
      %min3A_1742 = arith.constant 999872 : i32
      %min3A_1743 = arith.minsi %mul3A_1741, %min3A_1742 : i32
      %sub3A_1744 = arith.subi %squeeze3A_1711, %min3A_1743 : i32
      %broadcast_in_dim3A_1745 = vector.broadcast %sub3A_1744 : i32 to vector<16xi32>
      %jit3A_1746 = arith.constant 128 : i32
      %div3A_1747 = arith.divsi %squeeze3A_1713, %jit3A_1746 : i32
      %sign3A_1748 = arith.constant 0 : i32
      %sign3A_1749 = arith.cmpi sgt, %squeeze3A_1713, %sign3A_1748 : i32
      %sign3A_1750 = arith.extui %sign3A_1749 : i1 to i32
      %sign3A_1751 = arith.constant 0 : i32
      %sign3A_1752 = arith.cmpi slt, %squeeze3A_1713, %sign3A_1751 : i32
      %sign3A_1753 = arith.extui %sign3A_1752 : i1 to i32
      %sign3A_1754 = arith.subi %sign3A_1750, %sign3A_1753 : i32
      %sign3A_1755 = arith.constant 0 : i32
      %sign3A_1756 = arith.cmpi sgt, %jit3A_1746, %sign3A_1755 : i32
      %sign3A_1757 = arith.extui %sign3A_1756 : i1 to i32
      %sign3A_1758 = arith.constant 0 : i32
      %sign3A_1759 = arith.cmpi slt, %jit3A_1746, %sign3A_1758 : i32
      %sign3A_1760 = arith.extui %sign3A_1759 : i1 to i32
      %sign3A_1761 = arith.subi %sign3A_1757, %sign3A_1760 : i32
      %ne3A_1762 = arith.cmpi ne, %sign3A_1754, %sign3A_1761 : i32
      %rem3A_1763 = arith.remsi %squeeze3A_1713, %jit3A_1746 : i32
      %ne3A_1764 = arith.constant 0 : i32
      %ne3A_1765 = arith.cmpi ne, %rem3A_1763, %ne3A_1764 : i32
      %and3A_1766 = arith.andi %ne3A_1762, %ne3A_1765 : i1
      %sub3A_1767 = arith.constant 1 : i32
      %sub3A_1768 = arith.subi %div3A_1747, %sub3A_1767 : i32
      %select_n3A_1769 = arith.select %and3A_1766, %sub3A_1768, %div3A_1747 : i32
      %mul3A_1770 = arith.constant 128 : i32
      %mul3A_1771 = arith.muli %select_n3A_1769, %mul3A_1770 : i32
      %min3A_1772 = arith.constant 999872 : i32
      %min3A_1773 = arith.minsi %mul3A_1771, %min3A_1772 : i32
      %sub3A_1774 = arith.subi %squeeze3A_1713, %min3A_1773 : i32
      %broadcast_in_dim3A_1775 = vector.broadcast %sub3A_1774 : i32 to vector<16xi32>
      %broadcast_in_dim3A_1776 = arith.constant 0.000000e+00 : f32
      %broadcast_in_dim3A_1777 = vector.broadcast %broadcast_in_dim3A_1776 : f32 to vector<16xf32>
      %add3A_1778 = arith.constant 0 : i32
      %add3A_1779 = vector.broadcast %add3A_1778 : i32 to vector<16xi32>
      %add3A_1780 = arith.addi %iota3A, %add3A_1779 : vector<16xi32>
      %gather3A_1781 = tpu.vector_load_idx %arg9[%broadcast_in_dim3A_1527, %broadcast_in_dim3A_1715, %add3A_1780, %broadcast_in_dim3A_1745] : memref<2x4x32x128xf32, #tpu.memory_space<vmem>>[vector<16xi32>, vector<16xi32>, vector<16xi32>, vector<16xi32>], vector<16xf32>,
      %gather3A_1782 = tpu.vector_load_idx %arg10[%broadcast_in_dim3A_1527, %broadcast_in_dim3A_1715, %add3A_1780, %broadcast_in_dim3A_1775] : memref<2x4x32x128xf32, #tpu.memory_space<vmem>>[vector<16xi32>, vector<16xi32>, vector<16xi32>, vector<16xi32>], vector<16xf32>,
      %mul3A_1783 = arith.mulf %gather3A_1781, %gather3A_1782 : vector<16xf32>
      %add3A_1784 = arith.addf %broadcast_in_dim3A_1777, %mul3A_1783 : vector<16xf32>
      %add3A_1785 = arith.constant 16 : i32
      %add3A_1786 = vector.broadcast %add3A_1785 : i32 to vector<16xi32>
      %add3A_1787 = arith.addi %iota3A, %add3A_1786 : vector<16xi32>
      %gather3A_1788 = tpu.vector_load_idx %arg9[%broadcast_in_dim3A_1527, %broadcast_in_dim3A_1715, %add3A_1787, %broadcast_in_dim3A_1745] : memref<2x4x32x128xf32, #tpu.memory_space<vmem>>[vector<16xi32>, vector<16xi32>, vector<16xi32>, vector<16xi32>], vector<16xf32>,
      %gather3A_1789 = tpu.vector_load_idx %arg10[%broadcast_in_dim3A_1527, %broadcast_in_dim3A_1715, %add3A_1787, %broadcast_in_dim3A_1775] : memref<2x4x32x128xf32, #tpu.memory_space<vmem>>[vector<16xi32>, vector<16xi32>, vector<16xi32>, vector<16xi32>], vector<16xf32>,
      %mul3A_1790 = arith.mulf %gather3A_1788, %gather3A_1789 : vector<16xf32>
      %add3A_1791 = arith.addf %add3A_1784, %mul3A_1790 : vector<16xf32>
      %reduce_sum3A_1792 = arith.constant true
      %reduce_sum3A_1793 = vector.broadcast %reduce_sum3A_1792 : i1 to vector<16xi1>
      %reduce_sum3A_1794 = tpu.scan <sum>, %add3A_1791 masked %reduce_sum3A_1793 : vector<16xf32>, vector<16xi1> -> vector<16xf32>
      %reduce_sum3A_1795 = vector.extract %reduce_sum3A_1794[15] : f32 from vector<16xf32>
      %eq3A_1796 = arith.constant 10 : i32
      %eq3A_1797 = vector.broadcast %eq3A_1796 : i32 to vector<16xi32>
      %eq3A_1798 = arith.cmpi eq, %iota3A, %eq3A_1797 : vector<16xi32>
      %broadcast_in_dim3A_1799 = vector.broadcast %reduce_sum3A_1795 : f32 to vector<16xf32>
      %select_n3A_1800 = arith.select %eq3A_1798, %broadcast_in_dim3A_1799, %select_n3A_1709 : vector<16xi1>, vector<16xf32>
      %slice3A_1801 = vector.extract_strided_slice %get3A_1521 {offsets = [3], sizes = [1], strides = [1]} : vector<16xi32> to vector<1xi32>
      %squeeze3A_1802 = vector.extract %slice3A_1801[0] : i32 from vector<1xi32>
      %slice3A_1803 = vector.extract_strided_slice %get3A_1525 {offsets = [3], sizes = [1], strides = [1]} : vector<16xi32> to vector<1xi32>
      %squeeze3A_1804 = vector.extract %slice3A_1803[0] : i32 from vector<1xi32>
      %broadcast_in_dim3A_1805 = arith.constant 3 : i32
      %broadcast_in_dim3A_1806 = vector.broadcast %broadcast_in_dim3A_1805 : i32 to vector<16xi32>
      %jit3A_1807 = arith.constant 128 : i32
      %div3A_1808 = arith.divsi %squeeze3A_1802, %jit3A_1807 : i32
      %sign3A_1809 = arith.constant 0 : i32
      %sign3A_1810 = arith.cmpi sgt, %squeeze3A_1802, %sign3A_1809 : i32
      %sign3A_1811 = arith.extui %sign3A_1810 : i1 to i32
      %sign3A_1812 = arith.constant 0 : i32
      %sign3A_1813 = arith.cmpi slt, %squeeze3A_1802, %sign3A_1812 : i32
      %sign3A_1814 = arith.extui %sign3A_1813 : i1 to i32
      %sign3A_1815 = arith.subi %sign3A_1811, %sign3A_1814 : i32
      %sign3A_1816 = arith.constant 0 : i32
      %sign3A_1817 = arith.cmpi sgt, %jit3A_1807, %sign3A_1816 : i32
      %sign3A_1818 = arith.extui %sign3A_1817 : i1 to i32
      %sign3A_1819 = arith.constant 0 : i32
      %sign3A_1820 = arith.cmpi slt, %jit3A_1807, %sign3A_1819 : i32
      %sign3A_1821 = arith.extui %sign3A_1820 : i1 to i32
      %sign3A_1822 = arith.subi %sign3A_1818, %sign3A_1821 : i32
      %ne3A_1823 = arith.cmpi ne, %sign3A_1815, %sign3A_1822 : i32
      %rem3A_1824 = arith.remsi %squeeze3A_1802, %jit3A_1807 : i32
      %ne3A_1825 = arith.constant 0 : i32
      %ne3A_1826 = arith.cmpi ne, %rem3A_1824, %ne3A_1825 : i32
      %and3A_1827 = arith.andi %ne3A_1823, %ne3A_1826 : i1
      %sub3A_1828 = arith.constant 1 : i32
      %sub3A_1829 = arith.subi %div3A_1808, %sub3A_1828 : i32
      %select_n3A_1830 = arith.select %and3A_1827, %sub3A_1829, %div3A_1808 : i32
      %mul3A_1831 = arith.constant 128 : i32
      %mul3A_1832 = arith.muli %select_n3A_1830, %mul3A_1831 : i32
      %min3A_1833 = arith.constant 999872 : i32
      %min3A_1834 = arith.minsi %mul3A_1832, %min3A_1833 : i32
      %sub3A_1835 = arith.subi %squeeze3A_1802, %min3A_1834 : i32
      %broadcast_in_dim3A_1836 = vector.broadcast %sub3A_1835 : i32 to vector<16xi32>
      %jit3A_1837 = arith.constant 128 : i32
      %div3A_1838 = arith.divsi %squeeze3A_1804, %jit3A_1837 : i32
      %sign3A_1839 = arith.constant 0 : i32
      %sign3A_1840 = arith.cmpi sgt, %squeeze3A_1804, %sign3A_1839 : i32
      %sign3A_1841 = arith.extui %sign3A_1840 : i1 to i32
      %sign3A_1842 = arith.constant 0 : i32
      %sign3A_1843 = arith.cmpi slt, %squeeze3A_1804, %sign3A_1842 : i32
      %sign3A_1844 = arith.extui %sign3A_1843 : i1 to i32
      %sign3A_1845 = arith.subi %sign3A_1841, %sign3A_1844 : i32
      %sign3A_1846 = arith.constant 0 : i32
      %sign3A_1847 = arith.cmpi sgt, %jit3A_1837, %sign3A_1846 : i32
      %sign3A_1848 = arith.extui %sign3A_1847 : i1 to i32
      %sign3A_1849 = arith.constant 0 : i32
      %sign3A_1850 = arith.cmpi slt, %jit3A_1837, %sign3A_1849 : i32
      %sign3A_1851 = arith.extui %sign3A_1850 : i1 to i32
      %sign3A_1852 = arith.subi %sign3A_1848, %sign3A_1851 : i32
      %ne3A_1853 = arith.cmpi ne, %sign3A_1845, %sign3A_1852 : i32
      %rem3A_1854 = arith.remsi %squeeze3A_1804, %jit3A_1837 : i32
      %ne3A_1855 = arith.constant 0 : i32
      %ne3A_1856 = arith.cmpi ne, %rem3A_1854, %ne3A_1855 : i32
      %and3A_1857 = arith.andi %ne3A_1853, %ne3A_1856 : i1
      %sub3A_1858 = arith.constant 1 : i32
      %sub3A_1859 = arith.subi %div3A_1838, %sub3A_1858 : i32
      %select_n3A_1860 = arith.select %and3A_1857, %sub3A_1859, %div3A_1838 : i32
      %mul3A_1861 = arith.constant 128 : i32
      %mul3A_1862 = arith.muli %select_n3A_1860, %mul3A_1861 : i32
      %min3A_1863 = arith.constant 999872 : i32
      %min3A_1864 = arith.minsi %mul3A_1862, %min3A_1863 : i32
      %sub3A_1865 = arith.subi %squeeze3A_1804, %min3A_1864 : i32
      %broadcast_in_dim3A_1866 = vector.broadcast %sub3A_1865 : i32 to vector<16xi32>
      %broadcast_in_dim3A_1867 = arith.constant 0.000000e+00 : f32
      %broadcast_in_dim3A_1868 = vector.broadcast %broadcast_in_dim3A_1867 : f32 to vector<16xf32>
      %add3A_1869 = arith.constant 0 : i32
      %add3A_1870 = vector.broadcast %add3A_1869 : i32 to vector<16xi32>
      %add3A_1871 = arith.addi %iota3A, %add3A_1870 : vector<16xi32>
      %gather3A_1872 = tpu.vector_load_idx %arg9[%broadcast_in_dim3A_1527, %broadcast_in_dim3A_1806, %add3A_1871, %broadcast_in_dim3A_1836] : memref<2x4x32x128xf32, #tpu.memory_space<vmem>>[vector<16xi32>, vector<16xi32>, vector<16xi32>, vector<16xi32>], vector<16xf32>,
      %gather3A_1873 = tpu.vector_load_idx %arg10[%broadcast_in_dim3A_1527, %broadcast_in_dim3A_1806, %add3A_1871, %broadcast_in_dim3A_1866] : memref<2x4x32x128xf32, #tpu.memory_space<vmem>>[vector<16xi32>, vector<16xi32>, vector<16xi32>, vector<16xi32>], vector<16xf32>,
      %mul3A_1874 = arith.mulf %gather3A_1872, %gather3A_1873 : vector<16xf32>
      %add3A_1875 = arith.addf %broadcast_in_dim3A_1868, %mul3A_1874 : vector<16xf32>
      %add3A_1876 = arith.constant 16 : i32
      %add3A_1877 = vector.broadcast %add3A_1876 : i32 to vector<16xi32>
      %add3A_1878 = arith.addi %iota3A, %add3A_1877 : vector<16xi32>
      %gather3A_1879 = tpu.vector_load_idx %arg9[%broadcast_in_dim3A_1527, %broadcast_in_dim3A_1806, %add3A_1878, %broadcast_in_dim3A_1836] : memref<2x4x32x128xf32, #tpu.memory_space<vmem>>[vector<16xi32>, vector<16xi32>, vector<16xi32>, vector<16xi32>], vector<16xf32>,
      %gather3A_1880 = tpu.vector_load_idx %arg10[%broadcast_in_dim3A_1527, %broadcast_in_dim3A_1806, %add3A_1878, %broadcast_in_dim3A_1866] : memref<2x4x32x128xf32, #tpu.memory_space<vmem>>[vector<16xi32>, vector<16xi32>, vector<16xi32>, vector<16xi32>], vector<16xf32>,
      %mul3A_1881 = arith.mulf %gather3A_1879, %gather3A_1880 : vector<16xf32>
      %add3A_1882 = arith.addf %add3A_1875, %mul3A_1881 : vector<16xf32>
      %reduce_sum3A_1883 = arith.constant true
      %reduce_sum3A_1884 = vector.broadcast %reduce_sum3A_1883 : i1 to vector<16xi1>
      %reduce_sum3A_1885 = tpu.scan <sum>, %add3A_1882 masked %reduce_sum3A_1884 : vector<16xf32>, vector<16xi1> -> vector<16xf32>
      %reduce_sum3A_1886 = vector.extract %reduce_sum3A_1885[15] : f32 from vector<16xf32>
      %eq3A_1887 = arith.constant 11 : i32
      %eq3A_1888 = vector.broadcast %eq3A_1887 : i32 to vector<16xi32>
      %eq3A_1889 = arith.cmpi eq, %iota3A, %eq3A_1888 : vector<16xi32>
      %broadcast_in_dim3A_1890 = vector.broadcast %reduce_sum3A_1886 : f32 to vector<16xf32>
      %select_n3A_1891 = arith.select %eq3A_1889, %broadcast_in_dim3A_1890, %select_n3A_1800 : vector<16xi1>, vector<16xf32>
      %mul3A_1892 = arith.constant 4 : i32
      %mul3A_1893 = arith.muli %scan3A_358, %mul3A_1892 : i32
      %add3A_1894 = arith.constant 3 : i32
      %add3A_1895 = arith.addi %mul3A_1893, %add3A_1894 : i32
      %add3A_1896 = arith.constant 1 : i32
      %add3A_1897 = arith.addi %add3A_1895, %add3A_1896 : i32
      %lt3A_1898 = arith.constant 128 : i32
      %lt3A_1899 = arith.cmpi slt, %add3A_1897, %lt3A_1898 : i32
      %convert_element_type3A_1900 = arith.extui %lt3A_1899 : i1 to i32
      %cond3A_1901 = arith.constant 0 : i32
      %cond3A_1902 = arith.cmpi ne, %convert_element_type3A_1900, %cond3A_1901 : i32
      scf.if %cond3A_1902 {
        %add3A_2408 = arith.constant 1 : i32
        %add3A_2409 = arith.addi %add3A_1895, %add3A_2408 : i32
        %mul3A_2410 = arith.constant 4 : i32
        %mul3A_2411 = arith.muli %add3A_2409, %mul3A_2410 : i32
        %get3A_2412 = arith.index_cast %mul3A_2411 : i32 to index
        %get3A_2413 = tpu.vector_load %arg7[%get3A_2412] {strides = array<i32>} : memref<528xi32, #tpu.memory_space<vmem>>, vector<16xi32>,
        %mul3A_2414 = arith.constant 4 : i32
        %mul3A_2415 = arith.muli %add3A_2409, %mul3A_2414 : i32
        %get3A_2416 = arith.index_cast %mul3A_2415 : i32 to index
        %get3A_2417 = tpu.vector_load %arg8[%get3A_2416] {strides = array<i32>} : memref<528xi32, #tpu.memory_space<vmem>>, vector<16xi32>,
        %slice3A_2418 = vector.extract_strided_slice %get3A_2413 {offsets = [0], sizes = [1], strides = [1]} : vector<16xi32> to vector<1xi32>
        %squeeze3A_2419 = vector.extract %slice3A_2418[0] : i32 from vector<1xi32>
        %slice3A_2420 = vector.extract_strided_slice %get3A_2417 {offsets = [0], sizes = [1], strides = [1]} : vector<16xi32> to vector<1xi32>
        %squeeze3A_2421 = vector.extract %slice3A_2420[0] : i32 from vector<1xi32>
        %jit3A_2422 = arith.constant 128 : i32
        %div3A_2423 = arith.divsi %squeeze3A_2419, %jit3A_2422 : i32
        %sign3A_2424 = arith.constant 0 : i32
        %sign3A_2425 = arith.cmpi sgt, %squeeze3A_2419, %sign3A_2424 : i32
        %sign3A_2426 = arith.extui %sign3A_2425 : i1 to i32
        %sign3A_2427 = arith.constant 0 : i32
        %sign3A_2428 = arith.cmpi slt, %squeeze3A_2419, %sign3A_2427 : i32
        %sign3A_2429 = arith.extui %sign3A_2428 : i1 to i32
        %sign3A_2430 = arith.subi %sign3A_2426, %sign3A_2429 : i32
        %sign3A_2431 = arith.constant 0 : i32
        %sign3A_2432 = arith.cmpi sgt, %jit3A_2422, %sign3A_2431 : i32
        %sign3A_2433 = arith.extui %sign3A_2432 : i1 to i32
        %sign3A_2434 = arith.constant 0 : i32
        %sign3A_2435 = arith.cmpi slt, %jit3A_2422, %sign3A_2434 : i32
        %sign3A_2436 = arith.extui %sign3A_2435 : i1 to i32
        %sign3A_2437 = arith.subi %sign3A_2433, %sign3A_2436 : i32
        %ne3A_2438 = arith.cmpi ne, %sign3A_2430, %sign3A_2437 : i32
        %rem3A_2439 = arith.remsi %squeeze3A_2419, %jit3A_2422 : i32
        %ne3A_2440 = arith.constant 0 : i32
        %ne3A_2441 = arith.cmpi ne, %rem3A_2439, %ne3A_2440 : i32
        %and3A_2442 = arith.andi %ne3A_2438, %ne3A_2441 : i1
        %sub3A_2443 = arith.constant 1 : i32
        %sub3A_2444 = arith.subi %div3A_2423, %sub3A_2443 : i32
        %select_n3A_2445 = arith.select %and3A_2442, %sub3A_2444, %div3A_2423 : i32
        %mul3A_2446 = arith.constant 128 : i32
        %mul3A_2447 = arith.muli %select_n3A_2445, %mul3A_2446 : i32
        %min3A_2448 = arith.constant 999872 : i32
        %min3A_2449 = arith.minsi %mul3A_2447, %min3A_2448 : i32
        %multiple_of3A_2450 = tpu.assume_multiple %min3A_2449, 128 : i32
        %jit3A_2451 = arith.constant 128 : i32
        %div3A_2452 = arith.divsi %squeeze3A_2421, %jit3A_2451 : i32
        %sign3A_2453 = arith.constant 0 : i32
        %sign3A_2454 = arith.cmpi sgt, %squeeze3A_2421, %sign3A_2453 : i32
        %sign3A_2455 = arith.extui %sign3A_2454 : i1 to i32
        %sign3A_2456 = arith.constant 0 : i32
        %sign3A_2457 = arith.cmpi slt, %squeeze3A_2421, %sign3A_2456 : i32
        %sign3A_2458 = arith.extui %sign3A_2457 : i1 to i32
        %sign3A_2459 = arith.subi %sign3A_2455, %sign3A_2458 : i32
        %sign3A_2460 = arith.constant 0 : i32
        %sign3A_2461 = arith.cmpi sgt, %jit3A_2451, %sign3A_2460 : i32
        %sign3A_2462 = arith.extui %sign3A_2461 : i1 to i32
        %sign3A_2463 = arith.constant 0 : i32
        %sign3A_2464 = arith.cmpi slt, %jit3A_2451, %sign3A_2463 : i32
        %sign3A_2465 = arith.extui %sign3A_2464 : i1 to i32
        %sign3A_2466 = arith.subi %sign3A_2462, %sign3A_2465 : i32
        %ne3A_2467 = arith.cmpi ne, %sign3A_2459, %sign3A_2466 : i32
        %rem3A_2468 = arith.remsi %squeeze3A_2421, %jit3A_2451 : i32
        %ne3A_2469 = arith.constant 0 : i32
        %ne3A_2470 = arith.cmpi ne, %rem3A_2468, %ne3A_2469 : i32
        %and3A_2471 = arith.andi %ne3A_2467, %ne3A_2470 : i1
        %sub3A_2472 = arith.constant 1 : i32
        %sub3A_2473 = arith.subi %div3A_2452, %sub3A_2472 : i32
        %select_n3A_2474 = arith.select %and3A_2471, %sub3A_2473, %div3A_2452 : i32
        %mul3A_2475 = arith.constant 128 : i32
        %mul3A_2476 = arith.muli %select_n3A_2474, %mul3A_2475 : i32
        %min3A_2477 = arith.constant 999872 : i32
        %min3A_2478 = arith.minsi %mul3A_2476, %min3A_2477 : i32
        %multiple_of3A_2479 = tpu.assume_multiple %min3A_2478, 128 : i32
        %dma_start3A_2480 = arith.constant 0 : i32
        %dma_start3A_2481 = arith.constant 0 : i32
        %dma_start3A_2482 = arith.constant 0 : i32
        %dma_start3A_2483 = arith.constant 0 : i32
        %dma_start3A_2484 = tpu.memref_slice %arg9[%dma_start3A_2480, %dma_start3A_2481, %dma_start3A_2482, %dma_start3A_2483] : memref<2x4x32x128xf32, #tpu.memory_space<vmem>> -> memref<1x1x32x128xf32, #tpu.memory_space<vmem>>
        %dma_start3A_2485 = tpu.memref_squeeze %dma_start3A_2484 : memref<1x1x32x128xf32, #tpu.memory_space<vmem>> -> memref<32x128xf32, #tpu.memory_space<vmem>>
        %dma_start3A_2486 = arith.constant 0 : i32
        %dma_start3A_2487 = tpu.memref_slice %arg4[%dma_start3A_2486, %multiple_of3A_2450] : memref<32x1000000xf32, #tpu.memory_space<hbm>> -> memref<32x128xf32, #tpu.memory_space<hbm>>
        %dma_start3A_2488 = arith.constant 0 : i32
        %dma_start3A_2489 = arith.constant 0 : i32
        %dma_start3A_2490 = tpu.memref_slice %arg9[%dma_start3A_2480, %dma_start3A_2481, %dma_start3A_2488, %dma_start3A_2489] : memref<2x4x32x128xf32, #tpu.memory_space<vmem>> -> memref<1x1x32x128xf32, #tpu.memory_space<vmem>>
        %dma_start3A_2491 = tpu.memref_squeeze %dma_start3A_2490 : memref<1x1x32x128xf32, #tpu.memory_space<vmem>> -> memref<32x128xf32, #tpu.memory_space<vmem>>
        %dma_start3A_2492 = arith.constant 0 : i32
        %dma_start3A_2493 = tpu.memref_slice %arg4[%dma_start3A_2492, %multiple_of3A_2450] : memref<32x1000000xf32, #tpu.memory_space<hbm>> -> memref<32x128xf32, #tpu.memory_space<hbm>>
        tpu.enqueue_dma source(%dma_start3A_2493 : memref<32x128xf32, #tpu.memory_space<hbm>>) target(%dma_start3A_2491 : memref<32x128xf32, #tpu.memory_space<vmem>>) target_semaphore(%arg12 : memref<!tpu.dma_semaphore, #tpu.memory_space<semaphore_mem>>)
        %dma_start3A_2494 = arith.constant 0 : i32
        %dma_start3A_2495 = arith.constant 0 : i32
        %dma_start3A_2496 = arith.constant 0 : i32
        %dma_start3A_2497 = arith.constant 0 : i32
        %dma_start3A_2498 = tpu.memref_slice %arg10[%dma_start3A_2494, %dma_start3A_2495, %dma_start3A_2496, %dma_start3A_2497] : memref<2x4x32x128xf32, #tpu.memory_space<vmem>> -> memref<1x1x32x128xf32, #tpu.memory_space<vmem>>
        %dma_start3A_2499 = tpu.memref_squeeze %dma_start3A_2498 : memref<1x1x32x128xf32, #tpu.memory_space<vmem>> -> memref<32x128xf32, #tpu.memory_space<vmem>>
        %dma_start3A_2500 = arith.constant 0 : i32
        %dma_start3A_2501 = tpu.memref_slice %arg5[%dma_start3A_2500, %multiple_of3A_2479] : memref<32x1000000xf32, #tpu.memory_space<hbm>> -> memref<32x128xf32, #tpu.memory_space<hbm>>
        %dma_start3A_2502 = arith.constant 0 : i32
        %dma_start3A_2503 = arith.constant 0 : i32
        %dma_start3A_2504 = tpu.memref_slice %arg10[%dma_start3A_2494, %dma_start3A_2495, %dma_start3A_2502, %dma_start3A_2503] : memref<2x4x32x128xf32, #tpu.memory_space<vmem>> -> memref<1x1x32x128xf32, #tpu.memory_space<vmem>>
        %dma_start3A_2505 = tpu.memref_squeeze %dma_start3A_2504 : memref<1x1x32x128xf32, #tpu.memory_space<vmem>> -> memref<32x128xf32, #tpu.memory_space<vmem>>
        %dma_start3A_2506 = arith.constant 0 : i32
        %dma_start3A_2507 = tpu.memref_slice %arg5[%dma_start3A_2506, %multiple_of3A_2479] : memref<32x1000000xf32, #tpu.memory_space<hbm>> -> memref<32x128xf32, #tpu.memory_space<hbm>>
        tpu.enqueue_dma source(%dma_start3A_2507 : memref<32x128xf32, #tpu.memory_space<hbm>>) target(%dma_start3A_2505 : memref<32x128xf32, #tpu.memory_space<vmem>>) target_semaphore(%arg12 : memref<!tpu.dma_semaphore, #tpu.memory_space<semaphore_mem>>)
        %slice3A_2508 = vector.extract_strided_slice %get3A_2413 {offsets = [1], sizes = [1], strides = [1]} : vector<16xi32> to vector<1xi32>
        %squeeze3A_2509 = vector.extract %slice3A_2508[0] : i32 from vector<1xi32>
        %slice3A_2510 = vector.extract_strided_slice %get3A_2417 {offsets = [1], sizes = [1], strides = [1]} : vector<16xi32> to vector<1xi32>
        %squeeze3A_2511 = vector.extract %slice3A_2510[0] : i32 from vector<1xi32>
        %jit3A_2512 = arith.constant 128 : i32
        %div3A_2513 = arith.divsi %squeeze3A_2509, %jit3A_2512 : i32
        %sign3A_2514 = arith.constant 0 : i32
        %sign3A_2515 = arith.cmpi sgt, %squeeze3A_2509, %sign3A_2514 : i32
        %sign3A_2516 = arith.extui %sign3A_2515 : i1 to i32
        %sign3A_2517 = arith.constant 0 : i32
        %sign3A_2518 = arith.cmpi slt, %squeeze3A_2509, %sign3A_2517 : i32
        %sign3A_2519 = arith.extui %sign3A_2518 : i1 to i32
        %sign3A_2520 = arith.subi %sign3A_2516, %sign3A_2519 : i32
        %sign3A_2521 = arith.constant 0 : i32
        %sign3A_2522 = arith.cmpi sgt, %jit3A_2512, %sign3A_2521 : i32
        %sign3A_2523 = arith.extui %sign3A_2522 : i1 to i32
        %sign3A_2524 = arith.constant 0 : i32
        %sign3A_2525 = arith.cmpi slt, %jit3A_2512, %sign3A_2524 : i32
        %sign3A_2526 = arith.extui %sign3A_2525 : i1 to i32
        %sign3A_2527 = arith.subi %sign3A_2523, %sign3A_2526 : i32
        %ne3A_2528 = arith.cmpi ne, %sign3A_2520, %sign3A_2527 : i32
        %rem3A_2529 = arith.remsi %squeeze3A_2509, %jit3A_2512 : i32
        %ne3A_2530 = arith.constant 0 : i32
        %ne3A_2531 = arith.cmpi ne, %rem3A_2529, %ne3A_2530 : i32
        %and3A_2532 = arith.andi %ne3A_2528, %ne3A_2531 : i1
        %sub3A_2533 = arith.constant 1 : i32
        %sub3A_2534 = arith.subi %div3A_2513, %sub3A_2533 : i32
        %select_n3A_2535 = arith.select %and3A_2532, %sub3A_2534, %div3A_2513 : i32
        %mul3A_2536 = arith.constant 128 : i32
        %mul3A_2537 = arith.muli %select_n3A_2535, %mul3A_2536 : i32
        %min3A_2538 = arith.constant 999872 : i32
        %min3A_2539 = arith.minsi %mul3A_2537, %min3A_2538 : i32
        %multiple_of3A_2540 = tpu.assume_multiple %min3A_2539, 128 : i32
        %jit3A_2541 = arith.constant 128 : i32
        %div3A_2542 = arith.divsi %squeeze3A_2511, %jit3A_2541 : i32
        %sign3A_2543 = arith.constant 0 : i32
        %sign3A_2544 = arith.cmpi sgt, %squeeze3A_2511, %sign3A_2543 : i32
        %sign3A_2545 = arith.extui %sign3A_2544 : i1 to i32
        %sign3A_2546 = arith.constant 0 : i32
        %sign3A_2547 = arith.cmpi slt, %squeeze3A_2511, %sign3A_2546 : i32
        %sign3A_2548 = arith.extui %sign3A_2547 : i1 to i32
        %sign3A_2549 = arith.subi %sign3A_2545, %sign3A_2548 : i32
        %sign3A_2550 = arith.constant 0 : i32
        %sign3A_2551 = arith.cmpi sgt, %jit3A_2541, %sign3A_2550 : i32
        %sign3A_2552 = arith.extui %sign3A_2551 : i1 to i32
        %sign3A_2553 = arith.constant 0 : i32
        %sign3A_2554 = arith.cmpi slt, %jit3A_2541, %sign3A_2553 : i32
        %sign3A_2555 = arith.extui %sign3A_2554 : i1 to i32
        %sign3A_2556 = arith.subi %sign3A_2552, %sign3A_2555 : i32
        %ne3A_2557 = arith.cmpi ne, %sign3A_2549, %sign3A_2556 : i32
        %rem3A_2558 = arith.remsi %squeeze3A_2511, %jit3A_2541 : i32
        %ne3A_2559 = arith.constant 0 : i32
        %ne3A_2560 = arith.cmpi ne, %rem3A_2558, %ne3A_2559 : i32
        %and3A_2561 = arith.andi %ne3A_2557, %ne3A_2560 : i1
        %sub3A_2562 = arith.constant 1 : i32
        %sub3A_2563 = arith.subi %div3A_2542, %sub3A_2562 : i32
        %select_n3A_2564 = arith.select %and3A_2561, %sub3A_2563, %div3A_2542 : i32
        %mul3A_2565 = arith.constant 128 : i32
        %mul3A_2566 = arith.muli %select_n3A_2564, %mul3A_2565 : i32
        %min3A_2567 = arith.constant 999872 : i32
        %min3A_2568 = arith.minsi %mul3A_2566, %min3A_2567 : i32
        %multiple_of3A_2569 = tpu.assume_multiple %min3A_2568, 128 : i32
        %dma_start3A_2570 = arith.constant 0 : i32
        %dma_start3A_2571 = arith.constant 1 : i32
        %dma_start3A_2572 = arith.constant 0 : i32
        %dma_start3A_2573 = arith.constant 0 : i32
        %dma_start3A_2574 = tpu.memref_slice %arg9[%dma_start3A_2570, %dma_start3A_2571, %dma_start3A_2572, %dma_start3A_2573] : memref<2x4x32x128xf32, #tpu.memory_space<vmem>> -> memref<1x1x32x128xf32, #tpu.memory_space<vmem>>
        %dma_start3A_2575 = tpu.memref_squeeze %dma_start3A_2574 : memref<1x1x32x128xf32, #tpu.memory_space<vmem>> -> memref<32x128xf32, #tpu.memory_space<vmem>>
        %dma_start3A_2576 = arith.constant 0 : i32
        %dma_start3A_2577 = tpu.memref_slice %arg4[%dma_start3A_2576, %multiple_of3A_2540] : memref<32x1000000xf32, #tpu.memory_space<hbm>> -> memref<32x128xf32, #tpu.memory_space<hbm>>
        %dma_start3A_2578 = arith.constant 0 : i32
        %dma_start3A_2579 = arith.constant 0 : i32
        %dma_start3A_2580 = tpu.memref_slice %arg9[%dma_start3A_2570, %dma_start3A_2571, %dma_start3A_2578, %dma_start3A_2579] : memref<2x4x32x128xf32, #tpu.memory_space<vmem>> -> memref<1x1x32x128xf32, #tpu.memory_space<vmem>>
        %dma_start3A_2581 = tpu.memref_squeeze %dma_start3A_2580 : memref<1x1x32x128xf32, #tpu.memory_space<vmem>> -> memref<32x128xf32, #tpu.memory_space<vmem>>
        %dma_start3A_2582 = arith.constant 0 : i32
        %dma_start3A_2583 = tpu.memref_slice %arg4[%dma_start3A_2582, %multiple_of3A_2540] : memref<32x1000000xf32, #tpu.memory_space<hbm>> -> memref<32x128xf32, #tpu.memory_space<hbm>>
        tpu.enqueue_dma source(%dma_start3A_2583 : memref<32x128xf32, #tpu.memory_space<hbm>>) target(%dma_start3A_2581 : memref<32x128xf32, #tpu.memory_space<vmem>>) target_semaphore(%arg12 : memref<!tpu.dma_semaphore, #tpu.memory_space<semaphore_mem>>)
        %dma_start3A_2584 = arith.constant 0 : i32
        %dma_start3A_2585 = arith.constant 1 : i32
        %dma_start3A_2586 = arith.constant 0 : i32
        %dma_start3A_2587 = arith.constant 0 : i32
        %dma_start3A_2588 = tpu.memref_slice %arg10[%dma_start3A_2584, %dma_start3A_2585, %dma_start3A_2586, %dma_start3A_2587] : memref<2x4x32x128xf32, #tpu.memory_space<vmem>> -> memref<1x1x32x128xf32, #tpu.memory_space<vmem>>
        %dma_start3A_2589 = tpu.memref_squeeze %dma_start3A_2588 : memref<1x1x32x128xf32, #tpu.memory_space<vmem>> -> memref<32x128xf32, #tpu.memory_space<vmem>>
        %dma_start3A_2590 = arith.constant 0 : i32
        %dma_start3A_2591 = tpu.memref_slice %arg5[%dma_start3A_2590, %multiple_of3A_2569] : memref<32x1000000xf32, #tpu.memory_space<hbm>> -> memref<32x128xf32, #tpu.memory_space<hbm>>
        %dma_start3A_2592 = arith.constant 0 : i32
        %dma_start3A_2593 = arith.constant 0 : i32
        %dma_start3A_2594 = tpu.memref_slice %arg10[%dma_start3A_2584, %dma_start3A_2585, %dma_start3A_2592, %dma_start3A_2593] : memref<2x4x32x128xf32, #tpu.memory_space<vmem>> -> memref<1x1x32x128xf32, #tpu.memory_space<vmem>>
        %dma_start3A_2595 = tpu.memref_squeeze %dma_start3A_2594 : memref<1x1x32x128xf32, #tpu.memory_space<vmem>> -> memref<32x128xf32, #tpu.memory_space<vmem>>
        %dma_start3A_2596 = arith.constant 0 : i32
        %dma_start3A_2597 = tpu.memref_slice %arg5[%dma_start3A_2596, %multiple_of3A_2569] : memref<32x1000000xf32, #tpu.memory_space<hbm>> -> memref<32x128xf32, #tpu.memory_space<hbm>>
        tpu.enqueue_dma source(%dma_start3A_2597 : memref<32x128xf32, #tpu.memory_space<hbm>>) target(%dma_start3A_2595 : memref<32x128xf32, #tpu.memory_space<vmem>>) target_semaphore(%arg12 : memref<!tpu.dma_semaphore, #tpu.memory_space<semaphore_mem>>)
        %slice3A_2598 = vector.extract_strided_slice %get3A_2413 {offsets = [2], sizes = [1], strides = [1]} : vector<16xi32> to vector<1xi32>
        %squeeze3A_2599 = vector.extract %slice3A_2598[0] : i32 from vector<1xi32>
        %slice3A_2600 = vector.extract_strided_slice %get3A_2417 {offsets = [2], sizes = [1], strides = [1]} : vector<16xi32> to vector<1xi32>
        %squeeze3A_2601 = vector.extract %slice3A_2600[0] : i32 from vector<1xi32>
        %jit3A_2602 = arith.constant 128 : i32
        %div3A_2603 = arith.divsi %squeeze3A_2599, %jit3A_2602 : i32
        %sign3A_2604 = arith.constant 0 : i32
        %sign3A_2605 = arith.cmpi sgt, %squeeze3A_2599, %sign3A_2604 : i32
        %sign3A_2606 = arith.extui %sign3A_2605 : i1 to i32
        %sign3A_2607 = arith.constant 0 : i32
        %sign3A_2608 = arith.cmpi slt, %squeeze3A_2599, %sign3A_2607 : i32
        %sign3A_2609 = arith.extui %sign3A_2608 : i1 to i32
        %sign3A_2610 = arith.subi %sign3A_2606, %sign3A_2609 : i32
        %sign3A_2611 = arith.constant 0 : i32
        %sign3A_2612 = arith.cmpi sgt, %jit3A_2602, %sign3A_2611 : i32
        %sign3A_2613 = arith.extui %sign3A_2612 : i1 to i32
        %sign3A_2614 = arith.constant 0 : i32
        %sign3A_2615 = arith.cmpi slt, %jit3A_2602, %sign3A_2614 : i32
        %sign3A_2616 = arith.extui %sign3A_2615 : i1 to i32
        %sign3A_2617 = arith.subi %sign3A_2613, %sign3A_2616 : i32
        %ne3A_2618 = arith.cmpi ne, %sign3A_2610, %sign3A_2617 : i32
        %rem3A_2619 = arith.remsi %squeeze3A_2599, %jit3A_2602 : i32
        %ne3A_2620 = arith.constant 0 : i32
        %ne3A_2621 = arith.cmpi ne, %rem3A_2619, %ne3A_2620 : i32
        %and3A_2622 = arith.andi %ne3A_2618, %ne3A_2621 : i1
        %sub3A_2623 = arith.constant 1 : i32
        %sub3A_2624 = arith.subi %div3A_2603, %sub3A_2623 : i32
        %select_n3A_2625 = arith.select %and3A_2622, %sub3A_2624, %div3A_2603 : i32
        %mul3A_2626 = arith.constant 128 : i32
        %mul3A_2627 = arith.muli %select_n3A_2625, %mul3A_2626 : i32
        %min3A_2628 = arith.constant 999872 : i32
        %min3A_2629 = arith.minsi %mul3A_2627, %min3A_2628 : i32
        %multiple_of3A_2630 = tpu.assume_multiple %min3A_2629, 128 : i32
        %jit3A_2631 = arith.constant 128 : i32
        %div3A_2632 = arith.divsi %squeeze3A_2601, %jit3A_2631 : i32
        %sign3A_2633 = arith.constant 0 : i32
        %sign3A_2634 = arith.cmpi sgt, %squeeze3A_2601, %sign3A_2633 : i32
        %sign3A_2635 = arith.extui %sign3A_2634 : i1 to i32
        %sign3A_2636 = arith.constant 0 : i32
        %sign3A_2637 = arith.cmpi slt, %squeeze3A_2601, %sign3A_2636 : i32
        %sign3A_2638 = arith.extui %sign3A_2637 : i1 to i32
        %sign3A_2639 = arith.subi %sign3A_2635, %sign3A_2638 : i32
        %sign3A_2640 = arith.constant 0 : i32
        %sign3A_2641 = arith.cmpi sgt, %jit3A_2631, %sign3A_2640 : i32
        %sign3A_2642 = arith.extui %sign3A_2641 : i1 to i32
        %sign3A_2643 = arith.constant 0 : i32
        %sign3A_2644 = arith.cmpi slt, %jit3A_2631, %sign3A_2643 : i32
        %sign3A_2645 = arith.extui %sign3A_2644 : i1 to i32
        %sign3A_2646 = arith.subi %sign3A_2642, %sign3A_2645 : i32
        %ne3A_2647 = arith.cmpi ne, %sign3A_2639, %sign3A_2646 : i32
        %rem3A_2648 = arith.remsi %squeeze3A_2601, %jit3A_2631 : i32
        %ne3A_2649 = arith.constant 0 : i32
        %ne3A_2650 = arith.cmpi ne, %rem3A_2648, %ne3A_2649 : i32
        %and3A_2651 = arith.andi %ne3A_2647, %ne3A_2650 : i1
        %sub3A_2652 = arith.constant 1 : i32
        %sub3A_2653 = arith.subi %div3A_2632, %sub3A_2652 : i32
        %select_n3A_2654 = arith.select %and3A_2651, %sub3A_2653, %div3A_2632 : i32
        %mul3A_2655 = arith.constant 128 : i32
        %mul3A_2656 = arith.muli %select_n3A_2654, %mul3A_2655 : i32
        %min3A_2657 = arith.constant 999872 : i32
        %min3A_2658 = arith.minsi %mul3A_2656, %min3A_2657 : i32
        %multiple_of3A_2659 = tpu.assume_multiple %min3A_2658, 128 : i32
        %dma_start3A_2660 = arith.constant 0 : i32
        %dma_start3A_2661 = arith.constant 2 : i32
        %dma_start3A_2662 = arith.constant 0 : i32
        %dma_start3A_2663 = arith.constant 0 : i32
        %dma_start3A_2664 = tpu.memref_slice %arg9[%dma_start3A_2660, %dma_start3A_2661, %dma_start3A_2662, %dma_start3A_2663] : memref<2x4x32x128xf32, #tpu.memory_space<vmem>> -> memref<1x1x32x128xf32, #tpu.memory_space<vmem>>
        %dma_start3A_2665 = tpu.memref_squeeze %dma_start3A_2664 : memref<1x1x32x128xf32, #tpu.memory_space<vmem>> -> memref<32x128xf32, #tpu.memory_space<vmem>>
        %dma_start3A_2666 = arith.constant 0 : i32
        %dma_start3A_2667 = tpu.memref_slice %arg4[%dma_start3A_2666, %multiple_of3A_2630] : memref<32x1000000xf32, #tpu.memory_space<hbm>> -> memref<32x128xf32, #tpu.memory_space<hbm>>
        %dma_start3A_2668 = arith.constant 0 : i32
        %dma_start3A_2669 = arith.constant 0 : i32
        %dma_start3A_2670 = tpu.memref_slice %arg9[%dma_start3A_2660, %dma_start3A_2661, %dma_start3A_2668, %dma_start3A_2669] : memref<2x4x32x128xf32, #tpu.memory_space<vmem>> -> memref<1x1x32x128xf32, #tpu.memory_space<vmem>>
        %dma_start3A_2671 = tpu.memref_squeeze %dma_start3A_2670 : memref<1x1x32x128xf32, #tpu.memory_space<vmem>> -> memref<32x128xf32, #tpu.memory_space<vmem>>
        %dma_start3A_2672 = arith.constant 0 : i32
        %dma_start3A_2673 = tpu.memref_slice %arg4[%dma_start3A_2672, %multiple_of3A_2630] : memref<32x1000000xf32, #tpu.memory_space<hbm>> -> memref<32x128xf32, #tpu.memory_space<hbm>>
        tpu.enqueue_dma source(%dma_start3A_2673 : memref<32x128xf32, #tpu.memory_space<hbm>>) target(%dma_start3A_2671 : memref<32x128xf32, #tpu.memory_space<vmem>>) target_semaphore(%arg12 : memref<!tpu.dma_semaphore, #tpu.memory_space<semaphore_mem>>)
        %dma_start3A_2674 = arith.constant 0 : i32
        %dma_start3A_2675 = arith.constant 2 : i32
        %dma_start3A_2676 = arith.constant 0 : i32
        %dma_start3A_2677 = arith.constant 0 : i32
        %dma_start3A_2678 = tpu.memref_slice %arg10[%dma_start3A_2674, %dma_start3A_2675, %dma_start3A_2676, %dma_start3A_2677] : memref<2x4x32x128xf32, #tpu.memory_space<vmem>> -> memref<1x1x32x128xf32, #tpu.memory_space<vmem>>
        %dma_start3A_2679 = tpu.memref_squeeze %dma_start3A_2678 : memref<1x1x32x128xf32, #tpu.memory_space<vmem>> -> memref<32x128xf32, #tpu.memory_space<vmem>>
        %dma_start3A_2680 = arith.constant 0 : i32
        %dma_start3A_2681 = tpu.memref_slice %arg5[%dma_start3A_2680, %multiple_of3A_2659] : memref<32x1000000xf32, #tpu.memory_space<hbm>> -> memref<32x128xf32, #tpu.memory_space<hbm>>
        %dma_start3A_2682 = arith.constant 0 : i32
        %dma_start3A_2683 = arith.constant 0 : i32
        %dma_start3A_2684 = tpu.memref_slice %arg10[%dma_start3A_2674, %dma_start3A_2675, %dma_start3A_2682, %dma_start3A_2683] : memref<2x4x32x128xf32, #tpu.memory_space<vmem>> -> memref<1x1x32x128xf32, #tpu.memory_space<vmem>>
        %dma_start3A_2685 = tpu.memref_squeeze %dma_start3A_2684 : memref<1x1x32x128xf32, #tpu.memory_space<vmem>> -> memref<32x128xf32, #tpu.memory_space<vmem>>
        %dma_start3A_2686 = arith.constant 0 : i32
        %dma_start3A_2687 = tpu.memref_slice %arg5[%dma_start3A_2686, %multiple_of3A_2659] : memref<32x1000000xf32, #tpu.memory_space<hbm>> -> memref<32x128xf32, #tpu.memory_space<hbm>>
        tpu.enqueue_dma source(%dma_start3A_2687 : memref<32x128xf32, #tpu.memory_space<hbm>>) target(%dma_start3A_2685 : memref<32x128xf32, #tpu.memory_space<vmem>>) target_semaphore(%arg12 : memref<!tpu.dma_semaphore, #tpu.memory_space<semaphore_mem>>)
        %slice3A_2688 = vector.extract_strided_slice %get3A_2413 {offsets = [3], sizes = [1], strides = [1]} : vector<16xi32> to vector<1xi32>
        %squeeze3A_2689 = vector.extract %slice3A_2688[0] : i32 from vector<1xi32>
        %slice3A_2690 = vector.extract_strided_slice %get3A_2417 {offsets = [3], sizes = [1], strides = [1]} : vector<16xi32> to vector<1xi32>
        %squeeze3A_2691 = vector.extract %slice3A_2690[0] : i32 from vector<1xi32>
        %jit3A_2692 = arith.constant 128 : i32
        %div3A_2693 = arith.divsi %squeeze3A_2689, %jit3A_2692 : i32
        %sign3A_2694 = arith.constant 0 : i32
        %sign3A_2695 = arith.cmpi sgt, %squeeze3A_2689, %sign3A_2694 : i32
        %sign3A_2696 = arith.extui %sign3A_2695 : i1 to i32
        %sign3A_2697 = arith.constant 0 : i32
        %sign3A_2698 = arith.cmpi slt, %squeeze3A_2689, %sign3A_2697 : i32
        %sign3A_2699 = arith.extui %sign3A_2698 : i1 to i32
        %sign3A_2700 = arith.subi %sign3A_2696, %sign3A_2699 : i32
        %sign3A_2701 = arith.constant 0 : i32
        %sign3A_2702 = arith.cmpi sgt, %jit3A_2692, %sign3A_2701 : i32
        %sign3A_2703 = arith.extui %sign3A_2702 : i1 to i32
        %sign3A_2704 = arith.constant 0 : i32
        %sign3A_2705 = arith.cmpi slt, %jit3A_2692, %sign3A_2704 : i32
        %sign3A_2706 = arith.extui %sign3A_2705 : i1 to i32
        %sign3A_2707 = arith.subi %sign3A_2703, %sign3A_2706 : i32
        %ne3A_2708 = arith.cmpi ne, %sign3A_2700, %sign3A_2707 : i32
        %rem3A_2709 = arith.remsi %squeeze3A_2689, %jit3A_2692 : i32
        %ne3A_2710 = arith.constant 0 : i32
        %ne3A_2711 = arith.cmpi ne, %rem3A_2709, %ne3A_2710 : i32
        %and3A_2712 = arith.andi %ne3A_2708, %ne3A_2711 : i1
        %sub3A_2713 = arith.constant 1 : i32
        %sub3A_2714 = arith.subi %div3A_2693, %sub3A_2713 : i32
        %select_n3A_2715 = arith.select %and3A_2712, %sub3A_2714, %div3A_2693 : i32
        %mul3A_2716 = arith.constant 128 : i32
        %mul3A_2717 = arith.muli %select_n3A_2715, %mul3A_2716 : i32
        %min3A_2718 = arith.constant 999872 : i32
        %min3A_2719 = arith.minsi %mul3A_2717, %min3A_2718 : i32
        %multiple_of3A_2720 = tpu.assume_multiple %min3A_2719, 128 : i32
        %jit3A_2721 = arith.constant 128 : i32
        %div3A_2722 = arith.divsi %squeeze3A_2691, %jit3A_2721 : i32
        %sign3A_2723 = arith.constant 0 : i32
        %sign3A_2724 = arith.cmpi sgt, %squeeze3A_2691, %sign3A_2723 : i32
        %sign3A_2725 = arith.extui %sign3A_2724 : i1 to i32
        %sign3A_2726 = arith.constant 0 : i32
        %sign3A_2727 = arith.cmpi slt, %squeeze3A_2691, %sign3A_2726 : i32
        %sign3A_2728 = arith.extui %sign3A_2727 : i1 to i32
        %sign3A_2729 = arith.subi %sign3A_2725, %sign3A_2728 : i32
        %sign3A_2730 = arith.constant 0 : i32
        %sign3A_2731 = arith.cmpi sgt, %jit3A_2721, %sign3A_2730 : i32
        %sign3A_2732 = arith.extui %sign3A_2731 : i1 to i32
        %sign3A_2733 = arith.constant 0 : i32
        %sign3A_2734 = arith.cmpi slt, %jit3A_2721, %sign3A_2733 : i32
        %sign3A_2735 = arith.extui %sign3A_2734 : i1 to i32
        %sign3A_2736 = arith.subi %sign3A_2732, %sign3A_2735 : i32
        %ne3A_2737 = arith.cmpi ne, %sign3A_2729, %sign3A_2736 : i32
        %rem3A_2738 = arith.remsi %squeeze3A_2691, %jit3A_2721 : i32
        %ne3A_2739 = arith.constant 0 : i32
        %ne3A_2740 = arith.cmpi ne, %rem3A_2738, %ne3A_2739 : i32
        %and3A_2741 = arith.andi %ne3A_2737, %ne3A_2740 : i1
        %sub3A_2742 = arith.constant 1 : i32
        %sub3A_2743 = arith.subi %div3A_2722, %sub3A_2742 : i32
        %select_n3A_2744 = arith.select %and3A_2741, %sub3A_2743, %div3A_2722 : i32
        %mul3A_2745 = arith.constant 128 : i32
        %mul3A_2746 = arith.muli %select_n3A_2744, %mul3A_2745 : i32
        %min3A_2747 = arith.constant 999872 : i32
        %min3A_2748 = arith.minsi %mul3A_2746, %min3A_2747 : i32
        %multiple_of3A_2749 = tpu.assume_multiple %min3A_2748, 128 : i32
        %dma_start3A_2750 = arith.constant 0 : i32
        %dma_start3A_2751 = arith.constant 3 : i32
        %dma_start3A_2752 = arith.constant 0 : i32
        %dma_start3A_2753 = arith.constant 0 : i32
        %dma_start3A_2754 = tpu.memref_slice %arg9[%dma_start3A_2750, %dma_start3A_2751, %dma_start3A_2752, %dma_start3A_2753] : memref<2x4x32x128xf32, #tpu.memory_space<vmem>> -> memref<1x1x32x128xf32, #tpu.memory_space<vmem>>
        %dma_start3A_2755 = tpu.memref_squeeze %dma_start3A_2754 : memref<1x1x32x128xf32, #tpu.memory_space<vmem>> -> memref<32x128xf32, #tpu.memory_space<vmem>>
        %dma_start3A_2756 = arith.constant 0 : i32
        %dma_start3A_2757 = tpu.memref_slice %arg4[%dma_start3A_2756, %multiple_of3A_2720] : memref<32x1000000xf32, #tpu.memory_space<hbm>> -> memref<32x128xf32, #tpu.memory_space<hbm>>
        %dma_start3A_2758 = arith.constant 0 : i32
        %dma_start3A_2759 = arith.constant 0 : i32
        %dma_start3A_2760 = tpu.memref_slice %arg9[%dma_start3A_2750, %dma_start3A_2751, %dma_start3A_2758, %dma_start3A_2759] : memref<2x4x32x128xf32, #tpu.memory_space<vmem>> -> memref<1x1x32x128xf32, #tpu.memory_space<vmem>>
        %dma_start3A_2761 = tpu.memref_squeeze %dma_start3A_2760 : memref<1x1x32x128xf32, #tpu.memory_space<vmem>> -> memref<32x128xf32, #tpu.memory_space<vmem>>
        %dma_start3A_2762 = arith.constant 0 : i32
        %dma_start3A_2763 = tpu.memref_slice %arg4[%dma_start3A_2762, %multiple_of3A_2720] : memref<32x1000000xf32, #tpu.memory_space<hbm>> -> memref<32x128xf32, #tpu.memory_space<hbm>>
        tpu.enqueue_dma source(%dma_start3A_2763 : memref<32x128xf32, #tpu.memory_space<hbm>>) target(%dma_start3A_2761 : memref<32x128xf32, #tpu.memory_space<vmem>>) target_semaphore(%arg12 : memref<!tpu.dma_semaphore, #tpu.memory_space<semaphore_mem>>)
        %dma_start3A_2764 = arith.constant 0 : i32
        %dma_start3A_2765 = arith.constant 3 : i32
        %dma_start3A_2766 = arith.constant 0 : i32
        %dma_start3A_2767 = arith.constant 0 : i32
        %dma_start3A_2768 = tpu.memref_slice %arg10[%dma_start3A_2764, %dma_start3A_2765, %dma_start3A_2766, %dma_start3A_2767] : memref<2x4x32x128xf32, #tpu.memory_space<vmem>> -> memref<1x1x32x128xf32, #tpu.memory_space<vmem>>
        %dma_start3A_2769 = tpu.memref_squeeze %dma_start3A_2768 : memref<1x1x32x128xf32, #tpu.memory_space<vmem>> -> memref<32x128xf32, #tpu.memory_space<vmem>>
        %dma_start3A_2770 = arith.constant 0 : i32
        %dma_start3A_2771 = tpu.memref_slice %arg5[%dma_start3A_2770, %multiple_of3A_2749] : memref<32x1000000xf32, #tpu.memory_space<hbm>> -> memref<32x128xf32, #tpu.memory_space<hbm>>
        %dma_start3A_2772 = arith.constant 0 : i32
        %dma_start3A_2773 = arith.constant 0 : i32
        %dma_start3A_2774 = tpu.memref_slice %arg10[%dma_start3A_2764, %dma_start3A_2765, %dma_start3A_2772, %dma_start3A_2773] : memref<2x4x32x128xf32, #tpu.memory_space<vmem>> -> memref<1x1x32x128xf32, #tpu.memory_space<vmem>>
        %dma_start3A_2775 = tpu.memref_squeeze %dma_start3A_2774 : memref<1x1x32x128xf32, #tpu.memory_space<vmem>> -> memref<32x128xf32, #tpu.memory_space<vmem>>
        %dma_start3A_2776 = arith.constant 0 : i32
        %dma_start3A_2777 = tpu.memref_slice %arg5[%dma_start3A_2776, %multiple_of3A_2749] : memref<32x1000000xf32, #tpu.memory_space<hbm>> -> memref<32x128xf32, #tpu.memory_space<hbm>>
        tpu.enqueue_dma source(%dma_start3A_2777 : memref<32x128xf32, #tpu.memory_space<hbm>>) target(%dma_start3A_2775 : memref<32x128xf32, #tpu.memory_space<vmem>>) target_semaphore(%arg12 : memref<!tpu.dma_semaphore, #tpu.memory_space<semaphore_mem>>)
      } else {
      }
      %dma_wait3A_1903 = arith.constant 0 : i32
      %dma_wait3A_1904 = arith.constant 0 : i32
      %dma_wait3A_1905 = arith.constant 0 : i32
      %dma_wait3A_1906 = arith.constant 0 : i32
      %dma_wait3A_1907 = tpu.memref_slice %arg9[%dma_wait3A_1903, %dma_wait3A_1904, %dma_wait3A_1905, %dma_wait3A_1906] : memref<2x4x32x128xf32, #tpu.memory_space<vmem>> -> memref<1x1x32x128xf32, #tpu.memory_space<vmem>>
      %dma_wait3A_1908 = tpu.memref_squeeze %dma_wait3A_1907 : memref<1x1x32x128xf32, #tpu.memory_space<vmem>> -> memref<32x128xf32, #tpu.memory_space<vmem>>
      %dma_wait3A_1909 = arith.constant 0 : i32
      %dma_wait3A_1910 = arith.constant 0 : i32
      %dma_wait3A_1911 = tpu.memref_slice %arg4[%dma_wait3A_1909, %dma_wait3A_1910] : memref<32x1000000xf32, #tpu.memory_space<hbm>> -> memref<32x128xf32, #tpu.memory_space<hbm>>
      %dma_wait3A_1912 = arith.constant 0 : i32
      %dma_wait3A_1913 = arith.constant 0 : i32
      %dma_wait3A_1914 = tpu.memref_slice %arg9[%dma_wait3A_1903, %dma_wait3A_1904, %dma_wait3A_1912, %dma_wait3A_1913] : memref<2x4x32x128xf32, #tpu.memory_space<vmem>> -> memref<1x1x32x128xf32, #tpu.memory_space<vmem>>
      %dma_wait3A_1915 = tpu.memref_squeeze %dma_wait3A_1914 : memref<1x1x32x128xf32, #tpu.memory_space<vmem>> -> memref<32x128xf32, #tpu.memory_space<vmem>>
      %dma_wait3A_1916 = arith.constant 0 : i32
      %dma_wait3A_1917 = arith.constant 0 : i32
      %dma_wait3A_1918 = tpu.memref_slice %arg4[%dma_wait3A_1916, %dma_wait3A_1917] : memref<32x1000000xf32, #tpu.memory_space<hbm>> -> memref<32x128xf32, #tpu.memory_space<hbm>>
      tpu.wait_dma2 semaphore(%arg13 : memref<!tpu.dma_semaphore, #tpu.memory_space<semaphore_mem>>) src(%dma_wait3A_1918 : memref<32x128xf32, #tpu.memory_space<hbm>>) dst(%dma_wait3A_1915 : memref<32x128xf32, #tpu.memory_space<vmem>>)
      %dma_wait3A_1919 = arith.constant 0 : i32
      %dma_wait3A_1920 = arith.constant 0 : i32
      %dma_wait3A_1921 = arith.constant 0 : i32
      %dma_wait3A_1922 = arith.constant 0 : i32
      %dma_wait3A_1923 = tpu.memref_slice %arg9[%dma_wait3A_1919, %dma_wait3A_1920, %dma_wait3A_1921, %dma_wait3A_1922] : memref<2x4x32x128xf32, #tpu.memory_space<vmem>> -> memref<1x1x32x128xf32, #tpu.memory_space<vmem>>
      %dma_wait3A_1924 = tpu.memref_squeeze %dma_wait3A_1923 : memref<1x1x32x128xf32, #tpu.memory_space<vmem>> -> memref<32x128xf32, #tpu.memory_space<vmem>>
      %dma_wait3A_1925 = arith.constant 0 : i32
      %dma_wait3A_1926 = arith.constant 0 : i32
      %dma_wait3A_1927 = tpu.memref_slice %arg4[%dma_wait3A_1925, %dma_wait3A_1926] : memref<32x1000000xf32, #tpu.memory_space<hbm>> -> memref<32x128xf32, #tpu.memory_space<hbm>>
      %dma_wait3A_1928 = arith.constant 0 : i32
      %dma_wait3A_1929 = arith.constant 0 : i32
      %dma_wait3A_1930 = tpu.memref_slice %arg9[%dma_wait3A_1919, %dma_wait3A_1920, %dma_wait3A_1928, %dma_wait3A_1929] : memref<2x4x32x128xf32, #tpu.memory_space<vmem>> -> memref<1x1x32x128xf32, #tpu.memory_space<vmem>>
      %dma_wait3A_1931 = tpu.memref_squeeze %dma_wait3A_1930 : memref<1x1x32x128xf32, #tpu.memory_space<vmem>> -> memref<32x128xf32, #tpu.memory_space<vmem>>
      %dma_wait3A_1932 = arith.constant 0 : i32
      %dma_wait3A_1933 = arith.constant 0 : i32
      %dma_wait3A_1934 = tpu.memref_slice %arg4[%dma_wait3A_1932, %dma_wait3A_1933] : memref<32x1000000xf32, #tpu.memory_space<hbm>> -> memref<32x128xf32, #tpu.memory_space<hbm>>
      tpu.wait_dma2 semaphore(%arg13 : memref<!tpu.dma_semaphore, #tpu.memory_space<semaphore_mem>>) src(%dma_wait3A_1934 : memref<32x128xf32, #tpu.memory_space<hbm>>) dst(%dma_wait3A_1931 : memref<32x128xf32, #tpu.memory_space<vmem>>)
      %dma_wait3A_1935 = arith.constant 0 : i32
      %dma_wait3A_1936 = arith.constant 0 : i32
      %dma_wait3A_1937 = arith.constant 0 : i32
      %dma_wait3A_1938 = arith.constant 0 : i32
      %dma_wait3A_1939 = tpu.memref_slice %arg9[%dma_wait3A_1935, %dma_wait3A_1936, %dma_wait3A_1937, %dma_wait3A_1938] : memref<2x4x32x128xf32, #tpu.memory_space<vmem>> -> memref<1x1x32x128xf32, #tpu.memory_space<vmem>>
      %dma_wait3A_1940 = tpu.memref_squeeze %dma_wait3A_1939 : memref<1x1x32x128xf32, #tpu.memory_space<vmem>> -> memref<32x128xf32, #tpu.memory_space<vmem>>
      %dma_wait3A_1941 = arith.constant 0 : i32
      %dma_wait3A_1942 = arith.constant 0 : i32
      %dma_wait3A_1943 = tpu.memref_slice %arg4[%dma_wait3A_1941, %dma_wait3A_1942] : memref<32x1000000xf32, #tpu.memory_space<hbm>> -> memref<32x128xf32, #tpu.memory_space<hbm>>
      %dma_wait3A_1944 = arith.constant 0 : i32
      %dma_wait3A_1945 = arith.constant 0 : i32
      %dma_wait3A_1946 = tpu.memref_slice %arg9[%dma_wait3A_1935, %dma_wait3A_1936, %dma_wait3A_1944, %dma_wait3A_1945] : memref<2x4x32x128xf32, #tpu.memory_space<vmem>> -> memref<1x1x32x128xf32, #tpu.memory_space<vmem>>
      %dma_wait3A_1947 = tpu.memref_squeeze %dma_wait3A_1946 : memref<1x1x32x128xf32, #tpu.memory_space<vmem>> -> memref<32x128xf32, #tpu.memory_space<vmem>>
      %dma_wait3A_1948 = arith.constant 0 : i32
      %dma_wait3A_1949 = arith.constant 0 : i32
      %dma_wait3A_1950 = tpu.memref_slice %arg4[%dma_wait3A_1948, %dma_wait3A_1949] : memref<32x1000000xf32, #tpu.memory_space<hbm>> -> memref<32x128xf32, #tpu.memory_space<hbm>>
      tpu.wait_dma2 semaphore(%arg13 : memref<!tpu.dma_semaphore, #tpu.memory_space<semaphore_mem>>) src(%dma_wait3A_1950 : memref<32x128xf32, #tpu.memory_space<hbm>>) dst(%dma_wait3A_1947 : memref<32x128xf32, #tpu.memory_space<vmem>>)
      %dma_wait3A_1951 = arith.constant 0 : i32
      %dma_wait3A_1952 = arith.constant 0 : i32
      %dma_wait3A_1953 = arith.constant 0 : i32
      %dma_wait3A_1954 = arith.constant 0 : i32
      %dma_wait3A_1955 = tpu.memref_slice %arg9[%dma_wait3A_1951, %dma_wait3A_1952, %dma_wait3A_1953, %dma_wait3A_1954] : memref<2x4x32x128xf32, #tpu.memory_space<vmem>> -> memref<1x1x32x128xf32, #tpu.memory_space<vmem>>
      %dma_wait3A_1956 = tpu.memref_squeeze %dma_wait3A_1955 : memref<1x1x32x128xf32, #tpu.memory_space<vmem>> -> memref<32x128xf32, #tpu.memory_space<vmem>>
      %dma_wait3A_1957 = arith.constant 0 : i32
      %dma_wait3A_1958 = arith.constant 0 : i32
      %dma_wait3A_1959 = tpu.memref_slice %arg4[%dma_wait3A_1957, %dma_wait3A_1958] : memref<32x1000000xf32, #tpu.memory_space<hbm>> -> memref<32x128xf32, #tpu.memory_space<hbm>>
      %dma_wait3A_1960 = arith.constant 0 : i32
      %dma_wait3A_1961 = arith.constant 0 : i32
      %dma_wait3A_1962 = tpu.memref_slice %arg9[%dma_wait3A_1951, %dma_wait3A_1952, %dma_wait3A_1960, %dma_wait3A_1961] : memref<2x4x32x128xf32, #tpu.memory_space<vmem>> -> memref<1x1x32x128xf32, #tpu.memory_space<vmem>>
      %dma_wait3A_1963 = tpu.memref_squeeze %dma_wait3A_1962 : memref<1x1x32x128xf32, #tpu.memory_space<vmem>> -> memref<32x128xf32, #tpu.memory_space<vmem>>
      %dma_wait3A_1964 = arith.constant 0 : i32
      %dma_wait3A_1965 = arith.constant 0 : i32
      %dma_wait3A_1966 = tpu.memref_slice %arg4[%dma_wait3A_1964, %dma_wait3A_1965] : memref<32x1000000xf32, #tpu.memory_space<hbm>> -> memref<32x128xf32, #tpu.memory_space<hbm>>
      tpu.wait_dma2 semaphore(%arg13 : memref<!tpu.dma_semaphore, #tpu.memory_space<semaphore_mem>>) src(%dma_wait3A_1966 : memref<32x128xf32, #tpu.memory_space<hbm>>) dst(%dma_wait3A_1963 : memref<32x128xf32, #tpu.memory_space<vmem>>)
      %dma_wait3A_1967 = arith.constant 0 : i32
      %dma_wait3A_1968 = arith.constant 0 : i32
      %dma_wait3A_1969 = arith.constant 0 : i32
      %dma_wait3A_1970 = arith.constant 0 : i32
      %dma_wait3A_1971 = tpu.memref_slice %arg9[%dma_wait3A_1967, %dma_wait3A_1968, %dma_wait3A_1969, %dma_wait3A_1970] : memref<2x4x32x128xf32, #tpu.memory_space<vmem>> -> memref<1x1x32x128xf32, #tpu.memory_space<vmem>>
      %dma_wait3A_1972 = tpu.memref_squeeze %dma_wait3A_1971 : memref<1x1x32x128xf32, #tpu.memory_space<vmem>> -> memref<32x128xf32, #tpu.memory_space<vmem>>
      %dma_wait3A_1973 = arith.constant 0 : i32
      %dma_wait3A_1974 = arith.constant 0 : i32
      %dma_wait3A_1975 = tpu.memref_slice %arg4[%dma_wait3A_1973, %dma_wait3A_1974] : memref<32x1000000xf32, #tpu.memory_space<hbm>> -> memref<32x128xf32, #tpu.memory_space<hbm>>
      %dma_wait3A_1976 = arith.constant 0 : i32
      %dma_wait3A_1977 = arith.constant 0 : i32
      %dma_wait3A_1978 = tpu.memref_slice %arg9[%dma_wait3A_1967, %dma_wait3A_1968, %dma_wait3A_1976, %dma_wait3A_1977] : memref<2x4x32x128xf32, #tpu.memory_space<vmem>> -> memref<1x1x32x128xf32, #tpu.memory_space<vmem>>
      %dma_wait3A_1979 = tpu.memref_squeeze %dma_wait3A_1978 : memref<1x1x32x128xf32, #tpu.memory_space<vmem>> -> memref<32x128xf32, #tpu.memory_space<vmem>>
      %dma_wait3A_1980 = arith.constant 0 : i32
      %dma_wait3A_1981 = arith.constant 0 : i32
      %dma_wait3A_1982 = tpu.memref_slice %arg4[%dma_wait3A_1980, %dma_wait3A_1981] : memref<32x1000000xf32, #tpu.memory_space<hbm>> -> memref<32x128xf32, #tpu.memory_space<hbm>>
      tpu.wait_dma2 semaphore(%arg13 : memref<!tpu.dma_semaphore, #tpu.memory_space<semaphore_mem>>) src(%dma_wait3A_1982 : memref<32x128xf32, #tpu.memory_space<hbm>>) dst(%dma_wait3A_1979 : memref<32x128xf32, #tpu.memory_space<vmem>>)
      %dma_wait3A_1983 = arith.constant 0 : i32
      %dma_wait3A_1984 = arith.constant 0 : i32
      %dma_wait3A_1985 = arith.constant 0 : i32
      %dma_wait3A_1986 = arith.constant 0 : i32
      %dma_wait3A_1987 = tpu.memref_slice %arg9[%dma_wait3A_1983, %dma_wait3A_1984, %dma_wait3A_1985, %dma_wait3A_1986] : memref<2x4x32x128xf32, #tpu.memory_space<vmem>> -> memref<1x1x32x128xf32, #tpu.memory_space<vmem>>
      %dma_wait3A_1988 = tpu.memref_squeeze %dma_wait3A_1987 : memref<1x1x32x128xf32, #tpu.memory_space<vmem>> -> memref<32x128xf32, #tpu.memory_space<vmem>>
      %dma_wait3A_1989 = arith.constant 0 : i32
      %dma_wait3A_1990 = arith.constant 0 : i32
      %dma_wait3A_1991 = tpu.memref_slice %arg4[%dma_wait3A_1989, %dma_wait3A_1990] : memref<32x1000000xf32, #tpu.memory_space<hbm>> -> memref<32x128xf32, #tpu.memory_space<hbm>>
      %dma_wait3A_1992 = arith.constant 0 : i32
      %dma_wait3A_1993 = arith.constant 0 : i32
      %dma_wait3A_1994 = tpu.memref_slice %arg9[%dma_wait3A_1983, %dma_wait3A_1984, %dma_wait3A_1992, %dma_wait3A_1993] : memref<2x4x32x128xf32, #tpu.memory_space<vmem>> -> memref<1x1x32x128xf32, #tpu.memory_space<vmem>>
      %dma_wait3A_1995 = tpu.memref_squeeze %dma_wait3A_1994 : memref<1x1x32x128xf32, #tpu.memory_space<vmem>> -> memref<32x128xf32, #tpu.memory_space<vmem>>
      %dma_wait3A_1996 = arith.constant 0 : i32
      %dma_wait3A_1997 = arith.constant 0 : i32
      %dma_wait3A_1998 = tpu.memref_slice %arg4[%dma_wait3A_1996, %dma_wait3A_1997] : memref<32x1000000xf32, #tpu.memory_space<hbm>> -> memref<32x128xf32, #tpu.memory_space<hbm>>
      tpu.wait_dma2 semaphore(%arg13 : memref<!tpu.dma_semaphore, #tpu.memory_space<semaphore_mem>>) src(%dma_wait3A_1998 : memref<32x128xf32, #tpu.memory_space<hbm>>) dst(%dma_wait3A_1995 : memref<32x128xf32, #tpu.memory_space<vmem>>)
      %dma_wait3A_1999 = arith.constant 0 : i32
      %dma_wait3A_2000 = arith.constant 0 : i32
      %dma_wait3A_2001 = arith.constant 0 : i32
      %dma_wait3A_2002 = arith.constant 0 : i32
      %dma_wait3A_2003 = tpu.memref_slice %arg9[%dma_wait3A_1999, %dma_wait3A_2000, %dma_wait3A_2001, %dma_wait3A_2002] : memref<2x4x32x128xf32, #tpu.memory_space<vmem>> -> memref<1x1x32x128xf32, #tpu.memory_space<vmem>>
      %dma_wait3A_2004 = tpu.memref_squeeze %dma_wait3A_2003 : memref<1x1x32x128xf32, #tpu.memory_space<vmem>> -> memref<32x128xf32, #tpu.memory_space<vmem>>
      %dma_wait3A_2005 = arith.constant 0 : i32
      %dma_wait3A_2006 = arith.constant 0 : i32
      %dma_wait3A_2007 = tpu.memref_slice %arg4[%dma_wait3A_2005, %dma_wait3A_2006] : memref<32x1000000xf32, #tpu.memory_space<hbm>> -> memref<32x128xf32, #tpu.memory_space<hbm>>
      %dma_wait3A_2008 = arith.constant 0 : i32
      %dma_wait3A_2009 = arith.constant 0 : i32
      %dma_wait3A_2010 = tpu.memref_slice %arg9[%dma_wait3A_1999, %dma_wait3A_2000, %dma_wait3A_2008, %dma_wait3A_2009] : memref<2x4x32x128xf32, #tpu.memory_space<vmem>> -> memref<1x1x32x128xf32, #tpu.memory_space<vmem>>
      %dma_wait3A_2011 = tpu.memref_squeeze %dma_wait3A_2010 : memref<1x1x32x128xf32, #tpu.memory_space<vmem>> -> memref<32x128xf32, #tpu.memory_space<vmem>>
      %dma_wait3A_2012 = arith.constant 0 : i32
      %dma_wait3A_2013 = arith.constant 0 : i32
      %dma_wait3A_2014 = tpu.memref_slice %arg4[%dma_wait3A_2012, %dma_wait3A_2013] : memref<32x1000000xf32, #tpu.memory_space<hbm>> -> memref<32x128xf32, #tpu.memory_space<hbm>>
      tpu.wait_dma2 semaphore(%arg13 : memref<!tpu.dma_semaphore, #tpu.memory_space<semaphore_mem>>) src(%dma_wait3A_2014 : memref<32x128xf32, #tpu.memory_space<hbm>>) dst(%dma_wait3A_2011 : memref<32x128xf32, #tpu.memory_space<vmem>>)
      %dma_wait3A_2015 = arith.constant 0 : i32
      %dma_wait3A_2016 = arith.constant 0 : i32
      %dma_wait3A_2017 = arith.constant 0 : i32
      %dma_wait3A_2018 = arith.constant 0 : i32
      %dma_wait3A_2019 = tpu.memref_slice %arg9[%dma_wait3A_2015, %dma_wait3A_2016, %dma_wait3A_2017, %dma_wait3A_2018] : memref<2x4x32x128xf32, #tpu.memory_space<vmem>> -> memref<1x1x32x128xf32, #tpu.memory_space<vmem>>
      %dma_wait3A_2020 = tpu.memref_squeeze %dma_wait3A_2019 : memref<1x1x32x128xf32, #tpu.memory_space<vmem>> -> memref<32x128xf32, #tpu.memory_space<vmem>>
      %dma_wait3A_2021 = arith.constant 0 : i32
      %dma_wait3A_2022 = arith.constant 0 : i32
      %dma_wait3A_2023 = tpu.memref_slice %arg4[%dma_wait3A_2021, %dma_wait3A_2022] : memref<32x1000000xf32, #tpu.memory_space<hbm>> -> memref<32x128xf32, #tpu.memory_space<hbm>>
      %dma_wait3A_2024 = arith.constant 0 : i32
      %dma_wait3A_2025 = arith.constant 0 : i32
      %dma_wait3A_2026 = tpu.memref_slice %arg9[%dma_wait3A_2015, %dma_wait3A_2016, %dma_wait3A_2024, %dma_wait3A_2025] : memref<2x4x32x128xf32, #tpu.memory_space<vmem>> -> memref<1x1x32x128xf32, #tpu.memory_space<vmem>>
      %dma_wait3A_2027 = tpu.memref_squeeze %dma_wait3A_2026 : memref<1x1x32x128xf32, #tpu.memory_space<vmem>> -> memref<32x128xf32, #tpu.memory_space<vmem>>
      %dma_wait3A_2028 = arith.constant 0 : i32
      %dma_wait3A_2029 = arith.constant 0 : i32
      %dma_wait3A_2030 = tpu.memref_slice %arg4[%dma_wait3A_2028, %dma_wait3A_2029] : memref<32x1000000xf32, #tpu.memory_space<hbm>> -> memref<32x128xf32, #tpu.memory_space<hbm>>
      tpu.wait_dma2 semaphore(%arg13 : memref<!tpu.dma_semaphore, #tpu.memory_space<semaphore_mem>>) src(%dma_wait3A_2030 : memref<32x128xf32, #tpu.memory_space<hbm>>) dst(%dma_wait3A_2027 : memref<32x128xf32, #tpu.memory_space<vmem>>)
      %mul3A_2031 = arith.constant 4 : i32
      %mul3A_2032 = arith.muli %add3A_1895, %mul3A_2031 : i32
      %get3A_2033 = arith.index_cast %mul3A_2032 : i32 to index
      %get3A_2034 = tpu.vector_load %arg7[%get3A_2033] {strides = array<i32>} : memref<528xi32, #tpu.memory_space<vmem>>, vector<16xi32>,
      %mul3A_2035 = arith.constant 4 : i32
      %mul3A_2036 = arith.muli %add3A_1895, %mul3A_2035 : i32
      %get3A_2037 = arith.index_cast %mul3A_2036 : i32 to index
      %get3A_2038 = tpu.vector_load %arg8[%get3A_2037] {strides = array<i32>} : memref<528xi32, #tpu.memory_space<vmem>>, vector<16xi32>,
      %broadcast_in_dim3A_2039 = arith.constant 1 : i32
      %broadcast_in_dim3A_2040 = vector.broadcast %broadcast_in_dim3A_2039 : i32 to vector<16xi32>
      %slice3A_2041 = vector.extract_strided_slice %get3A_2034 {offsets = [0], sizes = [1], strides = [1]} : vector<16xi32> to vector<1xi32>
      %squeeze3A_2042 = vector.extract %slice3A_2041[0] : i32 from vector<1xi32>
      %slice3A_2043 = vector.extract_strided_slice %get3A_2038 {offsets = [0], sizes = [1], strides = [1]} : vector<16xi32> to vector<1xi32>
      %squeeze3A_2044 = vector.extract %slice3A_2043[0] : i32 from vector<1xi32>
      %broadcast_in_dim3A_2045 = arith.constant 0 : i32
      %broadcast_in_dim3A_2046 = vector.broadcast %broadcast_in_dim3A_2045 : i32 to vector<16xi32>
      %jit3A_2047 = arith.constant 128 : i32
      %div3A_2048 = arith.divsi %squeeze3A_2042, %jit3A_2047 : i32
      %sign3A_2049 = arith.constant 0 : i32
      %sign3A_2050 = arith.cmpi sgt, %squeeze3A_2042, %sign3A_2049 : i32
      %sign3A_2051 = arith.extui %sign3A_2050 : i1 to i32
      %sign3A_2052 = arith.constant 0 : i32
      %sign3A_2053 = arith.cmpi slt, %squeeze3A_2042, %sign3A_2052 : i32
      %sign3A_2054 = arith.extui %sign3A_2053 : i1 to i32
      %sign3A_2055 = arith.subi %sign3A_2051, %sign3A_2054 : i32
      %sign3A_2056 = arith.constant 0 : i32
      %sign3A_2057 = arith.cmpi sgt, %jit3A_2047, %sign3A_2056 : i32
      %sign3A_2058 = arith.extui %sign3A_2057 : i1 to i32
      %sign3A_2059 = arith.constant 0 : i32
      %sign3A_2060 = arith.cmpi slt, %jit3A_2047, %sign3A_2059 : i32
      %sign3A_2061 = arith.extui %sign3A_2060 : i1 to i32
      %sign3A_2062 = arith.subi %sign3A_2058, %sign3A_2061 : i32
      %ne3A_2063 = arith.cmpi ne, %sign3A_2055, %sign3A_2062 : i32
      %rem3A_2064 = arith.remsi %squeeze3A_2042, %jit3A_2047 : i32
      %ne3A_2065 = arith.constant 0 : i32
      %ne3A_2066 = arith.cmpi ne, %rem3A_2064, %ne3A_2065 : i32
      %and3A_2067 = arith.andi %ne3A_2063, %ne3A_2066 : i1
      %sub3A_2068 = arith.constant 1 : i32
      %sub3A_2069 = arith.subi %div3A_2048, %sub3A_2068 : i32
      %select_n3A_2070 = arith.select %and3A_2067, %sub3A_2069, %div3A_2048 : i32
      %mul3A_2071 = arith.constant 128 : i32
      %mul3A_2072 = arith.muli %select_n3A_2070, %mul3A_2071 : i32
      %min3A_2073 = arith.constant 999872 : i32
      %min3A_2074 = arith.minsi %mul3A_2072, %min3A_2073 : i32
      %sub3A_2075 = arith.subi %squeeze3A_2042, %min3A_2074 : i32
      %broadcast_in_dim3A_2076 = vector.broadcast %sub3A_2075 : i32 to vector<16xi32>
      %jit3A_2077 = arith.constant 128 : i32
      %div3A_2078 = arith.divsi %squeeze3A_2044, %jit3A_2077 : i32
      %sign3A_2079 = arith.constant 0 : i32
      %sign3A_2080 = arith.cmpi sgt, %squeeze3A_2044, %sign3A_2079 : i32
      %sign3A_2081 = arith.extui %sign3A_2080 : i1 to i32
      %sign3A_2082 = arith.constant 0 : i32
      %sign3A_2083 = arith.cmpi slt, %squeeze3A_2044, %sign3A_2082 : i32
      %sign3A_2084 = arith.extui %sign3A_2083 : i1 to i32
      %sign3A_2085 = arith.subi %sign3A_2081, %sign3A_2084 : i32
      %sign3A_2086 = arith.constant 0 : i32
      %sign3A_2087 = arith.cmpi sgt, %jit3A_2077, %sign3A_2086 : i32
      %sign3A_2088 = arith.extui %sign3A_2087 : i1 to i32
      %sign3A_2089 = arith.constant 0 : i32
      %sign3A_2090 = arith.cmpi slt, %jit3A_2077, %sign3A_2089 : i32
      %sign3A_2091 = arith.extui %sign3A_2090 : i1 to i32
      %sign3A_2092 = arith.subi %sign3A_2088, %sign3A_2091 : i32
      %ne3A_2093 = arith.cmpi ne, %sign3A_2085, %sign3A_2092 : i32
      %rem3A_2094 = arith.remsi %squeeze3A_2044, %jit3A_2077 : i32
      %ne3A_2095 = arith.constant 0 : i32
      %ne3A_2096 = arith.cmpi ne, %rem3A_2094, %ne3A_2095 : i32
      %and3A_2097 = arith.andi %ne3A_2093, %ne3A_2096 : i1
      %sub3A_2098 = arith.constant 1 : i32
      %sub3A_2099 = arith.subi %div3A_2078, %sub3A_2098 : i32
      %select_n3A_2100 = arith.select %and3A_2097, %sub3A_2099, %div3A_2078 : i32
      %mul3A_2101 = arith.constant 128 : i32
      %mul3A_2102 = arith.muli %select_n3A_2100, %mul3A_2101 : i32
      %min3A_2103 = arith.constant 999872 : i32
      %min3A_2104 = arith.minsi %mul3A_2102, %min3A_2103 : i32
      %sub3A_2105 = arith.subi %squeeze3A_2044, %min3A_2104 : i32
      %broadcast_in_dim3A_2106 = vector.broadcast %sub3A_2105 : i32 to vector<16xi32>
      %broadcast_in_dim3A_2107 = arith.constant 0.000000e+00 : f32
      %broadcast_in_dim3A_2108 = vector.broadcast %broadcast_in_dim3A_2107 : f32 to vector<16xf32>
      %add3A_2109 = arith.constant 0 : i32
      %add3A_2110 = vector.broadcast %add3A_2109 : i32 to vector<16xi32>
      %add3A_2111 = arith.addi %iota3A, %add3A_2110 : vector<16xi32>
      %gather3A_2112 = tpu.vector_load_idx %arg9[%broadcast_in_dim3A_2040, %broadcast_in_dim3A_2046, %add3A_2111, %broadcast_in_dim3A_2076] : memref<2x4x32x128xf32, #tpu.memory_space<vmem>>[vector<16xi32>, vector<16xi32>, vector<16xi32>, vector<16xi32>], vector<16xf32>,
      %gather3A_2113 = tpu.vector_load_idx %arg10[%broadcast_in_dim3A_2040, %broadcast_in_dim3A_2046, %add3A_2111, %broadcast_in_dim3A_2106] : memref<2x4x32x128xf32, #tpu.memory_space<vmem>>[vector<16xi32>, vector<16xi32>, vector<16xi32>, vector<16xi32>], vector<16xf32>,
      %mul3A_2114 = arith.mulf %gather3A_2112, %gather3A_2113 : vector<16xf32>
      %add3A_2115 = arith.addf %broadcast_in_dim3A_2108, %mul3A_2114 : vector<16xf32>
      %add3A_2116 = arith.constant 16 : i32
      %add3A_2117 = vector.broadcast %add3A_2116 : i32 to vector<16xi32>
      %add3A_2118 = arith.addi %iota3A, %add3A_2117 : vector<16xi32>
      %gather3A_2119 = tpu.vector_load_idx %arg9[%broadcast_in_dim3A_2040, %broadcast_in_dim3A_2046, %add3A_2118, %broadcast_in_dim3A_2076] : memref<2x4x32x128xf32, #tpu.memory_space<vmem>>[vector<16xi32>, vector<16xi32>, vector<16xi32>, vector<16xi32>], vector<16xf32>,
      %gather3A_2120 = tpu.vector_load_idx %arg10[%broadcast_in_dim3A_2040, %broadcast_in_dim3A_2046, %add3A_2118, %broadcast_in_dim3A_2106] : memref<2x4x32x128xf32, #tpu.memory_space<vmem>>[vector<16xi32>, vector<16xi32>, vector<16xi32>, vector<16xi32>], vector<16xf32>,
      %mul3A_2121 = arith.mulf %gather3A_2119, %gather3A_2120 : vector<16xf32>
      %add3A_2122 = arith.addf %add3A_2115, %mul3A_2121 : vector<16xf32>
      %reduce_sum3A_2123 = arith.constant true
      %reduce_sum3A_2124 = vector.broadcast %reduce_sum3A_2123 : i1 to vector<16xi1>
      %reduce_sum3A_2125 = tpu.scan <sum>, %add3A_2122 masked %reduce_sum3A_2124 : vector<16xf32>, vector<16xi1> -> vector<16xf32>
      %reduce_sum3A_2126 = vector.extract %reduce_sum3A_2125[15] : f32 from vector<16xf32>
      %eq3A_2127 = arith.constant 12 : i32
      %eq3A_2128 = vector.broadcast %eq3A_2127 : i32 to vector<16xi32>
      %eq3A_2129 = arith.cmpi eq, %iota3A, %eq3A_2128 : vector<16xi32>
      %broadcast_in_dim3A_2130 = vector.broadcast %reduce_sum3A_2126 : f32 to vector<16xf32>
      %select_n3A_2131 = arith.select %eq3A_2129, %broadcast_in_dim3A_2130, %select_n3A_1891 : vector<16xi1>, vector<16xf32>
      %slice3A_2132 = vector.extract_strided_slice %get3A_2034 {offsets = [1], sizes = [1], strides = [1]} : vector<16xi32> to vector<1xi32>
      %squeeze3A_2133 = vector.extract %slice3A_2132[0] : i32 from vector<1xi32>
      %slice3A_2134 = vector.extract_strided_slice %get3A_2038 {offsets = [1], sizes = [1], strides = [1]} : vector<16xi32> to vector<1xi32>
      %squeeze3A_2135 = vector.extract %slice3A_2134[0] : i32 from vector<1xi32>
      %broadcast_in_dim3A_2136 = arith.constant 1 : i32
      %broadcast_in_dim3A_2137 = vector.broadcast %broadcast_in_dim3A_2136 : i32 to vector<16xi32>
      %jit3A_2138 = arith.constant 128 : i32
      %div3A_2139 = arith.divsi %squeeze3A_2133, %jit3A_2138 : i32
      %sign3A_2140 = arith.constant 0 : i32
      %sign3A_2141 = arith.cmpi sgt, %squeeze3A_2133, %sign3A_2140 : i32
      %sign3A_2142 = arith.extui %sign3A_2141 : i1 to i32
      %sign3A_2143 = arith.constant 0 : i32
      %sign3A_2144 = arith.cmpi slt, %squeeze3A_2133, %sign3A_2143 : i32
      %sign3A_2145 = arith.extui %sign3A_2144 : i1 to i32
      %sign3A_2146 = arith.subi %sign3A_2142, %sign3A_2145 : i32
      %sign3A_2147 = arith.constant 0 : i32
      %sign3A_2148 = arith.cmpi sgt, %jit3A_2138, %sign3A_2147 : i32
      %sign3A_2149 = arith.extui %sign3A_2148 : i1 to i32
      %sign3A_2150 = arith.constant 0 : i32
      %sign3A_2151 = arith.cmpi slt, %jit3A_2138, %sign3A_2150 : i32
      %sign3A_2152 = arith.extui %sign3A_2151 : i1 to i32
      %sign3A_2153 = arith.subi %sign3A_2149, %sign3A_2152 : i32
      %ne3A_2154 = arith.cmpi ne, %sign3A_2146, %sign3A_2153 : i32
      %rem3A_2155 = arith.remsi %squeeze3A_2133, %jit3A_2138 : i32
      %ne3A_2156 = arith.constant 0 : i32
      %ne3A_2157 = arith.cmpi ne, %rem3A_2155, %ne3A_2156 : i32
      %and3A_2158 = arith.andi %ne3A_2154, %ne3A_2157 : i1
      %sub3A_2159 = arith.constant 1 : i32
      %sub3A_2160 = arith.subi %div3A_2139, %sub3A_2159 : i32
      %select_n3A_2161 = arith.select %and3A_2158, %sub3A_2160, %div3A_2139 : i32
      %mul3A_2162 = arith.constant 128 : i32
      %mul3A_2163 = arith.muli %select_n3A_2161, %mul3A_2162 : i32
      %min3A_2164 = arith.constant 999872 : i32
      %min3A_2165 = arith.minsi %mul3A_2163, %min3A_2164 : i32
      %sub3A_2166 = arith.subi %squeeze3A_2133, %min3A_2165 : i32
      %broadcast_in_dim3A_2167 = vector.broadcast %sub3A_2166 : i32 to vector<16xi32>
      %jit3A_2168 = arith.constant 128 : i32
      %div3A_2169 = arith.divsi %squeeze3A_2135, %jit3A_2168 : i32
      %sign3A_2170 = arith.constant 0 : i32
      %sign3A_2171 = arith.cmpi sgt, %squeeze3A_2135, %sign3A_2170 : i32
      %sign3A_2172 = arith.extui %sign3A_2171 : i1 to i32
      %sign3A_2173 = arith.constant 0 : i32
      %sign3A_2174 = arith.cmpi slt, %squeeze3A_2135, %sign3A_2173 : i32
      %sign3A_2175 = arith.extui %sign3A_2174 : i1 to i32
      %sign3A_2176 = arith.subi %sign3A_2172, %sign3A_2175 : i32
      %sign3A_2177 = arith.constant 0 : i32
      %sign3A_2178 = arith.cmpi sgt, %jit3A_2168, %sign3A_2177 : i32
      %sign3A_2179 = arith.extui %sign3A_2178 : i1 to i32
      %sign3A_2180 = arith.constant 0 : i32
      %sign3A_2181 = arith.cmpi slt, %jit3A_2168, %sign3A_2180 : i32
      %sign3A_2182 = arith.extui %sign3A_2181 : i1 to i32
      %sign3A_2183 = arith.subi %sign3A_2179, %sign3A_2182 : i32
      %ne3A_2184 = arith.cmpi ne, %sign3A_2176, %sign3A_2183 : i32
      %rem3A_2185 = arith.remsi %squeeze3A_2135, %jit3A_2168 : i32
      %ne3A_2186 = arith.constant 0 : i32
      %ne3A_2187 = arith.cmpi ne, %rem3A_2185, %ne3A_2186 : i32
      %and3A_2188 = arith.andi %ne3A_2184, %ne3A_2187 : i1
      %sub3A_2189 = arith.constant 1 : i32
      %sub3A_2190 = arith.subi %div3A_2169, %sub3A_2189 : i32
      %select_n3A_2191 = arith.select %and3A_2188, %sub3A_2190, %div3A_2169 : i32
      %mul3A_2192 = arith.constant 128 : i32
      %mul3A_2193 = arith.muli %select_n3A_2191, %mul3A_2192 : i32
      %min3A_2194 = arith.constant 999872 : i32
      %min3A_2195 = arith.minsi %mul3A_2193, %min3A_2194 : i32
      %sub3A_2196 = arith.subi %squeeze3A_2135, %min3A_2195 : i32
      %broadcast_in_dim3A_2197 = vector.broadcast %sub3A_2196 : i32 to vector<16xi32>
      %broadcast_in_dim3A_2198 = arith.constant 0.000000e+00 : f32
      %broadcast_in_dim3A_2199 = vector.broadcast %broadcast_in_dim3A_2198 : f32 to vector<16xf32>
      %add3A_2200 = arith.constant 0 : i32
      %add3A_2201 = vector.broadcast %add3A_2200 : i32 to vector<16xi32>
      %add3A_2202 = arith.addi %iota3A, %add3A_2201 : vector<16xi32>
      %gather3A_2203 = tpu.vector_load_idx %arg9[%broadcast_in_dim3A_2040, %broadcast_in_dim3A_2137, %add3A_2202, %broadcast_in_dim3A_2167] : memref<2x4x32x128xf32, #tpu.memory_space<vmem>>[vector<16xi32>, vector<16xi32>, vector<16xi32>, vector<16xi32>], vector<16xf32>,
      %gather3A_2204 = tpu.vector_load_idx %arg10[%broadcast_in_dim3A_2040, %broadcast_in_dim3A_2137, %add3A_2202, %broadcast_in_dim3A_2197] : memref<2x4x32x128xf32, #tpu.memory_space<vmem>>[vector<16xi32>, vector<16xi32>, vector<16xi32>, vector<16xi32>], vector<16xf32>,
      %mul3A_2205 = arith.mulf %gather3A_2203, %gather3A_2204 : vector<16xf32>
      %add3A_2206 = arith.addf %broadcast_in_dim3A_2199, %mul3A_2205 : vector<16xf32>
      %add3A_2207 = arith.constant 16 : i32
      %add3A_2208 = vector.broadcast %add3A_2207 : i32 to vector<16xi32>
      %add3A_2209 = arith.addi %iota3A, %add3A_2208 : vector<16xi32>
      %gather3A_2210 = tpu.vector_load_idx %arg9[%broadcast_in_dim3A_2040, %broadcast_in_dim3A_2137, %add3A_2209, %broadcast_in_dim3A_2167] : memref<2x4x32x128xf32, #tpu.memory_space<vmem>>[vector<16xi32>, vector<16xi32>, vector<16xi32>, vector<16xi32>], vector<16xf32>,
      %gather3A_2211 = tpu.vector_load_idx %arg10[%broadcast_in_dim3A_2040, %broadcast_in_dim3A_2137, %add3A_2209, %broadcast_in_dim3A_2197] : memref<2x4x32x128xf32, #tpu.memory_space<vmem>>[vector<16xi32>, vector<16xi32>, vector<16xi32>, vector<16xi32>], vector<16xf32>,
      %mul3A_2212 = arith.mulf %gather3A_2210, %gather3A_2211 : vector<16xf32>
      %add3A_2213 = arith.addf %add3A_2206, %mul3A_2212 : vector<16xf32>
      %reduce_sum3A_2214 = arith.constant true
      %reduce_sum3A_2215 = vector.broadcast %reduce_sum3A_2214 : i1 to vector<16xi1>
      %reduce_sum3A_2216 = tpu.scan <sum>, %add3A_2213 masked %reduce_sum3A_2215 : vector<16xf32>, vector<16xi1> -> vector<16xf32>
      %reduce_sum3A_2217 = vector.extract %reduce_sum3A_2216[15] : f32 from vector<16xf32>
      %eq3A_2218 = arith.constant 13 : i32
      %eq3A_2219 = vector.broadcast %eq3A_2218 : i32 to vector<16xi32>
      %eq3A_2220 = arith.cmpi eq, %iota3A, %eq3A_2219 : vector<16xi32>
      %broadcast_in_dim3A_2221 = vector.broadcast %reduce_sum3A_2217 : f32 to vector<16xf32>
      %select_n3A_2222 = arith.select %eq3A_2220, %broadcast_in_dim3A_2221, %select_n3A_2131 : vector<16xi1>, vector<16xf32>
      %slice3A_2223 = vector.extract_strided_slice %get3A_2034 {offsets = [2], sizes = [1], strides = [1]} : vector<16xi32> to vector<1xi32>
      %squeeze3A_2224 = vector.extract %slice3A_2223[0] : i32 from vector<1xi32>
      %slice3A_2225 = vector.extract_strided_slice %get3A_2038 {offsets = [2], sizes = [1], strides = [1]} : vector<16xi32> to vector<1xi32>
      %squeeze3A_2226 = vector.extract %slice3A_2225[0] : i32 from vector<1xi32>
      %broadcast_in_dim3A_2227 = arith.constant 2 : i32
      %broadcast_in_dim3A_2228 = vector.broadcast %broadcast_in_dim3A_2227 : i32 to vector<16xi32>
      %jit3A_2229 = arith.constant 128 : i32
      %div3A_2230 = arith.divsi %squeeze3A_2224, %jit3A_2229 : i32
      %sign3A_2231 = arith.constant 0 : i32
      %sign3A_2232 = arith.cmpi sgt, %squeeze3A_2224, %sign3A_2231 : i32
      %sign3A_2233 = arith.extui %sign3A_2232 : i1 to i32
      %sign3A_2234 = arith.constant 0 : i32
      %sign3A_2235 = arith.cmpi slt, %squeeze3A_2224, %sign3A_2234 : i32
      %sign3A_2236 = arith.extui %sign3A_2235 : i1 to i32
      %sign3A_2237 = arith.subi %sign3A_2233, %sign3A_2236 : i32
      %sign3A_2238 = arith.constant 0 : i32
      %sign3A_2239 = arith.cmpi sgt, %jit3A_2229, %sign3A_2238 : i32
      %sign3A_2240 = arith.extui %sign3A_2239 : i1 to i32
      %sign3A_2241 = arith.constant 0 : i32
      %sign3A_2242 = arith.cmpi slt, %jit3A_2229, %sign3A_2241 : i32
      %sign3A_2243 = arith.extui %sign3A_2242 : i1 to i32
      %sign3A_2244 = arith.subi %sign3A_2240, %sign3A_2243 : i32
      %ne3A_2245 = arith.cmpi ne, %sign3A_2237, %sign3A_2244 : i32
      %rem3A_2246 = arith.remsi %squeeze3A_2224, %jit3A_2229 : i32
      %ne3A_2247 = arith.constant 0 : i32
      %ne3A_2248 = arith.cmpi ne, %rem3A_2246, %ne3A_2247 : i32
      %and3A_2249 = arith.andi %ne3A_2245, %ne3A_2248 : i1
      %sub3A_2250 = arith.constant 1 : i32
      %sub3A_2251 = arith.subi %div3A_2230, %sub3A_2250 : i32
      %select_n3A_2252 = arith.select %and3A_2249, %sub3A_2251, %div3A_2230 : i32
      %mul3A_2253 = arith.constant 128 : i32
      %mul3A_2254 = arith.muli %select_n3A_2252, %mul3A_2253 : i32
      %min3A_2255 = arith.constant 999872 : i32
      %min3A_2256 = arith.minsi %mul3A_2254, %min3A_2255 : i32
      %sub3A_2257 = arith.subi %squeeze3A_2224, %min3A_2256 : i32
      %broadcast_in_dim3A_2258 = vector.broadcast %sub3A_2257 : i32 to vector<16xi32>
      %jit3A_2259 = arith.constant 128 : i32
      %div3A_2260 = arith.divsi %squeeze3A_2226, %jit3A_2259 : i32
      %sign3A_2261 = arith.constant 0 : i32
      %sign3A_2262 = arith.cmpi sgt, %squeeze3A_2226, %sign3A_2261 : i32
      %sign3A_2263 = arith.extui %sign3A_2262 : i1 to i32
      %sign3A_2264 = arith.constant 0 : i32
      %sign3A_2265 = arith.cmpi slt, %squeeze3A_2226, %sign3A_2264 : i32
      %sign3A_2266 = arith.extui %sign3A_2265 : i1 to i32
      %sign3A_2267 = arith.subi %sign3A_2263, %sign3A_2266 : i32
      %sign3A_2268 = arith.constant 0 : i32
      %sign3A_2269 = arith.cmpi sgt, %jit3A_2259, %sign3A_2268 : i32
      %sign3A_2270 = arith.extui %sign3A_2269 : i1 to i32
      %sign3A_2271 = arith.constant 0 : i32
      %sign3A_2272 = arith.cmpi slt, %jit3A_2259, %sign3A_2271 : i32
      %sign3A_2273 = arith.extui %sign3A_2272 : i1 to i32
      %sign3A_2274 = arith.subi %sign3A_2270, %sign3A_2273 : i32
      %ne3A_2275 = arith.cmpi ne, %sign3A_2267, %sign3A_2274 : i32
      %rem3A_2276 = arith.remsi %squeeze3A_2226, %jit3A_2259 : i32
      %ne3A_2277 = arith.constant 0 : i32
      %ne3A_2278 = arith.cmpi ne, %rem3A_2276, %ne3A_2277 : i32
      %and3A_2279 = arith.andi %ne3A_2275, %ne3A_2278 : i1
      %sub3A_2280 = arith.constant 1 : i32
      %sub3A_2281 = arith.subi %div3A_2260, %sub3A_2280 : i32
      %select_n3A_2282 = arith.select %and3A_2279, %sub3A_2281, %div3A_2260 : i32
      %mul3A_2283 = arith.constant 128 : i32
      %mul3A_2284 = arith.muli %select_n3A_2282, %mul3A_2283 : i32
      %min3A_2285 = arith.constant 999872 : i32
      %min3A_2286 = arith.minsi %mul3A_2284, %min3A_2285 : i32
      %sub3A_2287 = arith.subi %squeeze3A_2226, %min3A_2286 : i32
      %broadcast_in_dim3A_2288 = vector.broadcast %sub3A_2287 : i32 to vector<16xi32>
      %broadcast_in_dim3A_2289 = arith.constant 0.000000e+00 : f32
      %broadcast_in_dim3A_2290 = vector.broadcast %broadcast_in_dim3A_2289 : f32 to vector<16xf32>
      %add3A_2291 = arith.constant 0 : i32
      %add3A_2292 = vector.broadcast %add3A_2291 : i32 to vector<16xi32>
      %add3A_2293 = arith.addi %iota3A, %add3A_2292 : vector<16xi32>
      %gather3A_2294 = tpu.vector_load_idx %arg9[%broadcast_in_dim3A_2040, %broadcast_in_dim3A_2228, %add3A_2293, %broadcast_in_dim3A_2258] : memref<2x4x32x128xf32, #tpu.memory_space<vmem>>[vector<16xi32>, vector<16xi32>, vector<16xi32>, vector<16xi32>], vector<16xf32>,
      %gather3A_2295 = tpu.vector_load_idx %arg10[%broadcast_in_dim3A_2040, %broadcast_in_dim3A_2228, %add3A_2293, %broadcast_in_dim3A_2288] : memref<2x4x32x128xf32, #tpu.memory_space<vmem>>[vector<16xi32>, vector<16xi32>, vector<16xi32>, vector<16xi32>], vector<16xf32>,
      %mul3A_2296 = arith.mulf %gather3A_2294, %gather3A_2295 : vector<16xf32>
      %add3A_2297 = arith.addf %broadcast_in_dim3A_2290, %mul3A_2296 : vector<16xf32>
      %add3A_2298 = arith.constant 16 : i32
      %add3A_2299 = vector.broadcast %add3A_2298 : i32 to vector<16xi32>
      %add3A_2300 = arith.addi %iota3A, %add3A_2299 : vector<16xi32>
      %gather3A_2301 = tpu.vector_load_idx %arg9[%broadcast_in_dim3A_2040, %broadcast_in_dim3A_2228, %add3A_2300, %broadcast_in_dim3A_2258] : memref<2x4x32x128xf32, #tpu.memory_space<vmem>>[vector<16xi32>, vector<16xi32>, vector<16xi32>, vector<16xi32>], vector<16xf32>,
      %gather3A_2302 = tpu.vector_load_idx %arg10[%broadcast_in_dim3A_2040, %broadcast_in_dim3A_2228, %add3A_2300, %broadcast_in_dim3A_2288] : memref<2x4x32x128xf32, #tpu.memory_space<vmem>>[vector<16xi32>, vector<16xi32>, vector<16xi32>, vector<16xi32>], vector<16xf32>,
      %mul3A_2303 = arith.mulf %gather3A_2301, %gather3A_2302 : vector<16xf32>
      %add3A_2304 = arith.addf %add3A_2297, %mul3A_2303 : vector<16xf32>
      %reduce_sum3A_2305 = arith.constant true
      %reduce_sum3A_2306 = vector.broadcast %reduce_sum3A_2305 : i1 to vector<16xi1>
      %reduce_sum3A_2307 = tpu.scan <sum>, %add3A_2304 masked %reduce_sum3A_2306 : vector<16xf32>, vector<16xi1> -> vector<16xf32>
      %reduce_sum3A_2308 = vector.extract %reduce_sum3A_2307[15] : f32 from vector<16xf32>
      %eq3A_2309 = arith.constant 14 : i32
      %eq3A_2310 = vector.broadcast %eq3A_2309 : i32 to vector<16xi32>
      %eq3A_2311 = arith.cmpi eq, %iota3A, %eq3A_2310 : vector<16xi32>
      %broadcast_in_dim3A_2312 = vector.broadcast %reduce_sum3A_2308 : f32 to vector<16xf32>
      %select_n3A_2313 = arith.select %eq3A_2311, %broadcast_in_dim3A_2312, %select_n3A_2222 : vector<16xi1>, vector<16xf32>
      %slice3A_2314 = vector.extract_strided_slice %get3A_2034 {offsets = [3], sizes = [1], strides = [1]} : vector<16xi32> to vector<1xi32>
      %squeeze3A_2315 = vector.extract %slice3A_2314[0] : i32 from vector<1xi32>
      %slice3A_2316 = vector.extract_strided_slice %get3A_2038 {offsets = [3], sizes = [1], strides = [1]} : vector<16xi32> to vector<1xi32>
      %squeeze3A_2317 = vector.extract %slice3A_2316[0] : i32 from vector<1xi32>
      %broadcast_in_dim3A_2318 = arith.constant 3 : i32
      %broadcast_in_dim3A_2319 = vector.broadcast %broadcast_in_dim3A_2318 : i32 to vector<16xi32>
      %jit3A_2320 = arith.constant 128 : i32
      %div3A_2321 = arith.divsi %squeeze3A_2315, %jit3A_2320 : i32
      %sign3A_2322 = arith.constant 0 : i32
      %sign3A_2323 = arith.cmpi sgt, %squeeze3A_2315, %sign3A_2322 : i32
      %sign3A_2324 = arith.extui %sign3A_2323 : i1 to i32
      %sign3A_2325 = arith.constant 0 : i32
      %sign3A_2326 = arith.cmpi slt, %squeeze3A_2315, %sign3A_2325 : i32
      %sign3A_2327 = arith.extui %sign3A_2326 : i1 to i32
      %sign3A_2328 = arith.subi %sign3A_2324, %sign3A_2327 : i32
      %sign3A_2329 = arith.constant 0 : i32
      %sign3A_2330 = arith.cmpi sgt, %jit3A_2320, %sign3A_2329 : i32
      %sign3A_2331 = arith.extui %sign3A_2330 : i1 to i32
      %sign3A_2332 = arith.constant 0 : i32
      %sign3A_2333 = arith.cmpi slt, %jit3A_2320, %sign3A_2332 : i32
      %sign3A_2334 = arith.extui %sign3A_2333 : i1 to i32
      %sign3A_2335 = arith.subi %sign3A_2331, %sign3A_2334 : i32
      %ne3A_2336 = arith.cmpi ne, %sign3A_2328, %sign3A_2335 : i32
      %rem3A_2337 = arith.remsi %squeeze3A_2315, %jit3A_2320 : i32
      %ne3A_2338 = arith.constant 0 : i32
      %ne3A_2339 = arith.cmpi ne, %rem3A_2337, %ne3A_2338 : i32
      %and3A_2340 = arith.andi %ne3A_2336, %ne3A_2339 : i1
      %sub3A_2341 = arith.constant 1 : i32
      %sub3A_2342 = arith.subi %div3A_2321, %sub3A_2341 : i32
      %select_n3A_2343 = arith.select %and3A_2340, %sub3A_2342, %div3A_2321 : i32
      %mul3A_2344 = arith.constant 128 : i32
      %mul3A_2345 = arith.muli %select_n3A_2343, %mul3A_2344 : i32
      %min3A_2346 = arith.constant 999872 : i32
      %min3A_2347 = arith.minsi %mul3A_2345, %min3A_2346 : i32
      %sub3A_2348 = arith.subi %squeeze3A_2315, %min3A_2347 : i32
      %broadcast_in_dim3A_2349 = vector.broadcast %sub3A_2348 : i32 to vector<16xi32>
      %jit3A_2350 = arith.constant 128 : i32
      %div3A_2351 = arith.divsi %squeeze3A_2317, %jit3A_2350 : i32
      %sign3A_2352 = arith.constant 0 : i32
      %sign3A_2353 = arith.cmpi sgt, %squeeze3A_2317, %sign3A_2352 : i32
      %sign3A_2354 = arith.extui %sign3A_2353 : i1 to i32
      %sign3A_2355 = arith.constant 0 : i32
      %sign3A_2356 = arith.cmpi slt, %squeeze3A_2317, %sign3A_2355 : i32
      %sign3A_2357 = arith.extui %sign3A_2356 : i1 to i32
      %sign3A_2358 = arith.subi %sign3A_2354, %sign3A_2357 : i32
      %sign3A_2359 = arith.constant 0 : i32
      %sign3A_2360 = arith.cmpi sgt, %jit3A_2350, %sign3A_2359 : i32
      %sign3A_2361 = arith.extui %sign3A_2360 : i1 to i32
      %sign3A_2362 = arith.constant 0 : i32
      %sign3A_2363 = arith.cmpi slt, %jit3A_2350, %sign3A_2362 : i32
      %sign3A_2364 = arith.extui %sign3A_2363 : i1 to i32
      %sign3A_2365 = arith.subi %sign3A_2361, %sign3A_2364 : i32
      %ne3A_2366 = arith.cmpi ne, %sign3A_2358, %sign3A_2365 : i32
      %rem3A_2367 = arith.remsi %squeeze3A_2317, %jit3A_2350 : i32
      %ne3A_2368 = arith.constant 0 : i32
      %ne3A_2369 = arith.cmpi ne, %rem3A_2367, %ne3A_2368 : i32
      %and3A_2370 = arith.andi %ne3A_2366, %ne3A_2369 : i1
      %sub3A_2371 = arith.constant 1 : i32
      %sub3A_2372 = arith.subi %div3A_2351, %sub3A_2371 : i32
      %select_n3A_2373 = arith.select %and3A_2370, %sub3A_2372, %div3A_2351 : i32
      %mul3A_2374 = arith.constant 128 : i32
      %mul3A_2375 = arith.muli %select_n3A_2373, %mul3A_2374 : i32
      %min3A_2376 = arith.constant 999872 : i32
      %min3A_2377 = arith.minsi %mul3A_2375, %min3A_2376 : i32
      %sub3A_2378 = arith.subi %squeeze3A_2317, %min3A_2377 : i32
      %broadcast_in_dim3A_2379 = vector.broadcast %sub3A_2378 : i32 to vector<16xi32>
      %broadcast_in_dim3A_2380 = arith.constant 0.000000e+00 : f32
      %broadcast_in_dim3A_2381 = vector.broadcast %broadcast_in_dim3A_2380 : f32 to vector<16xf32>
      %add3A_2382 = arith.constant 0 : i32
      %add3A_2383 = vector.broadcast %add3A_2382 : i32 to vector<16xi32>
      %add3A_2384 = arith.addi %iota3A, %add3A_2383 : vector<16xi32>
      %gather3A_2385 = tpu.vector_load_idx %arg9[%broadcast_in_dim3A_2040, %broadcast_in_dim3A_2319, %add3A_2384, %broadcast_in_dim3A_2349] : memref<2x4x32x128xf32, #tpu.memory_space<vmem>>[vector<16xi32>, vector<16xi32>, vector<16xi32>, vector<16xi32>], vector<16xf32>,
      %gather3A_2386 = tpu.vector_load_idx %arg10[%broadcast_in_dim3A_2040, %broadcast_in_dim3A_2319, %add3A_2384, %broadcast_in_dim3A_2379] : memref<2x4x32x128xf32, #tpu.memory_space<vmem>>[vector<16xi32>, vector<16xi32>, vector<16xi32>, vector<16xi32>], vector<16xf32>,
      %mul3A_2387 = arith.mulf %gather3A_2385, %gather3A_2386 : vector<16xf32>
      %add3A_2388 = arith.addf %broadcast_in_dim3A_2381, %mul3A_2387 : vector<16xf32>
      %add3A_2389 = arith.constant 16 : i32
      %add3A_2390 = vector.broadcast %add3A_2389 : i32 to vector<16xi32>
      %add3A_2391 = arith.addi %iota3A, %add3A_2390 : vector<16xi32>
      %gather3A_2392 = tpu.vector_load_idx %arg9[%broadcast_in_dim3A_2040, %broadcast_in_dim3A_2319, %add3A_2391, %broadcast_in_dim3A_2349] : memref<2x4x32x128xf32, #tpu.memory_space<vmem>>[vector<16xi32>, vector<16xi32>, vector<16xi32>, vector<16xi32>], vector<16xf32>,
      %gather3A_2393 = tpu.vector_load_idx %arg10[%broadcast_in_dim3A_2040, %broadcast_in_dim3A_2319, %add3A_2391, %broadcast_in_dim3A_2379] : memref<2x4x32x128xf32, #tpu.memory_space<vmem>>[vector<16xi32>, vector<16xi32>, vector<16xi32>, vector<16xi32>], vector<16xf32>,
      %mul3A_2394 = arith.mulf %gather3A_2392, %gather3A_2393 : vector<16xf32>
      %add3A_2395 = arith.addf %add3A_2388, %mul3A_2394 : vector<16xf32>
      %reduce_sum3A_2396 = arith.constant true
      %reduce_sum3A_2397 = vector.broadcast %reduce_sum3A_2396 : i1 to vector<16xi1>
      %reduce_sum3A_2398 = tpu.scan <sum>, %add3A_2395 masked %reduce_sum3A_2397 : vector<16xf32>, vector<16xi1> -> vector<16xf32>
      %reduce_sum3A_2399 = vector.extract %reduce_sum3A_2398[15] : f32 from vector<16xf32>
      %eq3A_2400 = arith.constant 15 : i32
      %eq3A_2401 = vector.broadcast %eq3A_2400 : i32 to vector<16xi32>
      %eq3A_2402 = arith.cmpi eq, %iota3A, %eq3A_2401 : vector<16xi32>
      %broadcast_in_dim3A_2403 = vector.broadcast %reduce_sum3A_2399 : f32 to vector<16xf32>
      %select_n3A_2404 = arith.select %eq3A_2402, %broadcast_in_dim3A_2403, %select_n3A_2313 : vector<16xi1>, vector<16xf32>
      %mul3A_2405 = arith.constant 16 : i32
      %mul3A_2406 = arith.muli %scan3A_358, %mul3A_2405 : i32
      %swap3A = arith.index_cast %mul3A_2406 : i32 to index
      %swap3A_2407 = tpu.vector_load %arg11[%swap3A] {strides = array<i32>} : memref<512xf32, #tpu.memory_space<vmem>>, vector<16xf32>,
      tpu.vector_store %arg11[%swap3A], %select_n3A_2404 {strides = array<i32>} : memref<512xf32, #tpu.memory_space<vmem>>, vector<16xf32>,
    }
    %scan3A_357 = arith.constant 32 : i32
    "tpu.region"() ({
      %run_scoped3A = tpu.sem_alloc : memref<!tpu.dma_semaphore, #tpu.memory_space<semaphore_mem>>
      %dma_start3A_358 = tpu.memref_slice %arg6[%mul3A_2] : memref<16384xf32, #tpu.memory_space<hbm>> -> memref<512xf32, #tpu.memory_space<hbm>>
      %dma_start3A_359 = tpu.memref_slice %arg6[%mul3A_2] : memref<16384xf32, #tpu.memory_space<hbm>> -> memref<512xf32, #tpu.memory_space<hbm>>
      tpu.enqueue_dma source(%arg11 : memref<512xf32, #tpu.memory_space<vmem>>) target(%dma_start3A_359 : memref<512xf32, #tpu.memory_space<hbm>>) target_semaphore(%run_scoped3A : memref<!tpu.dma_semaphore, #tpu.memory_space<semaphore_mem>>)
      %dma_wait3A = tpu.memref_slice %arg6[%mul3A_2] : memref<16384xf32, #tpu.memory_space<hbm>> -> memref<512xf32, #tpu.memory_space<hbm>>
      %dma_wait3A_360 = tpu.memref_slice %arg6[%mul3A_2] : memref<16384xf32, #tpu.memory_space<hbm>> -> memref<512xf32, #tpu.memory_space<hbm>>
      tpu.wait_dma2 semaphore(%run_scoped3A : memref<!tpu.dma_semaphore, #tpu.memory_space<semaphore_mem>>) src(%arg11 : memref<512xf32, #tpu.memory_space<vmem>>) dst(%dma_wait3A_360 : memref<512xf32, #tpu.memory_space<hbm>>)
      tpu.yield
    }) : () -> ()
    return
  }
}

module attributes {stable_mosaic.version = 14 : i64} {
  func.func @body(%arg0: i32, %arg1: memref<1024x1024xf32, #tpu.memory_space<vmem>>, %arg2: memref<1x1024xf32, #tpu.memory_space<vmem>>, %arg3: memref<1x1xf32, #tpu.memory_space<vmem>>, %arg4: memref<1024xf32, #tpu.memory_space<vmem>>) attributes {dimension_semantics = [#tpu.dimension_semantics<arbitrary>], iteration_bounds = array<i64: 16>, scalar_prefetch = 0 : i64, scratch_operands = 0 : i64, tpu.core_type = #tpu.core_type<tc>, window_params = [{transform_indices = @transform_0, window_bounds = array<i64: 1024, 1024>}, {pipeline_mode = #tpu.pipeline_mode<synchronous>, transform_indices = @transform_1, window_bounds = array<i64: 1, 1024>}, {pipeline_mode = #tpu.pipeline_mode<synchronous>, transform_indices = @transform_2, window_bounds = array<i64: 1, 1>}, {transform_indices = @transform_3, window_bounds = array<i64: 1024>}]} {
    %get3A = arith.constant 0 : index
    %get3A_0 = arith.constant 0 : index
    %get3A_1 = vector.load %arg1[%get3A, %get3A_0] : memref<1024x1024xf32, #tpu.memory_space<vmem>>, vector<1024x1024xf32>
    %get3A_2 = arith.constant 0 : index
    %get3A_3 = arith.constant 0 : index
    %get3A_4 = vector.load %arg2[%get3A_2, %get3A_3] : memref<1x1024xf32, #tpu.memory_space<vmem>>, vector<1x1024xf32>
    %mul3A = vector.broadcast %get3A_4 : vector<1x1024xf32> to vector<1024x1024xf32>
    %mul3A_5 = arith.mulf %get3A_1, %mul3A : vector<1024x1024xf32>
    %reduce_sum3A = arith.constant dense<0.000000e+00> : vector<1024xf32>
    %reduce_sum3A_6 = vector.multi_reduction <add>, %mul3A_5, %reduce_sum3A [1] : vector<1024x1024xf32> to vector<1024xf32>
    %get3A_7 = arith.constant 0 : index
    %get3A_8 = arith.constant 0 : index
    %get3A_9 = vector.load %arg3[%get3A_7, %get3A_8] : memref<1x1xf32, #tpu.memory_space<vmem>>, vector<1x1xf32>
    %get3A_10 = vector.extract %get3A_9[0, 0] : f32 from vector<1x1xf32>
    %add3A = vector.broadcast %get3A_10 : f32 to vector<1024xf32>
    %add3A_11 = arith.addf %reduce_sum3A_6, %add3A : vector<1024xf32>
    %swap3A = arith.constant 0 : index
    %swap3A_12 = vector.load %arg4[%swap3A] : memref<1024xf32, #tpu.memory_space<vmem>>, vector<1024xf32>
    tpu.vector_store %arg4[%swap3A], %add3A_11 {strides = array<i32>} : memref<1024xf32, #tpu.memory_space<vmem>>, vector<1024xf32>,
    return
  }
  func.func @transform_0(%arg0: i32) -> (i32, i32) {
    %c0_i32 = arith.constant 0 : i32
    %c0_i32_0 = arith.constant 0 : i32
    return %arg0, %c0_i32 : i32, i32
  }
  func.func @transform_1(%arg0: i32) -> (i32, i32) {
    %c0_i32 = arith.constant 0 : i32
    %c0_i32_0 = arith.constant 0 : i32
    %c0_i32_1 = arith.constant 0 : i32
    return %c0_i32, %c0_i32_0 : i32, i32
  }
  func.func @transform_2(%arg0: i32) -> (i32, i32) {
    %c0_i32 = arith.constant 0 : i32
    %c0_i32_0 = arith.constant 0 : i32
    %c0_i32_1 = arith.constant 0 : i32
    return %c0_i32, %c0_i32_0 : i32, i32
  }
  func.func @transform_3(%arg0: i32) -> i32 {
    %c0_i32 = arith.constant 0 : i32
    return %arg0 : i32
  }
}

</mosaic_0001>

<sc_bundles>
// kernel: kernel.4.cloned.1.call-start
scs
__scs_entry_jumppad:
0x0: {  	(pc) =	sbr.rel $0x88, $3  }
0x1: {  	(tag) =	ssettag $0x0;
	lr =	simm.s32 $0x1  }
0x2: {  	[smem:$0x3F9A] =	sst lr;
	_ =	strace $0xD0000000  }
0x3: {  	_ = 	snop  }
0x4: {  	_ = 	snop  }
0x5: {  	_ = 	snop  }
0x6: {  	_ = 	snop  }
0x7: {  	_ = 	snop  }
__scs_overlays_trampoline_lowered:
0x8: {  	[smem:$0x3FA9] =	sst s0  }
0x9: {  	[smem:$0x3FAA] =	sst s1  }
0xa: {  	[smem:$0x3FAB] =	sst s2  }
0xb: {  	[smem:$0x3FAC] =	sst s3  }
0xc: {  	[smem:$0x3FAD] =	sst s4  }
0xd: {  	[smem:$0x3FAE] =	sst s5  }
0xe: {  	[smem:$0x3FAF] =	sst s6  }
0xf: {  	[smem:$0x3FB0] =	sst s7  }
0x10: {  	[smem:$0x3FB1] =	sst s8  }
0x11: {  	[smem:$0x3FB2] =	sst s9;
	s0 =	simm.s32 @!p0 $0x0  }
0x12: {  	s1 =	sld [smem:$0x3F98];
	s0 =	simm.s32 @p0 $0x1  }
0x13: {  	[smem:$0x3FB3] =	sst s0;
	s0 =	simm.s32 @!p1 $0x0  }
0x14: {  	s2 =	sld [smem:$0x3F97];
	s0 =	simm.s32 @p1 $0x1  }
0x15: {  	[smem:$0x3FB4] =	sst s0;
	s0 =	simm.s32 @!p2 $0x0  }
0x16: {  	s3 =	sld [smem:$0x3FDB];
	s0 =	simm.s32 @p2 $0x1  }
0x17: {  	s4 =	simm.s32 $0x1BF5;
	[smem:$0x3FB6] =	sst s0  }
0x18: {  	s0 =	sld [smem:$0x3F99];
	_ =	swait.ge [sflag:s4], $0x0  }
0x19: {  	s7 =	sld [smem:$0x3F9A]  }
0x1a: {  	s8 =	sadd.s32 $0xFFFFE003, lr  }
0x1b: {  	s9 =	sadd.s32 $0xFFFFFEF7, lr;
	s5 =	simm.s32 $0xFFFFFFFF;
	p2 =	slt.u32 s8, $0xFFFFF086  }
0x1c: {  	p1 =	slt.u32 s9, $0xF7A;
	s5 =	simm.s32 @!p2 $0x0  }
0x1d: {  	s5 =	simm.s32 @p1 $0x1;
	p0 =	seq.s32 s7, s2  }
0x1e: {  	s7 =	smul.u32 @!p0 $0xF7A, s2;
	p2 =	seq.s32 @!p0 s5, $0x0  }
0x1f: {  	s9 =	smul.u32 $0xF7A, s1;
	s8 =	simm.s32 @!p0 $0x1BF5;
	p2 =	por !p2, p0  }
0x20: {  	[sflag:s8] =	ssyncset.s32 @!p0 $0xFFFFF086;
	s6 =	sadd.s32 @!p0 s3, s7;
	s7 =	simm.s32 @!p0 $0x108  }
0x21: {  	s3 =	sadd.s32 s3, s9;
	s6 =	sadd.s32 @!p0 $0x88, s6;
	s7 =	simm.s32 @p2 $0x1082  }
0x22: {  	[simem:s7], [sflag:s8] =	dma.local @!p0 [hbm:s6], $0xF7A  }
0x23: {  	s9 =	sor.u32 $0xD0000000, s2;
	s6 =	simm.s32 $0x108;
	_ =	swait.ge @!p0 [sflag:s8], $0x0  }
0x24: {  	s3 =	sadd.s32 $0x88, s3;
	s6 =	simm.s32 @!p1 $0x1082;
	[sflag:s4] =	ssyncset.s32 $0xFFFFF086  }
0x25: {  	[simem:s6], [sflag:s4] =	dma.local [hbm:s3], $0xF7A  }
0x26: {  	[smem:$0x3F9A] =	sst s1;
	(tag) =	ssettag s2;
	_ =	strace s9  }
0x27: {  	s1 =	sld [smem:$0x3FAA]  }
0x28: {  	s2 =	sld [smem:$0x3FAB]  }
0x29: {  	s4 =	sld [smem:$0x3FAD]  }
0x2a: {  	p0 =	seq.s32 s5, $0x0;
	s5 =	sld [smem:$0x3FAE]  }
0x2b: {  	s6 =	sld [smem:$0x3FAF]  }
0x2c: {  	s7 =	sld [smem:$0x3FB0]  }
0x2d: {  	s3 =	simm.s32 $0x108;
	s8 =	sld [smem:$0x3FB1]  }
0x2e: {  	s3 =	simm.s32 @!p0 $0x1082;
	s9 =	sld [smem:$0x3FB2]  }
0x2f: {  	lr =	sadd.s32 s0, s3;
	s0 =	sld [smem:$0x3FA9]  }
0x30: {  	s3 =	sld [smem:$0x3FAC]  }
0x31: {  	[smem:$0x3FB5] =	sst s10  }
0x32: {  	s10 =	sld [smem:$0x3FB3];
	_ =	sdelay $0x3  }
0x33: {  	p0 =	seq.s32 s10, $0x1;
	s10 =	sld [smem:$0x3FB5];
	_ =	sdelay $0x3  }
0x34: {  	[smem:$0x3FB5] =	sst s10  }
0x35: {  	s10 =	sld [smem:$0x3FB4];
	_ =	sdelay $0x3  }
0x36: {  	p1 =	seq.s32 s10, $0x1;
	s10 =	sld [smem:$0x3FB5];
	_ =	sdelay $0x3  }
0x37: {  	[smem:$0x3FB5] =	sst s10  }
0x38: {  	s10 =	sld [smem:$0x3FB6]  }
0x39: {  	_ = 	snop;
	(pc) =	sbr.ind lr, $3  }
0x3a: {  	_ = 	snop  }
0x3b: {  	_ = 	snop  }
0x3c: {  	p2 =	seq.s32 s10, $0x1;
	s10 =	sld [smem:$0x3FB5]  }
0x3d: {  	_ =	shalt  }
0x3e: {  	_ =	shalt  }
0x3f: {  	_ =	shalt  }
0x40: {  	_ =	shalt  }
0x41: {  	_ =	shalt  }
0x42: {  	_ =	shalt  }
0x43: {  	_ =	shalt  }
0x44: {  	_ =	shalt  }
0x45: {  	_ =	shalt  }
0x46: {  	_ =	shalt  }
0x47: {  	_ =	shalt  }
0x48: {  	_ =	shalt  }
0x49: {  	_ =	shalt  }
0x4a: {  	_ =	shalt  }
0x4b: {  	_ =	shalt  }
0x4c: {  	_ =	shalt  }
0x4d: {  	_ =	shalt  }
0x4e: {  	_ =	shalt  }
0x4f: {  	_ =	shalt  }
0x50: {  	_ =	shalt  }
0x51: {  	_ =	shalt  }
0x52: {  	_ =	shalt  }
0x53: {  	_ =	shalt  }
0x54: {  	_ =	shalt  }
0x55: {  	_ =	shalt  }
0x56: {  	_ =	shalt  }
0x57: {  	_ =	shalt  }
0x58: {  	_ =	shalt  }
0x59: {  	_ =	shalt  }
0x5a: {  	_ =	shalt  }
0x5b: {  	_ =	shalt  }
0x5c: {  	_ =	shalt  }
0x5d: {  	_ =	shalt  }
0x5e: {  	_ =	shalt  }
0x5f: {  	_ =	shalt  }
0x60: {  	_ =	shalt  }
0x61: {  	_ =	shalt  }
0x62: {  	_ =	shalt  }
0x63: {  	_ =	shalt  }
0x64: {  	_ =	shalt  }
0x65: {  	_ =	shalt  }
0x66: {  	_ =	shalt  }
0x67: {  	_ =	shalt  }
0x68: {  	_ =	shalt  }
0x69: {  	_ =	shalt  }
0x6a: {  	_ =	shalt  }
0x6b: {  	_ =	shalt  }
0x6c: {  	_ =	shalt  }
0x6d: {  	_ =	shalt  }
0x6e: {  	_ =	shalt  }
0x6f: {  	_ =	shalt  }
0x70: {  	_ =	shalt  }
0x71: {  	_ =	shalt  }
0x72: {  	_ =	shalt  }
0x73: {  	_ =	shalt  }
0x74: {  	_ =	shalt  }
0x75: {  	_ =	shalt  }
0x76: {  	_ =	shalt  }
0x77: {  	_ =	shalt  }
0x78: {  	_ =	shalt  }
0x79: {  	_ =	shalt  }
0x7a: {  	_ =	shalt  }
0x7b: {  	_ =	shalt  }
0x7c: {  	_ =	shalt  }
0x7d: {  	_ =	shalt  }
0x7e: {  	_ =	shalt  }
0x7f: {  	_ =	shalt  }
0x80: {  	_ =	shalt  }
0x81: {  	_ =	shalt  }
0x82: {  	_ =	shalt  }
0x83: {  	_ =	shalt  }
0x84: {  	_ =	shalt  }
0x85: {  	_ =	shalt  }
0x86: {  	_ =	shalt  }
0x87: {  	_ =	shalt  }
.Lfunc_end0:
.L_simem_size_0:
called_computation_lowered:
.L_overlay_start_0:
0x88: {  	s2 =	sld [smem:$0x3FD9]  }
0x89: {  	s3 =	sld [smem:$0x3FFE];
	_ =	sdelay $0x1  }
0x8a: {  	s1 =	srdreg.scid  }
0x8b: {  	s0 =	sand.u32 $0x1, s1  }
0x8c: {  	s18 =	sshll.u32 s0, $0xA;
	s2 =	sadd.s32 s3, s2  }
0x8d: {  	s2 =	sadd.s32 s2, s18  }
0x8e: {  	[smem:$0x3FC1] =	sst s2  }
0x8f: {  	_ = 	snop  }
0x90: {  	s2 =	sld [smem:$0x3FC9]  }
0x91: {  	s19 =	sld [smem:$0x3FC8]  }
0x92: {  	s4 =	sld [smem:$0x3FC6]  }
0x93: {  	s5 =	sld [smem:$0x3FC5]  }
0x94: {  	s6 =	sld [smem:$0x3FD0];
	(tm) =	ssettm $0x1  }
0x95: {  	s7 =	sld [smem:$0x3FFB];
	_ =	sdelay $0x3  }
0x96: {  	_ =	strace s7  }
0x97: {  	s7 =	sld [smem:$0x3FFC];
	_ =	sdelay $0x3  }
0x98: {  	_ =	strace s7  }
0x99: {  	s7 =	sld [smem:$0x3FFD];
	_ =	sdelay $0x3  }
0x9a: {  	_ =	strace s7  }
0x9b: {  	_ =	strace $0x8FFFFFFF  }
0x9c: {  	s20 =	sld [smem:$0x3FDB];
	_ =	sdelay $0x1  }
0x9d: {  	s8 =	simm.s32 $_scs_section_size  }
0x9e: {  	s9 =	simm.s32 $_size__tile_overlayer_lowered;
	s10 =	simm.s32 $_tile_overlayer_lowered  }
0x9f: {  	s23 =	simm.s32 $0x1BFF;
	s22 =	sshll.u32 s10, $0x1;
	s7 =	sadd.s32 s8, s20  }
0xa0: {  	s11 =	simm.s32 $0x0;
	s21 =	sshll.u32 s9, $0x1;
	s9 =	sadd.s32 s22, s7  }
0xa1: {  	[timem:s11], [sflag:s23] =	dma.local [hbm:s9], s21  }
0xa2: {  	_ =	swait.ge [sflag:s23], s21  }
0xa3: {  	s8 =	ssub.s32 $0x0, s21;
	[sflag:s23] =	ssyncset.done $0x0  }
0xa4: {  	[sflag:s23] =	ssyncadd.s32 s8;
	_ =	sdelay $0x1  }
0xa5: {  	s24 =	simm.s32 $0x1B8B  }
0xa6: {  	_ =	swait.ge [sflag:s24], $0x1  }
0xa7: {  	[sflag:s24] =	ssyncset.done $0x0  }
0xa8: {  	s25 =	simm.s32 $0x1B8E;
	[sflag:s24] =	ssyncadd.s32 $0xFFFFFFFF  }
0xa9: {  	s26 =	simm.s32 $execute0_lowered;
	[smem:$0x3FD2] =	sst s25  }
0xaa: {  	s8 =	sshll.u32 s26, $0x1;
	_ =	strace $0x80000046;
	[dreg:$0x1] =	wrdreg $0xFFFFFFFF  }
0xab: {  	s28 =	simm.s32 $_size_execute0_lowered;
	s7 =	sadd.s32 s7, s8;
	[dreg:$0x0] =	wrdreg $0x0  }
0xac: {  	s8 =	sshll.u32 s28, $0x1;
	[dreg:$0x2] =	wrdreg s7  }
0xad: {  	[dreg:$0x3] =	wrdreg s8  }
0xae: {  	[dreg:$0x4] =	wrdreg $0xC0  }
0xaf: {  	_ =	task [dreg:s11], $0x5FFFF  }
0xb0: {  	[dreg:$0x1] =	wrdreg $0xFFFFFFFF  }
0xb1: {  	[dreg:$0x0] =	wrdreg $0x60  }
0xb2: {  	[dreg:$0x2] =	wrdreg s2  }
0xb3: {  	[dreg:$0x3] =	wrdreg s19  }
0xb4: {  	[dreg:$0x4] =	wrdreg s4  }
0xb5: {  	[dreg:$0x5] =	wrdreg s5  }
0xb6: {  	[dreg:$0x6] =	wrdreg s6  }
0xb7: {  	[dreg:$0x7] =	wrdreg $0x9  }
0xb8: {  	_ =	task.clear_ibuf [dreg:s11], $0x8FFFF;
	_ =	strace $0x90000046  }
0xb9: {  	s29 =	simm.s32 $0x9;
	_ =	strace $0x80000048  }
0xba: {  	_ =	swait.ge [sflag:s29], $0x1  }
0xbb: {  	[sflag:s29] =	ssyncadd.s32 $0xFFFFFFFF  }
0xbc: {  	_ =	strace $0x90000048  }
0xbd: {  	_ =	sfence  }
0xbe: {  	s30 =	sld [smem:$0x0];
	_ =	sdelay $0x2  }
0xbf: {  	s31 =	sshll.u32 s1, $0xD;
	s1 =	sshrl.u32 s1, $0x2  }
0xc0: {  	s3 =	sand.u32 $0x4000, s31;
	s1 =	sadd.s32 s1, s30  }
0xc1: {  	s0 =	sor.u32 s3, s0;
	s1 =	sshll.u32 s1, $0x11  }
0xc2: {  	s0 =	sor.u32 s1, s0  }
0xc3: {  	s0 =	sadd.s32 $0x8F2B, s0  }
0xc4: {  	[sflag:s0] =	ssyncadd.remote.s32 $0x1  }
0xc5: {  	_ =	sfence.sel $0xFFFF  }
0xc6: {  	[dreg:$0x0] =	wrdreg $0xFFFFFFFF;
	(pc) =	sbr.abs _section_cstart, $3  }
0xc7: {  	[dreg:$0x1] =	wrdreg $0xFFFFFFFF  }
0xc8: {  	_ =	task.clear_ibuf [dreg:s11], $0x2FFFF;
	_ =	strace $0x9FFFFFFF  }
0xc9: {  	(tm) =	ssettm $0x7FFFFFFF  }
tec
execute0_lowered:
.L_overlay_start_1:
0x0: {  	(tag) =	ssettag $0x1  }
0x1: {  	s0 =	rddreg [dreg:$0x0]  }
0x2: {  	s3 =	rddreg [dreg:$0x1]  }
0x3: {  	s1 =	rddreg [dreg:$0x2]  }
0x4: {  	s2 =	rddreg [dreg:$0x3]  }
0x5: {  	s5 =	rddreg [dreg:$0x4];
	s6 =	srdreg.scid;
	s10 =	simm.s32 $0x0  }
0x6: {  	s4 =	stileid.u32;
	s11 =	simm.s32 $0x1;
	s12 =	simm.s32 $0x400  }
0x7: {  	v0 =	vlaneseq.u32;
	vm0 =	vmmov $0x1;
	s13 =	simm.s32 $0x7A1400;
	s14 =	simm.s32 $0x500;
	s15 =	simm.s32 $0x8500  }
0x8: {  	vm1 =	vmmov $0x3;
	vm2 =	vmmov $0x7;
	vm3 =	vmmov $0xf;
	s21 =	simm.s32 $0xB500;
	s22 =	simm.s32 $0x4500;
	s23 =	simm.s32 $0xC500  }
0x9: {  	vm4 =	vmmov $0x1f;
	vm5 =	vmmov $0x3f;
	vm6 =	vmmov $0x7f;
	s28 =	simm.s32 $0xE500;
	s29 =	simm.s32 $0x7500;
	s30 =	simm.s32 $0xF500  }
0xa: {  	vm7 =	vmmov $0xff;
	vm8 =	vmmov $0x1ff;
	vm9 =	vmmov $0x3ff;
	s31 =	simm.s32 $0x2;
	s6 =	sand.u32 $0x1, s6;
	s8 =	sshll.u32 s4, $0x7  }
0xb: {  	vm10 =	vmmov $0x7ff;
	vm11 =	vcmask $0x3330;
	v0 =	vmul.u32 $0x80, v0;
	[smem:$0x7FF] =	sst s10;
	s7 =	ssub.s32 $0x2, s6;
	s6 =	sshll.u32 s6, $0x6  }
0xc: {  	vm12 =	vmmov $0x1fff;
	vm13 =	vmmov $0x3fff;
	vm14 =	vmmov $0x7fff;
	s4 =	simm.s32 $0x0;
	_ =	strace $0x80000047;
	s6 =	sor.u32 s6, s8  }
.Ltmp0:
0xd: {  	s9 =	sshrl.u32 s7, $0x1;
	v1 =	vor.u32 $0x800, v0;
	v2 =	vor.u32 $0x1000, v0;
	v3 =	vor.u32 $0x1800, v0;
	s0 =	sadd.s32 s0, s6;
	(pc) =	sbr.rel .LBB2_1-.Ltmp0, $4  }
0xe: {  	v4 =	vor.u32 $0x2000, v0;
	v5 =	vor.u32 $0x2800, v0;
	v6 =	vor.u32 $0x3000, v0;
	s7 =	ssub.s32 s7, s9;
	s24 =	sadd.s32 s3, s6;
	[dreg:$0x6] =	wrdreg s0  }
0xf: {  	v7 =	vor.u32 $0x3800, v0;
	v8 =	vor.u32 $0x4000, v0;
	v9 =	vor.u32 $0x4800, v0;
	s25 =	sadd.s32 s5, s6;
	s3 =	simm.s32 $0x3;
	[dreg:$0x7] =	wrdreg s24  }
0x10: {  	v10 =	vor.u32 $0x5000, v0;
	v11 =	vor.u32 $0x5800, v0;
	v12 =	vor.u32 $0x6000, v0;
	[dreg:$0x8] =	wrdreg s25;
	s26 =	smax.u32 s7, $0x1;
	s24 =	simm.s32 $0x5500  }
0x11: {  	v13 =	vor.u32 $0x6800, v0;
	v14 =	vor.u32 $0x7000, v0;
	v15 =	vor.u32 $0x7800, v0;
	s25 =	simm.s32 $0xD500;
	[dreg:$0x9] =	wrdreg s26;
	s26 =	simm.s32 $0x6500  }
.LBB2_5:
0x12: {  	s10 =	simm.s32 $0x0;
	s0 =	rddreg [dreg:$0x8];
	s3 =	simm.s32 $0x10500  }
0x13: {  	[hbm4b:s0+s10] =	stream.linear.scatter [tilespmem:s3], [sflag:$0x3], $0x200, $0x38;
	[tilespmem:$0x10700] =	vst v63  }
0x14: {  	s3 =	simm.s32 $0x3  }
0x15: {  	_ =	swait.ge [sflag:s3], $0x200  }
0x16: {  	s4 =	rddreg [dreg:$0xa]  }
0x17: {  	s20 =	rddreg [dreg:$0x9];
	s4 =	sadd.s32 $0x1, s4  }
0x18: {  	p0 =	sne.s32 s4, s20  }
.Ltmp1:
0x19: {  	_ = 	snop;
	(pc) =	sbr.rel @!p0 .LBB2_6-.Ltmp1, $3  }
0x1a: {  	_ =	sdelay $0x1  }
0x1b: {  	[sflag:s3] =	ssyncset.done $0x0  }
0x1c: {  	[sflag:s3] =	ssyncadd.s32 $0xFFFFFE00  }
.LBB2_1:
0x1d: {  	[dreg:$0xa] =	wrdreg s4  }
0x1e: {  	s0 =	rddreg [dreg:$0x6]  }
0x1f: {  	[tilespmem:s10], [sflag:$0x3] =	stream.linear.gather [hbm4b:s0+s10], $0x200, $0x38;
	[tilespmem:$0x10700] =	vst v63  }
0x20: {  	_ =	swait.ge [sflag:s3], $0x200  }
0x21: {  	[sflag:s3] =	ssyncset.done $0x0  }
0x22: {  	s9 =	simm.s32 $0x280;
	s8 =	rddreg [dreg:$0x7];
	[sflag:s3] =	ssyncadd.s32 $0xFFFFFE00  }
0x23: {  	[tilespmem:s9], [sflag:$0x3] =	stream.linear.gather [hbm4b:s8+s10], $0x200, $0x38;
	[tilespmem:$0x10700] =	vst v63  }
0x24: {  	_ =	swait.ge [sflag:s3], $0x200  }
0x25: {  	[sflag:s3] =	ssyncset.done $0x0  }
0x26: {  	[sflag:s3] =	ssyncadd.s32 $0xFFFFFE00  }
0x27: {  	v16 =	vld [tilespmem:$0x0];
	_ =	sdelay $0x4  }
0x28: {  	(v2sf) =	vpush v16, $0x0;
	_ =	sdelay $0x2  }
0x29: {  	v17 =	vld [tilespmem:$0x280];
	_ =	sdelay $0x4  }
0x2a: {  	(v2sf) =	vpush v17, $0x0;
	_ =	sdelay $0x6  }
0x2b: {  	s16 =	spop (v2sf)  }
0x2c: {  	s5 =	sand.u32 $0x7F, s16  }
0x2d: {  	(v2sf) =	vpush v16, $0x1;
	s17 =	sshra.s32 s16, $0x1F;
	p1 =	slt.s32 s16, $0x1;
	p0 =	sne.s32 s5, $0x0  }
0x2e: {  	s5 =	sshrl.u32 s17, $0x19;
	p0 =	por !p1, !p0  }
0x2f: {  	s0 =	sadd.s32 s5, s16;
	s5 =	simm.s32 $0x1;
	p0 =	por !p0, !p0  }
0x30: {  	s0 =	sshrl.u32 s0, $0x7;
	s5 =	simm.s32 @!p0 $0x0  }
0x31: {  	s0 =	ssub.s32 s0, s5  }
0x32: {  	s0 =	sshll.u32 s0, $0x7  }
0x33: {  	s18 =	spop (v2sf);
	p0 =	slt.s32 s0, $0xF41C0  }
0x34: {  	s19 =	sand.u32 $0x7F, s18;
	s20 =	sshra.s32 s18, $0x1F;
	s0 =	simm.s32 @!p0 $0xF41C0  }
0x35: {  	p6 =	slt.s32 s18, $0x1;
	p5 =	sne.s32 s19, $0x0;
	s0 =	sand.u32 $0xFFFFF80, s0  }
0x36: {  	(v2sf) =	vpush v17, $0x1;
	s5 =	sshrl.u32 s20, $0x19;
	p0 =	por !p6, !p5;
	s0 =	sadd.s32 s1, s0  }
0x37: {  	[tilespmem:s14], [sflag:$0x1] =	stream.strided.gather [hbm4b:s0+s12], $0x1000, s13, s12, $0x38;
	[tilespmem:$0x10700] =	vst v63  }
0x38: {  	p0 =	por !p0, !p0;
	s0 =	sadd.s32 s5, s18;
	s5 =	simm.s32 $0x1  }
0x39: {  	s0 =	sshrl.u32 s0, $0x7;
	s5 =	simm.s32 @!p0 $0x0  }
0x3a: {  	s0 =	ssub.s32 s0, s5  }
0x3b: {  	s0 =	sshll.u32 s0, $0x7  }
0x3c: {  	s3 =	spop (v2sf);
	p0 =	slt.s32 s0, $0xF41C0  }
0x3d: {  	s4 =	sand.u32 $0x7F, s3;
	s6 =	sshra.s32 s3, $0x1F;
	s0 =	simm.s32 @!p0 $0xF41C0  }
0x3e: {  	p2 =	slt.s32 s3, $0x1;
	p1 =	sne.s32 s4, $0x0;
	s0 =	sand.u32 $0xFFFFF80, s0  }
0x3f: {  	(v2sf) =	vpush v16, $0x2;
	s5 =	sshrl.u32 s6, $0x19;
	p0 =	por !p2, !p1;
	s0 =	sadd.s32 s2, s0  }
0x40: {  	[tilespmem:s15], [sflag:$0x1] =	stream.strided.gather [hbm4b:s0+s12], $0x1000, s13, s12, $0x38;
	[tilespmem:$0x10700] =	vst v63  }
0x41: {  	p0 =	por !p0, !p0;
	s0 =	sadd.s32 s5, s3;
	s5 =	simm.s32 $0x1  }
0x42: {  	s0 =	sshrl.u32 s0, $0x7;
	s5 =	simm.s32 @!p0 $0x0  }
0x43: {  	s0 =	ssub.s32 s0, s5  }
0x44: {  	s0 =	sshll.u32 s0, $0x7  }
0x45: {  	s7 =	simm.s32 $0x1500;
	s8 =	spop (v2sf);
	p0 =	slt.s32 s0, $0xF41C0  }
0x46: {  	s9 =	sand.u32 $0x7F, s8;
	s10 =	sshra.s32 s8, $0x1F;
	s0 =	simm.s32 @!p0 $0xF41C0  }
0x47: {  	p4 =	slt.s32 s8, $0x1;
	p3 =	sne.s32 s9, $0x0;
	s0 =	sand.u32 $0xFFFFF80, s0  }
0x48: {  	(v2sf) =	vpush v17, $0x2;
	s5 =	sshrl.u32 s10, $0x19;
	p0 =	por !p4, !p3;
	s0 =	sadd.s32 s1, s0  }
0x49: {  	[tilespmem:s7], [sflag:$0x1] =	stream.strided.gather [hbm4b:s0+s12], $0x1000, s13, s12, $0x38;
	[tilespmem:$0x10700] =	vst v63  }
0x4a: {  	p0 =	por !p0, !p0;
	s0 =	sadd.s32 s5, s8;
	s5 =	simm.s32 $0x1  }
0x4b: {  	s0 =	sshrl.u32 s0, $0x7;
	s5 =	simm.s32 @!p0 $0x0  }
0x4c: {  	s0 =	ssub.s32 s0, s5  }
0x4d: {  	s0 =	sshll.u32 s0, $0x7  }
0x4e: {  	s16 =	simm.s32 $0x9500;
	s17 =	spop (v2sf);
	p0 =	slt.s32 s0, $0xF41C0  }
0x4f: {  	s18 =	sand.u32 $0x7F, s17;
	s19 =	sshra.s32 s17, $0x1F;
	s0 =	simm.s32 @!p0 $0xF41C0  }
0x50: {  	p6 =	slt.s32 s17, $0x1;
	p5 =	sne.s32 s18, $0x0;
	s0 =	sand.u32 $0xFFFFF80, s0  }
0x51: {  	s5 =	sshrl.u32 s19, $0x19;
	p0 =	por !p6, !p5;
	s0 =	sadd.s32 s2, s0  }
0x52: {  	(v2sf) =	vpush v16, $0x3;
	[tilespmem:s16], [sflag:$0x1] =	stream.strided.gather [hbm4b:s0+s12], $0x1000, s13, s12, $0x38;
	[tilespmem:$0x10700] =	vst v63  }
0x53: {  	p0 =	por !p0, !p0;
	s0 =	sadd.s32 s5, s17;
	s5 =	simm.s32 $0x1  }
0x54: {  	s0 =	sshrl.u32 s0, $0x7;
	s5 =	simm.s32 @!p0 $0x0  }
0x55: {  	s0 =	ssub.s32 s0, s5  }
0x56: {  	s0 =	sshll.u32 s0, $0x7  }
0x57: {  	s20 =	simm.s32 $0x2500;
	s4 =	spop (v2sf);
	p0 =	slt.s32 s0, $0xF41C0  }
0x58: {  	s6 =	sand.u32 $0x7F, s4;
	s7 =	sshra.s32 s4, $0x1F;
	s0 =	simm.s32 @!p0 $0xF41C0  }
0x59: {  	p2 =	slt.s32 s4, $0x1;
	p1 =	sne.s32 s6, $0x0;
	s0 =	sand.u32 $0xFFFFF80, s0  }
0x5a: {  	s5 =	sshrl.u32 s7, $0x19;
	p0 =	por !p2, !p1;
	s0 =	sadd.s32 s1, s0  }
0x5b: {  	(v2sf) =	vpush v17, $0x3;
	[tilespmem:s20], [sflag:$0x1] =	stream.strided.gather [hbm4b:s0+s12], $0x1000, s13, s12, $0x38;
	[tilespmem:$0x10700] =	vst v63  }
0x5c: {  	p0 =	por !p0, !p0;
	s0 =	sadd.s32 s5, s4;
	s5 =	simm.s32 $0x1  }
0x5d: {  	s0 =	sshrl.u32 s0, $0x7;
	s5 =	simm.s32 @!p0 $0x0  }
0x5e: {  	s0 =	ssub.s32 s0, s5  }
0x5f: {  	s0 =	sshll.u32 s0, $0x7  }
0x60: {  	p0 =	slt.s32 s0, $0xF41C0  }
0x61: {  	s9 =	simm.s32 $0xA500;
	s8 =	spop (v2sf);
	s0 =	simm.s32 @!p0 $0xF41C0  }
0x62: {  	s10 =	sand.u32 $0x7F, s8;
	s16 =	sshra.s32 s8, $0x1F;
	s0 =	sand.u32 $0xFFFFF80, s0  }
0x63: {  	p4 =	slt.s32 s8, $0x1;
	p3 =	sne.s32 s10, $0x0;
	s0 =	sadd.s32 s2, s0  }
0x64: {  	[tilespmem:s9], [sflag:$0x1] =	stream.strided.gather [hbm4b:s0+s12], $0x1000, s13, s12, $0x38;
	[tilespmem:$0x10700] =	vst v63  }
0x65: {  	p0 =	por !p4, !p3;
	s0 =	sshrl.u32 s16, $0x19  }
0x66: {  	s5 =	simm.s32 $0x1;
	p0 =	por !p0, !p0;
	s0 =	sadd.s32 s0, s8  }
0x67: {  	s5 =	simm.s32 @!p0 $0x0;
	s0 =	sshrl.u32 s0, $0x7  }
0x68: {  	s0 =	ssub.s32 s0, s5  }
0x69: {  	s0 =	sshll.u32 s0, $0x7  }
0x6a: {  	s17 =	simm.s32 $0x3500;
	s18 =	spop (v2sf);
	p0 =	slt.s32 s0, $0xF41C0  }
0x6b: {  	s19 =	sand.u32 $0x7F, s18;
	s20 =	sshra.s32 s18, $0x1F;
	s0 =	simm.s32 @!p0 $0xF41C0  }
0x6c: {  	p6 =	slt.s32 s18, $0x1;
	p5 =	sne.s32 s19, $0x0;
	s0 =	sand.u32 $0xFFFFF80, s0  }
0x6d: {  	s5 =	sshrl.u32 s20, $0x19;
	p0 =	por !p6, !p5;
	s0 =	sadd.s32 s1, s0  }
0x6e: {  	[tilespmem:s17], [sflag:$0x1] =	stream.strided.gather [hbm4b:s0+s12], $0x1000, s13, s12, $0x38;
	[tilespmem:$0x10700] =	vst v63  }
0x6f: {  	p0 =	por !p0, !p0;
	s0 =	sadd.s32 s5, s18;
	s5 =	simm.s32 $0x1  }
0x70: {  	s0 =	sshrl.u32 s0, $0x7;
	s5 =	simm.s32 @!p0 $0x0  }
0x71: {  	s0 =	ssub.s32 s0, s5  }
0x72: {  	s0 =	sshll.u32 s0, $0x7  }
.Ltmp2:
0x73: {  	p0 =	slt.s32 s0, $0xF41C0;
	(pc) =	sbr.rel .LBB2_2-.Ltmp2, $4  }
0x74: {  	s0 =	simm.s32 @!p0 $0xF41C0  }
0x75: {  	s0 =	sand.u32 $0xFFFFF80, s0  }
0x76: {  	s10 =	simm.s32 $0x0;
	s0 =	sadd.s32 s2, s0  }
0x77: {  	[tilespmem:s21], [sflag:$0x1] =	stream.strided.gather [hbm4b:s0+s12], $0x1000, s13, s12, $0x38;
	[tilespmem:$0x10700] =	vst v63  }
.LBB2_4:
0x78: {  	_ =	swait.ge [sflag:s31], $0x1000  }
0x79: {  	[sflag:s31] =	ssyncset.done $0x0  }
0x7a: {  	[sflag:s31] =	ssyncadd.s32 $0xFFFFF000  }
0x7b: {  	_ =	swait.ge [sflag:s31], $0x1000  }
0x7c: {  	[sflag:s31] =	ssyncset.done $0x0  }
0x7d: {  	[sflag:s31] =	ssyncadd.s32 $0xFFFFF000  }
0x7e: {  	_ =	swait.ge [sflag:s31], $0x1000  }
0x7f: {  	[sflag:s31] =	ssyncset.done $0x0  }
0x80: {  	[sflag:s31] =	ssyncadd.s32 $0xFFFFF000  }
0x81: {  	_ =	swait.ge [sflag:s31], $0x1000  }
0x82: {  	[sflag:s31] =	ssyncset.done $0x0  }
0x83: {  	[sflag:s31] =	ssyncadd.s32 $0xFFFFF000  }
0x84: {  	_ =	swait.ge [sflag:s31], $0x1000  }
0x85: {  	[sflag:s31] =	ssyncset.done $0x0  }
0x86: {  	[sflag:s31] =	ssyncadd.s32 $0xFFFFF000  }
0x87: {  	_ =	swait.ge [sflag:s31], $0x1000  }
0x88: {  	[sflag:s31] =	ssyncset.done $0x0  }
0x89: {  	[sflag:s31] =	ssyncadd.s32 $0xFFFFF000  }
0x8a: {  	_ =	swait.ge [sflag:s31], $0x1000  }
0x8b: {  	[sflag:s31] =	ssyncset.done $0x0  }
0x8c: {  	[sflag:s31] =	ssyncadd.s32 $0xFFFFF000  }
0x8d: {  	_ =	swait.ge [sflag:s31], $0x1000  }
0x8e: {  	[sflag:s31] =	ssyncset.done $0x0  }
0x8f: {  	[sflag:s31] =	ssyncadd.s32 $0xFFFFF000  }
0x90: {  	v28 =	vld [tilespmem:s0+$0xC];
	_ =	sdelay $0x2  }
0x91: {  	v29 =	vld [tilespmem:s0+$0x28C];
	_ =	sdelay $0x1  }
0x92: {  	(v2sf) =	vpush v28, $0x0;
	_ =	sdelay $0x2  }
0x93: {  	(v2sf) =	vpush v29, $0x0;
	_ =	sdelay $0x1  }
0x94: {  	(v2sf) =	vpush v28, $0x1;
	_ =	sdelay $0x1  }
0x95: {  	(v2sf) =	vpush v29, $0x1;
	_ =	sdelay $0x7  }
0x96: {  	s3 =	spop (v2sf)  }
0x97: {  	s6 =	simm.s32 $0x1;
	s4 =	sand.u32 $0x7F, s3  }
0x98: {  	p0 =	slt.s32 s3, $0x1;
	s5 =	sshra.s32 s3, $0x1F;
	p1 =	sne.s32 s4, $0x0  }
0x99: {  	s4 =	spop (v2sf);
	s5 =	sshrl.u32 s5, $0x19;
	p0 =	por !p0, !p1  }
0x9a: {  	s5 =	sadd.s32 s5, s3;
	s7 =	sand.u32 $0x7F, s4;
	s8 =	sshra.s32 s4, $0x1F  }
0x9b: {  	(v2sf) =	vpush v28, $0x2;
	p5 =	slt.s32 s4, $0x1;
	s9 =	spop (v2sf);
	p0 =	por !p0, !p0  }
0x9c: {  	p6 =	sne.s32 s7, $0x0;
	s5 =	sshrl.u32 s5, $0x7;
	s17 =	sshrl.u32 s8, $0x19  }
0x9d: {  	s8 =	simm.s32 $0x1;
	s16 =	spop (v2sf);
	s19 =	sand.u32 $0x7F, s9  }
0x9e: {  	s20 =	sshra.s32 s9, $0x1F;
	p1 =	slt.s32 s9, $0x1;
	s6 =	simm.s32 @!p0 $0x0  }
0x9f: {  	p0 =	por !p5, !p6;
	s7 =	sadd.s32 s17, s4;
	p2 =	sne.s32 s19, $0x0  }
0xa0: {  	(v2sf) =	vpush v29, $0x2;
	s17 =	sand.u32 $0x7F, s16;
	p3 =	slt.s32 s16, $0x1;
	p0 =	por !p0, !p0  }
0xa1: {  	(v2sf) =	vpush v28, $0x3;
	s5 =	ssub.s32 s5, s6;
	s18 =	sshrl.u32 s7, $0x7;
	s8 =	simm.s32 @!p0 $0x0  }
0xa2: {  	p4 =	sne.s32 s17, $0x0;
	s5 =	sshll.u32 s5, $0x7;
	s6 =	ssub.s32 s18, s8  }
0xa3: {  	p0 =	slt.s32 s5, $0xF41C0;
	s8 =	sshrl.u32 s20, $0x19;
	s18 =	sshra.s32 s16, $0x1F  }
0xa4: {  	s6 =	sshll.u32 s6, $0x7;
	s5 =	simm.s32 @!p0 $0xF41C0;
	s19 =	sshrl.u32 s18, $0x19  }
0xa5: {  	p0 =	slt.s32 s6, $0xF41C0;
	s5 =	ssub.s32 s3, s5;
	s3 =	sadd.s32 s8, s9  }
0xa6: {  	s6 =	simm.s32 @!p0 $0xF41C0;
	p0 =	por !p1, !p2;
	s3 =	sshrl.u32 s3, $0x7  }
0xa7: {  	s7 =	ssub.s32 s4, s6;
	p0 =	por !p0, !p0;
	s4 =	simm.s32 $0x1  }
0xa8: {  	s6 =	simm.s32 $0x1;
	s4 =	simm.s32 @!p0 $0x0;
	p0 =	por !p3, !p4  }
0xa9: {  	s3 =	ssub.s32 s3, s4;
	p0 =	por !p0, !p0;
	s4 =	sadd.s32 s19, s16  }
0xaa: {  	s17 =	spop (v2sf);
	s6 =	simm.s32 @!p0 $0x0;
	s4 =	sshrl.u32 s4, $0x7  }
0xab: {  	s3 =	sshll.u32 s3, $0x7;
	s20 =	sand.u32 $0x7F, s17;
	s18 =	sshra.s32 s17, $0x1F  }
0xac: {  	(v2sf) =	vpush v29, $0x3;
	p5 =	slt.s32 s17, $0x1;
	s4 =	ssub.s32 s4, s6;
	p6 =	sne.s32 s20, $0x0  }
0xad: {  	s19 =	sshrl.u32 s18, $0x19;
	s18 =	simm.s32 $0x1;
	p0 =	por !p5, !p6  }
0xae: {  	s4 =	sshll.u32 s4, $0x7;
	s8 =	sadd.s32 s19, s17;
	p0 =	por !p0, !p0  }
0xaf: {  	s20 =	sshrl.u32 s8, $0x7;
	s8 =	spop (v2sf);
	s18 =	simm.s32 @!p0 $0x0  }
0xb0: {  	s6 =	spop (v2sf);
	p0 =	slt.s32 s3, $0xF41C0;
	s19 =	sand.u32 $0x7F, s8  }
0xb1: {  	p1 =	slt.s32 s8, $0x1;
	s18 =	ssub.s32 s20, s18;
	s3 =	simm.s32 @!p0 $0xF41C0  }
0xb2: {  	p0 =	slt.s32 s4, $0xF41C0;
	s20 =	sshra.s32 s8, $0x1F;
	p2 =	sne.s32 s19, $0x0  }
0xb3: {  	s19 =	sand.u32 $0x7F, s6;
	p4 =	slt.s32 s6, $0x1;
	s18 =	sshll.u32 s18, $0x7  }
0xb4: {  	s3 =	ssub.s32 s9, s3;
	s4 =	simm.s32 @!p0 $0xF41C0;
	p3 =	sne.s32 s19, $0x0  }
0xb5: {  	p0 =	slt.s32 s18, $0xF41C0;
	s4 =	ssub.s32 s16, s4;
	s16 =	sshrl.u32 s20, $0x19  }
0xb6: {  	s18 =	simm.s32 @!p0 $0xF41C0;
	p0 =	por !p1, !p2;
	s16 =	sadd.s32 s16, s8  }
0xb7: {  	s9 =	ssub.s32 s17, s18;
	p0 =	por !p0, !p0;
	s17 =	simm.s32 $0x1  }
0xb8: {  	s20 =	sshra.s32 s6, $0x1F;
	s16 =	sshrl.u32 s16, $0x7;
	s17 =	simm.s32 @!p0 $0x0  }
0xb9: {  	v45 =	vadd.s32 s5, v8;
	s18 =	sshrl.u32 s20, $0x19;
	p0 =	por !p4, !p3;
	s16 =	ssub.s32 s16, s17  }
0xba: {  	v30 =	vadd.s32 s5, v9;
	s17 =	sadd.s32 s18, s6;
	p0 =	por !p0, !p0;
	s18 =	simm.s32 $0x1  }
0xbb: {  	v46 =	vadd.s32 s7, v8;
	s17 =	sshrl.u32 s17, $0x7;
	s18 =	simm.s32 @!p0 $0x0;
	s5 =	spop (v2sf)  }
0xbc: {  	v31 =	vadd.s32 s7, v9;
	s7 =	sshll.u32 s16, $0x7;
	s16 =	ssub.s32 s17, s18;
	s19 =	sand.u32 $0x7F, s5  }
0xbd: {  	v32 =	vadd.s32 s3, v10;
	s20 =	sshra.s32 s5, $0x1F;
	p6 =	slt.s32 s5, $0x1;
	p5 =	sne.s32 s19, $0x0  }
0xbe: {  	v28 =	vld.idx.msk [tilespmem:v45+s14+$0x0], $0xffff;
	v34 =	vadd.s32 s3, v11;
	p1 =	slt.s32 s7, $0xF41C0;
	s17 =	sshrl.u32 s20, $0x19;
	p0 =	por !p6, !p5  }
0xbf: {  	v30 =	vld.idx.msk [tilespmem:v30+s14+$0x0], $0xffff;
	v33 =	vadd.s32 s4, v10;
	s18 =	sadd.s32 s17, s5;
	s17 =	simm.s32 $0x1;
	p0 =	por !p0, !p0  }
0xc0: {  	v29 =	vld.idx.msk [tilespmem:v46+s15+$0x0], $0xffff;
	v35 =	vadd.s32 s4, v11;
	s7 =	simm.s32 @!p1 $0xF41C0;
	s3 =	sshrl.u32 s18, $0x7;
	s17 =	simm.s32 @!p0 $0x0  }
0xc1: {  	v31 =	vld.idx.msk [tilespmem:v31+s15+$0x0], $0xffff;
	v36 =	vadd.s32 s9, v12;
	s19 =	ssub.s32 s8, s7;
	s7 =	sshll.u32 s16, $0x7;
	s3 =	ssub.s32 s3, s17  }
0xc2: {  	v38 =	vadd.s32 s9, v13;
	v32 =	vld.idx.msk [tilespmem:v32+s14+$0x0], $0xffff;
	p0 =	slt.s32 s7, $0xF41C0;
	s3 =	sshll.u32 s3, $0x7  }
0xc3: {  	v34 =	vld.idx.msk [tilespmem:v34+s14+$0x0], $0xffff;
	v37 =	vadd.s32 s19, v12;
	s7 =	simm.s32 @!p0 $0xF41C0;
	p0 =	slt.s32 s3, $0xF41C0  }
0xc4: {  	v33 =	vld.idx.msk [tilespmem:v33+s15+$0x0], $0xffff;
	v39 =	vadd.s32 s19, v13;
	s20 =	ssub.s32 s6, s7;
	s3 =	simm.s32 @!p0 $0xF41C0  }
0xc5: {  	v35 =	vld.idx.msk [tilespmem:v35+s15+$0x0], $0xffff;
	v40 =	vadd.s32 s20, v14;
	s3 =	ssub.s32 s5, s3  }
0xc6: {  	v36 =	vld.idx.msk [tilespmem:v36+s14+$0x0], $0xffff;
	v41 =	vadd.s32 s3, v14  }
0xc7: {  	v38 =	vld.idx.msk [tilespmem:v38+s14+$0x0], $0xffff;
	v42 =	vadd.s32 s20, v15  }
0xc8: {  	v37 =	vld.idx.msk [tilespmem:v37+s15+$0x0], $0xffff;
	v43 =	vadd.s32 s3, v15  }
0xc9: {  	v39 =	vld.idx.msk [tilespmem:v39+s15+$0x0], $0xffff  }
0xca: {  	v28 =	vmul.f32 v29, v28;
	v40 =	vld.idx.msk [tilespmem:v40+s14+$0x0], $0xffff  }
0xcb: {  	v32 =	vmul.f32 v33, v32;
	v47 =	vld.idx.msk [tilespmem:v41+s15+$0x0], $0xffff  }
0xcc: {  	v30 =	vmul.f32 v31, v30;
	v28 =	vadd.f32 $0.0e+00, v28;
	v48 =	vld.idx.msk [tilespmem:v42+s14+$0x0], $0xffff  }
0xcd: {  	v34 =	vmul.f32 v35, v34;
	v32 =	vadd.f32 $0.0e+00, v32;
	v49 =	vmul.f32 v37, v36;
	v50 =	vld.idx.msk [tilespmem:v43+s15+$0x0], $0xffff  }
0xce: {  	v17 =	vbroadcast v17, $0xF;
	v28 =	vadd.f32 v30, v28  }
0xcf: {  	v32 =	vadd.f32 v34, v32;
	v51 =	vmul.f32 v39, v38;
	v31 =	vadd.f32 $0.0e+00, v49  }
0xd0: {  	v19 =	vbroadcast v19, $0xF;
	(xrf2) =	vadd.scan.msk.f32 $0xffff, v28;
	v29 =	vmul.f32 v47, v40  }
0xd1: {  	v18 =	vbroadcast v18, $0xF;
	v16 =	vbroadcast v16, $0xF;
	(xrf2) =	vadd.scan.msk.f32 $0xffff, v32;
	v52 =	vadd.f32 v51, v31  }
0xd2: {  	v17 =	vsel vm0, v17, v19;
	v53 =	vmul.f32 v50, v48;
	v29 =	vadd.f32 $0.0e+00, v29  }
0xd3: {  	v54 =	vbroadcast v23, $0xF;
	v17 =	vsel vm1, v17, v18;
	(xrf2) =	vadd.scan.msk.f32 $0xffff, v52  }
0xd4: {  	v16 =	vsel vm2, v17, v16;
	v17 =	vbroadcast v21, $0xF;
	v55 =	vadd.f32 v53, v29  }
0xd5: {  	v56 =	vbroadcast v22, $0xF;
	v16 =	vsel vm3, v16, v54  }
0xd6: {  	v16 =	vsel vm4, v16, v17;
	v17 =	vbroadcast v20, $0xF;
	(xrf2) =	vadd.scan.msk.f32 $0xffff, v55  }
0xd7: {  	v57 =	vbroadcast v27, $0xF;
	v16 =	vsel vm5, v16, v56  }
0xd8: {  	v16 =	vsel vm6, v16, v17;
	v17 =	vbroadcast v26, $0xF  }
0xd9: {  	v58 =	vbroadcast v25, $0xF;
	v16 =	vsel vm7, v16, v57  }
0xda: {  	v16 =	vsel vm8, v16, v17;
	v17 =	vbroadcast v24, $0xF;
	v59, _, _ =	vpop (xrf2)  }
0xdb: {  	v16 =	vsel vm9, v16, v58;
	v60, _, _ =	vpop (xrf2)  }
0xdc: {  	s10 =	sadd.s32 $0x40, s10;
	v16 =	vsel vm10, v16, v17;
	v61 =	vbroadcast v59, $0xF;
	v17 =	vbroadcast v60, $0xF  }
0xdd: {  	p0 =	sne.s32 s10, $0x800;
	v62, _, _ =	vpop (xrf2)  }
.Ltmp3:
0xde: {  	v16 =	vsel vm11, v61, v16;
	v63 =	vbroadcast v62, $0xF;
	(pc) =	sbr.rel @!p0 .LBB2_5-.Ltmp3, $4  }
0xdf: {  	v16 =	vsel vm12, v16, v17  }
0xe0: {  	v16 =	vsel vm13, v16, v63;
	v17, _, _ =	vpop (xrf2)  }
0xe1: {  	v16 =	vsel vm14, v16, v17  }
0xe2: {  	[tilespmem:s0+$0x10500] =	vst v16  }
.LBB2_2:
0xe3: {  	s0 =	sshra.s32 s10, $0x2  }
0xe4: {  	v16 =	vld [tilespmem:s0+$0x4];
	_ =	sdelay $0x4  }
0xe5: {  	(v2sf) =	vpush v16, $0x0;
	_ =	sdelay $0x2  }
0xe6: {  	v17 =	vld [tilespmem:s0+$0x284];
	_ =	sdelay $0x4  }
0xe7: {  	(v2sf) =	vpush v17, $0x0;
	_ =	sdelay $0x6  }
0xe8: {  	s5 =	spop (v2sf)  }
0xe9: {  	s6 =	sand.u32 $0x7F, s5  }
0xea: {  	(v2sf) =	vpush v16, $0x1;
	s7 =	sshra.s32 s5, $0x1F;
	p0 =	slt.s32 s5, $0x1;
	p1 =	sne.s32 s6, $0x0  }
0xeb: {  	s17 =	sshrl.u32 s7, $0x19;
	p0 =	por !p0, !p1  }
0xec: {  	s6 =	simm.s32 $0x1;
	s5 =	sadd.s32 s17, s5;
	p0 =	por !p0, !p0  }
0xed: {  	s5 =	sshrl.u32 s5, $0x7;
	s6 =	simm.s32 @!p0 $0x0  }
0xee: {  	s5 =	ssub.s32 s5, s6  }
0xef: {  	s5 =	sshll.u32 s5, $0x7  }
0xf0: {  	s18 =	spop (v2sf);
	p0 =	slt.s32 s5, $0xF41C0  }
0xf1: {  	s19 =	sand.u32 $0x7F, s18;
	s20 =	sshra.s32 s18, $0x1F;
	s5 =	simm.s32 @!p0 $0xF41C0  }
0xf2: {  	p5 =	slt.s32 s18, $0x1;
	p6 =	sne.s32 s19, $0x0;
	s5 =	sand.u32 $0xFFFFF80, s5  }
0xf3: {  	(v2sf) =	vpush v17, $0x1;
	s3 =	sshrl.u32 s20, $0x19;
	p0 =	por !p5, !p6;
	s5 =	sadd.s32 s1, s5  }
0xf4: {  	[tilespmem:s22], [sflag:$0x2] =	stream.strided.gather [hbm4b:s5+s12], $0x1000, s13, s12, $0x38;
	[tilespmem:$0x10700] =	vst v63  }
0xf5: {  	s6 =	simm.s32 $0x1;
	p0 =	por !p0, !p0;
	s5 =	sadd.s32 s3, s18  }
0xf6: {  	s6 =	simm.s32 @!p0 $0x0;
	s5 =	sshrl.u32 s5, $0x7  }
0xf7: {  	s5 =	ssub.s32 s5, s6  }
0xf8: {  	s5 =	sshll.u32 s5, $0x7  }
0xf9: {  	s4 =	spop (v2sf);
	p0 =	slt.s32 s5, $0xF41C0  }
0xfa: {  	s7 =	sand.u32 $0x7F, s4;
	s8 =	sshra.s32 s4, $0x1F;
	s5 =	simm.s32 @!p0 $0xF41C0  }
0xfb: {  	p1 =	slt.s32 s4, $0x1;
	p2 =	sne.s32 s7, $0x0;
	s5 =	sand.u32 $0xFFFFF80, s5  }
0xfc: {  	(v2sf) =	vpush v16, $0x2;
	s9 =	sshrl.u32 s8, $0x19;
	p0 =	por !p1, !p2;
	s5 =	sadd.s32 s2, s5  }
0xfd: {  	[tilespmem:s23], [sflag:$0x2] =	stream.strided.gather [hbm4b:s5+s12], $0x1000, s13, s12, $0x38;
	[tilespmem:$0x10700] =	vst v63  }
0xfe: {  	s6 =	simm.s32 $0x1;
	p0 =	por !p0, !p0;
	s5 =	sadd.s32 s9, s4  }
0xff: {  	s6 =	simm.s32 @!p0 $0x0;
	s5 =	sshrl.u32 s5, $0x7  }
0x100: {  	s5 =	ssub.s32 s5, s6  }
0x101: {  	s5 =	sshll.u32 s5, $0x7  }
0x102: {  	s16 =	spop (v2sf);
	p0 =	slt.s32 s5, $0xF41C0  }
0x103: {  	s17 =	sand.u32 $0x7F, s16;
	p3 =	slt.s32 s16, $0x1;
	s5 =	simm.s32 @!p0 $0xF41C0  }
0x104: {  	p4 =	sne.s32 s17, $0x0;
	s18 =	sshra.s32 s16, $0x1F;
	s5 =	sand.u32 $0xFFFFF80, s5  }
0x105: {  	(v2sf) =	vpush v17, $0x2;
	s19 =	sshrl.u32 s18, $0x19;
	p0 =	por !p3, !p4;
	s5 =	sadd.s32 s1, s5  }
0x106: {  	[tilespmem:s24], [sflag:$0x2] =	stream.strided.gather [hbm4b:s5+s12], $0x1000, s13, s12, $0x38;
	[tilespmem:$0x10700] =	vst v63  }
0x107: {  	s6 =	simm.s32 $0x1;
	p0 =	por !p0, !p0;
	s5 =	sadd.s32 s19, s16  }
0x108: {  	s6 =	simm.s32 @!p0 $0x0;
	s5 =	sshrl.u32 s5, $0x7  }
0x109: {  	s5 =	ssub.s32 s5, s6  }
0x10a: {  	s5 =	sshll.u32 s5, $0x7  }
0x10b: {  	s20 =	spop (v2sf);
	p0 =	slt.s32 s5, $0xF41C0  }
0x10c: {  	s3 =	sand.u32 $0x7F, s20;
	p5 =	slt.s32 s20, $0x1;
	s5 =	simm.s32 @!p0 $0xF41C0  }
0x10d: {  	p6 =	sne.s32 s3, $0x0;
	s4 =	sshra.s32 s20, $0x1F;
	s5 =	sand.u32 $0xFFFFF80, s5  }
0x10e: {  	(v2sf) =	vpush v16, $0x3;
	s7 =	sshrl.u32 s4, $0x19;
	p0 =	por !p5, !p6;
	s5 =	sadd.s32 s2, s5  }
0x10f: {  	[tilespmem:s25], [sflag:$0x2] =	stream.strided.gather [hbm4b:s5+s12], $0x1000, s13, s12, $0x38;
	[tilespmem:$0x10700] =	vst v63  }
0x110: {  	s6 =	simm.s32 $0x1;
	p0 =	por !p0, !p0;
	s5 =	sadd.s32 s7, s20  }
0x111: {  	s6 =	simm.s32 @!p0 $0x0;
	s5 =	sshrl.u32 s5, $0x7  }
0x112: {  	s5 =	ssub.s32 s5, s6  }
0x113: {  	s5 =	sshll.u32 s5, $0x7  }
0x114: {  	s8 =	spop (v2sf);
	p0 =	slt.s32 s5, $0xF41C0  }
0x115: {  	p1 =	slt.s32 s8, $0x1;
	s9 =	sand.u32 $0x7F, s8;
	s5 =	simm.s32 @!p0 $0xF41C0  }
0x116: {  	p2 =	sne.s32 s9, $0x0;
	s16 =	sshra.s32 s8, $0x1F;
	s5 =	sand.u32 $0xFFFFF80, s5  }
0x117: {  	(v2sf) =	vpush v17, $0x3;
	s17 =	sshrl.u32 s16, $0x19;
	p0 =	por !p1, !p2;
	s5 =	sadd.s32 s1, s5  }
0x118: {  	[tilespmem:s26], [sflag:$0x2] =	stream.strided.gather [hbm4b:s5+s12], $0x1000, s13, s12, $0x38;
	[tilespmem:$0x10700] =	vst v63  }
0x119: {  	s6 =	simm.s32 $0x1;
	p0 =	por !p0, !p0;
	s5 =	sadd.s32 s17, s8  }
0x11a: {  	s6 =	simm.s32 @!p0 $0x0;
	s5 =	sshrl.u32 s5, $0x7  }
0x11b: {  	s5 =	ssub.s32 s5, s6  }
0x11c: {  	s5 =	sshll.u32 s5, $0x7  }
0x11d: {  	s18 =	spop (v2sf);
	p0 =	slt.s32 s5, $0xF41C0  }
0x11e: {  	s19 =	sand.u32 $0x7F, s18;
	p3 =	slt.s32 s18, $0x1;
	s5 =	simm.s32 @!p0 $0xF41C0  }
0x11f: {  	p4 =	sne.s32 s19, $0x0;
	s20 =	sshra.s32 s18, $0x1F;
	s5 =	sand.u32 $0xFFFFF80, s5  }
0x120: {  	s3 =	sshrl.u32 s20, $0x19;
	p0 =	por !p3, !p4;
	s5 =	sadd.s32 s2, s5  }
0x121: {  	[tilespmem:s28], [sflag:$0x2] =	stream.strided.gather [hbm4b:s5+s12], $0x1000, s13, s12, $0x38;
	[tilespmem:$0x10700] =	vst v63  }
0x122: {  	s6 =	simm.s32 $0x1;
	p0 =	por !p0, !p0;
	s5 =	sadd.s32 s3, s18  }
0x123: {  	s6 =	simm.s32 @!p0 $0x0;
	s5 =	sshrl.u32 s5, $0x7  }
0x124: {  	s5 =	ssub.s32 s5, s6  }
0x125: {  	s5 =	sshll.u32 s5, $0x7  }
0x126: {  	s4 =	spop (v2sf);
	p0 =	slt.s32 s5, $0xF41C0  }
0x127: {  	s9 =	sshra.s32 s4, $0x1F;
	s8 =	sand.u32 $0x7F, s4;
	s5 =	simm.s32 @!p0 $0xF41C0  }
0x128: {  	p5 =	slt.s32 s4, $0x1;
	p6 =	sne.s32 s8, $0x0;
	s5 =	sand.u32 $0xFFFFF80, s5  }
0x129: {  	s16 =	sshrl.u32 s9, $0x19;
	p0 =	por !p5, !p6;
	s5 =	sadd.s32 s1, s5  }
0x12a: {  	[tilespmem:s29], [sflag:$0x2] =	stream.strided.gather [hbm4b:s5+s12], $0x1000, s13, s12, $0x38;
	[tilespmem:$0x10700] =	vst v63  }
0x12b: {  	s6 =	simm.s32 $0x1;
	p0 =	por !p0, !p0;
	s5 =	sadd.s32 s16, s4  }
0x12c: {  	s6 =	simm.s32 @!p0 $0x0;
	s5 =	sshrl.u32 s5, $0x7  }
0x12d: {  	s5 =	ssub.s32 s5, s6  }
0x12e: {  	s5 =	sshll.u32 s5, $0x7  }
0x12f: {  	p0 =	slt.s32 s5, $0xF41C0  }
0x130: {  	s5 =	simm.s32 @!p0 $0xF41C0  }
0x131: {  	s5 =	sand.u32 $0xFFFFF80, s5  }
0x132: {  	s5 =	sadd.s32 s2, s5  }
0x133: {  	[tilespmem:s30], [sflag:$0x2] =	stream.strided.gather [hbm4b:s5+s12], $0x1000, s13, s12, $0x38;
	[tilespmem:$0x10700] =	vst v63  }
0x134: {  	_ =	swait.ge [sflag:s11], $0x1000  }
0x135: {  	[sflag:s11] =	ssyncset.done $0x0  }
0x136: {  	[sflag:s11] =	ssyncadd.s32 $0xFFFFF000  }
0x137: {  	_ =	swait.ge [sflag:s11], $0x1000  }
0x138: {  	[sflag:s11] =	ssyncset.done $0x0  }
0x139: {  	[sflag:s11] =	ssyncadd.s32 $0xFFFFF000  }
0x13a: {  	_ =	swait.ge [sflag:s11], $0x1000  }
0x13b: {  	[sflag:s11] =	ssyncset.done $0x0  }
0x13c: {  	[sflag:s11] =	ssyncadd.s32 $0xFFFFF000  }
0x13d: {  	_ =	swait.ge [sflag:s11], $0x1000  }
0x13e: {  	[sflag:s11] =	ssyncset.done $0x0  }
0x13f: {  	[sflag:s11] =	ssyncadd.s32 $0xFFFFF000  }
0x140: {  	_ =	swait.ge [sflag:s11], $0x1000  }
0x141: {  	[sflag:s11] =	ssyncset.done $0x0  }
0x142: {  	[sflag:s11] =	ssyncadd.s32 $0xFFFFF000  }
0x143: {  	_ =	swait.ge [sflag:s11], $0x1000  }
0x144: {  	[sflag:s11] =	ssyncset.done $0x0  }
0x145: {  	[sflag:s11] =	ssyncadd.s32 $0xFFFFF000  }
0x146: {  	_ =	swait.ge [sflag:s11], $0x1000  }
0x147: {  	[sflag:s11] =	ssyncset.done $0x0  }
0x148: {  	[sflag:s11] =	ssyncadd.s32 $0xFFFFF000  }
0x149: {  	_ =	swait.ge [sflag:s11], $0x1000  }
0x14a: {  	[sflag:s11] =	ssyncset.done $0x0  }
0x14b: {  	[sflag:s11] =	ssyncadd.s32 $0xFFFFF000  }
0x14c: {  	v16 =	vld [tilespmem:s0+$0x0];
	_ =	sdelay $0x1  }
0x14d: {  	v17 =	vld [tilespmem:s0+$0x280];
	_ =	sdelay $0x2  }
0x14e: {  	(v2sf) =	vpush v16, $0x0;
	_ =	sdelay $0x1  }
0x14f: {  	(v2sf) =	vpush v17, $0x0;
	_ =	sdelay $0x5  }
0x150: {  	(v2sf) =	vpush v16, $0x1;
	_ =	sdelay $0x6  }
0x151: {  	s8 =	simm.s32 $0x1;
	s17 =	spop (v2sf);
	(v2sf) =	vpush v17, $0x1  }
0x152: {  	s18 =	sshra.s32 s17, $0x1F;
	s19 =	sand.u32 $0x7F, s17;
	p1 =	slt.s32 s17, $0x1  }
0x153: {  	s20 =	spop (v2sf);
	s6 =	sshrl.u32 s18, $0x19;
	p2 =	sne.s32 s19, $0x0  }
0x154: {  	s4 =	sand.u32 $0x7F, s20;
	s9 =	sshra.s32 s20, $0x1F;
	p3 =	slt.s32 s20, $0x1  }
0x155: {  	s6 =	sadd.s32 s6, s17;
	p0 =	por !p1, !p2;
	p2 =	sne.s32 s4, $0x0  }
0x156: {  	s9 =	sshrl.u32 s9, $0x19;
	s6 =	sshrl.u32 s6, $0x7;
	p0 =	por !p0, !p0  }
0x157: {  	(v2sf) =	vpush v16, $0x2;
	p4 =	por !p3, !p2;
	s4 =	sadd.s32 s9, s20;
	s9 =	simm.s32 $0x1  }
0x158: {  	s8 =	simm.s32 @!p0 $0x0;
	p0 =	por !p4, !p4;
	s4 =	sshrl.u32 s4, $0x7  }
0x159: {  	s6 =	ssub.s32 s6, s8;
	s9 =	simm.s32 @!p0 $0x0;
	s8 =	spop (v2sf);
	(v2sf) =	vpush v17, $0x2  }
0x15a: {  	s6 =	sshll.u32 s6, $0x7;
	s4 =	ssub.s32 s4, s9  }
0x15b: {  	s16 =	sand.u32 $0x7F, s8;
	p5 =	slt.s32 s8, $0x1;
	p0 =	slt.s32 s6, $0xF41C0  }
0x15c: {  	s4 =	sshll.u32 s4, $0x7;
	p6 =	sne.s32 s16, $0x0;
	s6 =	simm.s32 @!p0 $0xF41C0  }
0x15d: {  	p0 =	slt.s32 s4, $0xF41C0;
	s5 =	ssub.s32 s17, s6;
	s17 =	sshra.s32 s8, $0x1F  }
0x15e: {  	s4 =	simm.s32 @!p0 $0xF41C0;
	p0 =	por !p5, !p6;
	s18 =	sshrl.u32 s17, $0x19  }
0x15f: {  	s9 =	simm.s32 $0x1;
	p0 =	por !p0, !p0;
	s6 =	sadd.s32 s18, s8  }
0x160: {  	s9 =	simm.s32 @!p0 $0x0;
	s6 =	sshrl.u32 s6, $0x7;
	s3 =	spop (v2sf)  }
0x161: {  	s4 =	ssub.s32 s20, s4;
	s6 =	ssub.s32 s6, s9;
	s16 =	sand.u32 $0x7F, s3  }
0x162: {  	(v2sf) =	vpush v16, $0x3;
	s17 =	sshra.s32 s3, $0x1F;
	p2 =	slt.s32 s3, $0x1;
	p3 =	sne.s32 s16, $0x0  }
0x163: {  	s6 =	sshll.u32 s6, $0x7;
	s19 =	sshrl.u32 s17, $0x19;
	p0 =	por !p2, !p3  }
0x164: {  	s16 =	simm.s32 $0x1;
	s9 =	sadd.s32 s19, s3;
	p0 =	por !p0, !p0  }
0x165: {  	(v2sf) =	vpush v17, $0x3;
	s9 =	sshrl.u32 s9, $0x7;
	s16 =	simm.s32 @!p0 $0x0;
	p0 =	slt.s32 s6, $0xF41C0  }
0x166: {  	s20 =	ssub.s32 s9, s16;
	s6 =	simm.s32 @!p0 $0xF41C0;
	s16 =	spop (v2sf)  }
0x167: {  	s9 =	sshll.u32 s20, $0x7;
	s6 =	ssub.s32 s8, s6;
	s8 =	sand.u32 $0x7F, s16  }
0x168: {  	v16 =	vld [tilespmem:s0+$0x8];
	s17 =	sshra.s32 s16, $0x1F;
	p4 =	slt.s32 s16, $0x1;
	s7 =	spop (v2sf)  }
0x169: {  	p0 =	slt.s32 s9, $0xF41C0;
	p5 =	sne.s32 s8, $0x0;
	s18 =	sshrl.u32 s17, $0x19  }
0x16a: {  	s17 =	simm.s32 $0x1;
	s19 =	sand.u32 $0x7F, s7;
	s20 =	sshra.s32 s7, $0x1F  }
0x16b: {  	p1 =	slt.s32 s7, $0x1;
	s9 =	simm.s32 @!p0 $0xF41C0;
	p6 =	por !p4, !p5  }
0x16c: {  	s8 =	sadd.s32 s18, s16;
	p2 =	sne.s32 s19, $0x0;
	s18 =	sshrl.u32 s20, $0x19  }
0x16d: {  	(v2sf) =	vpush v16, $0x0;
	p0 =	por !p6, !p6;
	s8 =	sshrl.u32 s8, $0x7;
	s3 =	ssub.s32 s3, s9  }
0x16e: {  	s9 =	sadd.s32 s18, s7;
	s17 =	simm.s32 @!p0 $0x0;
	p0 =	por !p1, !p2  }
0x16f: {  	s8 =	ssub.s32 s8, s17;
	p0 =	por !p0, !p0;
	s17 =	simm.s32 $0x1  }
0x170: {  	s9 =	sshrl.u32 s9, $0x7;
	s8 =	sshll.u32 s8, $0x7;
	s17 =	simm.s32 @!p0 $0x0  }
0x171: {  	v18 =	vld [tilespmem:s0+$0x288];
	p1 =	slt.s32 s8, $0xF41C0;
	s9 =	ssub.s32 s9, s17;
	s17 =	spop (v2sf)  }
0x172: {  	s8 =	simm.s32 @!p1 $0xF41C0;
	s9 =	sshll.u32 s9, $0x7;
	s19 =	sand.u32 $0x7F, s17  }
0x173: {  	p3 =	slt.s32 s17, $0x1;
	s18 =	sshra.s32 s17, $0x1F;
	s8 =	ssub.s32 s16, s8  }
0x174: {  	p0 =	slt.s32 s9, $0xF41C0;
	p4 =	sne.s32 s19, $0x0;
	s16 =	spop (v2sf)  }
0x175: {  	v19 =	vadd.s32 s4, v0;
	s18 =	sshrl.u32 s18, $0x19;
	s19 =	simm.s32 $0x1;
	p1 =	por !p3, !p4  }
0x176: {  	v21 =	vadd.s32 s5, v1;
	v17 =	vadd.s32 s5, v0;
	(v2sf) =	vpush v18, $0x0;
	s5 =	sadd.s32 s18, s17;
	s18 =	sand.u32 $0x7F, s16;
	s20 =	sshra.s32 s16, $0x1F  }
0x177: {  	v22 =	vadd.s32 s4, v1;
	p5 =	slt.s32 s16, $0x1;
	s9 =	simm.s32 @!p0 $0xF41C0;
	p1 =	por !p1, !p1  }
0x178: {  	p6 =	sne.s32 s18, $0x0;
	s5 =	sshrl.u32 s5, $0x7;
	s4 =	sshrl.u32 s20, $0x19  }
0x179: {  	v23 =	vadd.s32 s6, v2;
	s18 =	simm.s32 $0x1;
	s7 =	ssub.s32 s7, s9;
	s19 =	simm.s32 @!p1 $0x0  }
0x17a: {  	v20 =	vld.idx.msk [tilespmem:v19+s15+$0x0], $0xffff;
	v25 =	vadd.s32 s6, v3;
	p1 =	por !p5, !p6;
	s4 =	sadd.s32 s4, s16;
	s5 =	ssub.s32 s5, s19  }
0x17b: {  	v19 =	vld.idx.msk [tilespmem:v21+s14+$0x0], $0xffff;
	v24 =	vadd.s32 s3, v2;
	v26 =	vadd.s32 s3, v3;
	p1 =	por !p1, !p1;
	s4 =	sshrl.u32 s4, $0x7;
	s3 =	sshll.u32 s5, $0x7  }
0x17c: {  	v21 =	vld.idx.msk [tilespmem:v22+s15+$0x0], $0xffff;
	s18 =	simm.s32 @!p1 $0x0;
	s9 =	spop (v2sf);
	p0 =	slt.s32 s3, $0xF41C0  }
0x17d: {  	v17 =	vld.idx.msk [tilespmem:v17+s14+$0x0], $0xffff;
	v27 =	vadd.s32 s8, v4;
	s4 =	ssub.s32 s4, s18;
	s18 =	sshra.s32 s9, $0x1F;
	s3 =	simm.s32 @!p0 $0xF41C0  }
0x17e: {  	v22 =	vld.idx.msk [tilespmem:v23+s14+$0x0], $0xffff;
	v29 =	vadd.s32 s8, v5;
	s4 =	sshll.u32 s4, $0x7;
	s3 =	ssub.s32 s17, s3;
	s17 =	sand.u32 $0x7F, s9  }
0x17f: {  	v23 =	vld.idx.msk [tilespmem:v25+s14+$0x0], $0xffff;
	(v2sf) =	vpush v16, $0x1;
	v28 =	vadd.s32 s7, v4;
	p1 =	slt.s32 s9, $0x1;
	p0 =	slt.s32 s4, $0xF41C0;
	p2 =	sne.s32 s17, $0x0  }
0x180: {  	v24 =	vld.idx.msk [tilespmem:v24+s15+$0x0], $0xffff;
	v30 =	vadd.s32 s7, v5;
	s5 =	sshrl.u32 s18, $0x19;
	s4 =	simm.s32 @!p0 $0xF41C0;
	p0 =	por !p1, !p2  }
0x181: {  	s6 =	simm.s32 $0x1;
	v25 =	vld.idx.msk [tilespmem:v26+s15+$0x0], $0xffff;
	s5 =	sadd.s32 s5, s9;
	v31 =	vadd.s32 s3, v6;
	p0 =	por !p0, !p0  }
0x182: {  	v26 =	vld.idx.msk [tilespmem:v27+s14+$0x0], $0xffff;
	v34 =	vadd.s32 s3, v7;
	s19 =	sshrl.u32 s5, $0x7;
	s4 =	ssub.s32 s16, s4;
	s6 =	simm.s32 @!p0 $0x0  }
0x183: {  	v27 =	vld.idx.msk [tilespmem:v29+s14+$0x0], $0xffff;
	v33 =	vadd.s32 s4, v6;
	s3 =	ssub.s32 s19, s6  }
0x184: {  	v28 =	vld.idx.msk [tilespmem:v28+s15+$0x0], $0xffff;
	v35 =	vadd.s32 s4, v7;
	s3 =	sshll.u32 s3, $0x7  }
0x185: {  	s20 =	spop (v2sf);
	v29 =	vld.idx.msk [tilespmem:v30+s15+$0x0], $0xffff;
	p0 =	slt.s32 s3, $0xF41C0  }
0x186: {  	s7 =	sshra.s32 s20, $0x1F;
	s6 =	sand.u32 $0x7F, s20;
	v32 =	vld.idx.msk [tilespmem:v31+s14+$0x0], $0xffff;
	s3 =	simm.s32 @!p0 $0xF41C0  }
0x187: {  	p3 =	slt.s32 s20, $0x1;
	v40 =	vld.idx.msk [tilespmem:v34+s14+$0x0], $0xffff;
	p4 =	sne.s32 s6, $0x0;
	s3 =	sand.u32 $0xFFFFF80, s3  }
0x188: {  	(v2sf) =	vpush v18, $0x1;
	s8 =	sshrl.u32 s7, $0x19;
	v33 =	vld.idx.msk [tilespmem:v33+s15+$0x0], $0xffff;
	p0 =	por !p3, !p4;
	s3 =	sadd.s32 s1, s3  }
0x189: {  	v41 =	vld.idx.msk [tilespmem:v35+s15+$0x0], $0xffff;
	[tilespmem:s14], [sflag:$0x1] =	stream.strided.gather [hbm4b:s3+s12], $0x1000, s13, s12, $0x38  }
0x18a: {  	s4 =	simm.s32 $0x1;
	p0 =	por !p0, !p0;
	s3 =	sadd.s32 s8, s20  }
0x18b: {  	s4 =	simm.s32 @!p0 $0x0;
	s3 =	sshrl.u32 s3, $0x7  }
0x18c: {  	s3 =	ssub.s32 s3, s4  }
0x18d: {  	s3 =	sshll.u32 s3, $0x7  }
0x18e: {  	s9 =	spop (v2sf);
	p0 =	slt.s32 s3, $0xF41C0  }
0x18f: {  	s16 =	sand.u32 $0x7F, s9;
	s17 =	sshra.s32 s9, $0x1F;
	s3 =	simm.s32 @!p0 $0xF41C0  }
0x190: {  	p5 =	slt.s32 s9, $0x1;
	p6 =	sne.s32 s16, $0x0;
	s3 =	sand.u32 $0xFFFFF80, s3  }
0x191: {  	(v2sf) =	vpush v16, $0x2;
	s18 =	sshrl.u32 s17, $0x19;
	p0 =	por !p5, !p6;
	s3 =	sadd.s32 s2, s3  }
0x192: {  	[tilespmem:s15], [sflag:$0x1] =	stream.strided.gather [hbm4b:s3+s12], $0x1000, s13, s12, $0x38;
	[tilespmem:$0x10700] =	vst v63  }
0x193: {  	s4 =	simm.s32 $0x1;
	p0 =	por !p0, !p0;
	s3 =	sadd.s32 s18, s9  }
0x194: {  	s4 =	simm.s32 @!p0 $0x0;
	s3 =	sshrl.u32 s3, $0x7  }
0x195: {  	s3 =	ssub.s32 s3, s4  }
0x196: {  	s3 =	sshll.u32 s3, $0x7  }
0x197: {  	s19 =	simm.s32 $0x1500;
	s20 =	spop (v2sf);
	p0 =	slt.s32 s3, $0xF41C0  }
0x198: {  	s5 =	sand.u32 $0x7F, s20;
	s6 =	sshra.s32 s20, $0x1F;
	s3 =	simm.s32 @!p0 $0xF41C0  }
0x199: {  	p1 =	slt.s32 s20, $0x1;
	p2 =	sne.s32 s5, $0x0;
	s3 =	sand.u32 $0xFFFFF80, s3  }
0x19a: {  	(v2sf) =	vpush v18, $0x2;
	s7 =	sshrl.u32 s6, $0x19;
	p0 =	por !p1, !p2;
	s3 =	sadd.s32 s1, s3  }
0x19b: {  	[tilespmem:s19], [sflag:$0x1] =	stream.strided.gather [hbm4b:s3+s12], $0x1000, s13, s12, $0x38;
	[tilespmem:$0x10700] =	vst v63  }
0x19c: {  	s4 =	simm.s32 $0x1;
	p0 =	por !p0, !p0;
	s3 =	sadd.s32 s7, s20  }
0x19d: {  	s4 =	simm.s32 @!p0 $0x0;
	s3 =	sshrl.u32 s3, $0x7  }
0x19e: {  	s3 =	ssub.s32 s3, s4  }
0x19f: {  	s3 =	sshll.u32 s3, $0x7  }
0x1a0: {  	s8 =	simm.s32 $0x9500;
	s9 =	spop (v2sf);
	p0 =	slt.s32 s3, $0xF41C0  }
0x1a1: {  	s16 =	sand.u32 $0x7F, s9;
	s17 =	sshra.s32 s9, $0x1F;
	s3 =	simm.s32 @!p0 $0xF41C0  }
0x1a2: {  	p3 =	slt.s32 s9, $0x1;
	p4 =	sne.s32 s16, $0x0;
	s3 =	sand.u32 $0xFFFFF80, s3  }
0x1a3: {  	(v2sf) =	vpush v16, $0x3;
	s18 =	sshrl.u32 s17, $0x19;
	p0 =	por !p3, !p4;
	s3 =	sadd.s32 s2, s3  }
0x1a4: {  	[tilespmem:s8], [sflag:$0x1] =	stream.strided.gather [hbm4b:s3+s12], $0x1000, s13, s12, $0x38;
	[tilespmem:$0x10700] =	vst v63  }
0x1a5: {  	s4 =	simm.s32 $0x1;
	p0 =	por !p0, !p0;
	s3 =	sadd.s32 s18, s9  }
0x1a6: {  	s4 =	simm.s32 @!p0 $0x0;
	s3 =	sshrl.u32 s3, $0x7  }
0x1a7: {  	s3 =	ssub.s32 s3, s4  }
0x1a8: {  	s3 =	sshll.u32 s3, $0x7  }
0x1a9: {  	s19 =	simm.s32 $0x2500;
	s20 =	spop (v2sf);
	p0 =	slt.s32 s3, $0xF41C0  }
0x1aa: {  	s5 =	sand.u32 $0x7F, s20;
	s6 =	sshra.s32 s20, $0x1F;
	s3 =	simm.s32 @!p0 $0xF41C0  }
0x1ab: {  	p5 =	slt.s32 s20, $0x1;
	p6 =	sne.s32 s5, $0x0;
	s3 =	sand.u32 $0xFFFFF80, s3  }
0x1ac: {  	(v2sf) =	vpush v18, $0x3;
	s7 =	sshrl.u32 s6, $0x19;
	p0 =	por !p5, !p6;
	s3 =	sadd.s32 s1, s3  }
0x1ad: {  	[tilespmem:s19], [sflag:$0x1] =	stream.strided.gather [hbm4b:s3+s12], $0x1000, s13, s12, $0x38;
	[tilespmem:$0x10700] =	vst v63  }
0x1ae: {  	s4 =	simm.s32 $0x1;
	p0 =	por !p0, !p0;
	s3 =	sadd.s32 s7, s20  }
0x1af: {  	s4 =	simm.s32 @!p0 $0x0;
	s3 =	sshrl.u32 s3, $0x7  }
0x1b0: {  	s3 =	ssub.s32 s3, s4  }
0x1b1: {  	s3 =	sshll.u32 s3, $0x7  }
0x1b2: {  	s8 =	simm.s32 $0xA500;
	s9 =	spop (v2sf);
	p0 =	slt.s32 s3, $0xF41C0  }
0x1b3: {  	v16 =	vmul.f32 v20, v17;
	s16 =	sand.u32 $0x7F, s9;
	s17 =	sshra.s32 s9, $0x1F;
	s3 =	simm.s32 @!p0 $0xF41C0  }
0x1b4: {  	p1 =	slt.s32 s9, $0x1;
	p2 =	sne.s32 s16, $0x0;
	s3 =	sand.u32 $0xFFFFF80, s3  }
0x1b5: {  	v17 =	vmul.f32 v21, v19;
	v16 =	vadd.f32 $0.0e+00, v16;
	s18 =	sshrl.u32 s17, $0x19;
	p0 =	por !p1, !p2;
	s3 =	sadd.s32 s2, s3  }
0x1b6: {  	v18 =	vmul.f32 v24, v22;
	[tilespmem:s8], [sflag:$0x1] =	stream.strided.gather [hbm4b:s3+s12], $0x1000, s13, s12, $0x38;
	[tilespmem:$0x10700] =	vst v63  }
0x1b7: {  	v16 =	vadd.f32 v17, v16;
	v17 =	vmul.f32 v28, v26;
	s4 =	simm.s32 $0x1;
	p0 =	por !p0, !p0;
	s3 =	sadd.s32 s18, s9  }
0x1b8: {  	v19 =	vmul.f32 v25, v23;
	v20 =	vmul.f32 v33, v32;
	v18 =	vadd.f32 $0.0e+00, v18;
	s4 =	simm.s32 @!p0 $0x0;
	s3 =	sshrl.u32 s3, $0x7  }
0x1b9: {  	v21 =	vmul.f32 v29, v27;
	v17 =	vadd.f32 $0.0e+00, v17;
	s3 =	ssub.s32 s3, s4  }
0x1ba: {  	(xrf2) =	vadd.scan.msk.f32 $0xffff, v16;
	v16 =	vadd.f32 v19, v18;
	v18 =	vadd.f32 $0.0e+00, v20;
	v19 =	vmul.f32 v41, v40;
	s3 =	sshll.u32 s3, $0x7  }
0x1bb: {  	v17 =	vadd.f32 v21, v17;
	s19 =	simm.s32 $0x3500;
	s20 =	spop (v2sf);
	p0 =	slt.s32 s3, $0xF41C0  }
0x1bc: {  	(xrf2) =	vadd.scan.msk.f32 $0xffff, v16;
	v16 =	vadd.f32 v19, v18;
	s5 =	sand.u32 $0x7F, s20;
	s6 =	sshra.s32 s20, $0x1F;
	s3 =	simm.s32 @!p0 $0xF41C0  }
0x1bd: {  	(xrf2) =	vadd.scan.msk.f32 $0xffff, v17;
	p3 =	slt.s32 s20, $0x1;
	p4 =	sne.s32 s5, $0x0;
	s3 =	sand.u32 $0xFFFFF80, s3  }
0x1be: {  	(xrf2) =	vadd.scan.msk.f32 $0xffff, v16;
	s7 =	sshrl.u32 s6, $0x19;
	p0 =	por !p3, !p4;
	s3 =	sadd.s32 s1, s3  }
0x1bf: {  	[tilespmem:s19], [sflag:$0x1] =	stream.strided.gather [hbm4b:s3+s12], $0x1000, s13, s12, $0x38;
	[tilespmem:$0x10700] =	vst v63  }
0x1c0: {  	s4 =	simm.s32 $0x1;
	p0 =	por !p0, !p0;
	s3 =	sadd.s32 s7, s20  }
0x1c1: {  	s4 =	simm.s32 @!p0 $0x0;
	s3 =	sshrl.u32 s3, $0x7  }
0x1c2: {  	s3 =	ssub.s32 s3, s4  }
0x1c3: {  	s3 =	sshll.u32 s3, $0x7  }
0x1c4: {  	p0 =	slt.s32 s3, $0xF41C0  }
0x1c5: {  	v17, _, _ =	vpop (xrf2);
	s3 =	simm.s32 @!p0 $0xF41C0  }
0x1c6: {  	v19, _, _ =	vpop (xrf2);
	s3 =	sand.u32 $0xFFFFF80, s3  }
0x1c7: {  	v18, _, _ =	vpop (xrf2);
	s3 =	sadd.s32 s2, s3  }
0x1c8: {  	v16, _, _ =	vpop (xrf2);
	[tilespmem:s21], [sflag:$0x1] =	stream.strided.gather [hbm4b:s3+s12], $0x1000, s13, s12, $0x38;
	[tilespmem:$0x10700] =	vst v63  }
0x1c9: {  	_ =	swait.ge [sflag:s31], $0x1000  }
0x1ca: {  	[sflag:s31] =	ssyncset.done $0x0  }
0x1cb: {  	[sflag:s31] =	ssyncadd.s32 $0xFFFFF000  }
0x1cc: {  	_ =	swait.ge [sflag:s31], $0x1000  }
0x1cd: {  	[sflag:s31] =	ssyncset.done $0x0  }
0x1ce: {  	[sflag:s31] =	ssyncadd.s32 $0xFFFFF000  }
0x1cf: {  	_ =	swait.ge [sflag:s31], $0x1000  }
0x1d0: {  	[sflag:s31] =	ssyncset.done $0x0  }
0x1d1: {  	[sflag:s31] =	ssyncadd.s32 $0xFFFFF000  }
0x1d2: {  	_ =	swait.ge [sflag:s31], $0x1000  }
0x1d3: {  	[sflag:s31] =	ssyncset.done $0x0  }
0x1d4: {  	[sflag:s31] =	ssyncadd.s32 $0xFFFFF000  }
0x1d5: {  	_ =	swait.ge [sflag:s31], $0x1000  }
0x1d6: {  	[sflag:s31] =	ssyncset.done $0x0  }
0x1d7: {  	[sflag:s31] =	ssyncadd.s32 $0xFFFFF000  }
0x1d8: {  	_ =	swait.ge [sflag:s31], $0x1000  }
0x1d9: {  	[sflag:s31] =	ssyncset.done $0x0  }
0x1da: {  	[sflag:s31] =	ssyncadd.s32 $0xFFFFF000  }
0x1db: {  	_ =	swait.ge [sflag:s31], $0x1000  }
0x1dc: {  	[sflag:s31] =	ssyncset.done $0x0  }
0x1dd: {  	[sflag:s31] =	ssyncadd.s32 $0xFFFFF000  }
0x1de: {  	_ =	swait.ge [sflag:s31], $0x1000  }
0x1df: {  	[sflag:s31] =	ssyncset.done $0x0  }
0x1e0: {  	[sflag:s31] =	ssyncadd.s32 $0xFFFFF000  }
0x1e1: {  	v20 =	vld [tilespmem:s0+$0x4];
	_ =	sdelay $0x1  }
0x1e2: {  	v21 =	vld [tilespmem:s0+$0x284];
	_ =	sdelay $0x2  }
0x1e3: {  	(v2sf) =	vpush v20, $0x0;
	_ =	sdelay $0x1  }
0x1e4: {  	(v2sf) =	vpush v21, $0x0;
	_ =	sdelay $0x2  }
0x1e5: {  	(v2sf) =	vpush v20, $0x1;
	_ =	sdelay $0x9  }
0x1e6: {  	s3 =	spop (v2sf);
	(v2sf) =	vpush v21, $0x1  }
0x1e7: {  	s5 =	simm.s32 $0x1  }
0x1e8: {  	s7 =	simm.s32 $0x1;
	s8 =	sand.u32 $0x7F, s3;
	s6 =	spop (v2sf);
	(v2sf) =	vpush v20, $0x2  }
0x1e9: {  	s9 =	sshra.s32 s3, $0x1F;
	p5 =	slt.s32 s3, $0x1;
	p6 =	sne.s32 s8, $0x0  }
0x1ea: {  	s16 =	sshrl.u32 s9, $0x19;
	s17 =	sand.u32 $0x7F, s6;
	s18 =	sshra.s32 s6, $0x1F  }
0x1eb: {  	p2 =	slt.s32 s6, $0x1;
	s9 =	spop (v2sf);
	p0 =	por !p5, !p6  }
0x1ec: {  	s8 =	simm.s32 $0x1;
	s4 =	sadd.s32 s16, s3;
	p0 =	por !p0, !p0  }
0x1ed: {  	p3 =	sne.s32 s17, $0x0;
	s4 =	sshrl.u32 s4, $0x7;
	s5 =	simm.s32 @!p0 $0x0  }
0x1ee: {  	s19 =	sshrl.u32 s18, $0x19;
	s17 =	sand.u32 $0x7F, s9;
	s4 =	ssub.s32 s4, s5  }
0x1ef: {  	p5 =	slt.s32 s9, $0x1;
	s18 =	sshra.s32 s9, $0x1F;
	s4 =	sshll.u32 s4, $0x7  }
0x1f0: {  	p4 =	por !p2, !p3;
	p6 =	sne.s32 s17, $0x0;
	p0 =	slt.s32 s4, $0xF41C0  }
0x1f1: {  	(v2sf) =	vpush v21, $0x2;
	s5 =	sadd.s32 s19, s6;
	s4 =	simm.s32 @!p0 $0xF41C0;
	p0 =	por !p4, !p4  }
0x1f2: {  	s17 =	simm.s32 $0x1;
	s20 =	sshrl.u32 s5, $0x7;
	s7 =	simm.s32 @!p0 $0x0  }
0x1f3: {  	p0 =	por !p5, !p6;
	s16 =	ssub.s32 s20, s7;
	s7 =	sshrl.u32 s18, $0x19  }
0x1f4: {  	s5 =	ssub.s32 s3, s4;
	p0 =	por !p0, !p0;
	s7 =	sadd.s32 s7, s9  }
0x1f5: {  	s8 =	simm.s32 @!p0 $0x0;
	s7 =	sshrl.u32 s7, $0x7;
	s4 =	spop (v2sf)  }
0x1f6: {  	s3 =	sshll.u32 s16, $0x7;
	s7 =	ssub.s32 s7, s8;
	s19 =	sand.u32 $0x7F, s4  }
0x1f7: {  	p1 =	slt.s32 s4, $0x1;
	s20 =	sshra.s32 s4, $0x1F;
	s8 =	spop (v2sf)  }
0x1f8: {  	p2 =	sne.s32 s19, $0x0;
	s16 =	sshrl.u32 s20, $0x19;
	s18 =	sshra.s32 s8, $0x1F  }
0x1f9: {  	(v2sf) =	vpush v20, $0x3;
	p3 =	slt.s32 s8, $0x1;
	p0 =	por !p1, !p2;
	p1 =	slt.s32 s3, $0xF41C0  }
0x1fa: {  	s16 =	sadd.s32 s16, s4;
	s19 =	sshrl.u32 s18, $0x19;
	p0 =	por !p0, !p0  }
0x1fb: {  	(v2sf) =	vpush v21, $0x3;
	s16 =	sshrl.u32 s16, $0x7;
	s3 =	simm.s32 @!p1 $0xF41C0;
	s20 =	sadd.s32 s19, s8  }
0x1fc: {  	s17 =	simm.s32 @!p0 $0x0;
	s3 =	ssub.s32 s6, s3;
	s6 =	sshll.u32 s7, $0x7  }
0x1fd: {  	s16 =	ssub.s32 s16, s17;
	p0 =	slt.s32 s6, $0xF41C0;
	s17 =	sand.u32 $0x7F, s8  }
0x1fe: {  	s7 =	sshll.u32 s16, $0x7;
	s6 =	simm.s32 @!p0 $0xF41C0;
	p4 =	sne.s32 s17, $0x0  }
0x1ff: {  	v20 =	vld [tilespmem:s0+$0xC];
	s17 =	simm.s32 $0x1;
	s16 =	sshrl.u32 s20, $0x7;
	p1 =	slt.s32 s7, $0xF41C0  }
0x200: {  	s9 =	ssub.s32 s9, s6;
	p0 =	por !p3, !p4;
	s6 =	spop (v2sf)  }
0x201: {  	s7 =	simm.s32 @!p1 $0xF41C0;
	p0 =	por !p0, !p0;
	s19 =	sand.u32 $0x7F, s6  }
0x202: {  	s20 =	sshra.s32 s6, $0x1F;
	p5 =	slt.s32 s6, $0x1;
	s17 =	simm.s32 @!p0 $0x0  }
0x203: {  	s4 =	ssub.s32 s4, s7;
	p6 =	sne.s32 s19, $0x0;
	s18 =	ssub.s32 s16, s17  }
0x204: {  	(v2sf) =	vpush v20, $0x0;
	p0 =	por !p5, !p6;
	s7 =	sshll.u32 s18, $0x7;
	s18 =	sshrl.u32 s20, $0x19  }
0x205: {  	s17 =	simm.s32 $0x1;
	p0 =	por !p0, !p0;
	s16 =	sadd.s32 s18, s6  }
0x206: {  	p1 =	slt.s32 s7, $0xF41C0;
	s17 =	simm.s32 @!p0 $0x0;
	s16 =	sshrl.u32 s16, $0x7  }
0x207: {  	v22 =	vld [tilespmem:s0+$0x28C];
	s7 =	simm.s32 @!p1 $0xF41C0;
	s16 =	ssub.s32 s16, s17  }
0x208: {  	s17 =	spop (v2sf);
	s7 =	ssub.s32 s8, s7;
	s8 =	sshll.u32 s16, $0x7  }
0x209: {  	s19 =	sand.u32 $0x7F, s17;
	s20 =	sshra.s32 s17, $0x1F;
	p1 =	slt.s32 s17, $0x1  }
0x20a: {  	s16 =	spop (v2sf);
	p2 =	sne.s32 s19, $0x0;
	s18 =	sshrl.u32 s20, $0x19  }
0x20b: {  	v21 =	vadd.s32 s5, v8;
	s19 =	simm.s32 $0x1;
	s20 =	sand.u32 $0x7F, s16;
	p3 =	slt.s32 s16, $0x1  }
0x20c: {  	v23 =	vadd.s32 s3, v8;
	(v2sf) =	vpush v22, $0x0;
	p0 =	por !p1, !p2;
	p4 =	sne.s32 s20, $0x0;
	s18 =	sadd.s32 s18, s17  }
0x20d: {  	v25 =	vadd.s32 s5, v9;
	s20 =	sshra.s32 s16, $0x1F;
	p0 =	por !p0, !p0;
	p1 =	por !p3, !p4  }
0x20e: {  	v26 =	vadd.s32 s3, v9;
	s3 =	sshrl.u32 s18, $0x7;
	s5 =	sshrl.u32 s20, $0x19;
	s18 =	simm.s32 $0x1  }
0x20f: {  	v27 =	vadd.s32 s9, v10;
	s19 =	simm.s32 @!p0 $0x0;
	p0 =	slt.s32 s8, $0xF41C0;
	s5 =	sadd.s32 s5, s16  }
0x210: {  	v21 =	vld.idx.msk [tilespmem:v21+s14+$0x0], $0xffff;
	v29 =	vadd.s32 s9, v11;
	p1 =	por !p1, !p1;
	s3 =	ssub.s32 s3, s19;
	s5 =	sshrl.u32 s5, $0x7  }
0x211: {  	v28 =	vadd.s32 s4, v10;
	v24 =	vld.idx.msk [tilespmem:v23+s15+$0x0], $0xffff;
	s18 =	simm.s32 @!p1 $0x0;
	s8 =	simm.s32 @!p0 $0xF41C0;
	s3 =	sshll.u32 s3, $0x7  }
0x212: {  	v23 =	vld.idx.msk [tilespmem:v25+s14+$0x0], $0xffff;
	v42 =	vadd.s32 s4, v11;
	s5 =	ssub.s32 s5, s18;
	s9 =	ssub.s32 s6, s8;
	p0 =	slt.s32 s3, $0xF41C0  }
0x213: {  	v25 =	vld.idx.msk [tilespmem:v26+s15+$0x0], $0xffff;
	v43 =	vadd.s32 s7, v12;
	s4 =	sshll.u32 s5, $0x7;
	s18 =	spop (v2sf);
	s3 =	simm.s32 @!p0 $0xF41C0  }
0x214: {  	v26 =	vld.idx.msk [tilespmem:v27+s14+$0x0], $0xffff;
	v45 =	vadd.s32 s7, v13;
	p0 =	slt.s32 s4, $0xF41C0;
	s19 =	sand.u32 $0x7F, s18;
	s20 =	sshra.s32 s18, $0x1F  }
0x215: {  	v27 =	vld.idx.msk [tilespmem:v29+s14+$0x0], $0xffff;
	v44 =	vadd.s32 s9, v12;
	(v2sf) =	vpush v20, $0x1;
	p5 =	slt.s32 s18, $0x1;
	s3 =	ssub.s32 s17, s3;
	p6 =	sne.s32 s19, $0x0  }
0x216: {  	v28 =	vld.idx.msk [tilespmem:v28+s15+$0x0], $0xffff;
	v46 =	vadd.s32 s9, v13;
	s4 =	simm.s32 @!p0 $0xF41C0;
	s5 =	sshrl.u32 s20, $0x19;
	p0 =	por !p5, !p6  }
0x217: {  	v29 =	vld.idx.msk [tilespmem:v42+s15+$0x0], $0xffff;
	s6 =	simm.s32 $0x1;
	v47 =	vadd.s32 s3, v14;
	s5 =	sadd.s32 s5, s18;
	p0 =	por !p0, !p0  }
0x218: {  	v48 =	vld.idx.msk [tilespmem:v43+s14+$0x0], $0xffff;
	s4 =	ssub.s32 s16, s4;
	v38 =	vadd.s32 s3, v15;
	s5 =	sshrl.u32 s5, $0x7;
	s6 =	simm.s32 @!p0 $0x0  }
0x219: {  	v49 =	vld.idx.msk [tilespmem:v45+s14+$0x0], $0xffff;
	v37 =	vadd.s32 s4, v14;
	s3 =	ssub.s32 s5, s6  }
0x21a: {  	v39 =	vadd.s32 s4, v15;
	v32 =	vld.idx.msk [tilespmem:v44+s15+$0x0], $0xffff;
	s3 =	sshll.u32 s3, $0x7  }
0x21b: {  	v50 =	vld.idx.msk [tilespmem:v46+s15+$0x0], $0xffff;
	p0 =	slt.s32 s3, $0xF41C0;
	s6 =	spop (v2sf)  }
0x21c: {  	v36 =	vld.idx.msk [tilespmem:v47+s14+$0x0], $0xffff;
	s3 =	simm.s32 @!p0 $0xF41C0;
	s7 =	sand.u32 $0x7F, s6;
	s8 =	sshra.s32 s6, $0x1F  }
0x21d: {  	v51 =	vld.idx.msk [tilespmem:v38+s14+$0x0], $0xffff;
	p1 =	slt.s32 s6, $0x1;
	s3 =	sand.u32 $0xFFFFF80, s3;
	p2 =	sne.s32 s7, $0x0  }
0x21e: {  	(v2sf) =	vpush v22, $0x1;
	v37 =	vld.idx.msk [tilespmem:v37+s15+$0x0], $0xffff;
	s9 =	sshrl.u32 s8, $0x19;
	s3 =	sadd.s32 s1, s3;
	p0 =	por !p1, !p2  }
0x21f: {  	v52 =	vld.idx.msk [tilespmem:v39+s15+$0x0], $0xffff;
	[tilespmem:s22], [sflag:$0x2] =	stream.strided.gather [hbm4b:s3+s12], $0x1000, s13, s12, $0x38  }
0x220: {  	s4 =	simm.s32 $0x1;
	s3 =	sadd.s32 s9, s6;
	p0 =	por !p0, !p0  }
0x221: {  	s3 =	sshrl.u32 s3, $0x7;
	s4 =	simm.s32 @!p0 $0x0  }
0x222: {  	s3 =	ssub.s32 s3, s4  }
0x223: {  	s3 =	sshll.u32 s3, $0x7  }
0x224: {  	s16 =	spop (v2sf);
	p0 =	slt.s32 s3, $0xF41C0  }
0x225: {  	s17 =	sand.u32 $0x7F, s16;
	s18 =	sshra.s32 s16, $0x1F;
	s3 =	simm.s32 @!p0 $0xF41C0  }
0x226: {  	p3 =	slt.s32 s16, $0x1;
	p4 =	sne.s32 s17, $0x0;
	s3 =	sand.u32 $0xFFFFF80, s3  }
0x227: {  	(v2sf) =	vpush v20, $0x2;
	s19 =	sshrl.u32 s18, $0x19;
	p0 =	por !p3, !p4;
	s3 =	sadd.s32 s2, s3  }
0x228: {  	[tilespmem:s23], [sflag:$0x2] =	stream.strided.gather [hbm4b:s3+s12], $0x1000, s13, s12, $0x38;
	[tilespmem:$0x10700] =	vst v63  }
0x229: {  	s4 =	simm.s32 $0x1;
	p0 =	por !p0, !p0;
	s3 =	sadd.s32 s19, s16  }
0x22a: {  	s4 =	simm.s32 @!p0 $0x0;
	s3 =	sshrl.u32 s3, $0x7  }
0x22b: {  	s3 =	ssub.s32 s3, s4  }
0x22c: {  	s3 =	sshll.u32 s3, $0x7  }
0x22d: {  	s20 =	spop (v2sf);
	p0 =	slt.s32 s3, $0xF41C0  }
0x22e: {  	s5 =	sand.u32 $0x7F, s20;
	s6 =	sshra.s32 s20, $0x1F;
	s3 =	simm.s32 @!p0 $0xF41C0  }
0x22f: {  	p5 =	slt.s32 s20, $0x1;
	p6 =	sne.s32 s5, $0x0;
	s3 =	sand.u32 $0xFFFFF80, s3  }
0x230: {  	(v2sf) =	vpush v22, $0x2;
	s7 =	sshrl.u32 s6, $0x19;
	p0 =	por !p5, !p6;
	s3 =	sadd.s32 s1, s3  }
0x231: {  	[tilespmem:s24], [sflag:$0x2] =	stream.strided.gather [hbm4b:s3+s12], $0x1000, s13, s12, $0x38;
	[tilespmem:$0x10700] =	vst v63  }
0x232: {  	s4 =	simm.s32 $0x1;
	p0 =	por !p0, !p0;
	s3 =	sadd.s32 s7, s20  }
0x233: {  	s4 =	simm.s32 @!p0 $0x0;
	s3 =	sshrl.u32 s3, $0x7  }
0x234: {  	s3 =	ssub.s32 s3, s4  }
0x235: {  	s3 =	sshll.u32 s3, $0x7  }
0x236: {  	s8 =	spop (v2sf);
	p0 =	slt.s32 s3, $0xF41C0  }
0x237: {  	s9 =	sand.u32 $0x7F, s8;
	s16 =	sshra.s32 s8, $0x1F;
	s3 =	simm.s32 @!p0 $0xF41C0  }
0x238: {  	p1 =	slt.s32 s8, $0x1;
	p2 =	sne.s32 s9, $0x0;
	s3 =	sand.u32 $0xFFFFF80, s3  }
0x239: {  	(v2sf) =	vpush v20, $0x3;
	s17 =	sshrl.u32 s16, $0x19;
	p0 =	por !p1, !p2;
	s3 =	sadd.s32 s2, s3  }
0x23a: {  	[tilespmem:s25], [sflag:$0x2] =	stream.strided.gather [hbm4b:s3+s12], $0x1000, s13, s12, $0x38;
	[tilespmem:$0x10700] =	vst v63  }
0x23b: {  	s4 =	simm.s32 $0x1;
	p0 =	por !p0, !p0;
	s3 =	sadd.s32 s17, s8  }
0x23c: {  	s4 =	simm.s32 @!p0 $0x0;
	s3 =	sshrl.u32 s3, $0x7  }
0x23d: {  	s3 =	ssub.s32 s3, s4  }
0x23e: {  	s3 =	sshll.u32 s3, $0x7  }
0x23f: {  	s18 =	spop (v2sf);
	p0 =	slt.s32 s3, $0xF41C0  }
0x240: {  	s19 =	sand.u32 $0x7F, s18;
	s20 =	sshra.s32 s18, $0x1F;
	s3 =	simm.s32 @!p0 $0xF41C0  }
0x241: {  	p3 =	slt.s32 s18, $0x1;
	p4 =	sne.s32 s19, $0x0;
	s3 =	sand.u32 $0xFFFFF80, s3  }
0x242: {  	(v2sf) =	vpush v22, $0x3;
	s5 =	sshrl.u32 s20, $0x19;
	p0 =	por !p3, !p4;
	s3 =	sadd.s32 s1, s3  }
0x243: {  	[tilespmem:s26], [sflag:$0x2] =	stream.strided.gather [hbm4b:s3+s12], $0x1000, s13, s12, $0x38;
	[tilespmem:$0x10700] =	vst v63  }
0x244: {  	s4 =	simm.s32 $0x1;
	p0 =	por !p0, !p0;
	s3 =	sadd.s32 s5, s18  }
0x245: {  	s4 =	simm.s32 @!p0 $0x0;
	s3 =	sshrl.u32 s3, $0x7  }
0x246: {  	s3 =	ssub.s32 s3, s4  }
0x247: {  	s3 =	sshll.u32 s3, $0x7  }
0x248: {  	s6 =	spop (v2sf);
	p0 =	slt.s32 s3, $0xF41C0  }
0x249: {  	v20 =	vmul.f32 v24, v21;
	s7 =	sand.u32 $0x7F, s6;
	s8 =	sshra.s32 s6, $0x1F;
	s3 =	simm.s32 @!p0 $0xF41C0  }
0x24a: {  	p5 =	slt.s32 s6, $0x1;
	p6 =	sne.s32 s7, $0x0;
	s3 =	sand.u32 $0xFFFFF80, s3  }
0x24b: {  	v21 =	vmul.f32 v25, v23;
	v20 =	vadd.f32 $0.0e+00, v20;
	s9 =	sshrl.u32 s8, $0x19;
	p0 =	por !p5, !p6;
	s3 =	sadd.s32 s2, s3  }
0x24c: {  	v22 =	vmul.f32 v28, v26;
	[tilespmem:s28], [sflag:$0x2] =	stream.strided.gather [hbm4b:s3+s12], $0x1000, s13, s12, $0x38;
	[tilespmem:$0x10700] =	vst v63  }
0x24d: {  	v20 =	vadd.f32 v21, v20;
	v21 =	vmul.f32 v32, v48;
	s4 =	simm.s32 $0x1;
	p0 =	por !p0, !p0;
	s3 =	sadd.s32 s9, s6  }
0x24e: {  	v23 =	vmul.f32 v29, v27;
	v24 =	vmul.f32 v37, v36;
	v22 =	vadd.f32 $0.0e+00, v22;
	s4 =	simm.s32 @!p0 $0x0;
	s3 =	sshrl.u32 s3, $0x7  }
0x24f: {  	v25 =	vmul.f32 v50, v49;
	v21 =	vadd.f32 $0.0e+00, v21;
	s3 =	ssub.s32 s3, s4  }
0x250: {  	(xrf2) =	vadd.scan.msk.f32 $0xffff, v20;
	v20 =	vadd.f32 v23, v22;
	v22 =	vadd.f32 $0.0e+00, v24;
	v23 =	vmul.f32 v52, v51;
	s3 =	sshll.u32 s3, $0x7  }
0x251: {  	v21 =	vadd.f32 v25, v21;
	s16 =	spop (v2sf);
	p0 =	slt.s32 s3, $0xF41C0  }
0x252: {  	(xrf2) =	vadd.scan.msk.f32 $0xffff, v20;
	v20 =	vadd.f32 v23, v22;
	s17 =	sand.u32 $0x7F, s16;
	s18 =	sshra.s32 s16, $0x1F;
	s3 =	simm.s32 @!p0 $0xF41C0  }
0x253: {  	(xrf2) =	vadd.scan.msk.f32 $0xffff, v21;
	p1 =	slt.s32 s16, $0x1;
	p2 =	sne.s32 s17, $0x0;
	s3 =	sand.u32 $0xFFFFF80, s3  }
0x254: {  	(xrf2) =	vadd.scan.msk.f32 $0xffff, v20;
	s19 =	sshrl.u32 s18, $0x19;
	p0 =	por !p1, !p2;
	s3 =	sadd.s32 s1, s3  }
0x255: {  	[tilespmem:s29], [sflag:$0x2] =	stream.strided.gather [hbm4b:s3+s12], $0x1000, s13, s12, $0x38;
	[tilespmem:$0x10700] =	vst v63  }
0x256: {  	s4 =	simm.s32 $0x1;
	p0 =	por !p0, !p0;
	s3 =	sadd.s32 s19, s16  }
0x257: {  	s4 =	simm.s32 @!p0 $0x0;
	s3 =	sshrl.u32 s3, $0x7  }
0x258: {  	s3 =	ssub.s32 s3, s4  }
0x259: {  	s3 =	sshll.u32 s3, $0x7  }
0x25a: {  	p0 =	slt.s32 s3, $0xF41C0  }
0x25b: {  	v23, _, _ =	vpop (xrf2);
	s3 =	simm.s32 @!p0 $0xF41C0  }
0x25c: {  	v21, _, _ =	vpop (xrf2);
	s3 =	sand.u32 $0xFFFFF80, s3  }
0x25d: {  	v22, _, _ =	vpop (xrf2);
	s3 =	sadd.s32 s2, s3  }
0x25e: {  	v20, _, _ =	vpop (xrf2);
	[tilespmem:s30], [sflag:$0x2] =	stream.strided.gather [hbm4b:s3+s12], $0x1000, s13, s12, $0x38;
	[tilespmem:$0x10700] =	vst v63  }
0x25f: {  	_ =	swait.ge [sflag:s11], $0x1000  }
0x260: {  	[sflag:s11] =	ssyncset.done $0x0  }
0x261: {  	[sflag:s11] =	ssyncadd.s32 $0xFFFFF000  }
0x262: {  	_ =	swait.ge [sflag:s11], $0x1000  }
0x263: {  	[sflag:s11] =	ssyncset.done $0x0  }
0x264: {  	[sflag:s11] =	ssyncadd.s32 $0xFFFFF000  }
0x265: {  	_ =	swait.ge [sflag:s11], $0x1000  }
0x266: {  	[sflag:s11] =	ssyncset.done $0x0  }
0x267: {  	[sflag:s11] =	ssyncadd.s32 $0xFFFFF000  }
0x268: {  	_ =	swait.ge [sflag:s11], $0x1000  }
0x269: {  	[sflag:s11] =	ssyncset.done $0x0  }
0x26a: {  	[sflag:s11] =	ssyncadd.s32 $0xFFFFF000  }
0x26b: {  	_ =	swait.ge [sflag:s11], $0x1000  }
0x26c: {  	[sflag:s11] =	ssyncset.done $0x0  }
0x26d: {  	[sflag:s11] =	ssyncadd.s32 $0xFFFFF000  }
0x26e: {  	_ =	swait.ge [sflag:s11], $0x1000  }
0x26f: {  	[sflag:s11] =	ssyncset.done $0x0  }
0x270: {  	[sflag:s11] =	ssyncadd.s32 $0xFFFFF000  }
0x271: {  	_ =	swait.ge [sflag:s11], $0x1000  }
0x272: {  	[sflag:s11] =	ssyncset.done $0x0  }
0x273: {  	[sflag:s11] =	ssyncadd.s32 $0xFFFFF000  }
0x274: {  	_ =	swait.ge [sflag:s11], $0x1000  }
0x275: {  	[sflag:s11] =	ssyncset.done $0x0  }
0x276: {  	[sflag:s11] =	ssyncadd.s32 $0xFFFFF000  }
0x277: {  	v24 =	vld [tilespmem:s0+$0x8];
	_ =	sdelay $0x1  }
0x278: {  	v25 =	vld [tilespmem:s0+$0x288];
	_ =	sdelay $0x2  }
0x279: {  	(v2sf) =	vpush v24, $0x0;
	_ =	sdelay $0x1  }
0x27a: {  	(v2sf) =	vpush v25, $0x0;
	_ =	sdelay $0x3  }
0x27b: {  	(v2sf) =	vpush v24, $0x1  }
0x27c: {  	(v2sf) =	vpush v25, $0x1;
	_ =	sdelay $0x7  }
0x27d: {  	s20 =	spop (v2sf)  }
0x27e: {  	s6 =	simm.s32 $0x1;
	s7 =	sand.u32 $0x7F, s20  }
0x27f: {  	p3 =	slt.s32 s20, $0x1;
	s4 =	spop (v2sf);
	s8 =	sshra.s32 s20, $0x1F  }
0x280: {  	p4 =	sne.s32 s7, $0x0;
	s5 =	sshrl.u32 s8, $0x19;
	s9 =	sand.u32 $0x7F, s4  }
0x281: {  	s16 =	sshra.s32 s4, $0x1F;
	p5 =	slt.s32 s4, $0x1;
	s8 =	simm.s32 $0x1  }
0x282: {  	(v2sf) =	vpush v24, $0x2;
	p0 =	por !p3, !p4;
	s5 =	sadd.s32 s5, s20;
	p6 =	sne.s32 s9, $0x0  }
0x283: {  	s17 =	sshrl.u32 s16, $0x19;
	s9 =	spop (v2sf);
	p0 =	por !p0, !p0  }
0x284: {  	s5 =	sshrl.u32 s5, $0x7;
	s7 =	sadd.s32 s17, s4;
	s16 =	spop (v2sf)  }
0x285: {  	s19 =	sand.u32 $0x7F, s9;
	p1 =	slt.s32 s9, $0x1;
	s6 =	simm.s32 @!p0 $0x0  }
0x286: {  	p0 =	por !p5, !p6;
	s18 =	sshrl.u32 s7, $0x7;
	p2 =	sne.s32 s19, $0x0  }
0x287: {  	(v2sf) =	vpush v25, $0x2;
	s17 =	sshra.s32 s16, $0x1F;
	p0 =	por !p0, !p0;
	s5 =	ssub.s32 s5, s6  }
0x288: {  	(v2sf) =	vpush v24, $0x3;
	p3 =	slt.s32 s16, $0x1;
	s8 =	simm.s32 @!p0 $0x0;
	s5 =	sshll.u32 s5, $0x7  }
0x289: {  	s6 =	ssub.s32 s18, s8;
	p0 =	slt.s32 s5, $0xF41C0;
	s8 =	sand.u32 $0x7F, s16  }
0x28a: {  	s18 =	sshrl.u32 s17, $0x19;
	s6 =	sshll.u32 s6, $0x7;
	s5 =	simm.s32 @!p0 $0xF41C0  }
0x28b: {  	p0 =	slt.s32 s6, $0xF41C0;
	s5 =	ssub.s32 s20, s5;
	s20 =	sshra.s32 s9, $0x1F  }
0x28c: {  	p4 =	sne.s32 s8, $0x0;
	s6 =	simm.s32 @!p0 $0xF41C0;
	s7 =	sshrl.u32 s20, $0x19  }
0x28d: {  	p0 =	por !p1, !p2;
	s6 =	ssub.s32 s4, s6;
	s3 =	sadd.s32 s7, s9  }
0x28e: {  	p0 =	por !p0, !p0;
	s4 =	simm.s32 $0x1;
	s7 =	simm.s32 $0x1  }
0x28f: {  	s3 =	sshrl.u32 s3, $0x7;
	s4 =	simm.s32 @!p0 $0x0;
	p0 =	por !p3, !p4  }
0x290: {  	s3 =	ssub.s32 s3, s4;
	p0 =	por !p0, !p0;
	s4 =	sadd.s32 s18, s16  }
0x291: {  	s18 =	simm.s32 $0x1;
	s17 =	spop (v2sf);
	s7 =	simm.s32 @!p0 $0x0  }
0x292: {  	s4 =	sshrl.u32 s4, $0x7;
	s3 =	sshll.u32 s3, $0x7;
	s19 =	sand.u32 $0x7F, s17  }
0x293: {  	(v2sf) =	vpush v25, $0x3;
	s20 =	sshra.s32 s17, $0x1F;
	p5 =	slt.s32 s17, $0x1;
	p6 =	sne.s32 s19, $0x0  }
0x294: {  	s4 =	ssub.s32 s4, s7;
	s19 =	sshrl.u32 s20, $0x19;
	p0 =	por !p5, !p6  }
0x295: {  	s4 =	sshll.u32 s4, $0x7;
	s8 =	sadd.s32 s19, s17;
	p0 =	por !p0, !p0  }
0x296: {  	s20 =	sshrl.u32 s8, $0x7;
	s8 =	spop (v2sf);
	s18 =	simm.s32 @!p0 $0x0  }
0x297: {  	s7 =	spop (v2sf);
	p0 =	slt.s32 s3, $0xF41C0;
	s19 =	sand.u32 $0x7F, s8  }
0x298: {  	p1 =	slt.s32 s8, $0x1;
	s18 =	ssub.s32 s20, s18;
	s3 =	simm.s32 @!p0 $0xF41C0  }
0x299: {  	p0 =	slt.s32 s4, $0xF41C0;
	s20 =	sshra.s32 s8, $0x1F;
	p2 =	sne.s32 s19, $0x0  }
0x29a: {  	s19 =	sand.u32 $0x7F, s7;
	p4 =	slt.s32 s7, $0x1;
	s18 =	sshll.u32 s18, $0x7  }
0x29b: {  	s3 =	ssub.s32 s9, s3;
	s4 =	simm.s32 @!p0 $0xF41C0;
	p3 =	sne.s32 s19, $0x0  }
0x29c: {  	p0 =	slt.s32 s18, $0xF41C0;
	s4 =	ssub.s32 s16, s4;
	s16 =	sshrl.u32 s20, $0x19  }
0x29d: {  	s18 =	simm.s32 @!p0 $0xF41C0;
	p0 =	por !p1, !p2;
	s16 =	sadd.s32 s16, s8  }
0x29e: {  	s9 =	ssub.s32 s17, s18;
	p0 =	por !p0, !p0;
	s17 =	simm.s32 $0x1  }
0x29f: {  	s20 =	sshra.s32 s7, $0x1F;
	s16 =	sshrl.u32 s16, $0x7;
	s17 =	simm.s32 @!p0 $0x0  }
0x2a0: {  	v24 =	vadd.s32 s5, v0;
	s18 =	sshrl.u32 s20, $0x19;
	p0 =	por !p4, !p3;
	s16 =	ssub.s32 s16, s17  }
0x2a1: {  	v26 =	vadd.s32 s5, v1;
	s17 =	sadd.s32 s18, s7;
	p0 =	por !p0, !p0;
	s18 =	simm.s32 $0x1  }
0x2a2: {  	v27 =	vadd.s32 s6, v1;
	s17 =	sshrl.u32 s17, $0x7;
	s18 =	simm.s32 @!p0 $0x0;
	s5 =	spop (v2sf)  }
0x2a3: {  	v25 =	vadd.s32 s6, v0;
	s6 =	sshll.u32 s16, $0x7;
	s16 =	ssub.s32 s17, s18;
	s19 =	sand.u32 $0x7F, s5  }
0x2a4: {  	v28 =	vadd.s32 s3, v2;
	s20 =	sshra.s32 s5, $0x1F;
	p6 =	slt.s32 s5, $0x1;
	p5 =	sne.s32 s19, $0x0  }
0x2a5: {  	v24 =	vld.idx.msk [tilespmem:v24+s14+$0x0], $0xffff;
	v53 =	vadd.s32 s3, v3;
	p1 =	slt.s32 s6, $0xF41C0;
	s17 =	sshrl.u32 s20, $0x19;
	p0 =	por !p6, !p5  }
0x2a6: {  	v26 =	vld.idx.msk [tilespmem:v26+s14+$0x0], $0xffff;
	v29 =	vadd.s32 s4, v2;
	s18 =	sadd.s32 s17, s5;
	s17 =	simm.s32 $0x1;
	p0 =	por !p0, !p0  }
0x2a7: {  	v27 =	vld.idx.msk [tilespmem:v27+s15+$0x0], $0xffff;
	v54 =	vadd.s32 s4, v3;
	s6 =	simm.s32 @!p1 $0xF41C0;
	s3 =	sshrl.u32 s18, $0x7;
	s17 =	simm.s32 @!p0 $0x0  }
0x2a8: {  	v25 =	vld.idx.msk [tilespmem:v25+s15+$0x0], $0xffff;
	v55 =	vadd.s32 s9, v4;
	s19 =	ssub.s32 s8, s6;
	s6 =	sshll.u32 s16, $0x7;
	s3 =	ssub.s32 s3, s17  }
0x2a9: {  	v57 =	vadd.s32 s9, v5;
	v28 =	vld.idx.msk [tilespmem:v28+s14+$0x0], $0xffff;
	p0 =	slt.s32 s6, $0xF41C0;
	s3 =	sshll.u32 s3, $0x7  }
0x2aa: {  	v30 =	vld.idx.msk [tilespmem:v53+s14+$0x0], $0xffff;
	v56 =	vadd.s32 s19, v4;
	s6 =	simm.s32 @!p0 $0xF41C0;
	p0 =	slt.s32 s3, $0xF41C0  }
0x2ab: {  	v29 =	vld.idx.msk [tilespmem:v29+s15+$0x0], $0xffff;
	v58 =	vadd.s32 s19, v5;
	s20 =	ssub.s32 s7, s6;
	s3 =	simm.s32 @!p0 $0xF41C0  }
0x2ac: {  	v31 =	vld.idx.msk [tilespmem:v54+s15+$0x0], $0xffff;
	v59 =	vadd.s32 s20, v6;
	s3 =	ssub.s32 s5, s3  }
0x2ad: {  	v32 =	vld.idx.msk [tilespmem:v55+s14+$0x0], $0xffff;
	v60 =	vadd.s32 s3, v6  }
0x2ae: {  	v34 =	vld.idx.msk [tilespmem:v57+s14+$0x0], $0xffff;
	v61 =	vadd.s32 s20, v7  }
0x2af: {  	v33 =	vld.idx.msk [tilespmem:v56+s15+$0x0], $0xffff;
	v62 =	vadd.s32 s3, v7  }
0x2b0: {  	v35 =	vld.idx.msk [tilespmem:v58+s15+$0x0], $0xffff  }
0x2b1: {  	v36 =	vld.idx.msk [tilespmem:v59+s14+$0x0], $0xffff  }
0x2b2: {  	v37 =	vld.idx.msk [tilespmem:v60+s15+$0x0], $0xffff  }
0x2b3: {  	v38 =	vld.idx.msk [tilespmem:v61+s14+$0x0], $0xffff  }
0x2b4: {  	v24 =	vmul.f32 v25, v24;
	v25 =	vld.idx.msk [tilespmem:v62+s15+$0x0], $0xffff  }
0x2b5: {  	v28 =	vmul.f32 v29, v28  }
0x2b6: {  	v26 =	vmul.f32 v27, v26;
	v24 =	vadd.f32 $0.0e+00, v24;
	v27 =	vmul.f32 v33, v32  }
0x2b7: {  	v29 =	vmul.f32 v31, v30;
	v28 =	vadd.f32 $0.0e+00, v28;
	v63 =	vmul.f32 v37, v36  }
0x2b8: {  	v24 =	vadd.f32 v26, v24;
	v26 =	vmul.f32 v35, v34;
	v27 =	vadd.f32 $0.0e+00, v27  }
0x2b9: {  	v28 =	vadd.f32 v29, v28;
	v25 =	vmul.f32 v25, v38;
	v29 =	vadd.f32 $0.0e+00, v63  }
0x2ba: {  	(xrf2) =	vadd.scan.msk.f32 $0xffff, v24;
	v24 =	vadd.f32 v26, v27  }
0x2bb: {  	(xrf2) =	vadd.scan.msk.f32 $0xffff, v28;
	v25 =	vadd.f32 v25, v29  }
0x2bc: {  	(xrf2) =	vadd.scan.msk.f32 $0xffff, v24  }
0x2bd: {  	(xrf2) =	vadd.scan.msk.f32 $0xffff, v25;
	_ =	sdelay $0x4  }
0x2be: {  	p0 =	seq.s32 s10, $0x7C0  }
.Ltmp4:
0x2bf: {  	_ = 	snop;
	(pc) =	sbr.rel @p0 .LBB2_4-.Ltmp4, $4  }
0x2c0: {  	v27, _, _ =	vpop (xrf2)  }
0x2c1: {  	v26, _, _ =	vpop (xrf2)  }
0x2c2: {  	v25, _, _ =	vpop (xrf2)  }
0x2c3: {  	v24, _, _ =	vpop (xrf2)  }
0x2c4: {  	v28 =	vld [tilespmem:s0+$0x10];
	_ =	sdelay $0x4  }
0x2c5: {  	(v2sf) =	vpush v28, $0x0;
	_ =	sdelay $0x2  }
0x2c6: {  	v29 =	vld [tilespmem:s0+$0x290];
	_ =	sdelay $0x4  }
0x2c7: {  	(v2sf) =	vpush v29, $0x0;
	_ =	sdelay $0x6  }
0x2c8: {  	s3 =	spop (v2sf)  }
0x2c9: {  	s4 =	sand.u32 $0x7F, s3  }
0x2ca: {  	(v2sf) =	vpush v28, $0x1;
	s9 =	sshra.s32 s3, $0x1F;
	p1 =	slt.s32 s3, $0x1;
	p0 =	sne.s32 s4, $0x0  }
0x2cb: {  	s4 =	sshrl.u32 s9, $0x19;
	p0 =	por !p1, !p0  }
0x2cc: {  	s3 =	sadd.s32 s4, s3;
	s4 =	simm.s32 $0x1;
	p0 =	por !p0, !p0  }
0x2cd: {  	s3 =	sshrl.u32 s3, $0x7;
	s4 =	simm.s32 @!p0 $0x0  }
0x2ce: {  	s3 =	ssub.s32 s3, s4  }
0x2cf: {  	s3 =	sshll.u32 s3, $0x7  }
0x2d0: {  	s16 =	spop (v2sf);
	p0 =	slt.s32 s3, $0xF41C0  }
0x2d1: {  	s17 =	sand.u32 $0x7F, s16;
	s18 =	sshra.s32 s16, $0x1F;
	s3 =	simm.s32 @!p0 $0xF41C0  }
0x2d2: {  	p6 =	slt.s32 s16, $0x1;
	p5 =	sne.s32 s17, $0x0;
	s3 =	sand.u32 $0xFFFFF80, s3  }
0x2d3: {  	(v2sf) =	vpush v29, $0x1;
	s4 =	sshrl.u32 s18, $0x19;
	p0 =	por !p6, !p5;
	s3 =	sadd.s32 s1, s3  }
0x2d4: {  	[tilespmem:s14], [sflag:$0x1] =	stream.strided.gather [hbm4b:s3+s12], $0x1000, s13, s12, $0x38;
	[tilespmem:$0x10700] =	vst v63  }
0x2d5: {  	p0 =	por !p0, !p0;
	s3 =	sadd.s32 s4, s16;
	s4 =	simm.s32 $0x1  }
0x2d6: {  	s3 =	sshrl.u32 s3, $0x7;
	s4 =	simm.s32 @!p0 $0x0  }
0x2d7: {  	s3 =	ssub.s32 s3, s4  }
0x2d8: {  	s3 =	sshll.u32 s3, $0x7  }
0x2d9: {  	s19 =	spop (v2sf);
	p0 =	slt.s32 s3, $0xF41C0  }
0x2da: {  	s20 =	sand.u32 $0x7F, s19;
	s5 =	sshra.s32 s19, $0x1F;
	s3 =	simm.s32 @!p0 $0xF41C0  }
0x2db: {  	p2 =	slt.s32 s19, $0x1;
	p1 =	sne.s32 s20, $0x0;
	s3 =	sand.u32 $0xFFFFF80, s3  }
0x2dc: {  	(v2sf) =	vpush v28, $0x2;
	s4 =	sshrl.u32 s5, $0x19;
	p0 =	por !p2, !p1;
	s3 =	sadd.s32 s2, s3  }
0x2dd: {  	[tilespmem:s15], [sflag:$0x1] =	stream.strided.gather [hbm4b:s3+s12], $0x1000, s13, s12, $0x38;
	[tilespmem:$0x10700] =	vst v63  }
0x2de: {  	p0 =	por !p0, !p0;
	s3 =	sadd.s32 s4, s19;
	s4 =	simm.s32 $0x1  }
0x2df: {  	s3 =	sshrl.u32 s3, $0x7;
	s4 =	simm.s32 @!p0 $0x0  }
0x2e0: {  	s3 =	ssub.s32 s3, s4  }
0x2e1: {  	s3 =	sshll.u32 s3, $0x7  }
0x2e2: {  	s6 =	simm.s32 $0x1500;
	s7 =	spop (v2sf);
	p0 =	slt.s32 s3, $0xF41C0  }
0x2e3: {  	s8 =	sand.u32 $0x7F, s7;
	s9 =	sshra.s32 s7, $0x1F;
	s3 =	simm.s32 @!p0 $0xF41C0  }
0x2e4: {  	p4 =	slt.s32 s7, $0x1;
	p3 =	sne.s32 s8, $0x0;
	s3 =	sand.u32 $0xFFFFF80, s3  }
0x2e5: {  	(v2sf) =	vpush v29, $0x2;
	s4 =	sshrl.u32 s9, $0x19;
	p0 =	por !p4, !p3;
	s3 =	sadd.s32 s1, s3  }
0x2e6: {  	[tilespmem:s6], [sflag:$0x1] =	stream.strided.gather [hbm4b:s3+s12], $0x1000, s13, s12, $0x38;
	[tilespmem:$0x10700] =	vst v63  }
0x2e7: {  	p0 =	por !p0, !p0;
	s3 =	sadd.s32 s4, s7;
	s4 =	simm.s32 $0x1  }
0x2e8: {  	s3 =	sshrl.u32 s3, $0x7;
	s4 =	simm.s32 @!p0 $0x0  }
0x2e9: {  	s3 =	ssub.s32 s3, s4  }
0x2ea: {  	s3 =	sshll.u32 s3, $0x7  }
0x2eb: {  	s16 =	simm.s32 $0x9500;
	s17 =	spop (v2sf);
	p0 =	slt.s32 s3, $0xF41C0  }
0x2ec: {  	s18 =	sand.u32 $0x7F, s17;
	s19 =	sshra.s32 s17, $0x1F;
	s3 =	simm.s32 @!p0 $0xF41C0  }
0x2ed: {  	p6 =	slt.s32 s17, $0x1;
	p5 =	sne.s32 s18, $0x0;
	s3 =	sand.u32 $0xFFFFF80, s3  }
0x2ee: {  	s4 =	sshrl.u32 s19, $0x19;
	p0 =	por !p6, !p5;
	s3 =	sadd.s32 s2, s3  }
0x2ef: {  	(v2sf) =	vpush v28, $0x3;
	[tilespmem:s16], [sflag:$0x1] =	stream.strided.gather [hbm4b:s3+s12], $0x1000, s13, s12, $0x38;
	[tilespmem:$0x10700] =	vst v63  }
0x2f0: {  	p0 =	por !p0, !p0;
	s3 =	sadd.s32 s4, s17;
	s4 =	simm.s32 $0x1  }
0x2f1: {  	s3 =	sshrl.u32 s3, $0x7;
	s4 =	simm.s32 @!p0 $0x0  }
0x2f2: {  	s3 =	ssub.s32 s3, s4  }
0x2f3: {  	s3 =	sshll.u32 s3, $0x7  }
0x2f4: {  	s20 =	simm.s32 $0x2500;
	s5 =	spop (v2sf);
	p0 =	slt.s32 s3, $0xF41C0  }
0x2f5: {  	s6 =	sand.u32 $0x7F, s5;
	s7 =	sshra.s32 s5, $0x1F;
	s3 =	simm.s32 @!p0 $0xF41C0  }
0x2f6: {  	p2 =	slt.s32 s5, $0x1;
	p1 =	sne.s32 s6, $0x0;
	s3 =	sand.u32 $0xFFFFF80, s3  }
0x2f7: {  	s4 =	sshrl.u32 s7, $0x19;
	p0 =	por !p2, !p1;
	s3 =	sadd.s32 s1, s3  }
0x2f8: {  	(v2sf) =	vpush v29, $0x3;
	[tilespmem:s20], [sflag:$0x1] =	stream.strided.gather [hbm4b:s3+s12], $0x1000, s13, s12, $0x38;
	[tilespmem:$0x10700] =	vst v63  }
0x2f9: {  	p0 =	por !p0, !p0;
	s3 =	sadd.s32 s4, s5;
	s4 =	simm.s32 $0x1  }
0x2fa: {  	s3 =	sshrl.u32 s3, $0x7;
	s4 =	simm.s32 @!p0 $0x0  }
0x2fb: {  	s3 =	ssub.s32 s3, s4  }
0x2fc: {  	s3 =	sshll.u32 s3, $0x7  }
0x2fd: {  	p0 =	slt.s32 s3, $0xF41C0  }
0x2fe: {  	s5 =	simm.s32 $0xA500;
	s8 =	spop (v2sf);
	s3 =	simm.s32 @!p0 $0xF41C0  }
0x2ff: {  	s9 =	sand.u32 $0x7F, s8;
	s16 =	sshra.s32 s8, $0x1F;
	s3 =	sand.u32 $0xFFFFF80, s3  }
0x300: {  	p4 =	slt.s32 s8, $0x1;
	p3 =	sne.s32 s9, $0x0;
	s3 =	sadd.s32 s2, s3  }
0x301: {  	[tilespmem:s5], [sflag:$0x1] =	stream.strided.gather [hbm4b:s3+s12], $0x1000, s13, s12, $0x38;
	[tilespmem:$0x10700] =	vst v63  }
0x302: {  	p0 =	por !p4, !p3;
	s3 =	sshrl.u32 s16, $0x19  }
0x303: {  	s4 =	simm.s32 $0x1;
	p0 =	por !p0, !p0;
	s3 =	sadd.s32 s3, s8  }
0x304: {  	s4 =	simm.s32 @!p0 $0x0;
	s3 =	sshrl.u32 s3, $0x7  }
0x305: {  	s3 =	ssub.s32 s3, s4  }
0x306: {  	s3 =	sshll.u32 s3, $0x7  }
0x307: {  	s17 =	simm.s32 $0x3500;
	s18 =	spop (v2sf);
	p0 =	slt.s32 s3, $0xF41C0  }
0x308: {  	s19 =	sand.u32 $0x7F, s18;
	s20 =	sshra.s32 s18, $0x1F;
	s3 =	simm.s32 @!p0 $0xF41C0  }
0x309: {  	p6 =	slt.s32 s18, $0x1;
	p5 =	sne.s32 s19, $0x0;
	s3 =	sand.u32 $0xFFFFF80, s3  }
0x30a: {  	s4 =	sshrl.u32 s20, $0x19;
	p0 =	por !p6, !p5;
	s3 =	sadd.s32 s1, s3  }
0x30b: {  	[tilespmem:s17], [sflag:$0x1] =	stream.strided.gather [hbm4b:s3+s12], $0x1000, s13, s12, $0x38;
	[tilespmem:$0x10700] =	vst v63  }
0x30c: {  	p0 =	por !p0, !p0;
	s3 =	sadd.s32 s4, s18;
	s4 =	simm.s32 $0x1  }
0x30d: {  	s3 =	sshrl.u32 s3, $0x7;
	s4 =	simm.s32 @!p0 $0x0  }
0x30e: {  	s3 =	ssub.s32 s3, s4  }
0x30f: {  	s3 =	sshll.u32 s3, $0x7  }
.Ltmp5:
0x310: {  	p0 =	slt.s32 s3, $0xF41C0;
	(pc) =	sbr.rel .LBB2_4-.Ltmp5, $4  }
0x311: {  	s3 =	simm.s32 @!p0 $0xF41C0  }
0x312: {  	s3 =	sand.u32 $0xFFFFF80, s3  }
0x313: {  	s3 =	sadd.s32 s2, s3  }
0x314: {  	[tilespmem:s21], [sflag:$0x1] =	stream.strided.gather [hbm4b:s3+s12], $0x1000, s13, s12, $0x38;
	[tilespmem:$0x10700] =	vst v63  }
.LBB2_6:
0x315: {  	_ =	sfence.sel $0x180000  }
0x316: {  	[bflag:$0x0] =	sbarrier.arrive $0xFFFF  }
0x317: {  	_ =	strace $0x90000047  }
0x318: {  	s0 =	stileid.u32;
	[bflag:$0x2] =	sbarrier.arrive $0xFFFF  }
0x319: {  	p0 =	sne.s32 s0, $0x0;
	s0 =	rddreg [dreg:$0x5]  }
0x31a: {  	s0 =	sadd.s32 @!p0 $0x100000, s0  }
0x31b: {  	[sflag:s0] =	ssyncadd.tile.s32 @!p0 $0x1;
	_ =	shalt  }
.Lfunc_end2:
_tile_overlayer_lowered:
.L_overlay_start_2:
0x31c: {  	(tag) =	ssettag $0x2  }
0x31d: {  	s0 =	rddreg [dreg:$0x0];
	s2 =	stileid.u32  }
0x31e: {  	s1 =	rddreg [dreg:$0x1];
	p0 =	sne.s32 s2, $0x0  }
0x31f: {  	s3 =	rddreg [dreg:$0x2];
	[bflag:$0x3] =	sbarrier.arrive $0xFFFF;
	s2 =	simm.s32 @!p0 $0x1C03  }
0x320: {  	[timem:s3], [sflag:s2] =	dma.local @!p0 [hbm:s0], s1  }
0x321: {  	s0 =	simm.s32 @!p0 $0x3  }
0x322: {  	_ =	swait.ge @!p0 [sflag:s0], s1  }
0x323: {  	s1 =	ssub.s32 @!p0 $0x0, s1;
	[sflag:s0] =	ssyncset.done @!p0 $0x0  }
0x324: {  	[sflag:s0] =	ssyncadd.s32 @!p0 s1  }
0x325: {  	[bflag:$0x3] =	sbarrier.arrive $0xFFFF  }
0x326: {  	_ =	shalt  }

</sc_bundles>
